<compile_context>
chip_gen: v7x
topology: tpu7x:2x2x1
jax: 0.10.2.dev20260603
libtpu: 0.0.44.dev20260713+nightly
codegen_flags: <defaults>
</compile_context>

<pallas_src>
import functools

import jax
import jax.numpy as jnp
from jax import lax
from jax.experimental import pallas as pl
from jax.experimental.pallas import tpu as pltpu
from jax.experimental.pallas import tpu_sc as plsc

N = 10000
E = 320000
D = 128
H = 128
ED = 16
G = 64

NC = 2
NS = 16
NW = NC * NS
EPW = E // NW
CB = 80
NB = EPW // CB
NBP = NB // 2
ZPS = N // NS
NPAD = 10112
RPS = NPAD // NS
LANES = 16

_mesh = plsc.VectorSubcoreMesh(core_axis_name="c", subcore_axis_name="s")


@functools.partial(
    pl.kernel,
    out_type=jax.ShapeDtypeStruct((NC, NPAD, D), jnp.float32),
    mesh=_mesh,
    scratch_types=[
        pltpu.VMEM((2, CB), jnp.int32),
        pltpu.VMEM((2, CB), jnp.int32),
        pltpu.VMEM((CB, D), jnp.float32),
        pltpu.VMEM((CB, D), jnp.float32),
        pltpu.VMEM((CB, D), jnp.float32),
        pltpu.VMEM((CB, D), jnp.float32),
        pltpu.VMEM_SHARED((NPAD, D), jnp.float32),
        pltpu.SemaphoreType.DMA,
        pltpu.SemaphoreType.DMA,
        pltpu.SemaphoreType.DMA,
        pltpu.SemaphoreType.DMA,
        pltpu.SemaphoreType.DMA,
        pltpu.SemaphoreType.DMA,
    ],
)
def _sc_propagate(h_hbm, e_hbm, idx_hbm, part_hbm,
                  i0, i1, r0, r1, m0, m1, agg_sh,
                  sg0, sg1, se0, se1, si0, si1):
    c = lax.axis_index("c")
    s = lax.axis_index("s")
    wid = s * NC + c
    rows = (r0, r1)
    msgs = (m0, m1)
    idxb = (i0, i1)
    sgs = (sg0, sg1)
    ses = (se0, se1)
    sis = (si0, si1)

    @plsc.parallel_loop(0, CB, 1, unroll=4)
    def _(i):
        for q in range(D // LANES):
            m0[i, pl.ds(q * LANES, LANES)] = jnp.zeros((LANES,), jnp.float32)
    for k in range(7):
        pltpu.sync_copy(m0, agg_sh.at[pl.ds(s * ZPS + k * CB, CB)])
    pltpu.sync_copy(m0.at[pl.ds(0, 65)],
                    agg_sh.at[pl.ds(s * ZPS + 7 * CB, 65)])
    plsc.subcore_barrier()

    pltpu.async_copy(idx_hbm.at[wid, 0], idxb[0], sis[0])
    pltpu.async_copy(idx_hbm.at[wid, 1], idxb[1], sis[1])
    pltpu.make_async_copy(idx_hbm.at[wid, 0], idxb[0], sis[0]).wait()
    pltpu.async_copy(h_hbm.at[idxb[0].at[0]], rows[0], sgs[0])
    pltpu.async_copy(e_hbm.at[wid, 0], msgs[0], ses[0])

    def body(j, b, not_last2):
        o = 1 - b
        pltpu.make_async_copy(h_hbm.at[idxb[b].at[0]], rows[b], sgs[b]).wait()

        pltpu.make_async_copy(idx_hbm.at[wid, j + 1], idxb[o], sis[o]).wait()
        pltpu.async_copy(h_hbm.at[idxb[o].at[0]], rows[o], sgs[o])
        pltpu.async_copy(e_hbm.at[wid, j + 1], msgs[o], ses[o])

        pltpu.make_async_copy(e_hbm.at[wid, j], msgs[b], ses[b]).wait()

        mb = msgs[b]
        rb = rows[b]

        @plsc.parallel_loop(0, CB, 1, unroll=4)
        def _(i):
            for q in range(D // LANES):
                sl = pl.ds(q * LANES, LANES)
                mb[i, sl] = jnp.maximum(mb[i, sl] + rb[i, sl], 0.0)

        pltpu.sync_copy(mb, agg_sh.at[idxb[b].at[1]], add=True)

        def fetch_idx():
            pltpu.async_copy(idx_hbm.at[wid, j + 2], idxb[b], sis[b])

        if not_last2 is None:
            fetch_idx()
        else:
            pl.when(not_last2)(fetch_idx)

    def pair(jj, carry):
        body(2 * jj, 0, None)
        body(2 * jj + 1, 1, jj < NBP - 1)
        return carry
    lax.fori_loop(0, NBP, pair, 0)

    pltpu.make_async_copy(h_hbm.at[idxb[0].at[0]], rows[0], sgs[0]).wait()
    pltpu.make_async_copy(e_hbm.at[wid, NB - 1], msgs[0], ses[0]).wait()

    @plsc.parallel_loop(0, CB, 1, unroll=4)
    def _(i):
        for q in range(D // LANES):
            sl = pl.ds(q * LANES, LANES)
            m0[i, sl] = jnp.maximum(m0[i, sl] + r0[i, sl], 0.0)

    pltpu.sync_copy(m0, agg_sh.at[idxb[0].at[1]], add=True)

    plsc.subcore_barrier()
    pltpu.sync_copy(agg_sh.at[pl.ds(s * RPS, RPS)],
                    part_hbm.at[c, pl.ds(s * RPS, RPS)])


EB = 12800


def _edge_body(eat_ref, We_ref, be_ref, e_ref):
    e_ref[...] = lax.dot_general(
        eat_ref[...], We_ref[...], (((0,), (0,)), ((), ())),
        preferred_element_type=jnp.float32) + be_ref[0]


def _edge_mlp(edge_attr_t, We, be):
    nblk = E // EB
    return pl.pallas_call(
        _edge_body,
        grid=(nblk,),
        in_specs=[
            pl.BlockSpec((ED, EB), lambda i: (0, i)),
            pl.BlockSpec((ED, D), lambda i: (0, 0)),
            pl.BlockSpec((1, D), lambda i: (0, 0)),
        ],
        out_specs=pl.BlockSpec((EB, D), lambda i: (i, 0)),
        out_shape=jax.ShapeDtypeStruct((E, D), jnp.float32),
    )(edge_attr_t, We, be.reshape(1, D))


R = 1000
NRB = N // R


def _mlp_body(part_ref, h_ref, scale_ref, Wa_ref, ba_ref, ga_ref, bba_ref,
              Wb_ref, bb_ref, gb_ref, bbb_ref, batch_ref, x_ref, pool_ref):
    i = pl.program_id(0)
    agg = part_ref[0] + part_ref[1] + scale_ref[0] * h_ref[...]
    t = jnp.dot(agg, Wa_ref[...], preferred_element_type=jnp.float32) + ba_ref[0]
    t = t * ga_ref[0] + bba_ref[0]
    t = jnp.maximum(t, 0.0)
    u = jnp.dot(t, Wb_ref[...], preferred_element_type=jnp.float32) + bb_ref[0]
    u = jnp.maximum(u, 0.0)
    u = u * gb_ref[0] + bbb_ref[0]
    x_ref[...] = u
    b = batch_ref[0]
    onehot = (lax.broadcasted_iota(jnp.int32, (G, R), 0) == b).astype(jnp.float32)
    ppart = jnp.dot(onehot, u, preferred_element_type=jnp.float32)

    @pl.when(i == 0)
    def _():
        pool_ref[...] = ppart

    @pl.when(i != 0)
    def _():
        pool_ref[...] += ppart


def _node_mlp(part, h, scale, Wa, ba, ga_eff, bba, Wb, bb, gb_eff, bbb, batch3):
    return pl.pallas_call(
        _mlp_body,
        grid=(NRB,),
        in_specs=[
            pl.BlockSpec((NC, R, D), lambda i: (0, i, 0)),
            pl.BlockSpec((R, D), lambda i: (i, 0)),
            pl.BlockSpec((1, D), lambda i: (0, 0)),
            pl.BlockSpec((D, H), lambda i: (0, 0)),
            pl.BlockSpec((1, H), lambda i: (0, 0)),
            pl.BlockSpec((1, H), lambda i: (0, 0)),
            pl.BlockSpec((1, H), lambda i: (0, 0)),
            pl.BlockSpec((H, H), lambda i: (0, 0)),
            pl.BlockSpec((1, H), lambda i: (0, 0)),
            pl.BlockSpec((1, H), lambda i: (0, 0)),
            pl.BlockSpec((1, H), lambda i: (0, 0)),
            pl.BlockSpec((1, 1, R), lambda i: (i, 0, 0)),
        ],
        out_specs=[
            pl.BlockSpec((R, H), lambda i: (i, 0)),
            pl.BlockSpec((G, H), lambda i: (0, 0)),
        ],
        out_shape=[
            jax.ShapeDtypeStruct((N, H), jnp.float32),
            jax.ShapeDtypeStruct((G, H), jnp.float32),
        ],
    )(part, h, scale, Wa, ba, ga_eff, bba, Wb, bb, gb_eff, bbb, batch3)


def _head_body(p1_ref, p2_ref, Wl1_ref, bl1_ref, Wl2_ref, bl2_ref, o_ref):
    hcat = jnp.concatenate([p1_ref[...], p2_ref[...]], axis=1)
    t = jnp.dot(hcat, Wl1_ref[...], preferred_element_type=jnp.float32) + bl1_ref[0]
    t = jnp.maximum(t, 0.0)
    o = jnp.dot(t, Wl2_ref[...], preferred_element_type=jnp.float32) + bl2_ref[0]
    o_ref[...] = jax.nn.sigmoid(o)


def _head(p1, p2, Wl1, bl1, Wl2p, bl2p):
    return pl.pallas_call(
        _head_body,
        out_shape=jax.ShapeDtypeStruct((G, H), jnp.float32),
    )(p1, p2, Wl1, bl1, Wl2p, bl2p)


_BN = 1.0 / (1.0 + 1e-5) ** 0.5


def kernel(x, edge_index, edge_attr, batch, We1, be1, eps1, W11, b11, g11,
           bb11, W12, b12, g12, bb12, We2, be2, eps2, W21, b21, g21, bb21,
           W22, b22, g22, bb22, Wl1, bl1, Wl2, bl2):
    idx = edge_index.reshape(2, NW, NB, CB).transpose(1, 2, 0, 3)
    batch3 = batch.reshape(NRB, 1, R)

    eat = edge_attr.T
    e1 = _edge_mlp(eat, We1, be1).reshape(NW, NB, CB, D)
    e2 = _edge_mlp(eat, We2, be2).reshape(NW, NB, CB, H)

    scale1 = jnp.full((1, D), 1.0, jnp.float32) * (1.0 + eps1)
    scale2 = jnp.full((1, H), 1.0, jnp.float32) * (1.0 + eps2)

    part1 = _sc_propagate(x, e1, idx)
    x1, p1 = _node_mlp(part1, x, scale1, W11, b11.reshape(1, H),
                       (g11 * _BN).reshape(1, H), bb11.reshape(1, H),
                       W12, b12.reshape(1, H), (g12 * _BN).reshape(1, H),
                       bb12.reshape(1, H), batch3)

    part2 = _sc_propagate(x1, e2, idx)
    x2, p2 = _node_mlp(part2, x1, scale2, W21, b21.reshape(1, H),
                       (g21 * _BN).reshape(1, H), bb21.reshape(1, H),
                       W22, b22.reshape(1, H), (g22 * _BN).reshape(1, H),
                       bb22.reshape(1, H), batch3)

    Wl2p = jnp.pad(Wl2, ((0, 0), (0, H - 1)))
    bl2p = jnp.pad(bl2, (0, H - 1)).reshape(1, H)
    o = _head(p1, p2, Wl1, bl1.reshape(1, 2 * H), Wl2p, bl2p)
    return o[:, :1]

# --- scband reference (transcript-rebuilt; emitter-appended) ---
"""Pipeline reference for scband-ginmolbbbp-82815559401961 (READ-ONLY COPY).

The authoritative reference and input builder live on the scoring server;
editing this copy changes nothing except your own understanding.
"""

import jax, jax.numpy as jnp
import numpy as np

N = 10000
E = 320000
D = 128
H = 128
ED = 16
G = 64


def setup_inputs(seed: int = 0):
    key = jax.random.key(seed)
    ks = jax.random.split(key, 40)
    inp = {}
    inp['x'] = jax.random.normal(ks[0], (N, D), dtype=jnp.float32)
    inp['edge_index'] = jax.random.randint(ks[1], (2, E), 0, N, dtype=jnp.int32)
    inp['edge_attr'] = jax.random.normal(ks[2], (E, ED), dtype=jnp.float32)
    inp['batch'] = jnp.sort(jax.random.randint(ks[3], (N,), 0, G, dtype=jnp.int32))
    s = 0.05
    # GIN1 params (in=D, out=H, edge lin: ED->D)
    inp['We1'] = jax.random.normal(ks[4], (ED, D), dtype=jnp.float32) * s
    inp['be1'] = jnp.zeros((D,), dtype=jnp.float32)
    inp['eps1'] = jnp.zeros((), dtype=jnp.float32)
    inp['W11'] = jax.random.normal(ks[5], (D, H), dtype=jnp.float32) * s
    inp['b11'] = jnp.zeros((H,), dtype=jnp.float32)
    inp['g11'] = jnp.ones((H,), dtype=jnp.float32)
    inp['bb11'] = jnp.zeros((H,), dtype=jnp.float32)
    inp['W12'] = jax.random.normal(ks[6], (H, H), dtype=jnp.float32) * s
    inp['b12'] = jnp.zeros((H,), dtype=jnp.float32)
    inp['g12'] = jnp.ones((H,), dtype=jnp.float32)
    inp['bb12'] = jnp.zeros((H,), dtype=jnp.float32)
    # GIN2 params (in=H, out=H, edge lin: ED->H)
    inp['We2'] = jax.random.normal(ks[7], (ED, H), dtype=jnp.float32) * s
    inp['be2'] = jnp.zeros((H,), dtype=jnp.float32)
    inp['eps2'] = jnp.zeros((), dtype=jnp.float32)
    inp['W21'] = jax.random.normal(ks[8], (H, H), dtype=jnp.float32) * s
    inp['b21'] = jnp.zeros((H,), dtype=jnp.float32)
    inp['g21'] = jnp.ones((H,), dtype=jnp.float32)
    inp['bb21'] = jnp.zeros((H,), dtype=jnp.float32)
    inp['W22'] = jax.random.normal(ks[9], (H, H), dtype=jnp.float32) * s
    inp['b22'] = jnp.zeros((H,), dtype=jnp.float32)
    inp['g22'] = jnp.ones((H,), dtype=jnp.float32)
    inp['bb22'] = jnp.zeros((H,), dtype=jnp.float32)
    # Head
    inp['Wl1'] = jax.random.normal(ks[10], (2 * H, 2 * H), dtype=jnp.float32) * s
    inp['bl1'] = jnp.zeros((2 * H,), dtype=jnp.float32)
    inp['Wl2'] = jax.random.normal(ks[11], (2 * H, 1), dtype=jnp.float32) * s
    inp['bl2'] = jnp.zeros((1,), dtype=jnp.float32)
    return inp


def _bn(h, gamma, beta):
    # eval-mode BatchNorm1d: running_mean=0, running_var=1
    return h * gamma / jnp.sqrt(1.0 + 1e-5) + beta


def reference(x, edge_index, edge_attr, batch, We1, be1, eps1, W11, b11, g11, bb11, W12, b12, g12, bb12, We2, be2, eps2, W21, b21, g21, bb21, W22, b22, g22, bb22, Wl1, bl1, Wl2, bl2):
    src = edge_index[0]
    dst = edge_index[1]

    def gin(h, We, be, eps, Wa, ba, ga, bba, Wb, bb, gb, bbb):
        e = edge_attr @ We + be
        msg = jax.nn.relu(h[src] + e)
        agg = jax.ops.segment_sum(msg, dst, num_segments=h.shape[0])
        out = agg + (1.0 + eps) * h
        t = out @ Wa + ba
        t = _bn(t, ga, bba)
        t = jax.nn.relu(t)
        # dropout p=0.2 skipped (eval mode)
        t = t @ Wb + bb
        t = jax.nn.relu(t)
        t = _bn(t, gb, bbb)
        return t

    x1 = gin(x, We1, be1, eps1, W11, b11, g11, bb11, W12, b12, g12, bb12)
    x2 = gin(x1, We2, be2, eps2, W21, b21, g21, bb21, W22, b22, g22, bb22)
    p1 = jax.ops.segment_sum(x1, batch, num_segments=G)
    p2 = jax.ops.segment_sum(x2, batch, num_segments=G)
    h = jnp.concatenate([p1, p2], axis=1)
    h = jax.nn.relu(h @ Wl1 + bl1)
    # dropout p=0.5 skipped (eval mode)
    h = h @ Wl2 + bl2
    return jax.nn.sigmoid(h)

if __name__ == "__main__":
    import jax
    _d = setup_inputs()
    print(jax.jit(kernel)(*tuple(_d.values())))

</pallas_src>

<mosaic_0001>
#map = affine_map<(d0, d1) -> (0, 0)>
#map1 = affine_map<(d0, d1) -> (0, 0, 0, 0)>
#map2 = affine_map<(d0, d1) -> (0, 0, 0)>
module attributes {stable_mosaic.version = 14 : i64} {
  func.func @_sc_propagate(%arg0: i32, %arg1: i32, %arg2: memref<10000x128xf32, #tpu.memory_space<hbm>>, %arg3: memref<32x125x80x128xf32, #tpu.memory_space<hbm>>, %arg4: memref<32x125x2x80xi32, #tpu.memory_space<hbm>>, %arg5: memref<2x10112x128xf32, #tpu.memory_space<hbm>>, %arg6: memref<2x80xi32, #tpu.memory_space<vmem>>, %arg7: memref<2x80xi32, #tpu.memory_space<vmem>>, %arg8: memref<80x128xf32, #tpu.memory_space<vmem>>, %arg9: memref<80x128xf32, #tpu.memory_space<vmem>>, %arg10: memref<80x128xf32, #tpu.memory_space<vmem>>, %arg11: memref<80x128xf32, #tpu.memory_space<vmem>>, %arg12: memref<10112x128xf32, #tpu.memory_space<vmem_shared>>, %arg13: memref<!tpu.dma_semaphore, #tpu.memory_space<semaphore_mem>>, %arg14: memref<!tpu.dma_semaphore, #tpu.memory_space<semaphore_mem>>, %arg15: memref<!tpu.dma_semaphore, #tpu.memory_space<semaphore_mem>>, %arg16: memref<!tpu.dma_semaphore, #tpu.memory_space<semaphore_mem>>, %arg17: memref<!tpu.dma_semaphore, #tpu.memory_space<semaphore_mem>>, %arg18: memref<!tpu.dma_semaphore, #tpu.memory_space<semaphore_mem>>) attributes {dimension_semantics = [#tpu.dimension_semantics<core_parallel>, #tpu.dimension_semantics<subcore_parallel>], iteration_bounds = array<i64: 2, 16>, scalar_prefetch = 0 : i64, scratch_operands = 13 : i64, tpu.core_type = #tpu.core_type<sc_vector_subcore>, window_params = [{transform_indices = #map}, {transform_indices = #map1}, {transform_indices = #map1}, {transform_indices = #map2}]} {
    %mul3A = arith.constant 2 : i32
    %mul3A_0 = arith.muli %arg1, %mul3A : i32
    %add3A = arith.addi %mul3A_0, %arg0 : i32
    %parallel_loop3A = arith.constant 0 : i32
    %parallel_loop3A_1 = arith.constant 80 : i32
    %parallel_loop3A_2 = arith.constant 1 : i32
    scf.for %parallel_loop3A_105 = %parallel_loop3A to %parallel_loop3A_1 step %parallel_loop3A_2  : i32 {
      %parallel_loop3A_106 = arith.constant 0.000000e+00 : f32
      %parallel_loop3A_107 = vector.broadcast %parallel_loop3A_106 : f32 to vector<16xf32>
      %parallel_loop3A_108 = arith.index_cast %parallel_loop3A_105 : i32 to index
      %parallel_loop3A_109 = arith.constant 0 : index
      %parallel_loop3A_110 = tpu.vector_load %arg10[%parallel_loop3A_108, %parallel_loop3A_109] {strides = array<i32>} : memref<80x128xf32, #tpu.memory_space<vmem>>, vector<1x16xf32>,
      %parallel_loop3A_111 = vector.shape_cast %parallel_loop3A_110 : vector<1x16xf32> to vector<16xf32>
      %parallel_loop3A_112 = vector.shape_cast %parallel_loop3A_107 : vector<16xf32> to vector<1x16xf32>
      tpu.vector_store %arg10[%parallel_loop3A_108, %parallel_loop3A_109], %parallel_loop3A_112 {strides = array<i32>} : memref<80x128xf32, #tpu.memory_space<vmem>>, vector<1x16xf32>,
      %parallel_loop3A_113 = arith.constant 0.000000e+00 : f32
      %parallel_loop3A_114 = vector.broadcast %parallel_loop3A_113 : f32 to vector<16xf32>
      %parallel_loop3A_115 = arith.index_cast %parallel_loop3A_105 : i32 to index
      %parallel_loop3A_116 = arith.constant 16 : index
      %parallel_loop3A_117 = tpu.vector_load %arg10[%parallel_loop3A_115, %parallel_loop3A_116] {strides = array<i32>} : memref<80x128xf32, #tpu.memory_space<vmem>>, vector<1x16xf32>,
      %parallel_loop3A_118 = vector.shape_cast %parallel_loop3A_117 : vector<1x16xf32> to vector<16xf32>
      %parallel_loop3A_119 = vector.shape_cast %parallel_loop3A_114 : vector<16xf32> to vector<1x16xf32>
      tpu.vector_store %arg10[%parallel_loop3A_115, %parallel_loop3A_116], %parallel_loop3A_119 {strides = array<i32>} : memref<80x128xf32, #tpu.memory_space<vmem>>, vector<1x16xf32>,
      %parallel_loop3A_120 = arith.constant 0.000000e+00 : f32
      %parallel_loop3A_121 = vector.broadcast %parallel_loop3A_120 : f32 to vector<16xf32>
      %parallel_loop3A_122 = arith.index_cast %parallel_loop3A_105 : i32 to index
      %parallel_loop3A_123 = arith.constant 32 : index
      %parallel_loop3A_124 = tpu.vector_load %arg10[%parallel_loop3A_122, %parallel_loop3A_123] {strides = array<i32>} : memref<80x128xf32, #tpu.memory_space<vmem>>, vector<1x16xf32>,
      %parallel_loop3A_125 = vector.shape_cast %parallel_loop3A_124 : vector<1x16xf32> to vector<16xf32>
      %parallel_loop3A_126 = vector.shape_cast %parallel_loop3A_121 : vector<16xf32> to vector<1x16xf32>
      tpu.vector_store %arg10[%parallel_loop3A_122, %parallel_loop3A_123], %parallel_loop3A_126 {strides = array<i32>} : memref<80x128xf32, #tpu.memory_space<vmem>>, vector<1x16xf32>,
      %parallel_loop3A_127 = arith.constant 0.000000e+00 : f32
      %parallel_loop3A_128 = vector.broadcast %parallel_loop3A_127 : f32 to vector<16xf32>
      %parallel_loop3A_129 = arith.index_cast %parallel_loop3A_105 : i32 to index
      %parallel_loop3A_130 = arith.constant 48 : index
      %parallel_loop3A_131 = tpu.vector_load %arg10[%parallel_loop3A_129, %parallel_loop3A_130] {strides = array<i32>} : memref<80x128xf32, #tpu.memory_space<vmem>>, vector<1x16xf32>,
      %parallel_loop3A_132 = vector.shape_cast %parallel_loop3A_131 : vector<1x16xf32> to vector<16xf32>
      %parallel_loop3A_133 = vector.shape_cast %parallel_loop3A_128 : vector<16xf32> to vector<1x16xf32>
      tpu.vector_store %arg10[%parallel_loop3A_129, %parallel_loop3A_130], %parallel_loop3A_133 {strides = array<i32>} : memref<80x128xf32, #tpu.memory_space<vmem>>, vector<1x16xf32>,
      %parallel_loop3A_134 = arith.constant 0.000000e+00 : f32
      %parallel_loop3A_135 = vector.broadcast %parallel_loop3A_134 : f32 to vector<16xf32>
      %parallel_loop3A_136 = arith.index_cast %parallel_loop3A_105 : i32 to index
      %parallel_loop3A_137 = arith.constant 64 : index
      %parallel_loop3A_138 = tpu.vector_load %arg10[%parallel_loop3A_136, %parallel_loop3A_137] {strides = array<i32>} : memref<80x128xf32, #tpu.memory_space<vmem>>, vector<1x16xf32>,
      %parallel_loop3A_139 = vector.shape_cast %parallel_loop3A_138 : vector<1x16xf32> to vector<16xf32>
      %parallel_loop3A_140 = vector.shape_cast %parallel_loop3A_135 : vector<16xf32> to vector<1x16xf32>
      tpu.vector_store %arg10[%parallel_loop3A_136, %parallel_loop3A_137], %parallel_loop3A_140 {strides = array<i32>} : memref<80x128xf32, #tpu.memory_space<vmem>>, vector<1x16xf32>,
      %parallel_loop3A_141 = arith.constant 0.000000e+00 : f32
      %parallel_loop3A_142 = vector.broadcast %parallel_loop3A_141 : f32 to vector<16xf32>
      %parallel_loop3A_143 = arith.index_cast %parallel_loop3A_105 : i32 to index
      %parallel_loop3A_144 = arith.constant 80 : index
      %parallel_loop3A_145 = tpu.vector_load %arg10[%parallel_loop3A_143, %parallel_loop3A_144] {strides = array<i32>} : memref<80x128xf32, #tpu.memory_space<vmem>>, vector<1x16xf32>,
      %parallel_loop3A_146 = vector.shape_cast %parallel_loop3A_145 : vector<1x16xf32> to vector<16xf32>
      %parallel_loop3A_147 = vector.shape_cast %parallel_loop3A_142 : vector<16xf32> to vector<1x16xf32>
      tpu.vector_store %arg10[%parallel_loop3A_143, %parallel_loop3A_144], %parallel_loop3A_147 {strides = array<i32>} : memref<80x128xf32, #tpu.memory_space<vmem>>, vector<1x16xf32>,
      %parallel_loop3A_148 = arith.constant 0.000000e+00 : f32
      %parallel_loop3A_149 = vector.broadcast %parallel_loop3A_148 : f32 to vector<16xf32>
      %parallel_loop3A_150 = arith.index_cast %parallel_loop3A_105 : i32 to index
      %parallel_loop3A_151 = arith.constant 96 : index
      %parallel_loop3A_152 = tpu.vector_load %arg10[%parallel_loop3A_150, %parallel_loop3A_151] {strides = array<i32>} : memref<80x128xf32, #tpu.memory_space<vmem>>, vector<1x16xf32>,
      %parallel_loop3A_153 = vector.shape_cast %parallel_loop3A_152 : vector<1x16xf32> to vector<16xf32>
      %parallel_loop3A_154 = vector.shape_cast %parallel_loop3A_149 : vector<16xf32> to vector<1x16xf32>
      tpu.vector_store %arg10[%parallel_loop3A_150, %parallel_loop3A_151], %parallel_loop3A_154 {strides = array<i32>} : memref<80x128xf32, #tpu.memory_space<vmem>>, vector<1x16xf32>,
      %parallel_loop3A_155 = arith.constant 0.000000e+00 : f32
      %parallel_loop3A_156 = vector.broadcast %parallel_loop3A_155 : f32 to vector<16xf32>
      %parallel_loop3A_157 = arith.index_cast %parallel_loop3A_105 : i32 to index
      %parallel_loop3A_158 = arith.constant 112 : index
      %parallel_loop3A_159 = tpu.vector_load %arg10[%parallel_loop3A_157, %parallel_loop3A_158] {strides = array<i32>} : memref<80x128xf32, #tpu.memory_space<vmem>>, vector<1x16xf32>,
      %parallel_loop3A_160 = vector.shape_cast %parallel_loop3A_159 : vector<1x16xf32> to vector<16xf32>
      %parallel_loop3A_161 = vector.shape_cast %parallel_loop3A_156 : vector<16xf32> to vector<1x16xf32>
      tpu.vector_store %arg10[%parallel_loop3A_157, %parallel_loop3A_158], %parallel_loop3A_161 {strides = array<i32>} : memref<80x128xf32, #tpu.memory_space<vmem>>, vector<1x16xf32>,
    } {sc.loop_unroll_factor = 4 : i64, sc.parallel_access}
    %mul3A_3 = arith.constant 625 : i32
    %mul3A_4 = arith.muli %arg1, %mul3A_3 : i32
    %add3A_5 = arith.constant 0 : i32
    %add3A_6 = arith.addi %mul3A_4, %add3A_5 : i32
    "tpu.region"() ({
      %run_scoped3A_105 = tpu.sem_alloc : memref<!tpu.dma_semaphore, #tpu.memory_space<semaphore_mem>>
      %dma_start3A_106 = arith.constant 0 : i32
      %dma_start3A_107 = tpu.memref_slice %arg12[%add3A_6, %dma_start3A_106] : memref<10112x128xf32, #tpu.memory_space<vmem_shared>> -> memref<80x128xf32, #tpu.memory_space<vmem_shared>>
      %dma_start3A_108 = arith.constant 0 : i32
      %dma_start3A_109 = tpu.memref_slice %arg12[%add3A_6, %dma_start3A_108] : memref<10112x128xf32, #tpu.memory_space<vmem_shared>> -> memref<80x128xf32, #tpu.memory_space<vmem_shared>>
      tpu.enqueue_dma source(%arg10 : memref<80x128xf32, #tpu.memory_space<vmem>>) target(%dma_start3A_109 : memref<80x128xf32, #tpu.memory_space<vmem_shared>>) target_semaphore(%run_scoped3A_105 : memref<!tpu.dma_semaphore, #tpu.memory_space<semaphore_mem>>)
      %dma_wait3A_110 = arith.constant 0 : i32
      %dma_wait3A_111 = tpu.memref_slice %arg12[%add3A_6, %dma_wait3A_110] : memref<10112x128xf32, #tpu.memory_space<vmem_shared>> -> memref<80x128xf32, #tpu.memory_space<vmem_shared>>
      %dma_wait3A_112 = arith.constant 0 : i32
      %dma_wait3A_113 = tpu.memref_slice %arg12[%add3A_6, %dma_wait3A_112] : memref<10112x128xf32, #tpu.memory_space<vmem_shared>> -> memref<80x128xf32, #tpu.memory_space<vmem_shared>>
      tpu.wait_dma2 semaphore(%run_scoped3A_105 : memref<!tpu.dma_semaphore, #tpu.memory_space<semaphore_mem>>) src(%arg10 : memref<80x128xf32, #tpu.memory_space<vmem>>) dst(%dma_wait3A_113 : memref<80x128xf32, #tpu.memory_space<vmem_shared>>)
      tpu.yield
    }) : () -> ()
    %mul3A_7 = arith.constant 625 : i32
    %mul3A_8 = arith.muli %arg1, %mul3A_7 : i32
    %add3A_9 = arith.constant 80 : i32
    %add3A_10 = arith.addi %mul3A_8, %add3A_9 : i32
    "tpu.region"() ({
      %run_scoped3A_105 = tpu.sem_alloc : memref<!tpu.dma_semaphore, #tpu.memory_space<semaphore_mem>>
      %dma_start3A_106 = arith.constant 0 : i32
      %dma_start3A_107 = tpu.memref_slice %arg12[%add3A_10, %dma_start3A_106] : memref<10112x128xf32, #tpu.memory_space<vmem_shared>> -> memref<80x128xf32, #tpu.memory_space<vmem_shared>>
      %dma_start3A_108 = arith.constant 0 : i32
      %dma_start3A_109 = tpu.memref_slice %arg12[%add3A_10, %dma_start3A_108] : memref<10112x128xf32, #tpu.memory_space<vmem_shared>> -> memref<80x128xf32, #tpu.memory_space<vmem_shared>>
      tpu.enqueue_dma source(%arg10 : memref<80x128xf32, #tpu.memory_space<vmem>>) target(%dma_start3A_109 : memref<80x128xf32, #tpu.memory_space<vmem_shared>>) target_semaphore(%run_scoped3A_105 : memref<!tpu.dma_semaphore, #tpu.memory_space<semaphore_mem>>)
      %dma_wait3A_110 = arith.constant 0 : i32
      %dma_wait3A_111 = tpu.memref_slice %arg12[%add3A_10, %dma_wait3A_110] : memref<10112x128xf32, #tpu.memory_space<vmem_shared>> -> memref<80x128xf32, #tpu.memory_space<vmem_shared>>
      %dma_wait3A_112 = arith.constant 0 : i32
      %dma_wait3A_113 = tpu.memref_slice %arg12[%add3A_10, %dma_wait3A_112] : memref<10112x128xf32, #tpu.memory_space<vmem_shared>> -> memref<80x128xf32, #tpu.memory_space<vmem_shared>>
      tpu.wait_dma2 semaphore(%run_scoped3A_105 : memref<!tpu.dma_semaphore, #tpu.memory_space<semaphore_mem>>) src(%arg10 : memref<80x128xf32, #tpu.memory_space<vmem>>) dst(%dma_wait3A_113 : memref<80x128xf32, #tpu.memory_space<vmem_shared>>)
      tpu.yield
    }) : () -> ()
    %mul3A_11 = arith.constant 625 : i32
    %mul3A_12 = arith.muli %arg1, %mul3A_11 : i32
    %add3A_13 = arith.constant 160 : i32
    %add3A_14 = arith.addi %mul3A_12, %add3A_13 : i32
    "tpu.region"() ({
      %run_scoped3A_105 = tpu.sem_alloc : memref<!tpu.dma_semaphore, #tpu.memory_space<semaphore_mem>>
      %dma_start3A_106 = arith.constant 0 : i32
      %dma_start3A_107 = tpu.memref_slice %arg12[%add3A_14, %dma_start3A_106] : memref<10112x128xf32, #tpu.memory_space<vmem_shared>> -> memref<80x128xf32, #tpu.memory_space<vmem_shared>>
      %dma_start3A_108 = arith.constant 0 : i32
      %dma_start3A_109 = tpu.memref_slice %arg12[%add3A_14, %dma_start3A_108] : memref<10112x128xf32, #tpu.memory_space<vmem_shared>> -> memref<80x128xf32, #tpu.memory_space<vmem_shared>>
      tpu.enqueue_dma source(%arg10 : memref<80x128xf32, #tpu.memory_space<vmem>>) target(%dma_start3A_109 : memref<80x128xf32, #tpu.memory_space<vmem_shared>>) target_semaphore(%run_scoped3A_105 : memref<!tpu.dma_semaphore, #tpu.memory_space<semaphore_mem>>)
      %dma_wait3A_110 = arith.constant 0 : i32
      %dma_wait3A_111 = tpu.memref_slice %arg12[%add3A_14, %dma_wait3A_110] : memref<10112x128xf32, #tpu.memory_space<vmem_shared>> -> memref<80x128xf32, #tpu.memory_space<vmem_shared>>
      %dma_wait3A_112 = arith.constant 0 : i32
      %dma_wait3A_113 = tpu.memref_slice %arg12[%add3A_14, %dma_wait3A_112] : memref<10112x128xf32, #tpu.memory_space<vmem_shared>> -> memref<80x128xf32, #tpu.memory_space<vmem_shared>>
      tpu.wait_dma2 semaphore(%run_scoped3A_105 : memref<!tpu.dma_semaphore, #tpu.memory_space<semaphore_mem>>) src(%arg10 : memref<80x128xf32, #tpu.memory_space<vmem>>) dst(%dma_wait3A_113 : memref<80x128xf32, #tpu.memory_space<vmem_shared>>)
      tpu.yield
    }) : () -> ()
    %mul3A_15 = arith.constant 625 : i32
    %mul3A_16 = arith.muli %arg1, %mul3A_15 : i32
    %add3A_17 = arith.constant 240 : i32
    %add3A_18 = arith.addi %mul3A_16, %add3A_17 : i32
    "tpu.region"() ({
      %run_scoped3A_105 = tpu.sem_alloc : memref<!tpu.dma_semaphore, #tpu.memory_space<semaphore_mem>>
      %dma_start3A_106 = arith.constant 0 : i32
      %dma_start3A_107 = tpu.memref_slice %arg12[%add3A_18, %dma_start3A_106] : memref<10112x128xf32, #tpu.memory_space<vmem_shared>> -> memref<80x128xf32, #tpu.memory_space<vmem_shared>>
      %dma_start3A_108 = arith.constant 0 : i32
      %dma_start3A_109 = tpu.memref_slice %arg12[%add3A_18, %dma_start3A_108] : memref<10112x128xf32, #tpu.memory_space<vmem_shared>> -> memref<80x128xf32, #tpu.memory_space<vmem_shared>>
      tpu.enqueue_dma source(%arg10 : memref<80x128xf32, #tpu.memory_space<vmem>>) target(%dma_start3A_109 : memref<80x128xf32, #tpu.memory_space<vmem_shared>>) target_semaphore(%run_scoped3A_105 : memref<!tpu.dma_semaphore, #tpu.memory_space<semaphore_mem>>)
      %dma_wait3A_110 = arith.constant 0 : i32
      %dma_wait3A_111 = tpu.memref_slice %arg12[%add3A_18, %dma_wait3A_110] : memref<10112x128xf32, #tpu.memory_space<vmem_shared>> -> memref<80x128xf32, #tpu.memory_space<vmem_shared>>
      %dma_wait3A_112 = arith.constant 0 : i32
      %dma_wait3A_113 = tpu.memref_slice %arg12[%add3A_18, %dma_wait3A_112] : memref<10112x128xf32, #tpu.memory_space<vmem_shared>> -> memref<80x128xf32, #tpu.memory_space<vmem_shared>>
      tpu.wait_dma2 semaphore(%run_scoped3A_105 : memref<!tpu.dma_semaphore, #tpu.memory_space<semaphore_mem>>) src(%arg10 : memref<80x128xf32, #tpu.memory_space<vmem>>) dst(%dma_wait3A_113 : memref<80x128xf32, #tpu.memory_space<vmem_shared>>)
      tpu.yield
    }) : () -> ()
    %mul3A_19 = arith.constant 625 : i32
    %mul3A_20 = arith.muli %arg1, %mul3A_19 : i32
    %add3A_21 = arith.constant 320 : i32
    %add3A_22 = arith.addi %mul3A_20, %add3A_21 : i32
    "tpu.region"() ({
      %run_scoped3A_105 = tpu.sem_alloc : memref<!tpu.dma_semaphore, #tpu.memory_space<semaphore_mem>>
      %dma_start3A_106 = arith.constant 0 : i32
      %dma_start3A_107 = tpu.memref_slice %arg12[%add3A_22, %dma_start3A_106] : memref<10112x128xf32, #tpu.memory_space<vmem_shared>> -> memref<80x128xf32, #tpu.memory_space<vmem_shared>>
      %dma_start3A_108 = arith.constant 0 : i32
      %dma_start3A_109 = tpu.memref_slice %arg12[%add3A_22, %dma_start3A_108] : memref<10112x128xf32, #tpu.memory_space<vmem_shared>> -> memref<80x128xf32, #tpu.memory_space<vmem_shared>>
      tpu.enqueue_dma source(%arg10 : memref<80x128xf32, #tpu.memory_space<vmem>>) target(%dma_start3A_109 : memref<80x128xf32, #tpu.memory_space<vmem_shared>>) target_semaphore(%run_scoped3A_105 : memref<!tpu.dma_semaphore, #tpu.memory_space<semaphore_mem>>)
      %dma_wait3A_110 = arith.constant 0 : i32
      %dma_wait3A_111 = tpu.memref_slice %arg12[%add3A_22, %dma_wait3A_110] : memref<10112x128xf32, #tpu.memory_space<vmem_shared>> -> memref<80x128xf32, #tpu.memory_space<vmem_shared>>
      %dma_wait3A_112 = arith.constant 0 : i32
      %dma_wait3A_113 = tpu.memref_slice %arg12[%add3A_22, %dma_wait3A_112] : memref<10112x128xf32, #tpu.memory_space<vmem_shared>> -> memref<80x128xf32, #tpu.memory_space<vmem_shared>>
      tpu.wait_dma2 semaphore(%run_scoped3A_105 : memref<!tpu.dma_semaphore, #tpu.memory_space<semaphore_mem>>) src(%arg10 : memref<80x128xf32, #tpu.memory_space<vmem>>) dst(%dma_wait3A_113 : memref<80x128xf32, #tpu.memory_space<vmem_shared>>)
      tpu.yield
    }) : () -> ()
    %mul3A_23 = arith.constant 625 : i32
    %mul3A_24 = arith.muli %arg1, %mul3A_23 : i32
    %add3A_25 = arith.constant 400 : i32
    %add3A_26 = arith.addi %mul3A_24, %add3A_25 : i32
    "tpu.region"() ({
      %run_scoped3A_105 = tpu.sem_alloc : memref<!tpu.dma_semaphore, #tpu.memory_space<semaphore_mem>>
      %dma_start3A_106 = arith.constant 0 : i32
      %dma_start3A_107 = tpu.memref_slice %arg12[%add3A_26, %dma_start3A_106] : memref<10112x128xf32, #tpu.memory_space<vmem_shared>> -> memref<80x128xf32, #tpu.memory_space<vmem_shared>>
      %dma_start3A_108 = arith.constant 0 : i32
      %dma_start3A_109 = tpu.memref_slice %arg12[%add3A_26, %dma_start3A_108] : memref<10112x128xf32, #tpu.memory_space<vmem_shared>> -> memref<80x128xf32, #tpu.memory_space<vmem_shared>>
      tpu.enqueue_dma source(%arg10 : memref<80x128xf32, #tpu.memory_space<vmem>>) target(%dma_start3A_109 : memref<80x128xf32, #tpu.memory_space<vmem_shared>>) target_semaphore(%run_scoped3A_105 : memref<!tpu.dma_semaphore, #tpu.memory_space<semaphore_mem>>)
      %dma_wait3A_110 = arith.constant 0 : i32
      %dma_wait3A_111 = tpu.memref_slice %arg12[%add3A_26, %dma_wait3A_110] : memref<10112x128xf32, #tpu.memory_space<vmem_shared>> -> memref<80x128xf32, #tpu.memory_space<vmem_shared>>
      %dma_wait3A_112 = arith.constant 0 : i32
      %dma_wait3A_113 = tpu.memref_slice %arg12[%add3A_26, %dma_wait3A_112] : memref<10112x128xf32, #tpu.memory_space<vmem_shared>> -> memref<80x128xf32, #tpu.memory_space<vmem_shared>>
      tpu.wait_dma2 semaphore(%run_scoped3A_105 : memref<!tpu.dma_semaphore, #tpu.memory_space<semaphore_mem>>) src(%arg10 : memref<80x128xf32, #tpu.memory_space<vmem>>) dst(%dma_wait3A_113 : memref<80x128xf32, #tpu.memory_space<vmem_shared>>)
      tpu.yield
    }) : () -> ()
    %mul3A_27 = arith.constant 625 : i32
    %mul3A_28 = arith.muli %arg1, %mul3A_27 : i32
    %add3A_29 = arith.constant 480 : i32
    %add3A_30 = arith.addi %mul3A_28, %add3A_29 : i32
    "tpu.region"() ({
      %run_scoped3A_105 = tpu.sem_alloc : memref<!tpu.dma_semaphore, #tpu.memory_space<semaphore_mem>>
      %dma_start3A_106 = arith.constant 0 : i32
      %dma_start3A_107 = tpu.memref_slice %arg12[%add3A_30, %dma_start3A_106] : memref<10112x128xf32, #tpu.memory_space<vmem_shared>> -> memref<80x128xf32, #tpu.memory_space<vmem_shared>>
      %dma_start3A_108 = arith.constant 0 : i32
      %dma_start3A_109 = tpu.memref_slice %arg12[%add3A_30, %dma_start3A_108] : memref<10112x128xf32, #tpu.memory_space<vmem_shared>> -> memref<80x128xf32, #tpu.memory_space<vmem_shared>>
      tpu.enqueue_dma source(%arg10 : memref<80x128xf32, #tpu.memory_space<vmem>>) target(%dma_start3A_109 : memref<80x128xf32, #tpu.memory_space<vmem_shared>>) target_semaphore(%run_scoped3A_105 : memref<!tpu.dma_semaphore, #tpu.memory_space<semaphore_mem>>)
      %dma_wait3A_110 = arith.constant 0 : i32
      %dma_wait3A_111 = tpu.memref_slice %arg12[%add3A_30, %dma_wait3A_110] : memref<10112x128xf32, #tpu.memory_space<vmem_shared>> -> memref<80x128xf32, #tpu.memory_space<vmem_shared>>
      %dma_wait3A_112 = arith.constant 0 : i32
      %dma_wait3A_113 = tpu.memref_slice %arg12[%add3A_30, %dma_wait3A_112] : memref<10112x128xf32, #tpu.memory_space<vmem_shared>> -> memref<80x128xf32, #tpu.memory_space<vmem_shared>>
      tpu.wait_dma2 semaphore(%run_scoped3A_105 : memref<!tpu.dma_semaphore, #tpu.memory_space<semaphore_mem>>) src(%arg10 : memref<80x128xf32, #tpu.memory_space<vmem>>) dst(%dma_wait3A_113 : memref<80x128xf32, #tpu.memory_space<vmem_shared>>)
      tpu.yield
    }) : () -> ()
    %mul3A_31 = arith.constant 625 : i32
    %mul3A_32 = arith.muli %arg1, %mul3A_31 : i32
    %add3A_33 = arith.constant 560 : i32
    %add3A_34 = arith.addi %mul3A_32, %add3A_33 : i32
    "tpu.region"() ({
      %run_scoped3A_105 = tpu.sem_alloc : memref<!tpu.dma_semaphore, #tpu.memory_space<semaphore_mem>>
      %dma_start3A_106 = arith.constant 0 : i32
      %dma_start3A_107 = arith.constant 0 : i32
      %dma_start3A_108 = tpu.memref_slice %arg10[%dma_start3A_106, %dma_start3A_107] : memref<80x128xf32, #tpu.memory_space<vmem>> -> memref<65x128xf32, #tpu.memory_space<vmem>>
      %dma_start3A_109 = arith.constant 0 : i32
      %dma_start3A_110 = tpu.memref_slice %arg12[%add3A_34, %dma_start3A_109] : memref<10112x128xf32, #tpu.memory_space<vmem_shared>> -> memref<65x128xf32, #tpu.memory_space<vmem_shared>>
      %dma_start3A_111 = arith.constant 0 : i32
      %dma_start3A_112 = tpu.memref_slice %arg12[%add3A_34, %dma_start3A_111] : memref<10112x128xf32, #tpu.memory_space<vmem_shared>> -> memref<65x128xf32, #tpu.memory_space<vmem_shared>>
      %dma_start3A_113 = arith.constant 0 : i32
      %dma_start3A_114 = arith.constant 0 : i32
      %dma_start3A_115 = tpu.memref_slice %arg10[%dma_start3A_113, %dma_start3A_114] : memref<80x128xf32, #tpu.memory_space<vmem>> -> memref<65x128xf32, #tpu.memory_space<vmem>>
      tpu.enqueue_dma source(%dma_start3A_115 : memref<65x128xf32, #tpu.memory_space<vmem>>) target(%dma_start3A_112 : memref<65x128xf32, #tpu.memory_space<vmem_shared>>) target_semaphore(%run_scoped3A_105 : memref<!tpu.dma_semaphore, #tpu.memory_space<semaphore_mem>>)
      %dma_wait3A_116 = arith.constant 0 : i32
      %dma_wait3A_117 = arith.constant 0 : i32
      %dma_wait3A_118 = tpu.memref_slice %arg10[%dma_wait3A_116, %dma_wait3A_117] : memref<80x128xf32, #tpu.memory_space<vmem>> -> memref<65x128xf32, #tpu.memory_space<vmem>>
      %dma_wait3A_119 = arith.constant 0 : i32
      %dma_wait3A_120 = tpu.memref_slice %arg12[%add3A_34, %dma_wait3A_119] : memref<10112x128xf32, #tpu.memory_space<vmem_shared>> -> memref<65x128xf32, #tpu.memory_space<vmem_shared>>
      %dma_wait3A_121 = arith.constant 0 : i32
      %dma_wait3A_122 = tpu.memref_slice %arg12[%add3A_34, %dma_wait3A_121] : memref<10112x128xf32, #tpu.memory_space<vmem_shared>> -> memref<65x128xf32, #tpu.memory_space<vmem_shared>>
      %dma_wait3A_123 = arith.constant 0 : i32
      %dma_wait3A_124 = arith.constant 0 : i32
      %dma_wait3A_125 = tpu.memref_slice %arg10[%dma_wait3A_123, %dma_wait3A_124] : memref<80x128xf32, #tpu.memory_space<vmem>> -> memref<65x128xf32, #tpu.memory_space<vmem>>
      tpu.wait_dma2 semaphore(%run_scoped3A_105 : memref<!tpu.dma_semaphore, #tpu.memory_space<semaphore_mem>>) src(%dma_wait3A_125 : memref<65x128xf32, #tpu.memory_space<vmem>>) dst(%dma_wait3A_122 : memref<65x128xf32, #tpu.memory_space<vmem_shared>>)
      tpu.yield
    }) : () -> ()
    %barrier3A = arith.constant 0 : index
    tpu.barrier barrier_id(%barrier3A)
    %dma_start3A = arith.constant 0 : i32
    %dma_start3A_35 = arith.constant 0 : i32
    %dma_start3A_36 = arith.constant 0 : i32
    %dma_start3A_37 = tpu.memref_slice %arg4[%add3A, %dma_start3A, %dma_start3A_35, %dma_start3A_36] : memref<32x125x2x80xi32, #tpu.memory_space<hbm>> -> memref<1x1x2x80xi32, #tpu.memory_space<hbm>>
    %dma_start3A_38 = tpu.memref_squeeze %dma_start3A_37 : memref<1x1x2x80xi32, #tpu.memory_space<hbm>> -> memref<2x80xi32, #tpu.memory_space<hbm>>
    %dma_start3A_39 = arith.constant 0 : i32
    %dma_start3A_40 = arith.constant 0 : i32
    %dma_start3A_41 = tpu.memref_slice %arg4[%add3A, %dma_start3A, %dma_start3A_39, %dma_start3A_40] : memref<32x125x2x80xi32, #tpu.memory_space<hbm>> -> memref<1x1x2x80xi32, #tpu.memory_space<hbm>>
    %dma_start3A_42 = tpu.memref_squeeze %dma_start3A_41 : memref<1x1x2x80xi32, #tpu.memory_space<hbm>> -> memref<2x80xi32, #tpu.memory_space<hbm>>
    tpu.enqueue_dma source(%dma_start3A_42 : memref<2x80xi32, #tpu.memory_space<hbm>>) target(%arg6 : memref<2x80xi32, #tpu.memory_space<vmem>>) target_semaphore(%arg17 : memref<!tpu.dma_semaphore, #tpu.memory_space<semaphore_mem>>)
    %dma_start3A_43 = arith.constant 1 : i32
    %dma_start3A_44 = arith.constant 0 : i32
    %dma_start3A_45 = arith.constant 0 : i32
    %dma_start3A_46 = tpu.memref_slice %arg4[%add3A, %dma_start3A_43, %dma_start3A_44, %dma_start3A_45] : memref<32x125x2x80xi32, #tpu.memory_space<hbm>> -> memref<1x1x2x80xi32, #tpu.memory_space<hbm>>
    %dma_start3A_47 = tpu.memref_squeeze %dma_start3A_46 : memref<1x1x2x80xi32, #tpu.memory_space<hbm>> -> memref<2x80xi32, #tpu.memory_space<hbm>>
    %dma_start3A_48 = arith.constant 0 : i32
    %dma_start3A_49 = arith.constant 0 : i32
    %dma_start3A_50 = tpu.memref_slice %arg4[%add3A, %dma_start3A_43, %dma_start3A_48, %dma_start3A_49] : memref<32x125x2x80xi32, #tpu.memory_space<hbm>> -> memref<1x1x2x80xi32, #tpu.memory_space<hbm>>
    %dma_start3A_51 = tpu.memref_squeeze %dma_start3A_50 : memref<1x1x2x80xi32, #tpu.memory_space<hbm>> -> memref<2x80xi32, #tpu.memory_space<hbm>>
    tpu.enqueue_dma source(%dma_start3A_51 : memref<2x80xi32, #tpu.memory_space<hbm>>) target(%arg7 : memref<2x80xi32, #tpu.memory_space<vmem>>) target_semaphore(%arg18 : memref<!tpu.dma_semaphore, #tpu.memory_space<semaphore_mem>>)
    %dma_wait3A = arith.constant 0 : i32
    %dma_wait3A_52 = arith.constant 0 : i32
    %dma_wait3A_53 = arith.constant 0 : i32
    %dma_wait3A_54 = tpu.memref_slice %arg4[%add3A, %dma_wait3A, %dma_wait3A_52, %dma_wait3A_53] : memref<32x125x2x80xi32, #tpu.memory_space<hbm>> -> memref<1x1x2x80xi32, #tpu.memory_space<hbm>>
    %dma_wait3A_55 = tpu.memref_squeeze %dma_wait3A_54 : memref<1x1x2x80xi32, #tpu.memory_space<hbm>> -> memref<2x80xi32, #tpu.memory_space<hbm>>
    %dma_wait3A_56 = arith.constant 0 : i32
    %dma_wait3A_57 = arith.constant 0 : i32
    %dma_wait3A_58 = tpu.memref_slice %arg4[%add3A, %dma_wait3A, %dma_wait3A_56, %dma_wait3A_57] : memref<32x125x2x80xi32, #tpu.memory_space<hbm>> -> memref<1x1x2x80xi32, #tpu.memory_space<hbm>>
    %dma_wait3A_59 = tpu.memref_squeeze %dma_wait3A_58 : memref<1x1x2x80xi32, #tpu.memory_space<hbm>> -> memref<2x80xi32, #tpu.memory_space<hbm>>
    tpu.wait_dma2 semaphore(%arg17 : memref<!tpu.dma_semaphore, #tpu.memory_space<semaphore_mem>>) src(%dma_wait3A_59 : memref<2x80xi32, #tpu.memory_space<hbm>>) dst(%arg6 : memref<2x80xi32, #tpu.memory_space<vmem>>)
    %dma_start3A_60 = arith.constant 0 : i32
    %dma_start3A_61 = arith.constant 0 : i32
    %dma_start3A_62 = tpu.memref_slice %arg6[%dma_start3A_60, %dma_start3A_61] : memref<2x80xi32, #tpu.memory_space<vmem>> -> memref<1x80xi32, #tpu.memory_space<vmem>>
    %dma_start3A_63 = tpu.memref_squeeze %dma_start3A_62 : memref<1x80xi32, #tpu.memory_space<vmem>> -> memref<80xi32, #tpu.memory_space<vmem>>
    %dma_start3A_64 = arith.constant 0 : i32
    %dma_start3A_65 = arith.constant 0 : i32
    %dma_start3A_66 = tpu.memref_slice %arg2[%dma_start3A_64, %dma_start3A_65] : memref<10000x128xf32, #tpu.memory_space<hbm>> -> memref<10000x128xf32, #tpu.memory_space<hbm>>
    tpu.enqueue_indirect_dma source(%dma_start3A_66 : memref<10000x128xf32, #tpu.memory_space<hbm>>) target(%arg8 : memref<80x128xf32, #tpu.memory_space<vmem>>) offsets(%dma_start3A_63 : memref<80xi32, #tpu.memory_space<vmem>>) semaphore(%arg13 : memref<!tpu.dma_semaphore, #tpu.memory_space<semaphore_mem>>)
    %dma_start3A_67 = arith.constant 0 : i32
    %dma_start3A_68 = arith.constant 0 : i32
    %dma_start3A_69 = arith.constant 0 : i32
    %dma_start3A_70 = tpu.memref_slice %arg3[%add3A, %dma_start3A_67, %dma_start3A_68, %dma_start3A_69] : memref<32x125x80x128xf32, #tpu.memory_space<hbm>> -> memref<1x1x80x128xf32, #tpu.memory_space<hbm>>
    %dma_start3A_71 = tpu.memref_squeeze %dma_start3A_70 : memref<1x1x80x128xf32, #tpu.memory_space<hbm>> -> memref<80x128xf32, #tpu.memory_space<hbm>>
    %dma_start3A_72 = arith.constant 0 : i32
    %dma_start3A_73 = arith.constant 0 : i32
    %dma_start3A_74 = tpu.memref_slice %arg3[%add3A, %dma_start3A_67, %dma_start3A_72, %dma_start3A_73] : memref<32x125x80x128xf32, #tpu.memory_space<hbm>> -> memref<1x1x80x128xf32, #tpu.memory_space<hbm>>
    %dma_start3A_75 = tpu.memref_squeeze %dma_start3A_74 : memref<1x1x80x128xf32, #tpu.memory_space<hbm>> -> memref<80x128xf32, #tpu.memory_space<hbm>>
    tpu.enqueue_dma source(%dma_start3A_75 : memref<80x128xf32, #tpu.memory_space<hbm>>) target(%arg10 : memref<80x128xf32, #tpu.memory_space<vmem>>) target_semaphore(%arg15 : memref<!tpu.dma_semaphore, #tpu.memory_space<semaphore_mem>>)
    %scan3A = arith.constant 0 : i32
    %scan3A_76 = arith.constant 0 : i32
    %scan3A_77 = arith.constant 62 : i32
    %scan3A_78 = arith.addi %scan3A_76, %scan3A_77 : i32
    %scan3A_79 = arith.constant 1 : i32
    scf.for %scan3A_105 = %scan3A_76 to %scan3A_78 step %scan3A_79  : i32 {
      %mul3A_106 = arith.constant 2 : i32
      %mul3A_107 = arith.muli %mul3A_106, %scan3A_105 : i32
      %dma_wait3A_108 = arith.constant 0 : i32
      %dma_wait3A_109 = arith.constant 0 : i32
      %dma_wait3A_110 = tpu.memref_slice %arg6[%dma_wait3A_108, %dma_wait3A_109] : memref<2x80xi32, #tpu.memory_space<vmem>> -> memref<1x80xi32, #tpu.memory_space<vmem>>
      %dma_wait3A_111 = tpu.memref_squeeze %dma_wait3A_110 : memref<1x80xi32, #tpu.memory_space<vmem>> -> memref<80xi32, #tpu.memory_space<vmem>>
      %dma_wait3A_112 = arith.constant 0 : i32
      %dma_wait3A_113 = arith.constant 0 : i32
      %dma_wait3A_114 = tpu.memref_slice %arg2[%dma_wait3A_112, %dma_wait3A_113] : memref<10000x128xf32, #tpu.memory_space<hbm>> -> memref<10000x128xf32, #tpu.memory_space<hbm>>
      tpu.wait_indirect_dma semaphore(%arg13 : memref<!tpu.dma_semaphore, #tpu.memory_space<semaphore_mem>>) src(%dma_wait3A_114 : memref<10000x128xf32, #tpu.memory_space<hbm>>) dst(%arg8 : memref<80x128xf32, #tpu.memory_space<vmem>>)
      %add3A_115 = arith.constant 1 : i32
      %add3A_116 = arith.addi %mul3A_107, %add3A_115 : i32
      %dma_wait3A_117 = arith.constant 0 : i32
      %dma_wait3A_118 = arith.constant 0 : i32
      %dma_wait3A_119 = tpu.memref_slice %arg4[%add3A, %add3A_116, %dma_wait3A_117, %dma_wait3A_118] : memref<32x125x2x80xi32, #tpu.memory_space<hbm>> -> memref<1x1x2x80xi32, #tpu.memory_space<hbm>>
      %dma_wait3A_120 = tpu.memref_squeeze %dma_wait3A_119 : memref<1x1x2x80xi32, #tpu.memory_space<hbm>> -> memref<2x80xi32, #tpu.memory_space<hbm>>
      %dma_wait3A_121 = arith.constant 0 : i32
      %dma_wait3A_122 = arith.constant 0 : i32
      %dma_wait3A_123 = tpu.memref_slice %arg4[%add3A, %add3A_116, %dma_wait3A_121, %dma_wait3A_122] : memref<32x125x2x80xi32, #tpu.memory_space<hbm>> -> memref<1x1x2x80xi32, #tpu.memory_space<hbm>>
      %dma_wait3A_124 = tpu.memref_squeeze %dma_wait3A_123 : memref<1x1x2x80xi32, #tpu.memory_space<hbm>> -> memref<2x80xi32, #tpu.memory_space<hbm>>
      tpu.wait_dma2 semaphore(%arg18 : memref<!tpu.dma_semaphore, #tpu.memory_space<semaphore_mem>>) src(%dma_wait3A_124 : memref<2x80xi32, #tpu.memory_space<hbm>>) dst(%arg7 : memref<2x80xi32, #tpu.memory_space<vmem>>)
      %dma_start3A_125 = arith.constant 0 : i32
      %dma_start3A_126 = arith.constant 0 : i32
      %dma_start3A_127 = tpu.memref_slice %arg7[%dma_start3A_125, %dma_start3A_126] : memref<2x80xi32, #tpu.memory_space<vmem>> -> memref<1x80xi32, #tpu.memory_space<vmem>>
      %dma_start3A_128 = tpu.memref_squeeze %dma_start3A_127 : memref<1x80xi32, #tpu.memory_space<vmem>> -> memref<80xi32, #tpu.memory_space<vmem>>
      %dma_start3A_129 = arith.constant 0 : i32
      %dma_start3A_130 = arith.constant 0 : i32
      %dma_start3A_131 = tpu.memref_slice %arg2[%dma_start3A_129, %dma_start3A_130] : memref<10000x128xf32, #tpu.memory_space<hbm>> -> memref<10000x128xf32, #tpu.memory_space<hbm>>
      tpu.enqueue_indirect_dma source(%dma_start3A_131 : memref<10000x128xf32, #tpu.memory_space<hbm>>) target(%arg9 : memref<80x128xf32, #tpu.memory_space<vmem>>) offsets(%dma_start3A_128 : memref<80xi32, #tpu.memory_space<vmem>>) semaphore(%arg14 : memref<!tpu.dma_semaphore, #tpu.memory_space<semaphore_mem>>)
      %add3A_132 = arith.constant 1 : i32
      %add3A_133 = arith.addi %mul3A_107, %add3A_132 : i32
      %dma_start3A_134 = arith.constant 0 : i32
      %dma_start3A_135 = arith.constant 0 : i32
      %dma_start3A_136 = tpu.memref_slice %arg3[%add3A, %add3A_133, %dma_start3A_134, %dma_start3A_135] : memref<32x125x80x128xf32, #tpu.memory_space<hbm>> -> memref<1x1x80x128xf32, #tpu.memory_space<hbm>>
      %dma_start3A_137 = tpu.memref_squeeze %dma_start3A_136 : memref<1x1x80x128xf32, #tpu.memory_space<hbm>> -> memref<80x128xf32, #tpu.memory_space<hbm>>
      %dma_start3A_138 = arith.constant 0 : i32
      %dma_start3A_139 = arith.constant 0 : i32
      %dma_start3A_140 = tpu.memref_slice %arg3[%add3A, %add3A_133, %dma_start3A_138, %dma_start3A_139] : memref<32x125x80x128xf32, #tpu.memory_space<hbm>> -> memref<1x1x80x128xf32, #tpu.memory_space<hbm>>
      %dma_start3A_141 = tpu.memref_squeeze %dma_start3A_140 : memref<1x1x80x128xf32, #tpu.memory_space<hbm>> -> memref<80x128xf32, #tpu.memory_space<hbm>>
      tpu.enqueue_dma source(%dma_start3A_141 : memref<80x128xf32, #tpu.memory_space<hbm>>) target(%arg11 : memref<80x128xf32, #tpu.memory_space<vmem>>) target_semaphore(%arg16 : memref<!tpu.dma_semaphore, #tpu.memory_space<semaphore_mem>>)
      %dma_wait3A_142 = arith.constant 0 : i32
      %dma_wait3A_143 = arith.constant 0 : i32
      %dma_wait3A_144 = tpu.memref_slice %arg3[%add3A, %mul3A_107, %dma_wait3A_142, %dma_wait3A_143] : memref<32x125x80x128xf32, #tpu.memory_space<hbm>> -> memref<1x1x80x128xf32, #tpu.memory_space<hbm>>
      %dma_wait3A_145 = tpu.memref_squeeze %dma_wait3A_144 : memref<1x1x80x128xf32, #tpu.memory_space<hbm>> -> memref<80x128xf32, #tpu.memory_space<hbm>>
      %dma_wait3A_146 = arith.constant 0 : i32
      %dma_wait3A_147 = arith.constant 0 : i32
      %dma_wait3A_148 = tpu.memref_slice %arg3[%add3A, %mul3A_107, %dma_wait3A_146, %dma_wait3A_147] : memref<32x125x80x128xf32, #tpu.memory_space<hbm>> -> memref<1x1x80x128xf32, #tpu.memory_space<hbm>>
      %dma_wait3A_149 = tpu.memref_squeeze %dma_wait3A_148 : memref<1x1x80x128xf32, #tpu.memory_space<hbm>> -> memref<80x128xf32, #tpu.memory_space<hbm>>
      tpu.wait_dma2 semaphore(%arg15 : memref<!tpu.dma_semaphore, #tpu.memory_space<semaphore_mem>>) src(%dma_wait3A_149 : memref<80x128xf32, #tpu.memory_space<hbm>>) dst(%arg10 : memref<80x128xf32, #tpu.memory_space<vmem>>)
      %parallel_loop3A_150 = arith.constant 0 : i32
      %parallel_loop3A_151 = arith.constant 80 : i32
      %parallel_loop3A_152 = arith.constant 1 : i32
      scf.for %parallel_loop3A_216 = %parallel_loop3A_150 to %parallel_loop3A_151 step %parallel_loop3A_152  : i32 {
        %parallel_loop3A_217 = arith.index_cast %parallel_loop3A_216 : i32 to index
        %parallel_loop3A_218 = arith.constant 0 : index
        %parallel_loop3A_219 = tpu.vector_load %arg10[%parallel_loop3A_217, %parallel_loop3A_218] {strides = array<i32>} : memref<80x128xf32, #tpu.memory_space<vmem>>, vector<1x16xf32>,
        %parallel_loop3A_220 = vector.shape_cast %parallel_loop3A_219 : vector<1x16xf32> to vector<16xf32>
        %parallel_loop3A_221 = arith.index_cast %parallel_loop3A_216 : i32 to index
        %parallel_loop3A_222 = arith.constant 0 : index
        %parallel_loop3A_223 = tpu.vector_load %arg8[%parallel_loop3A_221, %parallel_loop3A_222] {strides = array<i32>} : memref<80x128xf32, #tpu.memory_space<vmem>>, vector<1x16xf32>,
        %parallel_loop3A_224 = vector.shape_cast %parallel_loop3A_223 : vector<1x16xf32> to vector<16xf32>
        %parallel_loop3A_225 = arith.addf %parallel_loop3A_220, %parallel_loop3A_224 : vector<16xf32>
        %parallel_loop3A_226 = arith.constant 0.000000e+00 : f32
        %parallel_loop3A_227 = vector.broadcast %parallel_loop3A_226 : f32 to vector<16xf32>
        %parallel_loop3A_228 = arith.maximumf %parallel_loop3A_225, %parallel_loop3A_227 : vector<16xf32>
        %parallel_loop3A_229 = arith.index_cast %parallel_loop3A_216 : i32 to index
        %parallel_loop3A_230 = arith.constant 0 : index
        %parallel_loop3A_231 = tpu.vector_load %arg10[%parallel_loop3A_229, %parallel_loop3A_230] {strides = array<i32>} : memref<80x128xf32, #tpu.memory_space<vmem>>, vector<1x16xf32>,
        %parallel_loop3A_232 = vector.shape_cast %parallel_loop3A_231 : vector<1x16xf32> to vector<16xf32>
        %parallel_loop3A_233 = vector.shape_cast %parallel_loop3A_228 : vector<16xf32> to vector<1x16xf32>
        tpu.vector_store %arg10[%parallel_loop3A_229, %parallel_loop3A_230], %parallel_loop3A_233 {strides = array<i32>} : memref<80x128xf32, #tpu.memory_space<vmem>>, vector<1x16xf32>,
        %parallel_loop3A_234 = arith.index_cast %parallel_loop3A_216 : i32 to index
        %parallel_loop3A_235 = arith.constant 16 : index
        %parallel_loop3A_236 = tpu.vector_load %arg10[%parallel_loop3A_234, %parallel_loop3A_235] {strides = array<i32>} : memref<80x128xf32, #tpu.memory_space<vmem>>, vector<1x16xf32>,
        %parallel_loop3A_237 = vector.shape_cast %parallel_loop3A_236 : vector<1x16xf32> to vector<16xf32>
        %parallel_loop3A_238 = arith.index_cast %parallel_loop3A_216 : i32 to index
        %parallel_loop3A_239 = arith.constant 16 : index
        %parallel_loop3A_240 = tpu.vector_load %arg8[%parallel_loop3A_238, %parallel_loop3A_239] {strides = array<i32>} : memref<80x128xf32, #tpu.memory_space<vmem>>, vector<1x16xf32>,
        %parallel_loop3A_241 = vector.shape_cast %parallel_loop3A_240 : vector<1x16xf32> to vector<16xf32>
        %parallel_loop3A_242 = arith.addf %parallel_loop3A_237, %parallel_loop3A_241 : vector<16xf32>
        %parallel_loop3A_243 = arith.constant 0.000000e+00 : f32
        %parallel_loop3A_244 = vector.broadcast %parallel_loop3A_243 : f32 to vector<16xf32>
        %parallel_loop3A_245 = arith.maximumf %parallel_loop3A_242, %parallel_loop3A_244 : vector<16xf32>
        %parallel_loop3A_246 = arith.index_cast %parallel_loop3A_216 : i32 to index
        %parallel_loop3A_247 = arith.constant 16 : index
        %parallel_loop3A_248 = tpu.vector_load %arg10[%parallel_loop3A_246, %parallel_loop3A_247] {strides = array<i32>} : memref<80x128xf32, #tpu.memory_space<vmem>>, vector<1x16xf32>,
        %parallel_loop3A_249 = vector.shape_cast %parallel_loop3A_248 : vector<1x16xf32> to vector<16xf32>
        %parallel_loop3A_250 = vector.shape_cast %parallel_loop3A_245 : vector<16xf32> to vector<1x16xf32>
        tpu.vector_store %arg10[%parallel_loop3A_246, %parallel_loop3A_247], %parallel_loop3A_250 {strides = array<i32>} : memref<80x128xf32, #tpu.memory_space<vmem>>, vector<1x16xf32>,
        %parallel_loop3A_251 = arith.index_cast %parallel_loop3A_216 : i32 to index
        %parallel_loop3A_252 = arith.constant 32 : index
        %parallel_loop3A_253 = tpu.vector_load %arg10[%parallel_loop3A_251, %parallel_loop3A_252] {strides = array<i32>} : memref<80x128xf32, #tpu.memory_space<vmem>>, vector<1x16xf32>,
        %parallel_loop3A_254 = vector.shape_cast %parallel_loop3A_253 : vector<1x16xf32> to vector<16xf32>
        %parallel_loop3A_255 = arith.index_cast %parallel_loop3A_216 : i32 to index
        %parallel_loop3A_256 = arith.constant 32 : index
        %parallel_loop3A_257 = tpu.vector_load %arg8[%parallel_loop3A_255, %parallel_loop3A_256] {strides = array<i32>} : memref<80x128xf32, #tpu.memory_space<vmem>>, vector<1x16xf32>,
        %parallel_loop3A_258 = vector.shape_cast %parallel_loop3A_257 : vector<1x16xf32> to vector<16xf32>
        %parallel_loop3A_259 = arith.addf %parallel_loop3A_254, %parallel_loop3A_258 : vector<16xf32>
        %parallel_loop3A_260 = arith.constant 0.000000e+00 : f32
        %parallel_loop3A_261 = vector.broadcast %parallel_loop3A_260 : f32 to vector<16xf32>
        %parallel_loop3A_262 = arith.maximumf %parallel_loop3A_259, %parallel_loop3A_261 : vector<16xf32>
        %parallel_loop3A_263 = arith.index_cast %parallel_loop3A_216 : i32 to index
        %parallel_loop3A_264 = arith.constant 32 : index
        %parallel_loop3A_265 = tpu.vector_load %arg10[%parallel_loop3A_263, %parallel_loop3A_264] {strides = array<i32>} : memref<80x128xf32, #tpu.memory_space<vmem>>, vector<1x16xf32>,
        %parallel_loop3A_266 = vector.shape_cast %parallel_loop3A_265 : vector<1x16xf32> to vector<16xf32>
        %parallel_loop3A_267 = vector.shape_cast %parallel_loop3A_262 : vector<16xf32> to vector<1x16xf32>
        tpu.vector_store %arg10[%parallel_loop3A_263, %parallel_loop3A_264], %parallel_loop3A_267 {strides = array<i32>} : memref<80x128xf32, #tpu.memory_space<vmem>>, vector<1x16xf32>,
        %parallel_loop3A_268 = arith.index_cast %parallel_loop3A_216 : i32 to index
        %parallel_loop3A_269 = arith.constant 48 : index
        %parallel_loop3A_270 = tpu.vector_load %arg10[%parallel_loop3A_268, %parallel_loop3A_269] {strides = array<i32>} : memref<80x128xf32, #tpu.memory_space<vmem>>, vector<1x16xf32>,
        %parallel_loop3A_271 = vector.shape_cast %parallel_loop3A_270 : vector<1x16xf32> to vector<16xf32>
        %parallel_loop3A_272 = arith.index_cast %parallel_loop3A_216 : i32 to index
        %parallel_loop3A_273 = arith.constant 48 : index
        %parallel_loop3A_274 = tpu.vector_load %arg8[%parallel_loop3A_272, %parallel_loop3A_273] {strides = array<i32>} : memref<80x128xf32, #tpu.memory_space<vmem>>, vector<1x16xf32>,
        %parallel_loop3A_275 = vector.shape_cast %parallel_loop3A_274 : vector<1x16xf32> to vector<16xf32>
        %parallel_loop3A_276 = arith.addf %parallel_loop3A_271, %parallel_loop3A_275 : vector<16xf32>
        %parallel_loop3A_277 = arith.constant 0.000000e+00 : f32
        %parallel_loop3A_278 = vector.broadcast %parallel_loop3A_277 : f32 to vector<16xf32>
        %parallel_loop3A_279 = arith.maximumf %parallel_loop3A_276, %parallel_loop3A_278 : vector<16xf32>
        %parallel_loop3A_280 = arith.index_cast %parallel_loop3A_216 : i32 to index
        %parallel_loop3A_281 = arith.constant 48 : index
        %parallel_loop3A_282 = tpu.vector_load %arg10[%parallel_loop3A_280, %parallel_loop3A_281] {strides = array<i32>} : memref<80x128xf32, #tpu.memory_space<vmem>>, vector<1x16xf32>,
        %parallel_loop3A_283 = vector.shape_cast %parallel_loop3A_282 : vector<1x16xf32> to vector<16xf32>
        %parallel_loop3A_284 = vector.shape_cast %parallel_loop3A_279 : vector<16xf32> to vector<1x16xf32>
        tpu.vector_store %arg10[%parallel_loop3A_280, %parallel_loop3A_281], %parallel_loop3A_284 {strides = array<i32>} : memref<80x128xf32, #tpu.memory_space<vmem>>, vector<1x16xf32>,
        %parallel_loop3A_285 = arith.index_cast %parallel_loop3A_216 : i32 to index
        %parallel_loop3A_286 = arith.constant 64 : index
        %parallel_loop3A_287 = tpu.vector_load %arg10[%parallel_loop3A_285, %parallel_loop3A_286] {strides = array<i32>} : memref<80x128xf32, #tpu.memory_space<vmem>>, vector<1x16xf32>,
        %parallel_loop3A_288 = vector.shape_cast %parallel_loop3A_287 : vector<1x16xf32> to vector<16xf32>
        %parallel_loop3A_289 = arith.index_cast %parallel_loop3A_216 : i32 to index
        %parallel_loop3A_290 = arith.constant 64 : index
        %parallel_loop3A_291 = tpu.vector_load %arg8[%parallel_loop3A_289, %parallel_loop3A_290] {strides = array<i32>} : memref<80x128xf32, #tpu.memory_space<vmem>>, vector<1x16xf32>,
        %parallel_loop3A_292 = vector.shape_cast %parallel_loop3A_291 : vector<1x16xf32> to vector<16xf32>
        %parallel_loop3A_293 = arith.addf %parallel_loop3A_288, %parallel_loop3A_292 : vector<16xf32>
        %parallel_loop3A_294 = arith.constant 0.000000e+00 : f32
        %parallel_loop3A_295 = vector.broadcast %parallel_loop3A_294 : f32 to vector<16xf32>
        %parallel_loop3A_296 = arith.maximumf %parallel_loop3A_293, %parallel_loop3A_295 : vector<16xf32>
        %parallel_loop3A_297 = arith.index_cast %parallel_loop3A_216 : i32 to index
        %parallel_loop3A_298 = arith.constant 64 : index
        %parallel_loop3A_299 = tpu.vector_load %arg10[%parallel_loop3A_297, %parallel_loop3A_298] {strides = array<i32>} : memref<80x128xf32, #tpu.memory_space<vmem>>, vector<1x16xf32>,
        %parallel_loop3A_300 = vector.shape_cast %parallel_loop3A_299 : vector<1x16xf32> to vector<16xf32>
        %parallel_loop3A_301 = vector.shape_cast %parallel_loop3A_296 : vector<16xf32> to vector<1x16xf32>
        tpu.vector_store %arg10[%parallel_loop3A_297, %parallel_loop3A_298], %parallel_loop3A_301 {strides = array<i32>} : memref<80x128xf32, #tpu.memory_space<vmem>>, vector<1x16xf32>,
        %parallel_loop3A_302 = arith.index_cast %parallel_loop3A_216 : i32 to index
        %parallel_loop3A_303 = arith.constant 80 : index
        %parallel_loop3A_304 = tpu.vector_load %arg10[%parallel_loop3A_302, %parallel_loop3A_303] {strides = array<i32>} : memref<80x128xf32, #tpu.memory_space<vmem>>, vector<1x16xf32>,
        %parallel_loop3A_305 = vector.shape_cast %parallel_loop3A_304 : vector<1x16xf32> to vector<16xf32>
        %parallel_loop3A_306 = arith.index_cast %parallel_loop3A_216 : i32 to index
        %parallel_loop3A_307 = arith.constant 80 : index
        %parallel_loop3A_308 = tpu.vector_load %arg8[%parallel_loop3A_306, %parallel_loop3A_307] {strides = array<i32>} : memref<80x128xf32, #tpu.memory_space<vmem>>, vector<1x16xf32>,
        %parallel_loop3A_309 = vector.shape_cast %parallel_loop3A_308 : vector<1x16xf32> to vector<16xf32>
        %parallel_loop3A_310 = arith.addf %parallel_loop3A_305, %parallel_loop3A_309 : vector<16xf32>
        %parallel_loop3A_311 = arith.constant 0.000000e+00 : f32
        %parallel_loop3A_312 = vector.broadcast %parallel_loop3A_311 : f32 to vector<16xf32>
        %parallel_loop3A_313 = arith.maximumf %parallel_loop3A_310, %parallel_loop3A_312 : vector<16xf32>
        %parallel_loop3A_314 = arith.index_cast %parallel_loop3A_216 : i32 to index
        %parallel_loop3A_315 = arith.constant 80 : index
        %parallel_loop3A_316 = tpu.vector_load %arg10[%parallel_loop3A_314, %parallel_loop3A_315] {strides = array<i32>} : memref<80x128xf32, #tpu.memory_space<vmem>>, vector<1x16xf32>,
        %parallel_loop3A_317 = vector.shape_cast %parallel_loop3A_316 : vector<1x16xf32> to vector<16xf32>
        %parallel_loop3A_318 = vector.shape_cast %parallel_loop3A_313 : vector<16xf32> to vector<1x16xf32>
        tpu.vector_store %arg10[%parallel_loop3A_314, %parallel_loop3A_315], %parallel_loop3A_318 {strides = array<i32>} : memref<80x128xf32, #tpu.memory_space<vmem>>, vector<1x16xf32>,
        %parallel_loop3A_319 = arith.index_cast %parallel_loop3A_216 : i32 to index
        %parallel_loop3A_320 = arith.constant 96 : index
        %parallel_loop3A_321 = tpu.vector_load %arg10[%parallel_loop3A_319, %parallel_loop3A_320] {strides = array<i32>} : memref<80x128xf32, #tpu.memory_space<vmem>>, vector<1x16xf32>,
        %parallel_loop3A_322 = vector.shape_cast %parallel_loop3A_321 : vector<1x16xf32> to vector<16xf32>
        %parallel_loop3A_323 = arith.index_cast %parallel_loop3A_216 : i32 to index
        %parallel_loop3A_324 = arith.constant 96 : index
        %parallel_loop3A_325 = tpu.vector_load %arg8[%parallel_loop3A_323, %parallel_loop3A_324] {strides = array<i32>} : memref<80x128xf32, #tpu.memory_space<vmem>>, vector<1x16xf32>,
        %parallel_loop3A_326 = vector.shape_cast %parallel_loop3A_325 : vector<1x16xf32> to vector<16xf32>
        %parallel_loop3A_327 = arith.addf %parallel_loop3A_322, %parallel_loop3A_326 : vector<16xf32>
        %parallel_loop3A_328 = arith.constant 0.000000e+00 : f32
        %parallel_loop3A_329 = vector.broadcast %parallel_loop3A_328 : f32 to vector<16xf32>
        %parallel_loop3A_330 = arith.maximumf %parallel_loop3A_327, %parallel_loop3A_329 : vector<16xf32>
        %parallel_loop3A_331 = arith.index_cast %parallel_loop3A_216 : i32 to index
        %parallel_loop3A_332 = arith.constant 96 : index
        %parallel_loop3A_333 = tpu.vector_load %arg10[%parallel_loop3A_331, %parallel_loop3A_332] {strides = array<i32>} : memref<80x128xf32, #tpu.memory_space<vmem>>, vector<1x16xf32>,
        %parallel_loop3A_334 = vector.shape_cast %parallel_loop3A_333 : vector<1x16xf32> to vector<16xf32>
        %parallel_loop3A_335 = vector.shape_cast %parallel_loop3A_330 : vector<16xf32> to vector<1x16xf32>
        tpu.vector_store %arg10[%parallel_loop3A_331, %parallel_loop3A_332], %parallel_loop3A_335 {strides = array<i32>} : memref<80x128xf32, #tpu.memory_space<vmem>>, vector<1x16xf32>,
        %parallel_loop3A_336 = arith.index_cast %parallel_loop3A_216 : i32 to index
        %parallel_loop3A_337 = arith.constant 112 : index
        %parallel_loop3A_338 = tpu.vector_load %arg10[%parallel_loop3A_336, %parallel_loop3A_337] {strides = array<i32>} : memref<80x128xf32, #tpu.memory_space<vmem>>, vector<1x16xf32>,
        %parallel_loop3A_339 = vector.shape_cast %parallel_loop3A_338 : vector<1x16xf32> to vector<16xf32>
        %parallel_loop3A_340 = arith.index_cast %parallel_loop3A_216 : i32 to index
        %parallel_loop3A_341 = arith.constant 112 : index
        %parallel_loop3A_342 = tpu.vector_load %arg8[%parallel_loop3A_340, %parallel_loop3A_341] {strides = array<i32>} : memref<80x128xf32, #tpu.memory_space<vmem>>, vector<1x16xf32>,
        %parallel_loop3A_343 = vector.shape_cast %parallel_loop3A_342 : vector<1x16xf32> to vector<16xf32>
        %parallel_loop3A_344 = arith.addf %parallel_loop3A_339, %parallel_loop3A_343 : vector<16xf32>
        %parallel_loop3A_345 = arith.constant 0.000000e+00 : f32
        %parallel_loop3A_346 = vector.broadcast %parallel_loop3A_345 : f32 to vector<16xf32>
        %parallel_loop3A_347 = arith.maximumf %parallel_loop3A_344, %parallel_loop3A_346 : vector<16xf32>
        %parallel_loop3A_348 = arith.index_cast %parallel_loop3A_216 : i32 to index
        %parallel_loop3A_349 = arith.constant 112 : index
        %parallel_loop3A_350 = tpu.vector_load %arg10[%parallel_loop3A_348, %parallel_loop3A_349] {strides = array<i32>} : memref<80x128xf32, #tpu.memory_space<vmem>>, vector<1x16xf32>,
        %parallel_loop3A_351 = vector.shape_cast %parallel_loop3A_350 : vector<1x16xf32> to vector<16xf32>
        %parallel_loop3A_352 = vector.shape_cast %parallel_loop3A_347 : vector<16xf32> to vector<1x16xf32>
        tpu.vector_store %arg10[%parallel_loop3A_348, %parallel_loop3A_349], %parallel_loop3A_352 {strides = array<i32>} : memref<80x128xf32, #tpu.memory_space<vmem>>, vector<1x16xf32>,
      } {sc.loop_unroll_factor = 4 : i64, sc.parallel_access}
      %run_scoped3A_153 = arith.constant 1 : i32
      "tpu.region"() ({
        %run_scoped3A_216 = tpu.sem_alloc : memref<!tpu.dma_semaphore, #tpu.memory_space<semaphore_mem>>
        %dma_start3A_217 = arith.constant 0 : i32
        %dma_start3A_218 = tpu.memref_slice %arg6[%run_scoped3A_153, %dma_start3A_217] : memref<2x80xi32, #tpu.memory_space<vmem>> -> memref<1x80xi32, #tpu.memory_space<vmem>>
        %dma_start3A_219 = tpu.memref_squeeze %dma_start3A_218 : memref<1x80xi32, #tpu.memory_space<vmem>> -> memref<80xi32, #tpu.memory_space<vmem>>
        %dma_start3A_220 = arith.constant 0 : i32
        %dma_start3A_221 = arith.constant 0 : i32
        %dma_start3A_222 = tpu.memref_slice %arg12[%dma_start3A_220, %dma_start3A_221] : memref<10112x128xf32, #tpu.memory_space<vmem_shared>> -> memref<10112x128xf32, #tpu.memory_space<vmem_shared>>
        tpu.enqueue_indirect_dma source(%arg10 : memref<80x128xf32, #tpu.memory_space<vmem>>) target(%dma_start3A_222 : memref<10112x128xf32, #tpu.memory_space<vmem_shared>>) offsets(%dma_start3A_219 : memref<80xi32, #tpu.memory_space<vmem>>) semaphore(%run_scoped3A_216 : memref<!tpu.dma_semaphore, #tpu.memory_space<semaphore_mem>>) {add = true}
        %dma_wait3A_223 = arith.constant 0 : i32
        %dma_wait3A_224 = tpu.memref_slice %arg6[%run_scoped3A_153, %dma_wait3A_223] : memref<2x80xi32, #tpu.memory_space<vmem>> -> memref<1x80xi32, #tpu.memory_space<vmem>>
        %dma_wait3A_225 = tpu.memref_squeeze %dma_wait3A_224 : memref<1x80xi32, #tpu.memory_space<vmem>> -> memref<80xi32, #tpu.memory_space<vmem>>
        %dma_wait3A_226 = arith.constant 0 : i32
        %dma_wait3A_227 = arith.constant 0 : i32
        %dma_wait3A_228 = tpu.memref_slice %arg12[%dma_wait3A_226, %dma_wait3A_227] : memref<10112x128xf32, #tpu.memory_space<vmem_shared>> -> memref<10112x128xf32, #tpu.memory_space<vmem_shared>>
        tpu.wait_indirect_dma semaphore(%run_scoped3A_216 : memref<!tpu.dma_semaphore, #tpu.memory_space<semaphore_mem>>) src(%arg10 : memref<80x128xf32, #tpu.memory_space<vmem>>) dst(%dma_wait3A_228 : memref<10112x128xf32, #tpu.memory_space<vmem_shared>>)
        tpu.yield
      }) : () -> ()
      %add3A_154 = arith.constant 2 : i32
      %add3A_155 = arith.addi %mul3A_107, %add3A_154 : i32
      %dma_start3A_156 = arith.constant 0 : i32
      %dma_start3A_157 = arith.constant 0 : i32
      %dma_start3A_158 = tpu.memref_slice %arg4[%add3A, %add3A_155, %dma_start3A_156, %dma_start3A_157] : memref<32x125x2x80xi32, #tpu.memory_space<hbm>> -> memref<1x1x2x80xi32, #tpu.memory_space<hbm>>
      %dma_start3A_159 = tpu.memref_squeeze %dma_start3A_158 : memref<1x1x2x80xi32, #tpu.memory_space<hbm>> -> memref<2x80xi32, #tpu.memory_space<hbm>>
      %dma_start3A_160 = arith.constant 0 : i32
      %dma_start3A_161 = arith.constant 0 : i32
      %dma_start3A_162 = tpu.memref_slice %arg4[%add3A, %add3A_155, %dma_start3A_160, %dma_start3A_161] : memref<32x125x2x80xi32, #tpu.memory_space<hbm>> -> memref<1x1x2x80xi32, #tpu.memory_space<hbm>>
      %dma_start3A_163 = tpu.memref_squeeze %dma_start3A_162 : memref<1x1x2x80xi32, #tpu.memory_space<hbm>> -> memref<2x80xi32, #tpu.memory_space<hbm>>
      tpu.enqueue_dma source(%dma_start3A_163 : memref<2x80xi32, #tpu.memory_space<hbm>>) target(%arg6 : memref<2x80xi32, #tpu.memory_space<vmem>>) target_semaphore(%arg17 : memref<!tpu.dma_semaphore, #tpu.memory_space<semaphore_mem>>)
      %mul3A_164 = arith.constant 2 : i32
      %mul3A_165 = arith.muli %mul3A_164, %scan3A_105 : i32
      %add3A_166 = arith.constant 1 : i32
      %add3A_167 = arith.addi %mul3A_165, %add3A_166 : i32
      %lt3A = arith.constant 61 : i32
      %lt3A_168 = arith.cmpi slt, %scan3A_105, %lt3A : i32
      %dma_wait3A_169 = arith.constant 0 : i32
      %dma_wait3A_170 = arith.constant 0 : i32
      %dma_wait3A_171 = tpu.memref_slice %arg7[%dma_wait3A_169, %dma_wait3A_170] : memref<2x80xi32, #tpu.memory_space<vmem>> -> memref<1x80xi32, #tpu.memory_space<vmem>>
      %dma_wait3A_172 = tpu.memref_squeeze %dma_wait3A_171 : memref<1x80xi32, #tpu.memory_space<vmem>> -> memref<80xi32, #tpu.memory_space<vmem>>
      %dma_wait3A_173 = arith.constant 0 : i32
      %dma_wait3A_174 = arith.constant 0 : i32
      %dma_wait3A_175 = tpu.memref_slice %arg2[%dma_wait3A_173, %dma_wait3A_174] : memref<10000x128xf32, #tpu.memory_space<hbm>> -> memref<10000x128xf32, #tpu.memory_space<hbm>>
      tpu.wait_indirect_dma semaphore(%arg14 : memref<!tpu.dma_semaphore, #tpu.memory_space<semaphore_mem>>) src(%dma_wait3A_175 : memref<10000x128xf32, #tpu.memory_space<hbm>>) dst(%arg9 : memref<80x128xf32, #tpu.memory_space<vmem>>)
      %add3A_176 = arith.constant 1 : i32
      %add3A_177 = arith.addi %add3A_167, %add3A_176 : i32
      %dma_wait3A_178 = arith.constant 0 : i32
      %dma_wait3A_179 = arith.constant 0 : i32
      %dma_wait3A_180 = tpu.memref_slice %arg4[%add3A, %add3A_177, %dma_wait3A_178, %dma_wait3A_179] : memref<32x125x2x80xi32, #tpu.memory_space<hbm>> -> memref<1x1x2x80xi32, #tpu.memory_space<hbm>>
      %dma_wait3A_181 = tpu.memref_squeeze %dma_wait3A_180 : memref<1x1x2x80xi32, #tpu.memory_space<hbm>> -> memref<2x80xi32, #tpu.memory_space<hbm>>
      %dma_wait3A_182 = arith.constant 0 : i32
      %dma_wait3A_183 = arith.constant 0 : i32
      %dma_wait3A_184 = tpu.memref_slice %arg4[%add3A, %add3A_177, %dma_wait3A_182, %dma_wait3A_183] : memref<32x125x2x80xi32, #tpu.memory_space<hbm>> -> memref<1x1x2x80xi32, #tpu.memory_space<hbm>>
      %dma_wait3A_185 = tpu.memref_squeeze %dma_wait3A_184 : memref<1x1x2x80xi32, #tpu.memory_space<hbm>> -> memref<2x80xi32, #tpu.memory_space<hbm>>
      tpu.wait_dma2 semaphore(%arg17 : memref<!tpu.dma_semaphore, #tpu.memory_space<semaphore_mem>>) src(%dma_wait3A_185 : memref<2x80xi32, #tpu.memory_space<hbm>>) dst(%arg6 : memref<2x80xi32, #tpu.memory_space<vmem>>)
      %dma_start3A_186 = arith.constant 0 : i32
      %dma_start3A_187 = arith.constant 0 : i32
      %dma_start3A_188 = tpu.memref_slice %arg6[%dma_start3A_186, %dma_start3A_187] : memref<2x80xi32, #tpu.memory_space<vmem>> -> memref<1x80xi32, #tpu.memory_space<vmem>>
      %dma_start3A_189 = tpu.memref_squeeze %dma_start3A_188 : memref<1x80xi32, #tpu.memory_space<vmem>> -> memref<80xi32, #tpu.memory_space<vmem>>
      %dma_start3A_190 = arith.constant 0 : i32
      %dma_start3A_191 = arith.constant 0 : i32
      %dma_start3A_192 = tpu.memref_slice %arg2[%dma_start3A_190, %dma_start3A_191] : memref<10000x128xf32, #tpu.memory_space<hbm>> -> memref<10000x128xf32, #tpu.memory_space<hbm>>
      tpu.enqueue_indirect_dma source(%dma_start3A_192 : memref<10000x128xf32, #tpu.memory_space<hbm>>) target(%arg8 : memref<80x128xf32, #tpu.memory_space<vmem>>) offsets(%dma_start3A_189 : memref<80xi32, #tpu.memory_space<vmem>>) semaphore(%arg13 : memref<!tpu.dma_semaphore, #tpu.memory_space<semaphore_mem>>)
      %add3A_193 = arith.constant 1 : i32
      %add3A_194 = arith.addi %add3A_167, %add3A_193 : i32
      %dma_start3A_195 = arith.constant 0 : i32
      %dma_start3A_196 = arith.constant 0 : i32
      %dma_start3A_197 = tpu.memref_slice %arg3[%add3A, %add3A_194, %dma_start3A_195, %dma_start3A_196] : memref<32x125x80x128xf32, #tpu.memory_space<hbm>> -> memref<1x1x80x128xf32, #tpu.memory_space<hbm>>
      %dma_start3A_198 = tpu.memref_squeeze %dma_start3A_197 : memref<1x1x80x128xf32, #tpu.memory_space<hbm>> -> memref<80x128xf32, #tpu.memory_space<hbm>>
      %dma_start3A_199 = arith.constant 0 : i32
      %dma_start3A_200 = arith.constant 0 : i32
      %dma_start3A_201 = tpu.memref_slice %arg3[%add3A, %add3A_194, %dma_start3A_199, %dma_start3A_200] : memref<32x125x80x128xf32, #tpu.memory_space<hbm>> -> memref<1x1x80x128xf32, #tpu.memory_space<hbm>>
      %dma_start3A_202 = tpu.memref_squeeze %dma_start3A_201 : memref<1x1x80x128xf32, #tpu.memory_space<hbm>> -> memref<80x128xf32, #tpu.memory_space<hbm>>
      tpu.enqueue_dma source(%dma_start3A_202 : memref<80x128xf32, #tpu.memory_space<hbm>>) target(%arg10 : memref<80x128xf32, #tpu.memory_space<vmem>>) target_semaphore(%arg15 : memref<!tpu.dma_semaphore, #tpu.memory_space<semaphore_mem>>)
      %dma_wait3A_203 = arith.constant 0 : i32
      %dma_wait3A_204 = arith.constant 0 : i32
      %dma_wait3A_205 = tpu.memref_slice %arg3[%add3A, %add3A_167, %dma_wait3A_203, %dma_wait3A_204] : memref<32x125x80x128xf32, #tpu.memory_space<hbm>> -> memref<1x1x80x128xf32, #tpu.memory_space<hbm>>
      %dma_wait3A_206 = tpu.memref_squeeze %dma_wait3A_205 : memref<1x1x80x128xf32, #tpu.memory_space<hbm>> -> memref<80x128xf32, #tpu.memory_space<hbm>>
      %dma_wait3A_207 = arith.constant 0 : i32
      %dma_wait3A_208 = arith.constant 0 : i32
      %dma_wait3A_209 = tpu.memref_slice %arg3[%add3A, %add3A_167, %dma_wait3A_207, %dma_wait3A_208] : memref<32x125x80x128xf32, #tpu.memory_space<hbm>> -> memref<1x1x80x128xf32, #tpu.memory_space<hbm>>
      %dma_wait3A_210 = tpu.memref_squeeze %dma_wait3A_209 : memref<1x1x80x128xf32, #tpu.memory_space<hbm>> -> memref<80x128xf32, #tpu.memory_space<hbm>>
      tpu.wait_dma2 semaphore(%arg16 : memref<!tpu.dma_semaphore, #tpu.memory_space<semaphore_mem>>) src(%dma_wait3A_210 : memref<80x128xf32, #tpu.memory_space<hbm>>) dst(%arg11 : memref<80x128xf32, #tpu.memory_space<vmem>>)
      %parallel_loop3A_211 = arith.constant 0 : i32
      %parallel_loop3A_212 = arith.constant 80 : i32
      %parallel_loop3A_213 = arith.constant 1 : i32
      scf.for %parallel_loop3A_216 = %parallel_loop3A_211 to %parallel_loop3A_212 step %parallel_loop3A_213  : i32 {
        %parallel_loop3A_217 = arith.index_cast %parallel_loop3A_216 : i32 to index
        %parallel_loop3A_218 = arith.constant 0 : index
        %parallel_loop3A_219 = tpu.vector_load %arg11[%parallel_loop3A_217, %parallel_loop3A_218] {strides = array<i32>} : memref<80x128xf32, #tpu.memory_space<vmem>>, vector<1x16xf32>,
        %parallel_loop3A_220 = vector.shape_cast %parallel_loop3A_219 : vector<1x16xf32> to vector<16xf32>
        %parallel_loop3A_221 = arith.index_cast %parallel_loop3A_216 : i32 to index
        %parallel_loop3A_222 = arith.constant 0 : index
        %parallel_loop3A_223 = tpu.vector_load %arg9[%parallel_loop3A_221, %parallel_loop3A_222] {strides = array<i32>} : memref<80x128xf32, #tpu.memory_space<vmem>>, vector<1x16xf32>,
        %parallel_loop3A_224 = vector.shape_cast %parallel_loop3A_223 : vector<1x16xf32> to vector<16xf32>
        %parallel_loop3A_225 = arith.addf %parallel_loop3A_220, %parallel_loop3A_224 : vector<16xf32>
        %parallel_loop3A_226 = arith.constant 0.000000e+00 : f32
        %parallel_loop3A_227 = vector.broadcast %parallel_loop3A_226 : f32 to vector<16xf32>
        %parallel_loop3A_228 = arith.maximumf %parallel_loop3A_225, %parallel_loop3A_227 : vector<16xf32>
        %parallel_loop3A_229 = arith.index_cast %parallel_loop3A_216 : i32 to index
        %parallel_loop3A_230 = arith.constant 0 : index
        %parallel_loop3A_231 = tpu.vector_load %arg11[%parallel_loop3A_229, %parallel_loop3A_230] {strides = array<i32>} : memref<80x128xf32, #tpu.memory_space<vmem>>, vector<1x16xf32>,
        %parallel_loop3A_232 = vector.shape_cast %parallel_loop3A_231 : vector<1x16xf32> to vector<16xf32>
        %parallel_loop3A_233 = vector.shape_cast %parallel_loop3A_228 : vector<16xf32> to vector<1x16xf32>
        tpu.vector_store %arg11[%parallel_loop3A_229, %parallel_loop3A_230], %parallel_loop3A_233 {strides = array<i32>} : memref<80x128xf32, #tpu.memory_space<vmem>>, vector<1x16xf32>,
        %parallel_loop3A_234 = arith.index_cast %parallel_loop3A_216 : i32 to index
        %parallel_loop3A_235 = arith.constant 16 : index
        %parallel_loop3A_236 = tpu.vector_load %arg11[%parallel_loop3A_234, %parallel_loop3A_235] {strides = array<i32>} : memref<80x128xf32, #tpu.memory_space<vmem>>, vector<1x16xf32>,
        %parallel_loop3A_237 = vector.shape_cast %parallel_loop3A_236 : vector<1x16xf32> to vector<16xf32>
        %parallel_loop3A_238 = arith.index_cast %parallel_loop3A_216 : i32 to index
        %parallel_loop3A_239 = arith.constant 16 : index
        %parallel_loop3A_240 = tpu.vector_load %arg9[%parallel_loop3A_238, %parallel_loop3A_239] {strides = array<i32>} : memref<80x128xf32, #tpu.memory_space<vmem>>, vector<1x16xf32>,
        %parallel_loop3A_241 = vector.shape_cast %parallel_loop3A_240 : vector<1x16xf32> to vector<16xf32>
        %parallel_loop3A_242 = arith.addf %parallel_loop3A_237, %parallel_loop3A_241 : vector<16xf32>
        %parallel_loop3A_243 = arith.constant 0.000000e+00 : f32
        %parallel_loop3A_244 = vector.broadcast %parallel_loop3A_243 : f32 to vector<16xf32>
        %parallel_loop3A_245 = arith.maximumf %parallel_loop3A_242, %parallel_loop3A_244 : vector<16xf32>
        %parallel_loop3A_246 = arith.index_cast %parallel_loop3A_216 : i32 to index
        %parallel_loop3A_247 = arith.constant 16 : index
        %parallel_loop3A_248 = tpu.vector_load %arg11[%parallel_loop3A_246, %parallel_loop3A_247] {strides = array<i32>} : memref<80x128xf32, #tpu.memory_space<vmem>>, vector<1x16xf32>,
        %parallel_loop3A_249 = vector.shape_cast %parallel_loop3A_248 : vector<1x16xf32> to vector<16xf32>
        %parallel_loop3A_250 = vector.shape_cast %parallel_loop3A_245 : vector<16xf32> to vector<1x16xf32>
        tpu.vector_store %arg11[%parallel_loop3A_246, %parallel_loop3A_247], %parallel_loop3A_250 {strides = array<i32>} : memref<80x128xf32, #tpu.memory_space<vmem>>, vector<1x16xf32>,
        %parallel_loop3A_251 = arith.index_cast %parallel_loop3A_216 : i32 to index
        %parallel_loop3A_252 = arith.constant 32 : index
        %parallel_loop3A_253 = tpu.vector_load %arg11[%parallel_loop3A_251, %parallel_loop3A_252] {strides = array<i32>} : memref<80x128xf32, #tpu.memory_space<vmem>>, vector<1x16xf32>,
        %parallel_loop3A_254 = vector.shape_cast %parallel_loop3A_253 : vector<1x16xf32> to vector<16xf32>
        %parallel_loop3A_255 = arith.index_cast %parallel_loop3A_216 : i32 to index
        %parallel_loop3A_256 = arith.constant 32 : index
        %parallel_loop3A_257 = tpu.vector_load %arg9[%parallel_loop3A_255, %parallel_loop3A_256] {strides = array<i32>} : memref<80x128xf32, #tpu.memory_space<vmem>>, vector<1x16xf32>,
        %parallel_loop3A_258 = vector.shape_cast %parallel_loop3A_257 : vector<1x16xf32> to vector<16xf32>
        %parallel_loop3A_259 = arith.addf %parallel_loop3A_254, %parallel_loop3A_258 : vector<16xf32>
        %parallel_loop3A_260 = arith.constant 0.000000e+00 : f32
        %parallel_loop3A_261 = vector.broadcast %parallel_loop3A_260 : f32 to vector<16xf32>
        %parallel_loop3A_262 = arith.maximumf %parallel_loop3A_259, %parallel_loop3A_261 : vector<16xf32>
        %parallel_loop3A_263 = arith.index_cast %parallel_loop3A_216 : i32 to index
        %parallel_loop3A_264 = arith.constant 32 : index
        %parallel_loop3A_265 = tpu.vector_load %arg11[%parallel_loop3A_263, %parallel_loop3A_264] {strides = array<i32>} : memref<80x128xf32, #tpu.memory_space<vmem>>, vector<1x16xf32>,
        %parallel_loop3A_266 = vector.shape_cast %parallel_loop3A_265 : vector<1x16xf32> to vector<16xf32>
        %parallel_loop3A_267 = vector.shape_cast %parallel_loop3A_262 : vector<16xf32> to vector<1x16xf32>
        tpu.vector_store %arg11[%parallel_loop3A_263, %parallel_loop3A_264], %parallel_loop3A_267 {strides = array<i32>} : memref<80x128xf32, #tpu.memory_space<vmem>>, vector<1x16xf32>,
        %parallel_loop3A_268 = arith.index_cast %parallel_loop3A_216 : i32 to index
        %parallel_loop3A_269 = arith.constant 48 : index
        %parallel_loop3A_270 = tpu.vector_load %arg11[%parallel_loop3A_268, %parallel_loop3A_269] {strides = array<i32>} : memref<80x128xf32, #tpu.memory_space<vmem>>, vector<1x16xf32>,
        %parallel_loop3A_271 = vector.shape_cast %parallel_loop3A_270 : vector<1x16xf32> to vector<16xf32>
        %parallel_loop3A_272 = arith.index_cast %parallel_loop3A_216 : i32 to index
        %parallel_loop3A_273 = arith.constant 48 : index
        %parallel_loop3A_274 = tpu.vector_load %arg9[%parallel_loop3A_272, %parallel_loop3A_273] {strides = array<i32>} : memref<80x128xf32, #tpu.memory_space<vmem>>, vector<1x16xf32>,
        %parallel_loop3A_275 = vector.shape_cast %parallel_loop3A_274 : vector<1x16xf32> to vector<16xf32>
        %parallel_loop3A_276 = arith.addf %parallel_loop3A_271, %parallel_loop3A_275 : vector<16xf32>
        %parallel_loop3A_277 = arith.constant 0.000000e+00 : f32
        %parallel_loop3A_278 = vector.broadcast %parallel_loop3A_277 : f32 to vector<16xf32>
        %parallel_loop3A_279 = arith.maximumf %parallel_loop3A_276, %parallel_loop3A_278 : vector<16xf32>
        %parallel_loop3A_280 = arith.index_cast %parallel_loop3A_216 : i32 to index
        %parallel_loop3A_281 = arith.constant 48 : index
        %parallel_loop3A_282 = tpu.vector_load %arg11[%parallel_loop3A_280, %parallel_loop3A_281] {strides = array<i32>} : memref<80x128xf32, #tpu.memory_space<vmem>>, vector<1x16xf32>,
        %parallel_loop3A_283 = vector.shape_cast %parallel_loop3A_282 : vector<1x16xf32> to vector<16xf32>
        %parallel_loop3A_284 = vector.shape_cast %parallel_loop3A_279 : vector<16xf32> to vector<1x16xf32>
        tpu.vector_store %arg11[%parallel_loop3A_280, %parallel_loop3A_281], %parallel_loop3A_284 {strides = array<i32>} : memref<80x128xf32, #tpu.memory_space<vmem>>, vector<1x16xf32>,
        %parallel_loop3A_285 = arith.index_cast %parallel_loop3A_216 : i32 to index
        %parallel_loop3A_286 = arith.constant 64 : index
        %parallel_loop3A_287 = tpu.vector_load %arg11[%parallel_loop3A_285, %parallel_loop3A_286] {strides = array<i32>} : memref<80x128xf32, #tpu.memory_space<vmem>>, vector<1x16xf32>,
        %parallel_loop3A_288 = vector.shape_cast %parallel_loop3A_287 : vector<1x16xf32> to vector<16xf32>
        %parallel_loop3A_289 = arith.index_cast %parallel_loop3A_216 : i32 to index
        %parallel_loop3A_290 = arith.constant 64 : index
        %parallel_loop3A_291 = tpu.vector_load %arg9[%parallel_loop3A_289, %parallel_loop3A_290] {strides = array<i32>} : memref<80x128xf32, #tpu.memory_space<vmem>>, vector<1x16xf32>,
        %parallel_loop3A_292 = vector.shape_cast %parallel_loop3A_291 : vector<1x16xf32> to vector<16xf32>
        %parallel_loop3A_293 = arith.addf %parallel_loop3A_288, %parallel_loop3A_292 : vector<16xf32>
        %parallel_loop3A_294 = arith.constant 0.000000e+00 : f32
        %parallel_loop3A_295 = vector.broadcast %parallel_loop3A_294 : f32 to vector<16xf32>
        %parallel_loop3A_296 = arith.maximumf %parallel_loop3A_293, %parallel_loop3A_295 : vector<16xf32>
        %parallel_loop3A_297 = arith.index_cast %parallel_loop3A_216 : i32 to index
        %parallel_loop3A_298 = arith.constant 64 : index
        %parallel_loop3A_299 = tpu.vector_load %arg11[%parallel_loop3A_297, %parallel_loop3A_298] {strides = array<i32>} : memref<80x128xf32, #tpu.memory_space<vmem>>, vector<1x16xf32>,
        %parallel_loop3A_300 = vector.shape_cast %parallel_loop3A_299 : vector<1x16xf32> to vector<16xf32>
        %parallel_loop3A_301 = vector.shape_cast %parallel_loop3A_296 : vector<16xf32> to vector<1x16xf32>
        tpu.vector_store %arg11[%parallel_loop3A_297, %parallel_loop3A_298], %parallel_loop3A_301 {strides = array<i32>} : memref<80x128xf32, #tpu.memory_space<vmem>>, vector<1x16xf32>,
        %parallel_loop3A_302 = arith.index_cast %parallel_loop3A_216 : i32 to index
        %parallel_loop3A_303 = arith.constant 80 : index
        %parallel_loop3A_304 = tpu.vector_load %arg11[%parallel_loop3A_302, %parallel_loop3A_303] {strides = array<i32>} : memref<80x128xf32, #tpu.memory_space<vmem>>, vector<1x16xf32>,
        %parallel_loop3A_305 = vector.shape_cast %parallel_loop3A_304 : vector<1x16xf32> to vector<16xf32>
        %parallel_loop3A_306 = arith.index_cast %parallel_loop3A_216 : i32 to index
        %parallel_loop3A_307 = arith.constant 80 : index
        %parallel_loop3A_308 = tpu.vector_load %arg9[%parallel_loop3A_306, %parallel_loop3A_307] {strides = array<i32>} : memref<80x128xf32, #tpu.memory_space<vmem>>, vector<1x16xf32>,
        %parallel_loop3A_309 = vector.shape_cast %parallel_loop3A_308 : vector<1x16xf32> to vector<16xf32>
        %parallel_loop3A_310 = arith.addf %parallel_loop3A_305, %parallel_loop3A_309 : vector<16xf32>
        %parallel_loop3A_311 = arith.constant 0.000000e+00 : f32
        %parallel_loop3A_312 = vector.broadcast %parallel_loop3A_311 : f32 to vector<16xf32>
        %parallel_loop3A_313 = arith.maximumf %parallel_loop3A_310, %parallel_loop3A_312 : vector<16xf32>
        %parallel_loop3A_314 = arith.index_cast %parallel_loop3A_216 : i32 to index
        %parallel_loop3A_315 = arith.constant 80 : index
        %parallel_loop3A_316 = tpu.vector_load %arg11[%parallel_loop3A_314, %parallel_loop3A_315] {strides = array<i32>} : memref<80x128xf32, #tpu.memory_space<vmem>>, vector<1x16xf32>,
        %parallel_loop3A_317 = vector.shape_cast %parallel_loop3A_316 : vector<1x16xf32> to vector<16xf32>
        %parallel_loop3A_318 = vector.shape_cast %parallel_loop3A_313 : vector<16xf32> to vector<1x16xf32>
        tpu.vector_store %arg11[%parallel_loop3A_314, %parallel_loop3A_315], %parallel_loop3A_318 {strides = array<i32>} : memref<80x128xf32, #tpu.memory_space<vmem>>, vector<1x16xf32>,
        %parallel_loop3A_319 = arith.index_cast %parallel_loop3A_216 : i32 to index
        %parallel_loop3A_320 = arith.constant 96 : index
        %parallel_loop3A_321 = tpu.vector_load %arg11[%parallel_loop3A_319, %parallel_loop3A_320] {strides = array<i32>} : memref<80x128xf32, #tpu.memory_space<vmem>>, vector<1x16xf32>,
        %parallel_loop3A_322 = vector.shape_cast %parallel_loop3A_321 : vector<1x16xf32> to vector<16xf32>
        %parallel_loop3A_323 = arith.index_cast %parallel_loop3A_216 : i32 to index
        %parallel_loop3A_324 = arith.constant 96 : index
        %parallel_loop3A_325 = tpu.vector_load %arg9[%parallel_loop3A_323, %parallel_loop3A_324] {strides = array<i32>} : memref<80x128xf32, #tpu.memory_space<vmem>>, vector<1x16xf32>,
        %parallel_loop3A_326 = vector.shape_cast %parallel_loop3A_325 : vector<1x16xf32> to vector<16xf32>
        %parallel_loop3A_327 = arith.addf %parallel_loop3A_322, %parallel_loop3A_326 : vector<16xf32>
        %parallel_loop3A_328 = arith.constant 0.000000e+00 : f32
        %parallel_loop3A_329 = vector.broadcast %parallel_loop3A_328 : f32 to vector<16xf32>
        %parallel_loop3A_330 = arith.maximumf %parallel_loop3A_327, %parallel_loop3A_329 : vector<16xf32>
        %parallel_loop3A_331 = arith.index_cast %parallel_loop3A_216 : i32 to index
        %parallel_loop3A_332 = arith.constant 96 : index
        %parallel_loop3A_333 = tpu.vector_load %arg11[%parallel_loop3A_331, %parallel_loop3A_332] {strides = array<i32>} : memref<80x128xf32, #tpu.memory_space<vmem>>, vector<1x16xf32>,
        %parallel_loop3A_334 = vector.shape_cast %parallel_loop3A_333 : vector<1x16xf32> to vector<16xf32>
        %parallel_loop3A_335 = vector.shape_cast %parallel_loop3A_330 : vector<16xf32> to vector<1x16xf32>
        tpu.vector_store %arg11[%parallel_loop3A_331, %parallel_loop3A_332], %parallel_loop3A_335 {strides = array<i32>} : memref<80x128xf32, #tpu.memory_space<vmem>>, vector<1x16xf32>,
        %parallel_loop3A_336 = arith.index_cast %parallel_loop3A_216 : i32 to index
        %parallel_loop3A_337 = arith.constant 112 : index
        %parallel_loop3A_338 = tpu.vector_load %arg11[%parallel_loop3A_336, %parallel_loop3A_337] {strides = array<i32>} : memref<80x128xf32, #tpu.memory_space<vmem>>, vector<1x16xf32>,
        %parallel_loop3A_339 = vector.shape_cast %parallel_loop3A_338 : vector<1x16xf32> to vector<16xf32>
        %parallel_loop3A_340 = arith.index_cast %parallel_loop3A_216 : i32 to index
        %parallel_loop3A_341 = arith.constant 112 : index
        %parallel_loop3A_342 = tpu.vector_load %arg9[%parallel_loop3A_340, %parallel_loop3A_341] {strides = array<i32>} : memref<80x128xf32, #tpu.memory_space<vmem>>, vector<1x16xf32>,
        %parallel_loop3A_343 = vector.shape_cast %parallel_loop3A_342 : vector<1x16xf32> to vector<16xf32>
        %parallel_loop3A_344 = arith.addf %parallel_loop3A_339, %parallel_loop3A_343 : vector<16xf32>
        %parallel_loop3A_345 = arith.constant 0.000000e+00 : f32
        %parallel_loop3A_346 = vector.broadcast %parallel_loop3A_345 : f32 to vector<16xf32>
        %parallel_loop3A_347 = arith.maximumf %parallel_loop3A_344, %parallel_loop3A_346 : vector<16xf32>
        %parallel_loop3A_348 = arith.index_cast %parallel_loop3A_216 : i32 to index
        %parallel_loop3A_349 = arith.constant 112 : index
        %parallel_loop3A_350 = tpu.vector_load %arg11[%parallel_loop3A_348, %parallel_loop3A_349] {strides = array<i32>} : memref<80x128xf32, #tpu.memory_space<vmem>>, vector<1x16xf32>,
        %parallel_loop3A_351 = vector.shape_cast %parallel_loop3A_350 : vector<1x16xf32> to vector<16xf32>
        %parallel_loop3A_352 = vector.shape_cast %parallel_loop3A_347 : vector<16xf32> to vector<1x16xf32>
        tpu.vector_store %arg11[%parallel_loop3A_348, %parallel_loop3A_349], %parallel_loop3A_352 {strides = array<i32>} : memref<80x128xf32, #tpu.memory_space<vmem>>, vector<1x16xf32>,
      } {sc.loop_unroll_factor = 4 : i64, sc.parallel_access}
      %run_scoped3A_214 = arith.constant 1 : i32
      "tpu.region"() ({
        %run_scoped3A_216 = tpu.sem_alloc : memref<!tpu.dma_semaphore, #tpu.memory_space<semaphore_mem>>
        %dma_start3A_217 = arith.constant 0 : i32
        %dma_start3A_218 = tpu.memref_slice %arg7[%run_scoped3A_214, %dma_start3A_217] : memref<2x80xi32, #tpu.memory_space<vmem>> -> memref<1x80xi32, #tpu.memory_space<vmem>>
        %dma_start3A_219 = tpu.memref_squeeze %dma_start3A_218 : memref<1x80xi32, #tpu.memory_space<vmem>> -> memref<80xi32, #tpu.memory_space<vmem>>
        %dma_start3A_220 = arith.constant 0 : i32
        %dma_start3A_221 = arith.constant 0 : i32
        %dma_start3A_222 = tpu.memref_slice %arg12[%dma_start3A_220, %dma_start3A_221] : memref<10112x128xf32, #tpu.memory_space<vmem_shared>> -> memref<10112x128xf32, #tpu.memory_space<vmem_shared>>
        tpu.enqueue_indirect_dma source(%arg11 : memref<80x128xf32, #tpu.memory_space<vmem>>) target(%dma_start3A_222 : memref<10112x128xf32, #tpu.memory_space<vmem_shared>>) offsets(%dma_start3A_219 : memref<80xi32, #tpu.memory_space<vmem>>) semaphore(%run_scoped3A_216 : memref<!tpu.dma_semaphore, #tpu.memory_space<semaphore_mem>>) {add = true}
        %dma_wait3A_223 = arith.constant 0 : i32
        %dma_wait3A_224 = tpu.memref_slice %arg7[%run_scoped3A_214, %dma_wait3A_223] : memref<2x80xi32, #tpu.memory_space<vmem>> -> memref<1x80xi32, #tpu.memory_space<vmem>>
        %dma_wait3A_225 = tpu.memref_squeeze %dma_wait3A_224 : memref<1x80xi32, #tpu.memory_space<vmem>> -> memref<80xi32, #tpu.memory_space<vmem>>
        %dma_wait3A_226 = arith.constant 0 : i32
        %dma_wait3A_227 = arith.constant 0 : i32
        %dma_wait3A_228 = tpu.memref_slice %arg12[%dma_wait3A_226, %dma_wait3A_227] : memref<10112x128xf32, #tpu.memory_space<vmem_shared>> -> memref<10112x128xf32, #tpu.memory_space<vmem_shared>>
        tpu.wait_indirect_dma semaphore(%run_scoped3A_216 : memref<!tpu.dma_semaphore, #tpu.memory_space<semaphore_mem>>) src(%arg11 : memref<80x128xf32, #tpu.memory_space<vmem>>) dst(%dma_wait3A_228 : memref<10112x128xf32, #tpu.memory_space<vmem_shared>>)
        tpu.yield
      }) : () -> ()
      %convert_element_type3A = arith.extui %lt3A_168 : i1 to i32
      %cond3A = arith.constant 0 : i32
      %cond3A_215 = arith.cmpi ne, %convert_element_type3A, %cond3A : i32
      scf.if %cond3A_215 {
        %add3A_216 = arith.constant 2 : i32
        %add3A_217 = arith.addi %add3A_167, %add3A_216 : i32
        %dma_start3A_218 = arith.constant 0 : i32
        %dma_start3A_219 = arith.constant 0 : i32
        %dma_start3A_220 = tpu.memref_slice %arg4[%add3A, %add3A_217, %dma_start3A_218, %dma_start3A_219] : memref<32x125x2x80xi32, #tpu.memory_space<hbm>> -> memref<1x1x2x80xi32, #tpu.memory_space<hbm>>
        %dma_start3A_221 = tpu.memref_squeeze %dma_start3A_220 : memref<1x1x2x80xi32, #tpu.memory_space<hbm>> -> memref<2x80xi32, #tpu.memory_space<hbm>>
        %dma_start3A_222 = arith.constant 0 : i32
        %dma_start3A_223 = arith.constant 0 : i32
        %dma_start3A_224 = tpu.memref_slice %arg4[%add3A, %add3A_217, %dma_start3A_222, %dma_start3A_223] : memref<32x125x2x80xi32, #tpu.memory_space<hbm>> -> memref<1x1x2x80xi32, #tpu.memory_space<hbm>>
        %dma_start3A_225 = tpu.memref_squeeze %dma_start3A_224 : memref<1x1x2x80xi32, #tpu.memory_space<hbm>> -> memref<2x80xi32, #tpu.memory_space<hbm>>
        tpu.enqueue_dma source(%dma_start3A_225 : memref<2x80xi32, #tpu.memory_space<hbm>>) target(%arg7 : memref<2x80xi32, #tpu.memory_space<vmem>>) target_semaphore(%arg18 : memref<!tpu.dma_semaphore, #tpu.memory_space<semaphore_mem>>)
      } else {
      }
    }
    %scan3A_80 = arith.constant 62 : i32
    %dma_wait3A_81 = arith.constant 0 : i32
    %dma_wait3A_82 = arith.constant 0 : i32
    %dma_wait3A_83 = tpu.memref_slice %arg6[%dma_wait3A_81, %dma_wait3A_82] : memref<2x80xi32, #tpu.memory_space<vmem>> -> memref<1x80xi32, #tpu.memory_space<vmem>>
    %dma_wait3A_84 = tpu.memref_squeeze %dma_wait3A_83 : memref<1x80xi32, #tpu.memory_space<vmem>> -> memref<80xi32, #tpu.memory_space<vmem>>
    %dma_wait3A_85 = arith.constant 0 : i32
    %dma_wait3A_86 = arith.constant 0 : i32
    %dma_wait3A_87 = tpu.memref_slice %arg2[%dma_wait3A_85, %dma_wait3A_86] : memref<10000x128xf32, #tpu.memory_space<hbm>> -> memref<10000x128xf32, #tpu.memory_space<hbm>>
    tpu.wait_indirect_dma semaphore(%arg13 : memref<!tpu.dma_semaphore, #tpu.memory_space<semaphore_mem>>) src(%dma_wait3A_87 : memref<10000x128xf32, #tpu.memory_space<hbm>>) dst(%arg8 : memref<80x128xf32, #tpu.memory_space<vmem>>)
    %dma_wait3A_88 = arith.constant 124 : i32
    %dma_wait3A_89 = arith.constant 0 : i32
    %dma_wait3A_90 = arith.constant 0 : i32
    %dma_wait3A_91 = tpu.memref_slice %arg3[%add3A, %dma_wait3A_88, %dma_wait3A_89, %dma_wait3A_90] : memref<32x125x80x128xf32, #tpu.memory_space<hbm>> -> memref<1x1x80x128xf32, #tpu.memory_space<hbm>>
    %dma_wait3A_92 = tpu.memref_squeeze %dma_wait3A_91 : memref<1x1x80x128xf32, #tpu.memory_space<hbm>> -> memref<80x128xf32, #tpu.memory_space<hbm>>
    %dma_wait3A_93 = arith.constant 0 : i32
    %dma_wait3A_94 = arith.constant 0 : i32
    %dma_wait3A_95 = tpu.memref_slice %arg3[%add3A, %dma_wait3A_88, %dma_wait3A_93, %dma_wait3A_94] : memref<32x125x80x128xf32, #tpu.memory_space<hbm>> -> memref<1x1x80x128xf32, #tpu.memory_space<hbm>>
    %dma_wait3A_96 = tpu.memref_squeeze %dma_wait3A_95 : memref<1x1x80x128xf32, #tpu.memory_space<hbm>> -> memref<80x128xf32, #tpu.memory_space<hbm>>
    tpu.wait_dma2 semaphore(%arg15 : memref<!tpu.dma_semaphore, #tpu.memory_space<semaphore_mem>>) src(%dma_wait3A_96 : memref<80x128xf32, #tpu.memory_space<hbm>>) dst(%arg10 : memref<80x128xf32, #tpu.memory_space<vmem>>)
    %parallel_loop3A_97 = arith.constant 0 : i32
    %parallel_loop3A_98 = arith.constant 80 : i32
    %parallel_loop3A_99 = arith.constant 1 : i32
    scf.for %parallel_loop3A_105 = %parallel_loop3A_97 to %parallel_loop3A_98 step %parallel_loop3A_99  : i32 {
      %parallel_loop3A_106 = arith.index_cast %parallel_loop3A_105 : i32 to index
      %parallel_loop3A_107 = arith.constant 0 : index
      %parallel_loop3A_108 = tpu.vector_load %arg10[%parallel_loop3A_106, %parallel_loop3A_107] {strides = array<i32>} : memref<80x128xf32, #tpu.memory_space<vmem>>, vector<1x16xf32>,
      %parallel_loop3A_109 = vector.shape_cast %parallel_loop3A_108 : vector<1x16xf32> to vector<16xf32>
      %parallel_loop3A_110 = arith.index_cast %parallel_loop3A_105 : i32 to index
      %parallel_loop3A_111 = arith.constant 0 : index
      %parallel_loop3A_112 = tpu.vector_load %arg8[%parallel_loop3A_110, %parallel_loop3A_111] {strides = array<i32>} : memref<80x128xf32, #tpu.memory_space<vmem>>, vector<1x16xf32>,
      %parallel_loop3A_113 = vector.shape_cast %parallel_loop3A_112 : vector<1x16xf32> to vector<16xf32>
      %parallel_loop3A_114 = arith.addf %parallel_loop3A_109, %parallel_loop3A_113 : vector<16xf32>
      %parallel_loop3A_115 = arith.constant 0.000000e+00 : f32
      %parallel_loop3A_116 = vector.broadcast %parallel_loop3A_115 : f32 to vector<16xf32>
      %parallel_loop3A_117 = arith.maximumf %parallel_loop3A_114, %parallel_loop3A_116 : vector<16xf32>
      %parallel_loop3A_118 = arith.index_cast %parallel_loop3A_105 : i32 to index
      %parallel_loop3A_119 = arith.constant 0 : index
      %parallel_loop3A_120 = tpu.vector_load %arg10[%parallel_loop3A_118, %parallel_loop3A_119] {strides = array<i32>} : memref<80x128xf32, #tpu.memory_space<vmem>>, vector<1x16xf32>,
      %parallel_loop3A_121 = vector.shape_cast %parallel_loop3A_120 : vector<1x16xf32> to vector<16xf32>
      %parallel_loop3A_122 = vector.shape_cast %parallel_loop3A_117 : vector<16xf32> to vector<1x16xf32>
      tpu.vector_store %arg10[%parallel_loop3A_118, %parallel_loop3A_119], %parallel_loop3A_122 {strides = array<i32>} : memref<80x128xf32, #tpu.memory_space<vmem>>, vector<1x16xf32>,
      %parallel_loop3A_123 = arith.index_cast %parallel_loop3A_105 : i32 to index
      %parallel_loop3A_124 = arith.constant 16 : index
      %parallel_loop3A_125 = tpu.vector_load %arg10[%parallel_loop3A_123, %parallel_loop3A_124] {strides = array<i32>} : memref<80x128xf32, #tpu.memory_space<vmem>>, vector<1x16xf32>,
      %parallel_loop3A_126 = vector.shape_cast %parallel_loop3A_125 : vector<1x16xf32> to vector<16xf32>
      %parallel_loop3A_127 = arith.index_cast %parallel_loop3A_105 : i32 to index
      %parallel_loop3A_128 = arith.constant 16 : index
      %parallel_loop3A_129 = tpu.vector_load %arg8[%parallel_loop3A_127, %parallel_loop3A_128] {strides = array<i32>} : memref<80x128xf32, #tpu.memory_space<vmem>>, vector<1x16xf32>,
      %parallel_loop3A_130 = vector.shape_cast %parallel_loop3A_129 : vector<1x16xf32> to vector<16xf32>
      %parallel_loop3A_131 = arith.addf %parallel_loop3A_126, %parallel_loop3A_130 : vector<16xf32>
      %parallel_loop3A_132 = arith.constant 0.000000e+00 : f32
      %parallel_loop3A_133 = vector.broadcast %parallel_loop3A_132 : f32 to vector<16xf32>
      %parallel_loop3A_134 = arith.maximumf %parallel_loop3A_131, %parallel_loop3A_133 : vector<16xf32>
      %parallel_loop3A_135 = arith.index_cast %parallel_loop3A_105 : i32 to index
      %parallel_loop3A_136 = arith.constant 16 : index
      %parallel_loop3A_137 = tpu.vector_load %arg10[%parallel_loop3A_135, %parallel_loop3A_136] {strides = array<i32>} : memref<80x128xf32, #tpu.memory_space<vmem>>, vector<1x16xf32>,
      %parallel_loop3A_138 = vector.shape_cast %parallel_loop3A_137 : vector<1x16xf32> to vector<16xf32>
      %parallel_loop3A_139 = vector.shape_cast %parallel_loop3A_134 : vector<16xf32> to vector<1x16xf32>
      tpu.vector_store %arg10[%parallel_loop3A_135, %parallel_loop3A_136], %parallel_loop3A_139 {strides = array<i32>} : memref<80x128xf32, #tpu.memory_space<vmem>>, vector<1x16xf32>,
      %parallel_loop3A_140 = arith.index_cast %parallel_loop3A_105 : i32 to index
      %parallel_loop3A_141 = arith.constant 32 : index
      %parallel_loop3A_142 = tpu.vector_load %arg10[%parallel_loop3A_140, %parallel_loop3A_141] {strides = array<i32>} : memref<80x128xf32, #tpu.memory_space<vmem>>, vector<1x16xf32>,
      %parallel_loop3A_143 = vector.shape_cast %parallel_loop3A_142 : vector<1x16xf32> to vector<16xf32>
      %parallel_loop3A_144 = arith.index_cast %parallel_loop3A_105 : i32 to index
      %parallel_loop3A_145 = arith.constant 32 : index
      %parallel_loop3A_146 = tpu.vector_load %arg8[%parallel_loop3A_144, %parallel_loop3A_145] {strides = array<i32>} : memref<80x128xf32, #tpu.memory_space<vmem>>, vector<1x16xf32>,
      %parallel_loop3A_147 = vector.shape_cast %parallel_loop3A_146 : vector<1x16xf32> to vector<16xf32>
      %parallel_loop3A_148 = arith.addf %parallel_loop3A_143, %parallel_loop3A_147 : vector<16xf32>
      %parallel_loop3A_149 = arith.constant 0.000000e+00 : f32
      %parallel_loop3A_150 = vector.broadcast %parallel_loop3A_149 : f32 to vector<16xf32>
      %parallel_loop3A_151 = arith.maximumf %parallel_loop3A_148, %parallel_loop3A_150 : vector<16xf32>
      %parallel_loop3A_152 = arith.index_cast %parallel_loop3A_105 : i32 to index
      %parallel_loop3A_153 = arith.constant 32 : index
      %parallel_loop3A_154 = tpu.vector_load %arg10[%parallel_loop3A_152, %parallel_loop3A_153] {strides = array<i32>} : memref<80x128xf32, #tpu.memory_space<vmem>>, vector<1x16xf32>,
      %parallel_loop3A_155 = vector.shape_cast %parallel_loop3A_154 : vector<1x16xf32> to vector<16xf32>
      %parallel_loop3A_156 = vector.shape_cast %parallel_loop3A_151 : vector<16xf32> to vector<1x16xf32>
      tpu.vector_store %arg10[%parallel_loop3A_152, %parallel_loop3A_153], %parallel_loop3A_156 {strides = array<i32>} : memref<80x128xf32, #tpu.memory_space<vmem>>, vector<1x16xf32>,
      %parallel_loop3A_157 = arith.index_cast %parallel_loop3A_105 : i32 to index
      %parallel_loop3A_158 = arith.constant 48 : index
      %parallel_loop3A_159 = tpu.vector_load %arg10[%parallel_loop3A_157, %parallel_loop3A_158] {strides = array<i32>} : memref<80x128xf32, #tpu.memory_space<vmem>>, vector<1x16xf32>,
      %parallel_loop3A_160 = vector.shape_cast %parallel_loop3A_159 : vector<1x16xf32> to vector<16xf32>
      %parallel_loop3A_161 = arith.index_cast %parallel_loop3A_105 : i32 to index
      %parallel_loop3A_162 = arith.constant 48 : index
      %parallel_loop3A_163 = tpu.vector_load %arg8[%parallel_loop3A_161, %parallel_loop3A_162] {strides = array<i32>} : memref<80x128xf32, #tpu.memory_space<vmem>>, vector<1x16xf32>,
      %parallel_loop3A_164 = vector.shape_cast %parallel_loop3A_163 : vector<1x16xf32> to vector<16xf32>
      %parallel_loop3A_165 = arith.addf %parallel_loop3A_160, %parallel_loop3A_164 : vector<16xf32>
      %parallel_loop3A_166 = arith.constant 0.000000e+00 : f32
      %parallel_loop3A_167 = vector.broadcast %parallel_loop3A_166 : f32 to vector<16xf32>
      %parallel_loop3A_168 = arith.maximumf %parallel_loop3A_165, %parallel_loop3A_167 : vector<16xf32>
      %parallel_loop3A_169 = arith.index_cast %parallel_loop3A_105 : i32 to index
      %parallel_loop3A_170 = arith.constant 48 : index
      %parallel_loop3A_171 = tpu.vector_load %arg10[%parallel_loop3A_169, %parallel_loop3A_170] {strides = array<i32>} : memref<80x128xf32, #tpu.memory_space<vmem>>, vector<1x16xf32>,
      %parallel_loop3A_172 = vector.shape_cast %parallel_loop3A_171 : vector<1x16xf32> to vector<16xf32>
      %parallel_loop3A_173 = vector.shape_cast %parallel_loop3A_168 : vector<16xf32> to vector<1x16xf32>
      tpu.vector_store %arg10[%parallel_loop3A_169, %parallel_loop3A_170], %parallel_loop3A_173 {strides = array<i32>} : memref<80x128xf32, #tpu.memory_space<vmem>>, vector<1x16xf32>,
      %parallel_loop3A_174 = arith.index_cast %parallel_loop3A_105 : i32 to index
      %parallel_loop3A_175 = arith.constant 64 : index
      %parallel_loop3A_176 = tpu.vector_load %arg10[%parallel_loop3A_174, %parallel_loop3A_175] {strides = array<i32>} : memref<80x128xf32, #tpu.memory_space<vmem>>, vector<1x16xf32>,
      %parallel_loop3A_177 = vector.shape_cast %parallel_loop3A_176 : vector<1x16xf32> to vector<16xf32>
      %parallel_loop3A_178 = arith.index_cast %parallel_loop3A_105 : i32 to index
      %parallel_loop3A_179 = arith.constant 64 : index
      %parallel_loop3A_180 = tpu.vector_load %arg8[%parallel_loop3A_178, %parallel_loop3A_179] {strides = array<i32>} : memref<80x128xf32, #tpu.memory_space<vmem>>, vector<1x16xf32>,
      %parallel_loop3A_181 = vector.shape_cast %parallel_loop3A_180 : vector<1x16xf32> to vector<16xf32>
      %parallel_loop3A_182 = arith.addf %parallel_loop3A_177, %parallel_loop3A_181 : vector<16xf32>
      %parallel_loop3A_183 = arith.constant 0.000000e+00 : f32
      %parallel_loop3A_184 = vector.broadcast %parallel_loop3A_183 : f32 to vector<16xf32>
      %parallel_loop3A_185 = arith.maximumf %parallel_loop3A_182, %parallel_loop3A_184 : vector<16xf32>
      %parallel_loop3A_186 = arith.index_cast %parallel_loop3A_105 : i32 to index
      %parallel_loop3A_187 = arith.constant 64 : index
      %parallel_loop3A_188 = tpu.vector_load %arg10[%parallel_loop3A_186, %parallel_loop3A_187] {strides = array<i32>} : memref<80x128xf32, #tpu.memory_space<vmem>>, vector<1x16xf32>,
      %parallel_loop3A_189 = vector.shape_cast %parallel_loop3A_188 : vector<1x16xf32> to vector<16xf32>
      %parallel_loop3A_190 = vector.shape_cast %parallel_loop3A_185 : vector<16xf32> to vector<1x16xf32>
      tpu.vector_store %arg10[%parallel_loop3A_186, %parallel_loop3A_187], %parallel_loop3A_190 {strides = array<i32>} : memref<80x128xf32, #tpu.memory_space<vmem>>, vector<1x16xf32>,
      %parallel_loop3A_191 = arith.index_cast %parallel_loop3A_105 : i32 to index
      %parallel_loop3A_192 = arith.constant 80 : index
      %parallel_loop3A_193 = tpu.vector_load %arg10[%parallel_loop3A_191, %parallel_loop3A_192] {strides = array<i32>} : memref<80x128xf32, #tpu.memory_space<vmem>>, vector<1x16xf32>,
      %parallel_loop3A_194 = vector.shape_cast %parallel_loop3A_193 : vector<1x16xf32> to vector<16xf32>
      %parallel_loop3A_195 = arith.index_cast %parallel_loop3A_105 : i32 to index
      %parallel_loop3A_196 = arith.constant 80 : index
      %parallel_loop3A_197 = tpu.vector_load %arg8[%parallel_loop3A_195, %parallel_loop3A_196] {strides = array<i32>} : memref<80x128xf32, #tpu.memory_space<vmem>>, vector<1x16xf32>,
      %parallel_loop3A_198 = vector.shape_cast %parallel_loop3A_197 : vector<1x16xf32> to vector<16xf32>
      %parallel_loop3A_199 = arith.addf %parallel_loop3A_194, %parallel_loop3A_198 : vector<16xf32>
      %parallel_loop3A_200 = arith.constant 0.000000e+00 : f32
      %parallel_loop3A_201 = vector.broadcast %parallel_loop3A_200 : f32 to vector<16xf32>
      %parallel_loop3A_202 = arith.maximumf %parallel_loop3A_199, %parallel_loop3A_201 : vector<16xf32>
      %parallel_loop3A_203 = arith.index_cast %parallel_loop3A_105 : i32 to index
      %parallel_loop3A_204 = arith.constant 80 : index
      %parallel_loop3A_205 = tpu.vector_load %arg10[%parallel_loop3A_203, %parallel_loop3A_204] {strides = array<i32>} : memref<80x128xf32, #tpu.memory_space<vmem>>, vector<1x16xf32>,
      %parallel_loop3A_206 = vector.shape_cast %parallel_loop3A_205 : vector<1x16xf32> to vector<16xf32>
      %parallel_loop3A_207 = vector.shape_cast %parallel_loop3A_202 : vector<16xf32> to vector<1x16xf32>
      tpu.vector_store %arg10[%parallel_loop3A_203, %parallel_loop3A_204], %parallel_loop3A_207 {strides = array<i32>} : memref<80x128xf32, #tpu.memory_space<vmem>>, vector<1x16xf32>,
      %parallel_loop3A_208 = arith.index_cast %parallel_loop3A_105 : i32 to index
      %parallel_loop3A_209 = arith.constant 96 : index
      %parallel_loop3A_210 = tpu.vector_load %arg10[%parallel_loop3A_208, %parallel_loop3A_209] {strides = array<i32>} : memref<80x128xf32, #tpu.memory_space<vmem>>, vector<1x16xf32>,
      %parallel_loop3A_211 = vector.shape_cast %parallel_loop3A_210 : vector<1x16xf32> to vector<16xf32>
      %parallel_loop3A_212 = arith.index_cast %parallel_loop3A_105 : i32 to index
      %parallel_loop3A_213 = arith.constant 96 : index
      %parallel_loop3A_214 = tpu.vector_load %arg8[%parallel_loop3A_212, %parallel_loop3A_213] {strides = array<i32>} : memref<80x128xf32, #tpu.memory_space<vmem>>, vector<1x16xf32>,
      %parallel_loop3A_215 = vector.shape_cast %parallel_loop3A_214 : vector<1x16xf32> to vector<16xf32>
      %parallel_loop3A_216 = arith.addf %parallel_loop3A_211, %parallel_loop3A_215 : vector<16xf32>
      %parallel_loop3A_217 = arith.constant 0.000000e+00 : f32
      %parallel_loop3A_218 = vector.broadcast %parallel_loop3A_217 : f32 to vector<16xf32>
      %parallel_loop3A_219 = arith.maximumf %parallel_loop3A_216, %parallel_loop3A_218 : vector<16xf32>
      %parallel_loop3A_220 = arith.index_cast %parallel_loop3A_105 : i32 to index
      %parallel_loop3A_221 = arith.constant 96 : index
      %parallel_loop3A_222 = tpu.vector_load %arg10[%parallel_loop3A_220, %parallel_loop3A_221] {strides = array<i32>} : memref<80x128xf32, #tpu.memory_space<vmem>>, vector<1x16xf32>,
      %parallel_loop3A_223 = vector.shape_cast %parallel_loop3A_222 : vector<1x16xf32> to vector<16xf32>
      %parallel_loop3A_224 = vector.shape_cast %parallel_loop3A_219 : vector<16xf32> to vector<1x16xf32>
      tpu.vector_store %arg10[%parallel_loop3A_220, %parallel_loop3A_221], %parallel_loop3A_224 {strides = array<i32>} : memref<80x128xf32, #tpu.memory_space<vmem>>, vector<1x16xf32>,
      %parallel_loop3A_225 = arith.index_cast %parallel_loop3A_105 : i32 to index
      %parallel_loop3A_226 = arith.constant 112 : index
      %parallel_loop3A_227 = tpu.vector_load %arg10[%parallel_loop3A_225, %parallel_loop3A_226] {strides = array<i32>} : memref<80x128xf32, #tpu.memory_space<vmem>>, vector<1x16xf32>,
      %parallel_loop3A_228 = vector.shape_cast %parallel_loop3A_227 : vector<1x16xf32> to vector<16xf32>
      %parallel_loop3A_229 = arith.index_cast %parallel_loop3A_105 : i32 to index
      %parallel_loop3A_230 = arith.constant 112 : index
      %parallel_loop3A_231 = tpu.vector_load %arg8[%parallel_loop3A_229, %parallel_loop3A_230] {strides = array<i32>} : memref<80x128xf32, #tpu.memory_space<vmem>>, vector<1x16xf32>,
      %parallel_loop3A_232 = vector.shape_cast %parallel_loop3A_231 : vector<1x16xf32> to vector<16xf32>
      %parallel_loop3A_233 = arith.addf %parallel_loop3A_228, %parallel_loop3A_232 : vector<16xf32>
      %parallel_loop3A_234 = arith.constant 0.000000e+00 : f32
      %parallel_loop3A_235 = vector.broadcast %parallel_loop3A_234 : f32 to vector<16xf32>
      %parallel_loop3A_236 = arith.maximumf %parallel_loop3A_233, %parallel_loop3A_235 : vector<16xf32>
      %parallel_loop3A_237 = arith.index_cast %parallel_loop3A_105 : i32 to index
      %parallel_loop3A_238 = arith.constant 112 : index
      %parallel_loop3A_239 = tpu.vector_load %arg10[%parallel_loop3A_237, %parallel_loop3A_238] {strides = array<i32>} : memref<80x128xf32, #tpu.memory_space<vmem>>, vector<1x16xf32>,
      %parallel_loop3A_240 = vector.shape_cast %parallel_loop3A_239 : vector<1x16xf32> to vector<16xf32>
      %parallel_loop3A_241 = vector.shape_cast %parallel_loop3A_236 : vector<16xf32> to vector<1x16xf32>
      tpu.vector_store %arg10[%parallel_loop3A_237, %parallel_loop3A_238], %parallel_loop3A_241 {strides = array<i32>} : memref<80x128xf32, #tpu.memory_space<vmem>>, vector<1x16xf32>,
    } {sc.loop_unroll_factor = 4 : i64, sc.parallel_access}
    %run_scoped3A = arith.constant 1 : i32
    "tpu.region"() ({
      %run_scoped3A_105 = tpu.sem_alloc : memref<!tpu.dma_semaphore, #tpu.memory_space<semaphore_mem>>
      %dma_start3A_106 = arith.constant 0 : i32
      %dma_start3A_107 = tpu.memref_slice %arg6[%run_scoped3A, %dma_start3A_106] : memref<2x80xi32, #tpu.memory_space<vmem>> -> memref<1x80xi32, #tpu.memory_space<vmem>>
      %dma_start3A_108 = tpu.memref_squeeze %dma_start3A_107 : memref<1x80xi32, #tpu.memory_space<vmem>> -> memref<80xi32, #tpu.memory_space<vmem>>
      %dma_start3A_109 = arith.constant 0 : i32
      %dma_start3A_110 = arith.constant 0 : i32
      %dma_start3A_111 = tpu.memref_slice %arg12[%dma_start3A_109, %dma_start3A_110] : memref<10112x128xf32, #tpu.memory_space<vmem_shared>> -> memref<10112x128xf32, #tpu.memory_space<vmem_shared>>
      tpu.enqueue_indirect_dma source(%arg10 : memref<80x128xf32, #tpu.memory_space<vmem>>) target(%dma_start3A_111 : memref<10112x128xf32, #tpu.memory_space<vmem_shared>>) offsets(%dma_start3A_108 : memref<80xi32, #tpu.memory_space<vmem>>) semaphore(%run_scoped3A_105 : memref<!tpu.dma_semaphore, #tpu.memory_space<semaphore_mem>>) {add = true}
      %dma_wait3A_112 = arith.constant 0 : i32
      %dma_wait3A_113 = tpu.memref_slice %arg6[%run_scoped3A, %dma_wait3A_112] : memref<2x80xi32, #tpu.memory_space<vmem>> -> memref<1x80xi32, #tpu.memory_space<vmem>>
      %dma_wait3A_114 = tpu.memref_squeeze %dma_wait3A_113 : memref<1x80xi32, #tpu.memory_space<vmem>> -> memref<80xi32, #tpu.memory_space<vmem>>
      %dma_wait3A_115 = arith.constant 0 : i32
      %dma_wait3A_116 = arith.constant 0 : i32
      %dma_wait3A_117 = tpu.memref_slice %arg12[%dma_wait3A_115, %dma_wait3A_116] : memref<10112x128xf32, #tpu.memory_space<vmem_shared>> -> memref<10112x128xf32, #tpu.memory_space<vmem_shared>>
      tpu.wait_indirect_dma semaphore(%run_scoped3A_105 : memref<!tpu.dma_semaphore, #tpu.memory_space<semaphore_mem>>) src(%arg10 : memref<80x128xf32, #tpu.memory_space<vmem>>) dst(%dma_wait3A_117 : memref<10112x128xf32, #tpu.memory_space<vmem_shared>>)
      tpu.yield
    }) : () -> ()
    %barrier3A_100 = arith.constant 0 : index
    tpu.barrier barrier_id(%barrier3A_100)
    %mul3A_101 = arith.constant 632 : i32
    %mul3A_102 = arith.muli %arg1, %mul3A_101 : i32
    %mul3A_103 = arith.constant 632 : i32
    %mul3A_104 = arith.muli %arg1, %mul3A_103 : i32
    "tpu.region"() ({
      %run_scoped3A_105 = tpu.sem_alloc : memref<!tpu.dma_semaphore, #tpu.memory_space<semaphore_mem>>
      %dma_start3A_106 = arith.constant 0 : i32
      %dma_start3A_107 = tpu.memref_slice %arg5[%arg0, %mul3A_104, %dma_start3A_106] : memref<2x10112x128xf32, #tpu.memory_space<hbm>> -> memref<1x632x128xf32, #tpu.memory_space<hbm>>
      %dma_start3A_108 = tpu.memref_squeeze %dma_start3A_107 : memref<1x632x128xf32, #tpu.memory_space<hbm>> -> memref<632x128xf32, #tpu.memory_space<hbm>>
      %dma_start3A_109 = arith.constant 0 : i32
      %dma_start3A_110 = tpu.memref_slice %arg12[%mul3A_102, %dma_start3A_109] : memref<10112x128xf32, #tpu.memory_space<vmem_shared>> -> memref<632x128xf32, #tpu.memory_space<vmem_shared>>
      tpu.enqueue_dma source(%dma_start3A_110 : memref<632x128xf32, #tpu.memory_space<vmem_shared>>) target(%dma_start3A_108 : memref<632x128xf32, #tpu.memory_space<hbm>>) target_semaphore(%run_scoped3A_105 : memref<!tpu.dma_semaphore, #tpu.memory_space<semaphore_mem>>)
      %dma_wait3A_111 = arith.constant 0 : i32
      %dma_wait3A_112 = tpu.memref_slice %arg5[%arg0, %mul3A_104, %dma_wait3A_111] : memref<2x10112x128xf32, #tpu.memory_space<hbm>> -> memref<1x632x128xf32, #tpu.memory_space<hbm>>
      %dma_wait3A_113 = tpu.memref_squeeze %dma_wait3A_112 : memref<1x632x128xf32, #tpu.memory_space<hbm>> -> memref<632x128xf32, #tpu.memory_space<hbm>>
      %dma_wait3A_114 = arith.constant 0 : i32
      %dma_wait3A_115 = tpu.memref_slice %arg12[%mul3A_102, %dma_wait3A_114] : memref<10112x128xf32, #tpu.memory_space<vmem_shared>> -> memref<632x128xf32, #tpu.memory_space<vmem_shared>>
      tpu.wait_dma2 semaphore(%run_scoped3A_105 : memref<!tpu.dma_semaphore, #tpu.memory_space<semaphore_mem>>) src(%dma_wait3A_115 : memref<632x128xf32, #tpu.memory_space<vmem_shared>>) dst(%dma_wait3A_113 : memref<632x128xf32, #tpu.memory_space<hbm>>)
      tpu.yield
    }) : () -> ()
    return
  }
}

#map = affine_map<(d0, d1) -> (0, 0)>
#map1 = affine_map<(d0, d1) -> (0, 0, 0, 0)>
#map2 = affine_map<(d0, d1) -> (0, 0, 0)>
module attributes {stable_mosaic.version = 14 : i64} {
  func.func @_sc_propagate(%arg0: i32, %arg1: i32, %arg2: memref<10000x128xf32, #tpu.memory_space<hbm>>, %arg3: memref<32x125x80x128xf32, #tpu.memory_space<hbm>>, %arg4: memref<32x125x2x80xi32, #tpu.memory_space<hbm>>, %arg5: memref<2x10112x128xf32, #tpu.memory_space<hbm>>, %arg6: memref<2x80xi32, #tpu.memory_space<vmem>>, %arg7: memref<2x80xi32, #tpu.memory_space<vmem>>, %arg8: memref<80x128xf32, #tpu.memory_space<vmem>>, %arg9: memref<80x128xf32, #tpu.memory_space<vmem>>, %arg10: memref<80x128xf32, #tpu.memory_space<vmem>>, %arg11: memref<80x128xf32, #tpu.memory_space<vmem>>, %arg12: memref<10112x128xf32, #tpu.memory_space<vmem_shared>>, %arg13: memref<!tpu.dma_semaphore, #tpu.memory_space<semaphore_mem>>, %arg14: memref<!tpu.dma_semaphore, #tpu.memory_space<semaphore_mem>>, %arg15: memref<!tpu.dma_semaphore, #tpu.memory_space<semaphore_mem>>, %arg16: memref<!tpu.dma_semaphore, #tpu.memory_space<semaphore_mem>>, %arg17: memref<!tpu.dma_semaphore, #tpu.memory_space<semaphore_mem>>, %arg18: memref<!tpu.dma_semaphore, #tpu.memory_space<semaphore_mem>>) attributes {dimension_semantics = [#tpu.dimension_semantics<core_parallel>, #tpu.dimension_semantics<subcore_parallel>], iteration_bounds = array<i64: 2, 16>, scalar_prefetch = 0 : i64, scratch_operands = 13 : i64, tpu.core_type = #tpu.core_type<sc_vector_subcore>, window_params = [{transform_indices = #map}, {transform_indices = #map1}, {transform_indices = #map1}, {transform_indices = #map2}]} {
    %mul3A = arith.constant 2 : i32
    %mul3A_0 = arith.muli %arg1, %mul3A : i32
    %add3A = arith.addi %mul3A_0, %arg0 : i32
    %parallel_loop3A = arith.constant 0 : i32
    %parallel_loop3A_1 = arith.constant 80 : i32
    %parallel_loop3A_2 = arith.constant 1 : i32
    scf.for %parallel_loop3A_105 = %parallel_loop3A to %parallel_loop3A_1 step %parallel_loop3A_2  : i32 {
      %parallel_loop3A_106 = arith.constant 0.000000e+00 : f32
      %parallel_loop3A_107 = vector.broadcast %parallel_loop3A_106 : f32 to vector<16xf32>
      %parallel_loop3A_108 = arith.index_cast %parallel_loop3A_105 : i32 to index
      %parallel_loop3A_109 = arith.constant 0 : index
      %parallel_loop3A_110 = tpu.vector_load %arg10[%parallel_loop3A_108, %parallel_loop3A_109] {strides = array<i32>} : memref<80x128xf32, #tpu.memory_space<vmem>>, vector<1x16xf32>,
      %parallel_loop3A_111 = vector.shape_cast %parallel_loop3A_110 : vector<1x16xf32> to vector<16xf32>
      %parallel_loop3A_112 = vector.shape_cast %parallel_loop3A_107 : vector<16xf32> to vector<1x16xf32>
      tpu.vector_store %arg10[%parallel_loop3A_108, %parallel_loop3A_109], %parallel_loop3A_112 {strides = array<i32>} : memref<80x128xf32, #tpu.memory_space<vmem>>, vector<1x16xf32>,
      %parallel_loop3A_113 = arith.constant 0.000000e+00 : f32
      %parallel_loop3A_114 = vector.broadcast %parallel_loop3A_113 : f32 to vector<16xf32>
      %parallel_loop3A_115 = arith.index_cast %parallel_loop3A_105 : i32 to index
      %parallel_loop3A_116 = arith.constant 16 : index
      %parallel_loop3A_117 = tpu.vector_load %arg10[%parallel_loop3A_115, %parallel_loop3A_116] {strides = array<i32>} : memref<80x128xf32, #tpu.memory_space<vmem>>, vector<1x16xf32>,
      %parallel_loop3A_118 = vector.shape_cast %parallel_loop3A_117 : vector<1x16xf32> to vector<16xf32>
      %parallel_loop3A_119 = vector.shape_cast %parallel_loop3A_114 : vector<16xf32> to vector<1x16xf32>
      tpu.vector_store %arg10[%parallel_loop3A_115, %parallel_loop3A_116], %parallel_loop3A_119 {strides = array<i32>} : memref<80x128xf32, #tpu.memory_space<vmem>>, vector<1x16xf32>,
      %parallel_loop3A_120 = arith.constant 0.000000e+00 : f32
      %parallel_loop3A_121 = vector.broadcast %parallel_loop3A_120 : f32 to vector<16xf32>
      %parallel_loop3A_122 = arith.index_cast %parallel_loop3A_105 : i32 to index
      %parallel_loop3A_123 = arith.constant 32 : index
      %parallel_loop3A_124 = tpu.vector_load %arg10[%parallel_loop3A_122, %parallel_loop3A_123] {strides = array<i32>} : memref<80x128xf32, #tpu.memory_space<vmem>>, vector<1x16xf32>,
      %parallel_loop3A_125 = vector.shape_cast %parallel_loop3A_124 : vector<1x16xf32> to vector<16xf32>
      %parallel_loop3A_126 = vector.shape_cast %parallel_loop3A_121 : vector<16xf32> to vector<1x16xf32>
      tpu.vector_store %arg10[%parallel_loop3A_122, %parallel_loop3A_123], %parallel_loop3A_126 {strides = array<i32>} : memref<80x128xf32, #tpu.memory_space<vmem>>, vector<1x16xf32>,
      %parallel_loop3A_127 = arith.constant 0.000000e+00 : f32
      %parallel_loop3A_128 = vector.broadcast %parallel_loop3A_127 : f32 to vector<16xf32>
      %parallel_loop3A_129 = arith.index_cast %parallel_loop3A_105 : i32 to index
      %parallel_loop3A_130 = arith.constant 48 : index
      %parallel_loop3A_131 = tpu.vector_load %arg10[%parallel_loop3A_129, %parallel_loop3A_130] {strides = array<i32>} : memref<80x128xf32, #tpu.memory_space<vmem>>, vector<1x16xf32>,
      %parallel_loop3A_132 = vector.shape_cast %parallel_loop3A_131 : vector<1x16xf32> to vector<16xf32>
      %parallel_loop3A_133 = vector.shape_cast %parallel_loop3A_128 : vector<16xf32> to vector<1x16xf32>
      tpu.vector_store %arg10[%parallel_loop3A_129, %parallel_loop3A_130], %parallel_loop3A_133 {strides = array<i32>} : memref<80x128xf32, #tpu.memory_space<vmem>>, vector<1x16xf32>,
      %parallel_loop3A_134 = arith.constant 0.000000e+00 : f32
      %parallel_loop3A_135 = vector.broadcast %parallel_loop3A_134 : f32 to vector<16xf32>
      %parallel_loop3A_136 = arith.index_cast %parallel_loop3A_105 : i32 to index
      %parallel_loop3A_137 = arith.constant 64 : index
      %parallel_loop3A_138 = tpu.vector_load %arg10[%parallel_loop3A_136, %parallel_loop3A_137] {strides = array<i32>} : memref<80x128xf32, #tpu.memory_space<vmem>>, vector<1x16xf32>,
      %parallel_loop3A_139 = vector.shape_cast %parallel_loop3A_138 : vector<1x16xf32> to vector<16xf32>
      %parallel_loop3A_140 = vector.shape_cast %parallel_loop3A_135 : vector<16xf32> to vector<1x16xf32>
      tpu.vector_store %arg10[%parallel_loop3A_136, %parallel_loop3A_137], %parallel_loop3A_140 {strides = array<i32>} : memref<80x128xf32, #tpu.memory_space<vmem>>, vector<1x16xf32>,
      %parallel_loop3A_141 = arith.constant 0.000000e+00 : f32
      %parallel_loop3A_142 = vector.broadcast %parallel_loop3A_141 : f32 to vector<16xf32>
      %parallel_loop3A_143 = arith.index_cast %parallel_loop3A_105 : i32 to index
      %parallel_loop3A_144 = arith.constant 80 : index
      %parallel_loop3A_145 = tpu.vector_load %arg10[%parallel_loop3A_143, %parallel_loop3A_144] {strides = array<i32>} : memref<80x128xf32, #tpu.memory_space<vmem>>, vector<1x16xf32>,
      %parallel_loop3A_146 = vector.shape_cast %parallel_loop3A_145 : vector<1x16xf32> to vector<16xf32>
      %parallel_loop3A_147 = vector.shape_cast %parallel_loop3A_142 : vector<16xf32> to vector<1x16xf32>
      tpu.vector_store %arg10[%parallel_loop3A_143, %parallel_loop3A_144], %parallel_loop3A_147 {strides = array<i32>} : memref<80x128xf32, #tpu.memory_space<vmem>>, vector<1x16xf32>,
      %parallel_loop3A_148 = arith.constant 0.000000e+00 : f32
      %parallel_loop3A_149 = vector.broadcast %parallel_loop3A_148 : f32 to vector<16xf32>
      %parallel_loop3A_150 = arith.index_cast %parallel_loop3A_105 : i32 to index
      %parallel_loop3A_151 = arith.constant 96 : index
      %parallel_loop3A_152 = tpu.vector_load %arg10[%parallel_loop3A_150, %parallel_loop3A_151] {strides = array<i32>} : memref<80x128xf32, #tpu.memory_space<vmem>>, vector<1x16xf32>,
      %parallel_loop3A_153 = vector.shape_cast %parallel_loop3A_152 : vector<1x16xf32> to vector<16xf32>
      %parallel_loop3A_154 = vector.shape_cast %parallel_loop3A_149 : vector<16xf32> to vector<1x16xf32>
      tpu.vector_store %arg10[%parallel_loop3A_150, %parallel_loop3A_151], %parallel_loop3A_154 {strides = array<i32>} : memref<80x128xf32, #tpu.memory_space<vmem>>, vector<1x16xf32>,
      %parallel_loop3A_155 = arith.constant 0.000000e+00 : f32
      %parallel_loop3A_156 = vector.broadcast %parallel_loop3A_155 : f32 to vector<16xf32>
      %parallel_loop3A_157 = arith.index_cast %parallel_loop3A_105 : i32 to index
      %parallel_loop3A_158 = arith.constant 112 : index
      %parallel_loop3A_159 = tpu.vector_load %arg10[%parallel_loop3A_157, %parallel_loop3A_158] {strides = array<i32>} : memref<80x128xf32, #tpu.memory_space<vmem>>, vector<1x16xf32>,
      %parallel_loop3A_160 = vector.shape_cast %parallel_loop3A_159 : vector<1x16xf32> to vector<16xf32>
      %parallel_loop3A_161 = vector.shape_cast %parallel_loop3A_156 : vector<16xf32> to vector<1x16xf32>
      tpu.vector_store %arg10[%parallel_loop3A_157, %parallel_loop3A_158], %parallel_loop3A_161 {strides = array<i32>} : memref<80x128xf32, #tpu.memory_space<vmem>>, vector<1x16xf32>,
    } {sc.loop_unroll_factor = 4 : i64, sc.parallel_access}
    %mul3A_3 = arith.constant 625 : i32
    %mul3A_4 = arith.muli %arg1, %mul3A_3 : i32
    %add3A_5 = arith.constant 0 : i32
    %add3A_6 = arith.addi %mul3A_4, %add3A_5 : i32
    "tpu.region"() ({
      %run_scoped3A_105 = tpu.sem_alloc : memref<!tpu.dma_semaphore, #tpu.memory_space<semaphore_mem>>
      %dma_start3A_106 = arith.constant 0 : i32
      %dma_start3A_107 = tpu.memref_slice %arg12[%add3A_6, %dma_start3A_106] : memref<10112x128xf32, #tpu.memory_space<vmem_shared>> -> memref<80x128xf32, #tpu.memory_space<vmem_shared>>
      %dma_start3A_108 = arith.constant 0 : i32
      %dma_start3A_109 = tpu.memref_slice %arg12[%add3A_6, %dma_start3A_108] : memref<10112x128xf32, #tpu.memory_space<vmem_shared>> -> memref<80x128xf32, #tpu.memory_space<vmem_shared>>
      tpu.enqueue_dma source(%arg10 : memref<80x128xf32, #tpu.memory_space<vmem>>) target(%dma_start3A_109 : memref<80x128xf32, #tpu.memory_space<vmem_shared>>) target_semaphore(%run_scoped3A_105 : memref<!tpu.dma_semaphore, #tpu.memory_space<semaphore_mem>>)
      %dma_wait3A_110 = arith.constant 0 : i32
      %dma_wait3A_111 = tpu.memref_slice %arg12[%add3A_6, %dma_wait3A_110] : memref<10112x128xf32, #tpu.memory_space<vmem_shared>> -> memref<80x128xf32, #tpu.memory_space<vmem_shared>>
      %dma_wait3A_112 = arith.constant 0 : i32
      %dma_wait3A_113 = tpu.memref_slice %arg12[%add3A_6, %dma_wait3A_112] : memref<10112x128xf32, #tpu.memory_space<vmem_shared>> -> memref<80x128xf32, #tpu.memory_space<vmem_shared>>
      tpu.wait_dma2 semaphore(%run_scoped3A_105 : memref<!tpu.dma_semaphore, #tpu.memory_space<semaphore_mem>>) src(%arg10 : memref<80x128xf32, #tpu.memory_space<vmem>>) dst(%dma_wait3A_113 : memref<80x128xf32, #tpu.memory_space<vmem_shared>>)
      tpu.yield
    }) : () -> ()
    %mul3A_7 = arith.constant 625 : i32
    %mul3A_8 = arith.muli %arg1, %mul3A_7 : i32
    %add3A_9 = arith.constant 80 : i32
    %add3A_10 = arith.addi %mul3A_8, %add3A_9 : i32
    "tpu.region"() ({
      %run_scoped3A_105 = tpu.sem_alloc : memref<!tpu.dma_semaphore, #tpu.memory_space<semaphore_mem>>
      %dma_start3A_106 = arith.constant 0 : i32
      %dma_start3A_107 = tpu.memref_slice %arg12[%add3A_10, %dma_start3A_106] : memref<10112x128xf32, #tpu.memory_space<vmem_shared>> -> memref<80x128xf32, #tpu.memory_space<vmem_shared>>
      %dma_start3A_108 = arith.constant 0 : i32
      %dma_start3A_109 = tpu.memref_slice %arg12[%add3A_10, %dma_start3A_108] : memref<10112x128xf32, #tpu.memory_space<vmem_shared>> -> memref<80x128xf32, #tpu.memory_space<vmem_shared>>
      tpu.enqueue_dma source(%arg10 : memref<80x128xf32, #tpu.memory_space<vmem>>) target(%dma_start3A_109 : memref<80x128xf32, #tpu.memory_space<vmem_shared>>) target_semaphore(%run_scoped3A_105 : memref<!tpu.dma_semaphore, #tpu.memory_space<semaphore_mem>>)
      %dma_wait3A_110 = arith.constant 0 : i32
      %dma_wait3A_111 = tpu.memref_slice %arg12[%add3A_10, %dma_wait3A_110] : memref<10112x128xf32, #tpu.memory_space<vmem_shared>> -> memref<80x128xf32, #tpu.memory_space<vmem_shared>>
      %dma_wait3A_112 = arith.constant 0 : i32
      %dma_wait3A_113 = tpu.memref_slice %arg12[%add3A_10, %dma_wait3A_112] : memref<10112x128xf32, #tpu.memory_space<vmem_shared>> -> memref<80x128xf32, #tpu.memory_space<vmem_shared>>
      tpu.wait_dma2 semaphore(%run_scoped3A_105 : memref<!tpu.dma_semaphore, #tpu.memory_space<semaphore_mem>>) src(%arg10 : memref<80x128xf32, #tpu.memory_space<vmem>>) dst(%dma_wait3A_113 : memref<80x128xf32, #tpu.memory_space<vmem_shared>>)
      tpu.yield
    }) : () -> ()
    %mul3A_11 = arith.constant 625 : i32
    %mul3A_12 = arith.muli %arg1, %mul3A_11 : i32
    %add3A_13 = arith.constant 160 : i32
    %add3A_14 = arith.addi %mul3A_12, %add3A_13 : i32
    "tpu.region"() ({
      %run_scoped3A_105 = tpu.sem_alloc : memref<!tpu.dma_semaphore, #tpu.memory_space<semaphore_mem>>
      %dma_start3A_106 = arith.constant 0 : i32
      %dma_start3A_107 = tpu.memref_slice %arg12[%add3A_14, %dma_start3A_106] : memref<10112x128xf32, #tpu.memory_space<vmem_shared>> -> memref<80x128xf32, #tpu.memory_space<vmem_shared>>
      %dma_start3A_108 = arith.constant 0 : i32
      %dma_start3A_109 = tpu.memref_slice %arg12[%add3A_14, %dma_start3A_108] : memref<10112x128xf32, #tpu.memory_space<vmem_shared>> -> memref<80x128xf32, #tpu.memory_space<vmem_shared>>
      tpu.enqueue_dma source(%arg10 : memref<80x128xf32, #tpu.memory_space<vmem>>) target(%dma_start3A_109 : memref<80x128xf32, #tpu.memory_space<vmem_shared>>) target_semaphore(%run_scoped3A_105 : memref<!tpu.dma_semaphore, #tpu.memory_space<semaphore_mem>>)
      %dma_wait3A_110 = arith.constant 0 : i32
      %dma_wait3A_111 = tpu.memref_slice %arg12[%add3A_14, %dma_wait3A_110] : memref<10112x128xf32, #tpu.memory_space<vmem_shared>> -> memref<80x128xf32, #tpu.memory_space<vmem_shared>>
      %dma_wait3A_112 = arith.constant 0 : i32
      %dma_wait3A_113 = tpu.memref_slice %arg12[%add3A_14, %dma_wait3A_112] : memref<10112x128xf32, #tpu.memory_space<vmem_shared>> -> memref<80x128xf32, #tpu.memory_space<vmem_shared>>
      tpu.wait_dma2 semaphore(%run_scoped3A_105 : memref<!tpu.dma_semaphore, #tpu.memory_space<semaphore_mem>>) src(%arg10 : memref<80x128xf32, #tpu.memory_space<vmem>>) dst(%dma_wait3A_113 : memref<80x128xf32, #tpu.memory_space<vmem_shared>>)
      tpu.yield
    }) : () -> ()
    %mul3A_15 = arith.constant 625 : i32
    %mul3A_16 = arith.muli %arg1, %mul3A_15 : i32
    %add3A_17 = arith.constant 240 : i32
    %add3A_18 = arith.addi %mul3A_16, %add3A_17 : i32
    "tpu.region"() ({
      %run_scoped3A_105 = tpu.sem_alloc : memref<!tpu.dma_semaphore, #tpu.memory_space<semaphore_mem>>
      %dma_start3A_106 = arith.constant 0 : i32
      %dma_start3A_107 = tpu.memref_slice %arg12[%add3A_18, %dma_start3A_106] : memref<10112x128xf32, #tpu.memory_space<vmem_shared>> -> memref<80x128xf32, #tpu.memory_space<vmem_shared>>
      %dma_start3A_108 = arith.constant 0 : i32
      %dma_start3A_109 = tpu.memref_slice %arg12[%add3A_18, %dma_start3A_108] : memref<10112x128xf32, #tpu.memory_space<vmem_shared>> -> memref<80x128xf32, #tpu.memory_space<vmem_shared>>
      tpu.enqueue_dma source(%arg10 : memref<80x128xf32, #tpu.memory_space<vmem>>) target(%dma_start3A_109 : memref<80x128xf32, #tpu.memory_space<vmem_shared>>) target_semaphore(%run_scoped3A_105 : memref<!tpu.dma_semaphore, #tpu.memory_space<semaphore_mem>>)
      %dma_wait3A_110 = arith.constant 0 : i32
      %dma_wait3A_111 = tpu.memref_slice %arg12[%add3A_18, %dma_wait3A_110] : memref<10112x128xf32, #tpu.memory_space<vmem_shared>> -> memref<80x128xf32, #tpu.memory_space<vmem_shared>>
      %dma_wait3A_112 = arith.constant 0 : i32
      %dma_wait3A_113 = tpu.memref_slice %arg12[%add3A_18, %dma_wait3A_112] : memref<10112x128xf32, #tpu.memory_space<vmem_shared>> -> memref<80x128xf32, #tpu.memory_space<vmem_shared>>
      tpu.wait_dma2 semaphore(%run_scoped3A_105 : memref<!tpu.dma_semaphore, #tpu.memory_space<semaphore_mem>>) src(%arg10 : memref<80x128xf32, #tpu.memory_space<vmem>>) dst(%dma_wait3A_113 : memref<80x128xf32, #tpu.memory_space<vmem_shared>>)
      tpu.yield
    }) : () -> ()
    %mul3A_19 = arith.constant 625 : i32
    %mul3A_20 = arith.muli %arg1, %mul3A_19 : i32
    %add3A_21 = arith.constant 320 : i32
    %add3A_22 = arith.addi %mul3A_20, %add3A_21 : i32
    "tpu.region"() ({
      %run_scoped3A_105 = tpu.sem_alloc : memref<!tpu.dma_semaphore, #tpu.memory_space<semaphore_mem>>
      %dma_start3A_106 = arith.constant 0 : i32
      %dma_start3A_107 = tpu.memref_slice %arg12[%add3A_22, %dma_start3A_106] : memref<10112x128xf32, #tpu.memory_space<vmem_shared>> -> memref<80x128xf32, #tpu.memory_space<vmem_shared>>
      %dma_start3A_108 = arith.constant 0 : i32
      %dma_start3A_109 = tpu.memref_slice %arg12[%add3A_22, %dma_start3A_108] : memref<10112x128xf32, #tpu.memory_space<vmem_shared>> -> memref<80x128xf32, #tpu.memory_space<vmem_shared>>
      tpu.enqueue_dma source(%arg10 : memref<80x128xf32, #tpu.memory_space<vmem>>) target(%dma_start3A_109 : memref<80x128xf32, #tpu.memory_space<vmem_shared>>) target_semaphore(%run_scoped3A_105 : memref<!tpu.dma_semaphore, #tpu.memory_space<semaphore_mem>>)
      %dma_wait3A_110 = arith.constant 0 : i32
      %dma_wait3A_111 = tpu.memref_slice %arg12[%add3A_22, %dma_wait3A_110] : memref<10112x128xf32, #tpu.memory_space<vmem_shared>> -> memref<80x128xf32, #tpu.memory_space<vmem_shared>>
      %dma_wait3A_112 = arith.constant 0 : i32
      %dma_wait3A_113 = tpu.memref_slice %arg12[%add3A_22, %dma_wait3A_112] : memref<10112x128xf32, #tpu.memory_space<vmem_shared>> -> memref<80x128xf32, #tpu.memory_space<vmem_shared>>
      tpu.wait_dma2 semaphore(%run_scoped3A_105 : memref<!tpu.dma_semaphore, #tpu.memory_space<semaphore_mem>>) src(%arg10 : memref<80x128xf32, #tpu.memory_space<vmem>>) dst(%dma_wait3A_113 : memref<80x128xf32, #tpu.memory_space<vmem_shared>>)
      tpu.yield
    }) : () -> ()
    %mul3A_23 = arith.constant 625 : i32
    %mul3A_24 = arith.muli %arg1, %mul3A_23 : i32
    %add3A_25 = arith.constant 400 : i32
    %add3A_26 = arith.addi %mul3A_24, %add3A_25 : i32
    "tpu.region"() ({
      %run_scoped3A_105 = tpu.sem_alloc : memref<!tpu.dma_semaphore, #tpu.memory_space<semaphore_mem>>
      %dma_start3A_106 = arith.constant 0 : i32
      %dma_start3A_107 = tpu.memref_slice %arg12[%add3A_26, %dma_start3A_106] : memref<10112x128xf32, #tpu.memory_space<vmem_shared>> -> memref<80x128xf32, #tpu.memory_space<vmem_shared>>
      %dma_start3A_108 = arith.constant 0 : i32
      %dma_start3A_109 = tpu.memref_slice %arg12[%add3A_26, %dma_start3A_108] : memref<10112x128xf32, #tpu.memory_space<vmem_shared>> -> memref<80x128xf32, #tpu.memory_space<vmem_shared>>
      tpu.enqueue_dma source(%arg10 : memref<80x128xf32, #tpu.memory_space<vmem>>) target(%dma_start3A_109 : memref<80x128xf32, #tpu.memory_space<vmem_shared>>) target_semaphore(%run_scoped3A_105 : memref<!tpu.dma_semaphore, #tpu.memory_space<semaphore_mem>>)
      %dma_wait3A_110 = arith.constant 0 : i32
      %dma_wait3A_111 = tpu.memref_slice %arg12[%add3A_26, %dma_wait3A_110] : memref<10112x128xf32, #tpu.memory_space<vmem_shared>> -> memref<80x128xf32, #tpu.memory_space<vmem_shared>>
      %dma_wait3A_112 = arith.constant 0 : i32
      %dma_wait3A_113 = tpu.memref_slice %arg12[%add3A_26, %dma_wait3A_112] : memref<10112x128xf32, #tpu.memory_space<vmem_shared>> -> memref<80x128xf32, #tpu.memory_space<vmem_shared>>
      tpu.wait_dma2 semaphore(%run_scoped3A_105 : memref<!tpu.dma_semaphore, #tpu.memory_space<semaphore_mem>>) src(%arg10 : memref<80x128xf32, #tpu.memory_space<vmem>>) dst(%dma_wait3A_113 : memref<80x128xf32, #tpu.memory_space<vmem_shared>>)
      tpu.yield
    }) : () -> ()
    %mul3A_27 = arith.constant 625 : i32
    %mul3A_28 = arith.muli %arg1, %mul3A_27 : i32
    %add3A_29 = arith.constant 480 : i32
    %add3A_30 = arith.addi %mul3A_28, %add3A_29 : i32
    "tpu.region"() ({
      %run_scoped3A_105 = tpu.sem_alloc : memref<!tpu.dma_semaphore, #tpu.memory_space<semaphore_mem>>
      %dma_start3A_106 = arith.constant 0 : i32
      %dma_start3A_107 = tpu.memref_slice %arg12[%add3A_30, %dma_start3A_106] : memref<10112x128xf32, #tpu.memory_space<vmem_shared>> -> memref<80x128xf32, #tpu.memory_space<vmem_shared>>
      %dma_start3A_108 = arith.constant 0 : i32
      %dma_start3A_109 = tpu.memref_slice %arg12[%add3A_30, %dma_start3A_108] : memref<10112x128xf32, #tpu.memory_space<vmem_shared>> -> memref<80x128xf32, #tpu.memory_space<vmem_shared>>
      tpu.enqueue_dma source(%arg10 : memref<80x128xf32, #tpu.memory_space<vmem>>) target(%dma_start3A_109 : memref<80x128xf32, #tpu.memory_space<vmem_shared>>) target_semaphore(%run_scoped3A_105 : memref<!tpu.dma_semaphore, #tpu.memory_space<semaphore_mem>>)
      %dma_wait3A_110 = arith.constant 0 : i32
      %dma_wait3A_111 = tpu.memref_slice %arg12[%add3A_30, %dma_wait3A_110] : memref<10112x128xf32, #tpu.memory_space<vmem_shared>> -> memref<80x128xf32, #tpu.memory_space<vmem_shared>>
      %dma_wait3A_112 = arith.constant 0 : i32
      %dma_wait3A_113 = tpu.memref_slice %arg12[%add3A_30, %dma_wait3A_112] : memref<10112x128xf32, #tpu.memory_space<vmem_shared>> -> memref<80x128xf32, #tpu.memory_space<vmem_shared>>
      tpu.wait_dma2 semaphore(%run_scoped3A_105 : memref<!tpu.dma_semaphore, #tpu.memory_space<semaphore_mem>>) src(%arg10 : memref<80x128xf32, #tpu.memory_space<vmem>>) dst(%dma_wait3A_113 : memref<80x128xf32, #tpu.memory_space<vmem_shared>>)
      tpu.yield
    }) : () -> ()
    %mul3A_31 = arith.constant 625 : i32
    %mul3A_32 = arith.muli %arg1, %mul3A_31 : i32
    %add3A_33 = arith.constant 560 : i32
    %add3A_34 = arith.addi %mul3A_32, %add3A_33 : i32
    "tpu.region"() ({
      %run_scoped3A_105 = tpu.sem_alloc : memref<!tpu.dma_semaphore, #tpu.memory_space<semaphore_mem>>
      %dma_start3A_106 = arith.constant 0 : i32
      %dma_start3A_107 = arith.constant 0 : i32
      %dma_start3A_108 = tpu.memref_slice %arg10[%dma_start3A_106, %dma_start3A_107] : memref<80x128xf32, #tpu.memory_space<vmem>> -> memref<65x128xf32, #tpu.memory_space<vmem>>
      %dma_start3A_109 = arith.constant 0 : i32
      %dma_start3A_110 = tpu.memref_slice %arg12[%add3A_34, %dma_start3A_109] : memref<10112x128xf32, #tpu.memory_space<vmem_shared>> -> memref<65x128xf32, #tpu.memory_space<vmem_shared>>
      %dma_start3A_111 = arith.constant 0 : i32
      %dma_start3A_112 = tpu.memref_slice %arg12[%add3A_34, %dma_start3A_111] : memref<10112x128xf32, #tpu.memory_space<vmem_shared>> -> memref<65x128xf32, #tpu.memory_space<vmem_shared>>
      %dma_start3A_113 = arith.constant 0 : i32
      %dma_start3A_114 = arith.constant 0 : i32
      %dma_start3A_115 = tpu.memref_slice %arg10[%dma_start3A_113, %dma_start3A_114] : memref<80x128xf32, #tpu.memory_space<vmem>> -> memref<65x128xf32, #tpu.memory_space<vmem>>
      tpu.enqueue_dma source(%dma_start3A_115 : memref<65x128xf32, #tpu.memory_space<vmem>>) target(%dma_start3A_112 : memref<65x128xf32, #tpu.memory_space<vmem_shared>>) target_semaphore(%run_scoped3A_105 : memref<!tpu.dma_semaphore, #tpu.memory_space<semaphore_mem>>)
      %dma_wait3A_116 = arith.constant 0 : i32
      %dma_wait3A_117 = arith.constant 0 : i32
      %dma_wait3A_118 = tpu.memref_slice %arg10[%dma_wait3A_116, %dma_wait3A_117] : memref<80x128xf32, #tpu.memory_space<vmem>> -> memref<65x128xf32, #tpu.memory_space<vmem>>
      %dma_wait3A_119 = arith.constant 0 : i32
      %dma_wait3A_120 = tpu.memref_slice %arg12[%add3A_34, %dma_wait3A_119] : memref<10112x128xf32, #tpu.memory_space<vmem_shared>> -> memref<65x128xf32, #tpu.memory_space<vmem_shared>>
      %dma_wait3A_121 = arith.constant 0 : i32
      %dma_wait3A_122 = tpu.memref_slice %arg12[%add3A_34, %dma_wait3A_121] : memref<10112x128xf32, #tpu.memory_space<vmem_shared>> -> memref<65x128xf32, #tpu.memory_space<vmem_shared>>
      %dma_wait3A_123 = arith.constant 0 : i32
      %dma_wait3A_124 = arith.constant 0 : i32
      %dma_wait3A_125 = tpu.memref_slice %arg10[%dma_wait3A_123, %dma_wait3A_124] : memref<80x128xf32, #tpu.memory_space<vmem>> -> memref<65x128xf32, #tpu.memory_space<vmem>>
      tpu.wait_dma2 semaphore(%run_scoped3A_105 : memref<!tpu.dma_semaphore, #tpu.memory_space<semaphore_mem>>) src(%dma_wait3A_125 : memref<65x128xf32, #tpu.memory_space<vmem>>) dst(%dma_wait3A_122 : memref<65x128xf32, #tpu.memory_space<vmem_shared>>)
      tpu.yield
    }) : () -> ()
    %barrier3A = arith.constant 0 : index
    tpu.barrier barrier_id(%barrier3A)
    %dma_start3A = arith.constant 0 : i32
    %dma_start3A_35 = arith.constant 0 : i32
    %dma_start3A_36 = arith.constant 0 : i32
    %dma_start3A_37 = tpu.memref_slice %arg4[%add3A, %dma_start3A, %dma_start3A_35, %dma_start3A_36] : memref<32x125x2x80xi32, #tpu.memory_space<hbm>> -> memref<1x1x2x80xi32, #tpu.memory_space<hbm>>
    %dma_start3A_38 = tpu.memref_squeeze %dma_start3A_37 : memref<1x1x2x80xi32, #tpu.memory_space<hbm>> -> memref<2x80xi32, #tpu.memory_space<hbm>>
    %dma_start3A_39 = arith.constant 0 : i32
    %dma_start3A_40 = arith.constant 0 : i32
    %dma_start3A_41 = tpu.memref_slice %arg4[%add3A, %dma_start3A, %dma_start3A_39, %dma_start3A_40] : memref<32x125x2x80xi32, #tpu.memory_space<hbm>> -> memref<1x1x2x80xi32, #tpu.memory_space<hbm>>
    %dma_start3A_42 = tpu.memref_squeeze %dma_start3A_41 : memref<1x1x2x80xi32, #tpu.memory_space<hbm>> -> memref<2x80xi32, #tpu.memory_space<hbm>>
    tpu.enqueue_dma source(%dma_start3A_42 : memref<2x80xi32, #tpu.memory_space<hbm>>) target(%arg6 : memref<2x80xi32, #tpu.memory_space<vmem>>) target_semaphore(%arg17 : memref<!tpu.dma_semaphore, #tpu.memory_space<semaphore_mem>>)
    %dma_start3A_43 = arith.constant 1 : i32
    %dma_start3A_44 = arith.constant 0 : i32
    %dma_start3A_45 = arith.constant 0 : i32
    %dma_start3A_46 = tpu.memref_slice %arg4[%add3A, %dma_start3A_43, %dma_start3A_44, %dma_start3A_45] : memref<32x125x2x80xi32, #tpu.memory_space<hbm>> -> memref<1x1x2x80xi32, #tpu.memory_space<hbm>>
    %dma_start3A_47 = tpu.memref_squeeze %dma_start3A_46 : memref<1x1x2x80xi32, #tpu.memory_space<hbm>> -> memref<2x80xi32, #tpu.memory_space<hbm>>
    %dma_start3A_48 = arith.constant 0 : i32
    %dma_start3A_49 = arith.constant 0 : i32
    %dma_start3A_50 = tpu.memref_slice %arg4[%add3A, %dma_start3A_43, %dma_start3A_48, %dma_start3A_49] : memref<32x125x2x80xi32, #tpu.memory_space<hbm>> -> memref<1x1x2x80xi32, #tpu.memory_space<hbm>>
    %dma_start3A_51 = tpu.memref_squeeze %dma_start3A_50 : memref<1x1x2x80xi32, #tpu.memory_space<hbm>> -> memref<2x80xi32, #tpu.memory_space<hbm>>
    tpu.enqueue_dma source(%dma_start3A_51 : memref<2x80xi32, #tpu.memory_space<hbm>>) target(%arg7 : memref<2x80xi32, #tpu.memory_space<vmem>>) target_semaphore(%arg18 : memref<!tpu.dma_semaphore, #tpu.memory_space<semaphore_mem>>)
    %dma_wait3A = arith.constant 0 : i32
    %dma_wait3A_52 = arith.constant 0 : i32
    %dma_wait3A_53 = arith.constant 0 : i32
    %dma_wait3A_54 = tpu.memref_slice %arg4[%add3A, %dma_wait3A, %dma_wait3A_52, %dma_wait3A_53] : memref<32x125x2x80xi32, #tpu.memory_space<hbm>> -> memref<1x1x2x80xi32, #tpu.memory_space<hbm>>
    %dma_wait3A_55 = tpu.memref_squeeze %dma_wait3A_54 : memref<1x1x2x80xi32, #tpu.memory_space<hbm>> -> memref<2x80xi32, #tpu.memory_space<hbm>>
    %dma_wait3A_56 = arith.constant 0 : i32
    %dma_wait3A_57 = arith.constant 0 : i32
    %dma_wait3A_58 = tpu.memref_slice %arg4[%add3A, %dma_wait3A, %dma_wait3A_56, %dma_wait3A_57] : memref<32x125x2x80xi32, #tpu.memory_space<hbm>> -> memref<1x1x2x80xi32, #tpu.memory_space<hbm>>
    %dma_wait3A_59 = tpu.memref_squeeze %dma_wait3A_58 : memref<1x1x2x80xi32, #tpu.memory_space<hbm>> -> memref<2x80xi32, #tpu.memory_space<hbm>>
    tpu.wait_dma2 semaphore(%arg17 : memref<!tpu.dma_semaphore, #tpu.memory_space<semaphore_mem>>) src(%dma_wait3A_59 : memref<2x80xi32, #tpu.memory_space<hbm>>) dst(%arg6 : memref<2x80xi32, #tpu.memory_space<vmem>>)
    %dma_start3A_60 = arith.constant 0 : i32
    %dma_start3A_61 = arith.constant 0 : i32
    %dma_start3A_62 = tpu.memref_slice %arg6[%dma_start3A_60, %dma_start3A_61] : memref<2x80xi32, #tpu.memory_space<vmem>> -> memref<1x80xi32, #tpu.memory_space<vmem>>
    %dma_start3A_63 = tpu.memref_squeeze %dma_start3A_62 : memref<1x80xi32, #tpu.memory_space<vmem>> -> memref<80xi32, #tpu.memory_space<vmem>>
    %dma_start3A_64 = arith.constant 0 : i32
    %dma_start3A_65 = arith.constant 0 : i32
    %dma_start3A_66 = tpu.memref_slice %arg2[%dma_start3A_64, %dma_start3A_65] : memref<10000x128xf32, #tpu.memory_space<hbm>> -> memref<10000x128xf32, #tpu.memory_space<hbm>>
    tpu.enqueue_indirect_dma source(%dma_start3A_66 : memref<10000x128xf32, #tpu.memory_space<hbm>>) target(%arg8 : memref<80x128xf32, #tpu.memory_space<vmem>>) offsets(%dma_start3A_63 : memref<80xi32, #tpu.memory_space<vmem>>) semaphore(%arg13 : memref<!tpu.dma_semaphore, #tpu.memory_space<semaphore_mem>>)
    %dma_start3A_67 = arith.constant 0 : i32
    %dma_start3A_68 = arith.constant 0 : i32
    %dma_start3A_69 = arith.constant 0 : i32
    %dma_start3A_70 = tpu.memref_slice %arg3[%add3A, %dma_start3A_67, %dma_start3A_68, %dma_start3A_69] : memref<32x125x80x128xf32, #tpu.memory_space<hbm>> -> memref<1x1x80x128xf32, #tpu.memory_space<hbm>>
    %dma_start3A_71 = tpu.memref_squeeze %dma_start3A_70 : memref<1x1x80x128xf32, #tpu.memory_space<hbm>> -> memref<80x128xf32, #tpu.memory_space<hbm>>
    %dma_start3A_72 = arith.constant 0 : i32
    %dma_start3A_73 = arith.constant 0 : i32
    %dma_start3A_74 = tpu.memref_slice %arg3[%add3A, %dma_start3A_67, %dma_start3A_72, %dma_start3A_73] : memref<32x125x80x128xf32, #tpu.memory_space<hbm>> -> memref<1x1x80x128xf32, #tpu.memory_space<hbm>>
    %dma_start3A_75 = tpu.memref_squeeze %dma_start3A_74 : memref<1x1x80x128xf32, #tpu.memory_space<hbm>> -> memref<80x128xf32, #tpu.memory_space<hbm>>
    tpu.enqueue_dma source(%dma_start3A_75 : memref<80x128xf32, #tpu.memory_space<hbm>>) target(%arg10 : memref<80x128xf32, #tpu.memory_space<vmem>>) target_semaphore(%arg15 : memref<!tpu.dma_semaphore, #tpu.memory_space<semaphore_mem>>)
    %scan3A = arith.constant 0 : i32
    %scan3A_76 = arith.constant 0 : i32
    %scan3A_77 = arith.constant 62 : i32
    %scan3A_78 = arith.addi %scan3A_76, %scan3A_77 : i32
    %scan3A_79 = arith.constant 1 : i32
    scf.for %scan3A_105 = %scan3A_76 to %scan3A_78 step %scan3A_79  : i32 {
      %mul3A_106 = arith.constant 2 : i32
      %mul3A_107 = arith.muli %mul3A_106, %scan3A_105 : i32
      %dma_wait3A_108 = arith.constant 0 : i32
      %dma_wait3A_109 = arith.constant 0 : i32
      %dma_wait3A_110 = tpu.memref_slice %arg6[%dma_wait3A_108, %dma_wait3A_109] : memref<2x80xi32, #tpu.memory_space<vmem>> -> memref<1x80xi32, #tpu.memory_space<vmem>>
      %dma_wait3A_111 = tpu.memref_squeeze %dma_wait3A_110 : memref<1x80xi32, #tpu.memory_space<vmem>> -> memref<80xi32, #tpu.memory_space<vmem>>
      %dma_wait3A_112 = arith.constant 0 : i32
      %dma_wait3A_113 = arith.constant 0 : i32
      %dma_wait3A_114 = tpu.memref_slice %arg2[%dma_wait3A_112, %dma_wait3A_113] : memref<10000x128xf32, #tpu.memory_space<hbm>> -> memref<10000x128xf32, #tpu.memory_space<hbm>>
      tpu.wait_indirect_dma semaphore(%arg13 : memref<!tpu.dma_semaphore, #tpu.memory_space<semaphore_mem>>) src(%dma_wait3A_114 : memref<10000x128xf32, #tpu.memory_space<hbm>>) dst(%arg8 : memref<80x128xf32, #tpu.memory_space<vmem>>)
      %add3A_115 = arith.constant 1 : i32
      %add3A_116 = arith.addi %mul3A_107, %add3A_115 : i32
      %dma_wait3A_117 = arith.constant 0 : i32
      %dma_wait3A_118 = arith.constant 0 : i32
      %dma_wait3A_119 = tpu.memref_slice %arg4[%add3A, %add3A_116, %dma_wait3A_117, %dma_wait3A_118] : memref<32x125x2x80xi32, #tpu.memory_space<hbm>> -> memref<1x1x2x80xi32, #tpu.memory_space<hbm>>
      %dma_wait3A_120 = tpu.memref_squeeze %dma_wait3A_119 : memref<1x1x2x80xi32, #tpu.memory_space<hbm>> -> memref<2x80xi32, #tpu.memory_space<hbm>>
      %dma_wait3A_121 = arith.constant 0 : i32
      %dma_wait3A_122 = arith.constant 0 : i32
      %dma_wait3A_123 = tpu.memref_slice %arg4[%add3A, %add3A_116, %dma_wait3A_121, %dma_wait3A_122] : memref<32x125x2x80xi32, #tpu.memory_space<hbm>> -> memref<1x1x2x80xi32, #tpu.memory_space<hbm>>
      %dma_wait3A_124 = tpu.memref_squeeze %dma_wait3A_123 : memref<1x1x2x80xi32, #tpu.memory_space<hbm>> -> memref<2x80xi32, #tpu.memory_space<hbm>>
      tpu.wait_dma2 semaphore(%arg18 : memref<!tpu.dma_semaphore, #tpu.memory_space<semaphore_mem>>) src(%dma_wait3A_124 : memref<2x80xi32, #tpu.memory_space<hbm>>) dst(%arg7 : memref<2x80xi32, #tpu.memory_space<vmem>>)
      %dma_start3A_125 = arith.constant 0 : i32
      %dma_start3A_126 = arith.constant 0 : i32
      %dma_start3A_127 = tpu.memref_slice %arg7[%dma_start3A_125, %dma_start3A_126] : memref<2x80xi32, #tpu.memory_space<vmem>> -> memref<1x80xi32, #tpu.memory_space<vmem>>
      %dma_start3A_128 = tpu.memref_squeeze %dma_start3A_127 : memref<1x80xi32, #tpu.memory_space<vmem>> -> memref<80xi32, #tpu.memory_space<vmem>>
      %dma_start3A_129 = arith.constant 0 : i32
      %dma_start3A_130 = arith.constant 0 : i32
      %dma_start3A_131 = tpu.memref_slice %arg2[%dma_start3A_129, %dma_start3A_130] : memref<10000x128xf32, #tpu.memory_space<hbm>> -> memref<10000x128xf32, #tpu.memory_space<hbm>>
      tpu.enqueue_indirect_dma source(%dma_start3A_131 : memref<10000x128xf32, #tpu.memory_space<hbm>>) target(%arg9 : memref<80x128xf32, #tpu.memory_space<vmem>>) offsets(%dma_start3A_128 : memref<80xi32, #tpu.memory_space<vmem>>) semaphore(%arg14 : memref<!tpu.dma_semaphore, #tpu.memory_space<semaphore_mem>>)
      %add3A_132 = arith.constant 1 : i32
      %add3A_133 = arith.addi %mul3A_107, %add3A_132 : i32
      %dma_start3A_134 = arith.constant 0 : i32
      %dma_start3A_135 = arith.constant 0 : i32
      %dma_start3A_136 = tpu.memref_slice %arg3[%add3A, %add3A_133, %dma_start3A_134, %dma_start3A_135] : memref<32x125x80x128xf32, #tpu.memory_space<hbm>> -> memref<1x1x80x128xf32, #tpu.memory_space<hbm>>
      %dma_start3A_137 = tpu.memref_squeeze %dma_start3A_136 : memref<1x1x80x128xf32, #tpu.memory_space<hbm>> -> memref<80x128xf32, #tpu.memory_space<hbm>>
      %dma_start3A_138 = arith.constant 0 : i32
      %dma_start3A_139 = arith.constant 0 : i32
      %dma_start3A_140 = tpu.memref_slice %arg3[%add3A, %add3A_133, %dma_start3A_138, %dma_start3A_139] : memref<32x125x80x128xf32, #tpu.memory_space<hbm>> -> memref<1x1x80x128xf32, #tpu.memory_space<hbm>>
      %dma_start3A_141 = tpu.memref_squeeze %dma_start3A_140 : memref<1x1x80x128xf32, #tpu.memory_space<hbm>> -> memref<80x128xf32, #tpu.memory_space<hbm>>
      tpu.enqueue_dma source(%dma_start3A_141 : memref<80x128xf32, #tpu.memory_space<hbm>>) target(%arg11 : memref<80x128xf32, #tpu.memory_space<vmem>>) target_semaphore(%arg16 : memref<!tpu.dma_semaphore, #tpu.memory_space<semaphore_mem>>)
      %dma_wait3A_142 = arith.constant 0 : i32
      %dma_wait3A_143 = arith.constant 0 : i32
      %dma_wait3A_144 = tpu.memref_slice %arg3[%add3A, %mul3A_107, %dma_wait3A_142, %dma_wait3A_143] : memref<32x125x80x128xf32, #tpu.memory_space<hbm>> -> memref<1x1x80x128xf32, #tpu.memory_space<hbm>>
      %dma_wait3A_145 = tpu.memref_squeeze %dma_wait3A_144 : memref<1x1x80x128xf32, #tpu.memory_space<hbm>> -> memref<80x128xf32, #tpu.memory_space<hbm>>
      %dma_wait3A_146 = arith.constant 0 : i32
      %dma_wait3A_147 = arith.constant 0 : i32
      %dma_wait3A_148 = tpu.memref_slice %arg3[%add3A, %mul3A_107, %dma_wait3A_146, %dma_wait3A_147] : memref<32x125x80x128xf32, #tpu.memory_space<hbm>> -> memref<1x1x80x128xf32, #tpu.memory_space<hbm>>
      %dma_wait3A_149 = tpu.memref_squeeze %dma_wait3A_148 : memref<1x1x80x128xf32, #tpu.memory_space<hbm>> -> memref<80x128xf32, #tpu.memory_space<hbm>>
      tpu.wait_dma2 semaphore(%arg15 : memref<!tpu.dma_semaphore, #tpu.memory_space<semaphore_mem>>) src(%dma_wait3A_149 : memref<80x128xf32, #tpu.memory_space<hbm>>) dst(%arg10 : memref<80x128xf32, #tpu.memory_space<vmem>>)
      %parallel_loop3A_150 = arith.constant 0 : i32
      %parallel_loop3A_151 = arith.constant 80 : i32
      %parallel_loop3A_152 = arith.constant 1 : i32
      scf.for %parallel_loop3A_216 = %parallel_loop3A_150 to %parallel_loop3A_151 step %parallel_loop3A_152  : i32 {
        %parallel_loop3A_217 = arith.index_cast %parallel_loop3A_216 : i32 to index
        %parallel_loop3A_218 = arith.constant 0 : index
        %parallel_loop3A_219 = tpu.vector_load %arg10[%parallel_loop3A_217, %parallel_loop3A_218] {strides = array<i32>} : memref<80x128xf32, #tpu.memory_space<vmem>>, vector<1x16xf32>,
        %parallel_loop3A_220 = vector.shape_cast %parallel_loop3A_219 : vector<1x16xf32> to vector<16xf32>
        %parallel_loop3A_221 = arith.index_cast %parallel_loop3A_216 : i32 to index
        %parallel_loop3A_222 = arith.constant 0 : index
        %parallel_loop3A_223 = tpu.vector_load %arg8[%parallel_loop3A_221, %parallel_loop3A_222] {strides = array<i32>} : memref<80x128xf32, #tpu.memory_space<vmem>>, vector<1x16xf32>,
        %parallel_loop3A_224 = vector.shape_cast %parallel_loop3A_223 : vector<1x16xf32> to vector<16xf32>
        %parallel_loop3A_225 = arith.addf %parallel_loop3A_220, %parallel_loop3A_224 : vector<16xf32>
        %parallel_loop3A_226 = arith.constant 0.000000e+00 : f32
        %parallel_loop3A_227 = vector.broadcast %parallel_loop3A_226 : f32 to vector<16xf32>
        %parallel_loop3A_228 = arith.maximumf %parallel_loop3A_225, %parallel_loop3A_227 : vector<16xf32>
        %parallel_loop3A_229 = arith.index_cast %parallel_loop3A_216 : i32 to index
        %parallel_loop3A_230 = arith.constant 0 : index
        %parallel_loop3A_231 = tpu.vector_load %arg10[%parallel_loop3A_229, %parallel_loop3A_230] {strides = array<i32>} : memref<80x128xf32, #tpu.memory_space<vmem>>, vector<1x16xf32>,
        %parallel_loop3A_232 = vector.shape_cast %parallel_loop3A_231 : vector<1x16xf32> to vector<16xf32>
        %parallel_loop3A_233 = vector.shape_cast %parallel_loop3A_228 : vector<16xf32> to vector<1x16xf32>
        tpu.vector_store %arg10[%parallel_loop3A_229, %parallel_loop3A_230], %parallel_loop3A_233 {strides = array<i32>} : memref<80x128xf32, #tpu.memory_space<vmem>>, vector<1x16xf32>,
        %parallel_loop3A_234 = arith.index_cast %parallel_loop3A_216 : i32 to index
        %parallel_loop3A_235 = arith.constant 16 : index
        %parallel_loop3A_236 = tpu.vector_load %arg10[%parallel_loop3A_234, %parallel_loop3A_235] {strides = array<i32>} : memref<80x128xf32, #tpu.memory_space<vmem>>, vector<1x16xf32>,
        %parallel_loop3A_237 = vector.shape_cast %parallel_loop3A_236 : vector<1x16xf32> to vector<16xf32>
        %parallel_loop3A_238 = arith.index_cast %parallel_loop3A_216 : i32 to index
        %parallel_loop3A_239 = arith.constant 16 : index
        %parallel_loop3A_240 = tpu.vector_load %arg8[%parallel_loop3A_238, %parallel_loop3A_239] {strides = array<i32>} : memref<80x128xf32, #tpu.memory_space<vmem>>, vector<1x16xf32>,
        %parallel_loop3A_241 = vector.shape_cast %parallel_loop3A_240 : vector<1x16xf32> to vector<16xf32>
        %parallel_loop3A_242 = arith.addf %parallel_loop3A_237, %parallel_loop3A_241 : vector<16xf32>
        %parallel_loop3A_243 = arith.constant 0.000000e+00 : f32
        %parallel_loop3A_244 = vector.broadcast %parallel_loop3A_243 : f32 to vector<16xf32>
        %parallel_loop3A_245 = arith.maximumf %parallel_loop3A_242, %parallel_loop3A_244 : vector<16xf32>
        %parallel_loop3A_246 = arith.index_cast %parallel_loop3A_216 : i32 to index
        %parallel_loop3A_247 = arith.constant 16 : index
        %parallel_loop3A_248 = tpu.vector_load %arg10[%parallel_loop3A_246, %parallel_loop3A_247] {strides = array<i32>} : memref<80x128xf32, #tpu.memory_space<vmem>>, vector<1x16xf32>,
        %parallel_loop3A_249 = vector.shape_cast %parallel_loop3A_248 : vector<1x16xf32> to vector<16xf32>
        %parallel_loop3A_250 = vector.shape_cast %parallel_loop3A_245 : vector<16xf32> to vector<1x16xf32>
        tpu.vector_store %arg10[%parallel_loop3A_246, %parallel_loop3A_247], %parallel_loop3A_250 {strides = array<i32>} : memref<80x128xf32, #tpu.memory_space<vmem>>, vector<1x16xf32>,
        %parallel_loop3A_251 = arith.index_cast %parallel_loop3A_216 : i32 to index
        %parallel_loop3A_252 = arith.constant 32 : index
        %parallel_loop3A_253 = tpu.vector_load %arg10[%parallel_loop3A_251, %parallel_loop3A_252] {strides = array<i32>} : memref<80x128xf32, #tpu.memory_space<vmem>>, vector<1x16xf32>,
        %parallel_loop3A_254 = vector.shape_cast %parallel_loop3A_253 : vector<1x16xf32> to vector<16xf32>
        %parallel_loop3A_255 = arith.index_cast %parallel_loop3A_216 : i32 to index
        %parallel_loop3A_256 = arith.constant 32 : index
        %parallel_loop3A_257 = tpu.vector_load %arg8[%parallel_loop3A_255, %parallel_loop3A_256] {strides = array<i32>} : memref<80x128xf32, #tpu.memory_space<vmem>>, vector<1x16xf32>,
        %parallel_loop3A_258 = vector.shape_cast %parallel_loop3A_257 : vector<1x16xf32> to vector<16xf32>
        %parallel_loop3A_259 = arith.addf %parallel_loop3A_254, %parallel_loop3A_258 : vector<16xf32>
        %parallel_loop3A_260 = arith.constant 0.000000e+00 : f32
        %parallel_loop3A_261 = vector.broadcast %parallel_loop3A_260 : f32 to vector<16xf32>
        %parallel_loop3A_262 = arith.maximumf %parallel_loop3A_259, %parallel_loop3A_261 : vector<16xf32>
        %parallel_loop3A_263 = arith.index_cast %parallel_loop3A_216 : i32 to index
        %parallel_loop3A_264 = arith.constant 32 : index
        %parallel_loop3A_265 = tpu.vector_load %arg10[%parallel_loop3A_263, %parallel_loop3A_264] {strides = array<i32>} : memref<80x128xf32, #tpu.memory_space<vmem>>, vector<1x16xf32>,
        %parallel_loop3A_266 = vector.shape_cast %parallel_loop3A_265 : vector<1x16xf32> to vector<16xf32>
        %parallel_loop3A_267 = vector.shape_cast %parallel_loop3A_262 : vector<16xf32> to vector<1x16xf32>
        tpu.vector_store %arg10[%parallel_loop3A_263, %parallel_loop3A_264], %parallel_loop3A_267 {strides = array<i32>} : memref<80x128xf32, #tpu.memory_space<vmem>>, vector<1x16xf32>,
        %parallel_loop3A_268 = arith.index_cast %parallel_loop3A_216 : i32 to index
        %parallel_loop3A_269 = arith.constant 48 : index
        %parallel_loop3A_270 = tpu.vector_load %arg10[%parallel_loop3A_268, %parallel_loop3A_269] {strides = array<i32>} : memref<80x128xf32, #tpu.memory_space<vmem>>, vector<1x16xf32>,
        %parallel_loop3A_271 = vector.shape_cast %parallel_loop3A_270 : vector<1x16xf32> to vector<16xf32>
        %parallel_loop3A_272 = arith.index_cast %parallel_loop3A_216 : i32 to index
        %parallel_loop3A_273 = arith.constant 48 : index
        %parallel_loop3A_274 = tpu.vector_load %arg8[%parallel_loop3A_272, %parallel_loop3A_273] {strides = array<i32>} : memref<80x128xf32, #tpu.memory_space<vmem>>, vector<1x16xf32>,
        %parallel_loop3A_275 = vector.shape_cast %parallel_loop3A_274 : vector<1x16xf32> to vector<16xf32>
        %parallel_loop3A_276 = arith.addf %parallel_loop3A_271, %parallel_loop3A_275 : vector<16xf32>
        %parallel_loop3A_277 = arith.constant 0.000000e+00 : f32
        %parallel_loop3A_278 = vector.broadcast %parallel_loop3A_277 : f32 to vector<16xf32>
        %parallel_loop3A_279 = arith.maximumf %parallel_loop3A_276, %parallel_loop3A_278 : vector<16xf32>
        %parallel_loop3A_280 = arith.index_cast %parallel_loop3A_216 : i32 to index
        %parallel_loop3A_281 = arith.constant 48 : index
        %parallel_loop3A_282 = tpu.vector_load %arg10[%parallel_loop3A_280, %parallel_loop3A_281] {strides = array<i32>} : memref<80x128xf32, #tpu.memory_space<vmem>>, vector<1x16xf32>,
        %parallel_loop3A_283 = vector.shape_cast %parallel_loop3A_282 : vector<1x16xf32> to vector<16xf32>
        %parallel_loop3A_284 = vector.shape_cast %parallel_loop3A_279 : vector<16xf32> to vector<1x16xf32>
        tpu.vector_store %arg10[%parallel_loop3A_280, %parallel_loop3A_281], %parallel_loop3A_284 {strides = array<i32>} : memref<80x128xf32, #tpu.memory_space<vmem>>, vector<1x16xf32>,
        %parallel_loop3A_285 = arith.index_cast %parallel_loop3A_216 : i32 to index
        %parallel_loop3A_286 = arith.constant 64 : index
        %parallel_loop3A_287 = tpu.vector_load %arg10[%parallel_loop3A_285, %parallel_loop3A_286] {strides = array<i32>} : memref<80x128xf32, #tpu.memory_space<vmem>>, vector<1x16xf32>,
        %parallel_loop3A_288 = vector.shape_cast %parallel_loop3A_287 : vector<1x16xf32> to vector<16xf32>
        %parallel_loop3A_289 = arith.index_cast %parallel_loop3A_216 : i32 to index
        %parallel_loop3A_290 = arith.constant 64 : index
        %parallel_loop3A_291 = tpu.vector_load %arg8[%parallel_loop3A_289, %parallel_loop3A_290] {strides = array<i32>} : memref<80x128xf32, #tpu.memory_space<vmem>>, vector<1x16xf32>,
        %parallel_loop3A_292 = vector.shape_cast %parallel_loop3A_291 : vector<1x16xf32> to vector<16xf32>
        %parallel_loop3A_293 = arith.addf %parallel_loop3A_288, %parallel_loop3A_292 : vector<16xf32>
        %parallel_loop3A_294 = arith.constant 0.000000e+00 : f32
        %parallel_loop3A_295 = vector.broadcast %parallel_loop3A_294 : f32 to vector<16xf32>
        %parallel_loop3A_296 = arith.maximumf %parallel_loop3A_293, %parallel_loop3A_295 : vector<16xf32>
        %parallel_loop3A_297 = arith.index_cast %parallel_loop3A_216 : i32 to index
        %parallel_loop3A_298 = arith.constant 64 : index
        %parallel_loop3A_299 = tpu.vector_load %arg10[%parallel_loop3A_297, %parallel_loop3A_298] {strides = array<i32>} : memref<80x128xf32, #tpu.memory_space<vmem>>, vector<1x16xf32>,
        %parallel_loop3A_300 = vector.shape_cast %parallel_loop3A_299 : vector<1x16xf32> to vector<16xf32>
        %parallel_loop3A_301 = vector.shape_cast %parallel_loop3A_296 : vector<16xf32> to vector<1x16xf32>
        tpu.vector_store %arg10[%parallel_loop3A_297, %parallel_loop3A_298], %parallel_loop3A_301 {strides = array<i32>} : memref<80x128xf32, #tpu.memory_space<vmem>>, vector<1x16xf32>,
        %parallel_loop3A_302 = arith.index_cast %parallel_loop3A_216 : i32 to index
        %parallel_loop3A_303 = arith.constant 80 : index
        %parallel_loop3A_304 = tpu.vector_load %arg10[%parallel_loop3A_302, %parallel_loop3A_303] {strides = array<i32>} : memref<80x128xf32, #tpu.memory_space<vmem>>, vector<1x16xf32>,
        %parallel_loop3A_305 = vector.shape_cast %parallel_loop3A_304 : vector<1x16xf32> to vector<16xf32>
        %parallel_loop3A_306 = arith.index_cast %parallel_loop3A_216 : i32 to index
        %parallel_loop3A_307 = arith.constant 80 : index
        %parallel_loop3A_308 = tpu.vector_load %arg8[%parallel_loop3A_306, %parallel_loop3A_307] {strides = array<i32>} : memref<80x128xf32, #tpu.memory_space<vmem>>, vector<1x16xf32>,
        %parallel_loop3A_309 = vector.shape_cast %parallel_loop3A_308 : vector<1x16xf32> to vector<16xf32>
        %parallel_loop3A_310 = arith.addf %parallel_loop3A_305, %parallel_loop3A_309 : vector<16xf32>
        %parallel_loop3A_311 = arith.constant 0.000000e+00 : f32
        %parallel_loop3A_312 = vector.broadcast %parallel_loop3A_311 : f32 to vector<16xf32>
        %parallel_loop3A_313 = arith.maximumf %parallel_loop3A_310, %parallel_loop3A_312 : vector<16xf32>
        %parallel_loop3A_314 = arith.index_cast %parallel_loop3A_216 : i32 to index
        %parallel_loop3A_315 = arith.constant 80 : index
        %parallel_loop3A_316 = tpu.vector_load %arg10[%parallel_loop3A_314, %parallel_loop3A_315] {strides = array<i32>} : memref<80x128xf32, #tpu.memory_space<vmem>>, vector<1x16xf32>,
        %parallel_loop3A_317 = vector.shape_cast %parallel_loop3A_316 : vector<1x16xf32> to vector<16xf32>
        %parallel_loop3A_318 = vector.shape_cast %parallel_loop3A_313 : vector<16xf32> to vector<1x16xf32>
        tpu.vector_store %arg10[%parallel_loop3A_314, %parallel_loop3A_315], %parallel_loop3A_318 {strides = array<i32>} : memref<80x128xf32, #tpu.memory_space<vmem>>, vector<1x16xf32>,
        %parallel_loop3A_319 = arith.index_cast %parallel_loop3A_216 : i32 to index
        %parallel_loop3A_320 = arith.constant 96 : index
        %parallel_loop3A_321 = tpu.vector_load %arg10[%parallel_loop3A_319, %parallel_loop3A_320] {strides = array<i32>} : memref<80x128xf32, #tpu.memory_space<vmem>>, vector<1x16xf32>,
        %parallel_loop3A_322 = vector.shape_cast %parallel_loop3A_321 : vector<1x16xf32> to vector<16xf32>
        %parallel_loop3A_323 = arith.index_cast %parallel_loop3A_216 : i32 to index
        %parallel_loop3A_324 = arith.constant 96 : index
        %parallel_loop3A_325 = tpu.vector_load %arg8[%parallel_loop3A_323, %parallel_loop3A_324] {strides = array<i32>} : memref<80x128xf32, #tpu.memory_space<vmem>>, vector<1x16xf32>,
        %parallel_loop3A_326 = vector.shape_cast %parallel_loop3A_325 : vector<1x16xf32> to vector<16xf32>
        %parallel_loop3A_327 = arith.addf %parallel_loop3A_322, %parallel_loop3A_326 : vector<16xf32>
        %parallel_loop3A_328 = arith.constant 0.000000e+00 : f32
        %parallel_loop3A_329 = vector.broadcast %parallel_loop3A_328 : f32 to vector<16xf32>
        %parallel_loop3A_330 = arith.maximumf %parallel_loop3A_327, %parallel_loop3A_329 : vector<16xf32>
        %parallel_loop3A_331 = arith.index_cast %parallel_loop3A_216 : i32 to index
        %parallel_loop3A_332 = arith.constant 96 : index
        %parallel_loop3A_333 = tpu.vector_load %arg10[%parallel_loop3A_331, %parallel_loop3A_332] {strides = array<i32>} : memref<80x128xf32, #tpu.memory_space<vmem>>, vector<1x16xf32>,
        %parallel_loop3A_334 = vector.shape_cast %parallel_loop3A_333 : vector<1x16xf32> to vector<16xf32>
        %parallel_loop3A_335 = vector.shape_cast %parallel_loop3A_330 : vector<16xf32> to vector<1x16xf32>
        tpu.vector_store %arg10[%parallel_loop3A_331, %parallel_loop3A_332], %parallel_loop3A_335 {strides = array<i32>} : memref<80x128xf32, #tpu.memory_space<vmem>>, vector<1x16xf32>,
        %parallel_loop3A_336 = arith.index_cast %parallel_loop3A_216 : i32 to index
        %parallel_loop3A_337 = arith.constant 112 : index
        %parallel_loop3A_338 = tpu.vector_load %arg10[%parallel_loop3A_336, %parallel_loop3A_337] {strides = array<i32>} : memref<80x128xf32, #tpu.memory_space<vmem>>, vector<1x16xf32>,
        %parallel_loop3A_339 = vector.shape_cast %parallel_loop3A_338 : vector<1x16xf32> to vector<16xf32>
        %parallel_loop3A_340 = arith.index_cast %parallel_loop3A_216 : i32 to index
        %parallel_loop3A_341 = arith.constant 112 : index
        %parallel_loop3A_342 = tpu.vector_load %arg8[%parallel_loop3A_340, %parallel_loop3A_341] {strides = array<i32>} : memref<80x128xf32, #tpu.memory_space<vmem>>, vector<1x16xf32>,
        %parallel_loop3A_343 = vector.shape_cast %parallel_loop3A_342 : vector<1x16xf32> to vector<16xf32>
        %parallel_loop3A_344 = arith.addf %parallel_loop3A_339, %parallel_loop3A_343 : vector<16xf32>
        %parallel_loop3A_345 = arith.constant 0.000000e+00 : f32
        %parallel_loop3A_346 = vector.broadcast %parallel_loop3A_345 : f32 to vector<16xf32>
        %parallel_loop3A_347 = arith.maximumf %parallel_loop3A_344, %parallel_loop3A_346 : vector<16xf32>
        %parallel_loop3A_348 = arith.index_cast %parallel_loop3A_216 : i32 to index
        %parallel_loop3A_349 = arith.constant 112 : index
        %parallel_loop3A_350 = tpu.vector_load %arg10[%parallel_loop3A_348, %parallel_loop3A_349] {strides = array<i32>} : memref<80x128xf32, #tpu.memory_space<vmem>>, vector<1x16xf32>,
        %parallel_loop3A_351 = vector.shape_cast %parallel_loop3A_350 : vector<1x16xf32> to vector<16xf32>
        %parallel_loop3A_352 = vector.shape_cast %parallel_loop3A_347 : vector<16xf32> to vector<1x16xf32>
        tpu.vector_store %arg10[%parallel_loop3A_348, %parallel_loop3A_349], %parallel_loop3A_352 {strides = array<i32>} : memref<80x128xf32, #tpu.memory_space<vmem>>, vector<1x16xf32>,
      } {sc.loop_unroll_factor = 4 : i64, sc.parallel_access}
      %run_scoped3A_153 = arith.constant 1 : i32
      "tpu.region"() ({
        %run_scoped3A_216 = tpu.sem_alloc : memref<!tpu.dma_semaphore, #tpu.memory_space<semaphore_mem>>
        %dma_start3A_217 = arith.constant 0 : i32
        %dma_start3A_218 = tpu.memref_slice %arg6[%run_scoped3A_153, %dma_start3A_217] : memref<2x80xi32, #tpu.memory_space<vmem>> -> memref<1x80xi32, #tpu.memory_space<vmem>>
        %dma_start3A_219 = tpu.memref_squeeze %dma_start3A_218 : memref<1x80xi32, #tpu.memory_space<vmem>> -> memref<80xi32, #tpu.memory_space<vmem>>
        %dma_start3A_220 = arith.constant 0 : i32
        %dma_start3A_221 = arith.constant 0 : i32
        %dma_start3A_222 = tpu.memref_slice %arg12[%dma_start3A_220, %dma_start3A_221] : memref<10112x128xf32, #tpu.memory_space<vmem_shared>> -> memref<10112x128xf32, #tpu.memory_space<vmem_shared>>
        tpu.enqueue_indirect_dma source(%arg10 : memref<80x128xf32, #tpu.memory_space<vmem>>) target(%dma_start3A_222 : memref<10112x128xf32, #tpu.memory_space<vmem_shared>>) offsets(%dma_start3A_219 : memref<80xi32, #tpu.memory_space<vmem>>) semaphore(%run_scoped3A_216 : memref<!tpu.dma_semaphore, #tpu.memory_space<semaphore_mem>>) {add = true}
        %dma_wait3A_223 = arith.constant 0 : i32
        %dma_wait3A_224 = tpu.memref_slice %arg6[%run_scoped3A_153, %dma_wait3A_223] : memref<2x80xi32, #tpu.memory_space<vmem>> -> memref<1x80xi32, #tpu.memory_space<vmem>>
        %dma_wait3A_225 = tpu.memref_squeeze %dma_wait3A_224 : memref<1x80xi32, #tpu.memory_space<vmem>> -> memref<80xi32, #tpu.memory_space<vmem>>
        %dma_wait3A_226 = arith.constant 0 : i32
        %dma_wait3A_227 = arith.constant 0 : i32
        %dma_wait3A_228 = tpu.memref_slice %arg12[%dma_wait3A_226, %dma_wait3A_227] : memref<10112x128xf32, #tpu.memory_space<vmem_shared>> -> memref<10112x128xf32, #tpu.memory_space<vmem_shared>>
        tpu.wait_indirect_dma semaphore(%run_scoped3A_216 : memref<!tpu.dma_semaphore, #tpu.memory_space<semaphore_mem>>) src(%arg10 : memref<80x128xf32, #tpu.memory_space<vmem>>) dst(%dma_wait3A_228 : memref<10112x128xf32, #tpu.memory_space<vmem_shared>>)
        tpu.yield
      }) : () -> ()
      %add3A_154 = arith.constant 2 : i32
      %add3A_155 = arith.addi %mul3A_107, %add3A_154 : i32
      %dma_start3A_156 = arith.constant 0 : i32
      %dma_start3A_157 = arith.constant 0 : i32
      %dma_start3A_158 = tpu.memref_slice %arg4[%add3A, %add3A_155, %dma_start3A_156, %dma_start3A_157] : memref<32x125x2x80xi32, #tpu.memory_space<hbm>> -> memref<1x1x2x80xi32, #tpu.memory_space<hbm>>
      %dma_start3A_159 = tpu.memref_squeeze %dma_start3A_158 : memref<1x1x2x80xi32, #tpu.memory_space<hbm>> -> memref<2x80xi32, #tpu.memory_space<hbm>>
      %dma_start3A_160 = arith.constant 0 : i32
      %dma_start3A_161 = arith.constant 0 : i32
      %dma_start3A_162 = tpu.memref_slice %arg4[%add3A, %add3A_155, %dma_start3A_160, %dma_start3A_161] : memref<32x125x2x80xi32, #tpu.memory_space<hbm>> -> memref<1x1x2x80xi32, #tpu.memory_space<hbm>>
      %dma_start3A_163 = tpu.memref_squeeze %dma_start3A_162 : memref<1x1x2x80xi32, #tpu.memory_space<hbm>> -> memref<2x80xi32, #tpu.memory_space<hbm>>
      tpu.enqueue_dma source(%dma_start3A_163 : memref<2x80xi32, #tpu.memory_space<hbm>>) target(%arg6 : memref<2x80xi32, #tpu.memory_space<vmem>>) target_semaphore(%arg17 : memref<!tpu.dma_semaphore, #tpu.memory_space<semaphore_mem>>)
      %mul3A_164 = arith.constant 2 : i32
      %mul3A_165 = arith.muli %mul3A_164, %scan3A_105 : i32
      %add3A_166 = arith.constant 1 : i32
      %add3A_167 = arith.addi %mul3A_165, %add3A_166 : i32
      %lt3A = arith.constant 61 : i32
      %lt3A_168 = arith.cmpi slt, %scan3A_105, %lt3A : i32
      %dma_wait3A_169 = arith.constant 0 : i32
      %dma_wait3A_170 = arith.constant 0 : i32
      %dma_wait3A_171 = tpu.memref_slice %arg7[%dma_wait3A_169, %dma_wait3A_170] : memref<2x80xi32, #tpu.memory_space<vmem>> -> memref<1x80xi32, #tpu.memory_space<vmem>>
      %dma_wait3A_172 = tpu.memref_squeeze %dma_wait3A_171 : memref<1x80xi32, #tpu.memory_space<vmem>> -> memref<80xi32, #tpu.memory_space<vmem>>
      %dma_wait3A_173 = arith.constant 0 : i32
      %dma_wait3A_174 = arith.constant 0 : i32
      %dma_wait3A_175 = tpu.memref_slice %arg2[%dma_wait3A_173, %dma_wait3A_174] : memref<10000x128xf32, #tpu.memory_space<hbm>> -> memref<10000x128xf32, #tpu.memory_space<hbm>>
      tpu.wait_indirect_dma semaphore(%arg14 : memref<!tpu.dma_semaphore, #tpu.memory_space<semaphore_mem>>) src(%dma_wait3A_175 : memref<10000x128xf32, #tpu.memory_space<hbm>>) dst(%arg9 : memref<80x128xf32, #tpu.memory_space<vmem>>)
      %add3A_176 = arith.constant 1 : i32
      %add3A_177 = arith.addi %add3A_167, %add3A_176 : i32
      %dma_wait3A_178 = arith.constant 0 : i32
      %dma_wait3A_179 = arith.constant 0 : i32
      %dma_wait3A_180 = tpu.memref_slice %arg4[%add3A, %add3A_177, %dma_wait3A_178, %dma_wait3A_179] : memref<32x125x2x80xi32, #tpu.memory_space<hbm>> -> memref<1x1x2x80xi32, #tpu.memory_space<hbm>>
      %dma_wait3A_181 = tpu.memref_squeeze %dma_wait3A_180 : memref<1x1x2x80xi32, #tpu.memory_space<hbm>> -> memref<2x80xi32, #tpu.memory_space<hbm>>
      %dma_wait3A_182 = arith.constant 0 : i32
      %dma_wait3A_183 = arith.constant 0 : i32
      %dma_wait3A_184 = tpu.memref_slice %arg4[%add3A, %add3A_177, %dma_wait3A_182, %dma_wait3A_183] : memref<32x125x2x80xi32, #tpu.memory_space<hbm>> -> memref<1x1x2x80xi32, #tpu.memory_space<hbm>>
      %dma_wait3A_185 = tpu.memref_squeeze %dma_wait3A_184 : memref<1x1x2x80xi32, #tpu.memory_space<hbm>> -> memref<2x80xi32, #tpu.memory_space<hbm>>
      tpu.wait_dma2 semaphore(%arg17 : memref<!tpu.dma_semaphore, #tpu.memory_space<semaphore_mem>>) src(%dma_wait3A_185 : memref<2x80xi32, #tpu.memory_space<hbm>>) dst(%arg6 : memref<2x80xi32, #tpu.memory_space<vmem>>)
      %dma_start3A_186 = arith.constant 0 : i32
      %dma_start3A_187 = arith.constant 0 : i32
      %dma_start3A_188 = tpu.memref_slice %arg6[%dma_start3A_186, %dma_start3A_187] : memref<2x80xi32, #tpu.memory_space<vmem>> -> memref<1x80xi32, #tpu.memory_space<vmem>>
      %dma_start3A_189 = tpu.memref_squeeze %dma_start3A_188 : memref<1x80xi32, #tpu.memory_space<vmem>> -> memref<80xi32, #tpu.memory_space<vmem>>
      %dma_start3A_190 = arith.constant 0 : i32
      %dma_start3A_191 = arith.constant 0 : i32
      %dma_start3A_192 = tpu.memref_slice %arg2[%dma_start3A_190, %dma_start3A_191] : memref<10000x128xf32, #tpu.memory_space<hbm>> -> memref<10000x128xf32, #tpu.memory_space<hbm>>
      tpu.enqueue_indirect_dma source(%dma_start3A_192 : memref<10000x128xf32, #tpu.memory_space<hbm>>) target(%arg8 : memref<80x128xf32, #tpu.memory_space<vmem>>) offsets(%dma_start3A_189 : memref<80xi32, #tpu.memory_space<vmem>>) semaphore(%arg13 : memref<!tpu.dma_semaphore, #tpu.memory_space<semaphore_mem>>)
      %add3A_193 = arith.constant 1 : i32
      %add3A_194 = arith.addi %add3A_167, %add3A_193 : i32
      %dma_start3A_195 = arith.constant 0 : i32
      %dma_start3A_196 = arith.constant 0 : i32
      %dma_start3A_197 = tpu.memref_slice %arg3[%add3A, %add3A_194, %dma_start3A_195, %dma_start3A_196] : memref<32x125x80x128xf32, #tpu.memory_space<hbm>> -> memref<1x1x80x128xf32, #tpu.memory_space<hbm>>
      %dma_start3A_198 = tpu.memref_squeeze %dma_start3A_197 : memref<1x1x80x128xf32, #tpu.memory_space<hbm>> -> memref<80x128xf32, #tpu.memory_space<hbm>>
      %dma_start3A_199 = arith.constant 0 : i32
      %dma_start3A_200 = arith.constant 0 : i32
      %dma_start3A_201 = tpu.memref_slice %arg3[%add3A, %add3A_194, %dma_start3A_199, %dma_start3A_200] : memref<32x125x80x128xf32, #tpu.memory_space<hbm>> -> memref<1x1x80x128xf32, #tpu.memory_space<hbm>>
      %dma_start3A_202 = tpu.memref_squeeze %dma_start3A_201 : memref<1x1x80x128xf32, #tpu.memory_space<hbm>> -> memref<80x128xf32, #tpu.memory_space<hbm>>
      tpu.enqueue_dma source(%dma_start3A_202 : memref<80x128xf32, #tpu.memory_space<hbm>>) target(%arg10 : memref<80x128xf32, #tpu.memory_space<vmem>>) target_semaphore(%arg15 : memref<!tpu.dma_semaphore, #tpu.memory_space<semaphore_mem>>)
      %dma_wait3A_203 = arith.constant 0 : i32
      %dma_wait3A_204 = arith.constant 0 : i32
      %dma_wait3A_205 = tpu.memref_slice %arg3[%add3A, %add3A_167, %dma_wait3A_203, %dma_wait3A_204] : memref<32x125x80x128xf32, #tpu.memory_space<hbm>> -> memref<1x1x80x128xf32, #tpu.memory_space<hbm>>
      %dma_wait3A_206 = tpu.memref_squeeze %dma_wait3A_205 : memref<1x1x80x128xf32, #tpu.memory_space<hbm>> -> memref<80x128xf32, #tpu.memory_space<hbm>>
      %dma_wait3A_207 = arith.constant 0 : i32
      %dma_wait3A_208 = arith.constant 0 : i32
      %dma_wait3A_209 = tpu.memref_slice %arg3[%add3A, %add3A_167, %dma_wait3A_207, %dma_wait3A_208] : memref<32x125x80x128xf32, #tpu.memory_space<hbm>> -> memref<1x1x80x128xf32, #tpu.memory_space<hbm>>
      %dma_wait3A_210 = tpu.memref_squeeze %dma_wait3A_209 : memref<1x1x80x128xf32, #tpu.memory_space<hbm>> -> memref<80x128xf32, #tpu.memory_space<hbm>>
      tpu.wait_dma2 semaphore(%arg16 : memref<!tpu.dma_semaphore, #tpu.memory_space<semaphore_mem>>) src(%dma_wait3A_210 : memref<80x128xf32, #tpu.memory_space<hbm>>) dst(%arg11 : memref<80x128xf32, #tpu.memory_space<vmem>>)
      %parallel_loop3A_211 = arith.constant 0 : i32
      %parallel_loop3A_212 = arith.constant 80 : i32
      %parallel_loop3A_213 = arith.constant 1 : i32
      scf.for %parallel_loop3A_216 = %parallel_loop3A_211 to %parallel_loop3A_212 step %parallel_loop3A_213  : i32 {
        %parallel_loop3A_217 = arith.index_cast %parallel_loop3A_216 : i32 to index
        %parallel_loop3A_218 = arith.constant 0 : index
        %parallel_loop3A_219 = tpu.vector_load %arg11[%parallel_loop3A_217, %parallel_loop3A_218] {strides = array<i32>} : memref<80x128xf32, #tpu.memory_space<vmem>>, vector<1x16xf32>,
        %parallel_loop3A_220 = vector.shape_cast %parallel_loop3A_219 : vector<1x16xf32> to vector<16xf32>
        %parallel_loop3A_221 = arith.index_cast %parallel_loop3A_216 : i32 to index
        %parallel_loop3A_222 = arith.constant 0 : index
        %parallel_loop3A_223 = tpu.vector_load %arg9[%parallel_loop3A_221, %parallel_loop3A_222] {strides = array<i32>} : memref<80x128xf32, #tpu.memory_space<vmem>>, vector<1x16xf32>,
        %parallel_loop3A_224 = vector.shape_cast %parallel_loop3A_223 : vector<1x16xf32> to vector<16xf32>
        %parallel_loop3A_225 = arith.addf %parallel_loop3A_220, %parallel_loop3A_224 : vector<16xf32>
        %parallel_loop3A_226 = arith.constant 0.000000e+00 : f32
        %parallel_loop3A_227 = vector.broadcast %parallel_loop3A_226 : f32 to vector<16xf32>
        %parallel_loop3A_228 = arith.maximumf %parallel_loop3A_225, %parallel_loop3A_227 : vector<16xf32>
        %parallel_loop3A_229 = arith.index_cast %parallel_loop3A_216 : i32 to index
        %parallel_loop3A_230 = arith.constant 0 : index
        %parallel_loop3A_231 = tpu.vector_load %arg11[%parallel_loop3A_229, %parallel_loop3A_230] {strides = array<i32>} : memref<80x128xf32, #tpu.memory_space<vmem>>, vector<1x16xf32>,
        %parallel_loop3A_232 = vector.shape_cast %parallel_loop3A_231 : vector<1x16xf32> to vector<16xf32>
        %parallel_loop3A_233 = vector.shape_cast %parallel_loop3A_228 : vector<16xf32> to vector<1x16xf32>
        tpu.vector_store %arg11[%parallel_loop3A_229, %parallel_loop3A_230], %parallel_loop3A_233 {strides = array<i32>} : memref<80x128xf32, #tpu.memory_space<vmem>>, vector<1x16xf32>,
        %parallel_loop3A_234 = arith.index_cast %parallel_loop3A_216 : i32 to index
        %parallel_loop3A_235 = arith.constant 16 : index
        %parallel_loop3A_236 = tpu.vector_load %arg11[%parallel_loop3A_234, %parallel_loop3A_235] {strides = array<i32>} : memref<80x128xf32, #tpu.memory_space<vmem>>, vector<1x16xf32>,
        %parallel_loop3A_237 = vector.shape_cast %parallel_loop3A_236 : vector<1x16xf32> to vector<16xf32>
        %parallel_loop3A_238 = arith.index_cast %parallel_loop3A_216 : i32 to index
        %parallel_loop3A_239 = arith.constant 16 : index
        %parallel_loop3A_240 = tpu.vector_load %arg9[%parallel_loop3A_238, %parallel_loop3A_239] {strides = array<i32>} : memref<80x128xf32, #tpu.memory_space<vmem>>, vector<1x16xf32>,
        %parallel_loop3A_241 = vector.shape_cast %parallel_loop3A_240 : vector<1x16xf32> to vector<16xf32>
        %parallel_loop3A_242 = arith.addf %parallel_loop3A_237, %parallel_loop3A_241 : vector<16xf32>
        %parallel_loop3A_243 = arith.constant 0.000000e+00 : f32
        %parallel_loop3A_244 = vector.broadcast %parallel_loop3A_243 : f32 to vector<16xf32>
        %parallel_loop3A_245 = arith.maximumf %parallel_loop3A_242, %parallel_loop3A_244 : vector<16xf32>
        %parallel_loop3A_246 = arith.index_cast %parallel_loop3A_216 : i32 to index
        %parallel_loop3A_247 = arith.constant 16 : index
        %parallel_loop3A_248 = tpu.vector_load %arg11[%parallel_loop3A_246, %parallel_loop3A_247] {strides = array<i32>} : memref<80x128xf32, #tpu.memory_space<vmem>>, vector<1x16xf32>,
        %parallel_loop3A_249 = vector.shape_cast %parallel_loop3A_248 : vector<1x16xf32> to vector<16xf32>
        %parallel_loop3A_250 = vector.shape_cast %parallel_loop3A_245 : vector<16xf32> to vector<1x16xf32>
        tpu.vector_store %arg11[%parallel_loop3A_246, %parallel_loop3A_247], %parallel_loop3A_250 {strides = array<i32>} : memref<80x128xf32, #tpu.memory_space<vmem>>, vector<1x16xf32>,
        %parallel_loop3A_251 = arith.index_cast %parallel_loop3A_216 : i32 to index
        %parallel_loop3A_252 = arith.constant 32 : index
        %parallel_loop3A_253 = tpu.vector_load %arg11[%parallel_loop3A_251, %parallel_loop3A_252] {strides = array<i32>} : memref<80x128xf32, #tpu.memory_space<vmem>>, vector<1x16xf32>,
        %parallel_loop3A_254 = vector.shape_cast %parallel_loop3A_253 : vector<1x16xf32> to vector<16xf32>
        %parallel_loop3A_255 = arith.index_cast %parallel_loop3A_216 : i32 to index
        %parallel_loop3A_256 = arith.constant 32 : index
        %parallel_loop3A_257 = tpu.vector_load %arg9[%parallel_loop3A_255, %parallel_loop3A_256] {strides = array<i32>} : memref<80x128xf32, #tpu.memory_space<vmem>>, vector<1x16xf32>,
        %parallel_loop3A_258 = vector.shape_cast %parallel_loop3A_257 : vector<1x16xf32> to vector<16xf32>
        %parallel_loop3A_259 = arith.addf %parallel_loop3A_254, %parallel_loop3A_258 : vector<16xf32>
        %parallel_loop3A_260 = arith.constant 0.000000e+00 : f32
        %parallel_loop3A_261 = vector.broadcast %parallel_loop3A_260 : f32 to vector<16xf32>
        %parallel_loop3A_262 = arith.maximumf %parallel_loop3A_259, %parallel_loop3A_261 : vector<16xf32>
        %parallel_loop3A_263 = arith.index_cast %parallel_loop3A_216 : i32 to index
        %parallel_loop3A_264 = arith.constant 32 : index
        %parallel_loop3A_265 = tpu.vector_load %arg11[%parallel_loop3A_263, %parallel_loop3A_264] {strides = array<i32>} : memref<80x128xf32, #tpu.memory_space<vmem>>, vector<1x16xf32>,
        %parallel_loop3A_266 = vector.shape_cast %parallel_loop3A_265 : vector<1x16xf32> to vector<16xf32>
        %parallel_loop3A_267 = vector.shape_cast %parallel_loop3A_262 : vector<16xf32> to vector<1x16xf32>
        tpu.vector_store %arg11[%parallel_loop3A_263, %parallel_loop3A_264], %parallel_loop3A_267 {strides = array<i32>} : memref<80x128xf32, #tpu.memory_space<vmem>>, vector<1x16xf32>,
        %parallel_loop3A_268 = arith.index_cast %parallel_loop3A_216 : i32 to index
        %parallel_loop3A_269 = arith.constant 48 : index
        %parallel_loop3A_270 = tpu.vector_load %arg11[%parallel_loop3A_268, %parallel_loop3A_269] {strides = array<i32>} : memref<80x128xf32, #tpu.memory_space<vmem>>, vector<1x16xf32>,
        %parallel_loop3A_271 = vector.shape_cast %parallel_loop3A_270 : vector<1x16xf32> to vector<16xf32>
        %parallel_loop3A_272 = arith.index_cast %parallel_loop3A_216 : i32 to index
        %parallel_loop3A_273 = arith.constant 48 : index
        %parallel_loop3A_274 = tpu.vector_load %arg9[%parallel_loop3A_272, %parallel_loop3A_273] {strides = array<i32>} : memref<80x128xf32, #tpu.memory_space<vmem>>, vector<1x16xf32>,
        %parallel_loop3A_275 = vector.shape_cast %parallel_loop3A_274 : vector<1x16xf32> to vector<16xf32>
        %parallel_loop3A_276 = arith.addf %parallel_loop3A_271, %parallel_loop3A_275 : vector<16xf32>
        %parallel_loop3A_277 = arith.constant 0.000000e+00 : f32
        %parallel_loop3A_278 = vector.broadcast %parallel_loop3A_277 : f32 to vector<16xf32>
        %parallel_loop3A_279 = arith.maximumf %parallel_loop3A_276, %parallel_loop3A_278 : vector<16xf32>
        %parallel_loop3A_280 = arith.index_cast %parallel_loop3A_216 : i32 to index
        %parallel_loop3A_281 = arith.constant 48 : index
        %parallel_loop3A_282 = tpu.vector_load %arg11[%parallel_loop3A_280, %parallel_loop3A_281] {strides = array<i32>} : memref<80x128xf32, #tpu.memory_space<vmem>>, vector<1x16xf32>,
        %parallel_loop3A_283 = vector.shape_cast %parallel_loop3A_282 : vector<1x16xf32> to vector<16xf32>
        %parallel_loop3A_284 = vector.shape_cast %parallel_loop3A_279 : vector<16xf32> to vector<1x16xf32>
        tpu.vector_store %arg11[%parallel_loop3A_280, %parallel_loop3A_281], %parallel_loop3A_284 {strides = array<i32>} : memref<80x128xf32, #tpu.memory_space<vmem>>, vector<1x16xf32>,
        %parallel_loop3A_285 = arith.index_cast %parallel_loop3A_216 : i32 to index
        %parallel_loop3A_286 = arith.constant 64 : index
        %parallel_loop3A_287 = tpu.vector_load %arg11[%parallel_loop3A_285, %parallel_loop3A_286] {strides = array<i32>} : memref<80x128xf32, #tpu.memory_space<vmem>>, vector<1x16xf32>,
        %parallel_loop3A_288 = vector.shape_cast %parallel_loop3A_287 : vector<1x16xf32> to vector<16xf32>
        %parallel_loop3A_289 = arith.index_cast %parallel_loop3A_216 : i32 to index
        %parallel_loop3A_290 = arith.constant 64 : index
        %parallel_loop3A_291 = tpu.vector_load %arg9[%parallel_loop3A_289, %parallel_loop3A_290] {strides = array<i32>} : memref<80x128xf32, #tpu.memory_space<vmem>>, vector<1x16xf32>,
        %parallel_loop3A_292 = vector.shape_cast %parallel_loop3A_291 : vector<1x16xf32> to vector<16xf32>
        %parallel_loop3A_293 = arith.addf %parallel_loop3A_288, %parallel_loop3A_292 : vector<16xf32>
        %parallel_loop3A_294 = arith.constant 0.000000e+00 : f32
        %parallel_loop3A_295 = vector.broadcast %parallel_loop3A_294 : f32 to vector<16xf32>
        %parallel_loop3A_296 = arith.maximumf %parallel_loop3A_293, %parallel_loop3A_295 : vector<16xf32>
        %parallel_loop3A_297 = arith.index_cast %parallel_loop3A_216 : i32 to index
        %parallel_loop3A_298 = arith.constant 64 : index
        %parallel_loop3A_299 = tpu.vector_load %arg11[%parallel_loop3A_297, %parallel_loop3A_298] {strides = array<i32>} : memref<80x128xf32, #tpu.memory_space<vmem>>, vector<1x16xf32>,
        %parallel_loop3A_300 = vector.shape_cast %parallel_loop3A_299 : vector<1x16xf32> to vector<16xf32>
        %parallel_loop3A_301 = vector.shape_cast %parallel_loop3A_296 : vector<16xf32> to vector<1x16xf32>
        tpu.vector_store %arg11[%parallel_loop3A_297, %parallel_loop3A_298], %parallel_loop3A_301 {strides = array<i32>} : memref<80x128xf32, #tpu.memory_space<vmem>>, vector<1x16xf32>,
        %parallel_loop3A_302 = arith.index_cast %parallel_loop3A_216 : i32 to index
        %parallel_loop3A_303 = arith.constant 80 : index
        %parallel_loop3A_304 = tpu.vector_load %arg11[%parallel_loop3A_302, %parallel_loop3A_303] {strides = array<i32>} : memref<80x128xf32, #tpu.memory_space<vmem>>, vector<1x16xf32>,
        %parallel_loop3A_305 = vector.shape_cast %parallel_loop3A_304 : vector<1x16xf32> to vector<16xf32>
        %parallel_loop3A_306 = arith.index_cast %parallel_loop3A_216 : i32 to index
        %parallel_loop3A_307 = arith.constant 80 : index
        %parallel_loop3A_308 = tpu.vector_load %arg9[%parallel_loop3A_306, %parallel_loop3A_307] {strides = array<i32>} : memref<80x128xf32, #tpu.memory_space<vmem>>, vector<1x16xf32>,
        %parallel_loop3A_309 = vector.shape_cast %parallel_loop3A_308 : vector<1x16xf32> to vector<16xf32>
        %parallel_loop3A_310 = arith.addf %parallel_loop3A_305, %parallel_loop3A_309 : vector<16xf32>
        %parallel_loop3A_311 = arith.constant 0.000000e+00 : f32
        %parallel_loop3A_312 = vector.broadcast %parallel_loop3A_311 : f32 to vector<16xf32>
        %parallel_loop3A_313 = arith.maximumf %parallel_loop3A_310, %parallel_loop3A_312 : vector<16xf32>
        %parallel_loop3A_314 = arith.index_cast %parallel_loop3A_216 : i32 to index
        %parallel_loop3A_315 = arith.constant 80 : index
        %parallel_loop3A_316 = tpu.vector_load %arg11[%parallel_loop3A_314, %parallel_loop3A_315] {strides = array<i32>} : memref<80x128xf32, #tpu.memory_space<vmem>>, vector<1x16xf32>,
        %parallel_loop3A_317 = vector.shape_cast %parallel_loop3A_316 : vector<1x16xf32> to vector<16xf32>
        %parallel_loop3A_318 = vector.shape_cast %parallel_loop3A_313 : vector<16xf32> to vector<1x16xf32>
        tpu.vector_store %arg11[%parallel_loop3A_314, %parallel_loop3A_315], %parallel_loop3A_318 {strides = array<i32>} : memref<80x128xf32, #tpu.memory_space<vmem>>, vector<1x16xf32>,
        %parallel_loop3A_319 = arith.index_cast %parallel_loop3A_216 : i32 to index
        %parallel_loop3A_320 = arith.constant 96 : index
        %parallel_loop3A_321 = tpu.vector_load %arg11[%parallel_loop3A_319, %parallel_loop3A_320] {strides = array<i32>} : memref<80x128xf32, #tpu.memory_space<vmem>>, vector<1x16xf32>,
        %parallel_loop3A_322 = vector.shape_cast %parallel_loop3A_321 : vector<1x16xf32> to vector<16xf32>
        %parallel_loop3A_323 = arith.index_cast %parallel_loop3A_216 : i32 to index
        %parallel_loop3A_324 = arith.constant 96 : index
        %parallel_loop3A_325 = tpu.vector_load %arg9[%parallel_loop3A_323, %parallel_loop3A_324] {strides = array<i32>} : memref<80x128xf32, #tpu.memory_space<vmem>>, vector<1x16xf32>,
        %parallel_loop3A_326 = vector.shape_cast %parallel_loop3A_325 : vector<1x16xf32> to vector<16xf32>
        %parallel_loop3A_327 = arith.addf %parallel_loop3A_322, %parallel_loop3A_326 : vector<16xf32>
        %parallel_loop3A_328 = arith.constant 0.000000e+00 : f32
        %parallel_loop3A_329 = vector.broadcast %parallel_loop3A_328 : f32 to vector<16xf32>
        %parallel_loop3A_330 = arith.maximumf %parallel_loop3A_327, %parallel_loop3A_329 : vector<16xf32>
        %parallel_loop3A_331 = arith.index_cast %parallel_loop3A_216 : i32 to index
        %parallel_loop3A_332 = arith.constant 96 : index
        %parallel_loop3A_333 = tpu.vector_load %arg11[%parallel_loop3A_331, %parallel_loop3A_332] {strides = array<i32>} : memref<80x128xf32, #tpu.memory_space<vmem>>, vector<1x16xf32>,
        %parallel_loop3A_334 = vector.shape_cast %parallel_loop3A_333 : vector<1x16xf32> to vector<16xf32>
        %parallel_loop3A_335 = vector.shape_cast %parallel_loop3A_330 : vector<16xf32> to vector<1x16xf32>
        tpu.vector_store %arg11[%parallel_loop3A_331, %parallel_loop3A_332], %parallel_loop3A_335 {strides = array<i32>} : memref<80x128xf32, #tpu.memory_space<vmem>>, vector<1x16xf32>,
        %parallel_loop3A_336 = arith.index_cast %parallel_loop3A_216 : i32 to index
        %parallel_loop3A_337 = arith.constant 112 : index
        %parallel_loop3A_338 = tpu.vector_load %arg11[%parallel_loop3A_336, %parallel_loop3A_337] {strides = array<i32>} : memref<80x128xf32, #tpu.memory_space<vmem>>, vector<1x16xf32>,
        %parallel_loop3A_339 = vector.shape_cast %parallel_loop3A_338 : vector<1x16xf32> to vector<16xf32>
        %parallel_loop3A_340 = arith.index_cast %parallel_loop3A_216 : i32 to index
        %parallel_loop3A_341 = arith.constant 112 : index
        %parallel_loop3A_342 = tpu.vector_load %arg9[%parallel_loop3A_340, %parallel_loop3A_341] {strides = array<i32>} : memref<80x128xf32, #tpu.memory_space<vmem>>, vector<1x16xf32>,
        %parallel_loop3A_343 = vector.shape_cast %parallel_loop3A_342 : vector<1x16xf32> to vector<16xf32>
        %parallel_loop3A_344 = arith.addf %parallel_loop3A_339, %parallel_loop3A_343 : vector<16xf32>
        %parallel_loop3A_345 = arith.constant 0.000000e+00 : f32
        %parallel_loop3A_346 = vector.broadcast %parallel_loop3A_345 : f32 to vector<16xf32>
        %parallel_loop3A_347 = arith.maximumf %parallel_loop3A_344, %parallel_loop3A_346 : vector<16xf32>
        %parallel_loop3A_348 = arith.index_cast %parallel_loop3A_216 : i32 to index
        %parallel_loop3A_349 = arith.constant 112 : index
        %parallel_loop3A_350 = tpu.vector_load %arg11[%parallel_loop3A_348, %parallel_loop3A_349] {strides = array<i32>} : memref<80x128xf32, #tpu.memory_space<vmem>>, vector<1x16xf32>,
        %parallel_loop3A_351 = vector.shape_cast %parallel_loop3A_350 : vector<1x16xf32> to vector<16xf32>
        %parallel_loop3A_352 = vector.shape_cast %parallel_loop3A_347 : vector<16xf32> to vector<1x16xf32>
        tpu.vector_store %arg11[%parallel_loop3A_348, %parallel_loop3A_349], %parallel_loop3A_352 {strides = array<i32>} : memref<80x128xf32, #tpu.memory_space<vmem>>, vector<1x16xf32>,
      } {sc.loop_unroll_factor = 4 : i64, sc.parallel_access}
      %run_scoped3A_214 = arith.constant 1 : i32
      "tpu.region"() ({
        %run_scoped3A_216 = tpu.sem_alloc : memref<!tpu.dma_semaphore, #tpu.memory_space<semaphore_mem>>
        %dma_start3A_217 = arith.constant 0 : i32
        %dma_start3A_218 = tpu.memref_slice %arg7[%run_scoped3A_214, %dma_start3A_217] : memref<2x80xi32, #tpu.memory_space<vmem>> -> memref<1x80xi32, #tpu.memory_space<vmem>>
        %dma_start3A_219 = tpu.memref_squeeze %dma_start3A_218 : memref<1x80xi32, #tpu.memory_space<vmem>> -> memref<80xi32, #tpu.memory_space<vmem>>
        %dma_start3A_220 = arith.constant 0 : i32
        %dma_start3A_221 = arith.constant 0 : i32
        %dma_start3A_222 = tpu.memref_slice %arg12[%dma_start3A_220, %dma_start3A_221] : memref<10112x128xf32, #tpu.memory_space<vmem_shared>> -> memref<10112x128xf32, #tpu.memory_space<vmem_shared>>
        tpu.enqueue_indirect_dma source(%arg11 : memref<80x128xf32, #tpu.memory_space<vmem>>) target(%dma_start3A_222 : memref<10112x128xf32, #tpu.memory_space<vmem_shared>>) offsets(%dma_start3A_219 : memref<80xi32, #tpu.memory_space<vmem>>) semaphore(%run_scoped3A_216 : memref<!tpu.dma_semaphore, #tpu.memory_space<semaphore_mem>>) {add = true}
        %dma_wait3A_223 = arith.constant 0 : i32
        %dma_wait3A_224 = tpu.memref_slice %arg7[%run_scoped3A_214, %dma_wait3A_223] : memref<2x80xi32, #tpu.memory_space<vmem>> -> memref<1x80xi32, #tpu.memory_space<vmem>>
        %dma_wait3A_225 = tpu.memref_squeeze %dma_wait3A_224 : memref<1x80xi32, #tpu.memory_space<vmem>> -> memref<80xi32, #tpu.memory_space<vmem>>
        %dma_wait3A_226 = arith.constant 0 : i32
        %dma_wait3A_227 = arith.constant 0 : i32
        %dma_wait3A_228 = tpu.memref_slice %arg12[%dma_wait3A_226, %dma_wait3A_227] : memref<10112x128xf32, #tpu.memory_space<vmem_shared>> -> memref<10112x128xf32, #tpu.memory_space<vmem_shared>>
        tpu.wait_indirect_dma semaphore(%run_scoped3A_216 : memref<!tpu.dma_semaphore, #tpu.memory_space<semaphore_mem>>) src(%arg11 : memref<80x128xf32, #tpu.memory_space<vmem>>) dst(%dma_wait3A_228 : memref<10112x128xf32, #tpu.memory_space<vmem_shared>>)
        tpu.yield
      }) : () -> ()
      %convert_element_type3A = arith.extui %lt3A_168 : i1 to i32
      %cond3A = arith.constant 0 : i32
      %cond3A_215 = arith.cmpi ne, %convert_element_type3A, %cond3A : i32
      scf.if %cond3A_215 {
        %add3A_216 = arith.constant 2 : i32
        %add3A_217 = arith.addi %add3A_167, %add3A_216 : i32
        %dma_start3A_218 = arith.constant 0 : i32
        %dma_start3A_219 = arith.constant 0 : i32
        %dma_start3A_220 = tpu.memref_slice %arg4[%add3A, %add3A_217, %dma_start3A_218, %dma_start3A_219] : memref<32x125x2x80xi32, #tpu.memory_space<hbm>> -> memref<1x1x2x80xi32, #tpu.memory_space<hbm>>
        %dma_start3A_221 = tpu.memref_squeeze %dma_start3A_220 : memref<1x1x2x80xi32, #tpu.memory_space<hbm>> -> memref<2x80xi32, #tpu.memory_space<hbm>>
        %dma_start3A_222 = arith.constant 0 : i32
        %dma_start3A_223 = arith.constant 0 : i32
        %dma_start3A_224 = tpu.memref_slice %arg4[%add3A, %add3A_217, %dma_start3A_222, %dma_start3A_223] : memref<32x125x2x80xi32, #tpu.memory_space<hbm>> -> memref<1x1x2x80xi32, #tpu.memory_space<hbm>>
        %dma_start3A_225 = tpu.memref_squeeze %dma_start3A_224 : memref<1x1x2x80xi32, #tpu.memory_space<hbm>> -> memref<2x80xi32, #tpu.memory_space<hbm>>
        tpu.enqueue_dma source(%dma_start3A_225 : memref<2x80xi32, #tpu.memory_space<hbm>>) target(%arg7 : memref<2x80xi32, #tpu.memory_space<vmem>>) target_semaphore(%arg18 : memref<!tpu.dma_semaphore, #tpu.memory_space<semaphore_mem>>)
      } else {
      }
    }
    %scan3A_80 = arith.constant 62 : i32
    %dma_wait3A_81 = arith.constant 0 : i32
    %dma_wait3A_82 = arith.constant 0 : i32
    %dma_wait3A_83 = tpu.memref_slice %arg6[%dma_wait3A_81, %dma_wait3A_82] : memref<2x80xi32, #tpu.memory_space<vmem>> -> memref<1x80xi32, #tpu.memory_space<vmem>>
    %dma_wait3A_84 = tpu.memref_squeeze %dma_wait3A_83 : memref<1x80xi32, #tpu.memory_space<vmem>> -> memref<80xi32, #tpu.memory_space<vmem>>
    %dma_wait3A_85 = arith.constant 0 : i32
    %dma_wait3A_86 = arith.constant 0 : i32
    %dma_wait3A_87 = tpu.memref_slice %arg2[%dma_wait3A_85, %dma_wait3A_86] : memref<10000x128xf32, #tpu.memory_space<hbm>> -> memref<10000x128xf32, #tpu.memory_space<hbm>>
    tpu.wait_indirect_dma semaphore(%arg13 : memref<!tpu.dma_semaphore, #tpu.memory_space<semaphore_mem>>) src(%dma_wait3A_87 : memref<10000x128xf32, #tpu.memory_space<hbm>>) dst(%arg8 : memref<80x128xf32, #tpu.memory_space<vmem>>)
    %dma_wait3A_88 = arith.constant 124 : i32
    %dma_wait3A_89 = arith.constant 0 : i32
    %dma_wait3A_90 = arith.constant 0 : i32
    %dma_wait3A_91 = tpu.memref_slice %arg3[%add3A, %dma_wait3A_88, %dma_wait3A_89, %dma_wait3A_90] : memref<32x125x80x128xf32, #tpu.memory_space<hbm>> -> memref<1x1x80x128xf32, #tpu.memory_space<hbm>>
    %dma_wait3A_92 = tpu.memref_squeeze %dma_wait3A_91 : memref<1x1x80x128xf32, #tpu.memory_space<hbm>> -> memref<80x128xf32, #tpu.memory_space<hbm>>
    %dma_wait3A_93 = arith.constant 0 : i32
    %dma_wait3A_94 = arith.constant 0 : i32
    %dma_wait3A_95 = tpu.memref_slice %arg3[%add3A, %dma_wait3A_88, %dma_wait3A_93, %dma_wait3A_94] : memref<32x125x80x128xf32, #tpu.memory_space<hbm>> -> memref<1x1x80x128xf32, #tpu.memory_space<hbm>>
    %dma_wait3A_96 = tpu.memref_squeeze %dma_wait3A_95 : memref<1x1x80x128xf32, #tpu.memory_space<hbm>> -> memref<80x128xf32, #tpu.memory_space<hbm>>
    tpu.wait_dma2 semaphore(%arg15 : memref<!tpu.dma_semaphore, #tpu.memory_space<semaphore_mem>>) src(%dma_wait3A_96 : memref<80x128xf32, #tpu.memory_space<hbm>>) dst(%arg10 : memref<80x128xf32, #tpu.memory_space<vmem>>)
    %parallel_loop3A_97 = arith.constant 0 : i32
    %parallel_loop3A_98 = arith.constant 80 : i32
    %parallel_loop3A_99 = arith.constant 1 : i32
    scf.for %parallel_loop3A_105 = %parallel_loop3A_97 to %parallel_loop3A_98 step %parallel_loop3A_99  : i32 {
      %parallel_loop3A_106 = arith.index_cast %parallel_loop3A_105 : i32 to index
      %parallel_loop3A_107 = arith.constant 0 : index
      %parallel_loop3A_108 = tpu.vector_load %arg10[%parallel_loop3A_106, %parallel_loop3A_107] {strides = array<i32>} : memref<80x128xf32, #tpu.memory_space<vmem>>, vector<1x16xf32>,
      %parallel_loop3A_109 = vector.shape_cast %parallel_loop3A_108 : vector<1x16xf32> to vector<16xf32>
      %parallel_loop3A_110 = arith.index_cast %parallel_loop3A_105 : i32 to index
      %parallel_loop3A_111 = arith.constant 0 : index
      %parallel_loop3A_112 = tpu.vector_load %arg8[%parallel_loop3A_110, %parallel_loop3A_111] {strides = array<i32>} : memref<80x128xf32, #tpu.memory_space<vmem>>, vector<1x16xf32>,
      %parallel_loop3A_113 = vector.shape_cast %parallel_loop3A_112 : vector<1x16xf32> to vector<16xf32>
      %parallel_loop3A_114 = arith.addf %parallel_loop3A_109, %parallel_loop3A_113 : vector<16xf32>
      %parallel_loop3A_115 = arith.constant 0.000000e+00 : f32
      %parallel_loop3A_116 = vector.broadcast %parallel_loop3A_115 : f32 to vector<16xf32>
      %parallel_loop3A_117 = arith.maximumf %parallel_loop3A_114, %parallel_loop3A_116 : vector<16xf32>
      %parallel_loop3A_118 = arith.index_cast %parallel_loop3A_105 : i32 to index
      %parallel_loop3A_119 = arith.constant 0 : index
      %parallel_loop3A_120 = tpu.vector_load %arg10[%parallel_loop3A_118, %parallel_loop3A_119] {strides = array<i32>} : memref<80x128xf32, #tpu.memory_space<vmem>>, vector<1x16xf32>,
      %parallel_loop3A_121 = vector.shape_cast %parallel_loop3A_120 : vector<1x16xf32> to vector<16xf32>
      %parallel_loop3A_122 = vector.shape_cast %parallel_loop3A_117 : vector<16xf32> to vector<1x16xf32>
      tpu.vector_store %arg10[%parallel_loop3A_118, %parallel_loop3A_119], %parallel_loop3A_122 {strides = array<i32>} : memref<80x128xf32, #tpu.memory_space<vmem>>, vector<1x16xf32>,
      %parallel_loop3A_123 = arith.index_cast %parallel_loop3A_105 : i32 to index
      %parallel_loop3A_124 = arith.constant 16 : index
      %parallel_loop3A_125 = tpu.vector_load %arg10[%parallel_loop3A_123, %parallel_loop3A_124] {strides = array<i32>} : memref<80x128xf32, #tpu.memory_space<vmem>>, vector<1x16xf32>,
      %parallel_loop3A_126 = vector.shape_cast %parallel_loop3A_125 : vector<1x16xf32> to vector<16xf32>
      %parallel_loop3A_127 = arith.index_cast %parallel_loop3A_105 : i32 to index
      %parallel_loop3A_128 = arith.constant 16 : index
      %parallel_loop3A_129 = tpu.vector_load %arg8[%parallel_loop3A_127, %parallel_loop3A_128] {strides = array<i32>} : memref<80x128xf32, #tpu.memory_space<vmem>>, vector<1x16xf32>,
      %parallel_loop3A_130 = vector.shape_cast %parallel_loop3A_129 : vector<1x16xf32> to vector<16xf32>
      %parallel_loop3A_131 = arith.addf %parallel_loop3A_126, %parallel_loop3A_130 : vector<16xf32>
      %parallel_loop3A_132 = arith.constant 0.000000e+00 : f32
      %parallel_loop3A_133 = vector.broadcast %parallel_loop3A_132 : f32 to vector<16xf32>
      %parallel_loop3A_134 = arith.maximumf %parallel_loop3A_131, %parallel_loop3A_133 : vector<16xf32>
      %parallel_loop3A_135 = arith.index_cast %parallel_loop3A_105 : i32 to index
      %parallel_loop3A_136 = arith.constant 16 : index
      %parallel_loop3A_137 = tpu.vector_load %arg10[%parallel_loop3A_135, %parallel_loop3A_136] {strides = array<i32>} : memref<80x128xf32, #tpu.memory_space<vmem>>, vector<1x16xf32>,
      %parallel_loop3A_138 = vector.shape_cast %parallel_loop3A_137 : vector<1x16xf32> to vector<16xf32>
      %parallel_loop3A_139 = vector.shape_cast %parallel_loop3A_134 : vector<16xf32> to vector<1x16xf32>
      tpu.vector_store %arg10[%parallel_loop3A_135, %parallel_loop3A_136], %parallel_loop3A_139 {strides = array<i32>} : memref<80x128xf32, #tpu.memory_space<vmem>>, vector<1x16xf32>,
      %parallel_loop3A_140 = arith.index_cast %parallel_loop3A_105 : i32 to index
      %parallel_loop3A_141 = arith.constant 32 : index
      %parallel_loop3A_142 = tpu.vector_load %arg10[%parallel_loop3A_140, %parallel_loop3A_141] {strides = array<i32>} : memref<80x128xf32, #tpu.memory_space<vmem>>, vector<1x16xf32>,
      %parallel_loop3A_143 = vector.shape_cast %parallel_loop3A_142 : vector<1x16xf32> to vector<16xf32>
      %parallel_loop3A_144 = arith.index_cast %parallel_loop3A_105 : i32 to index
      %parallel_loop3A_145 = arith.constant 32 : index
      %parallel_loop3A_146 = tpu.vector_load %arg8[%parallel_loop3A_144, %parallel_loop3A_145] {strides = array<i32>} : memref<80x128xf32, #tpu.memory_space<vmem>>, vector<1x16xf32>,
      %parallel_loop3A_147 = vector.shape_cast %parallel_loop3A_146 : vector<1x16xf32> to vector<16xf32>
      %parallel_loop3A_148 = arith.addf %parallel_loop3A_143, %parallel_loop3A_147 : vector<16xf32>
      %parallel_loop3A_149 = arith.constant 0.000000e+00 : f32
      %parallel_loop3A_150 = vector.broadcast %parallel_loop3A_149 : f32 to vector<16xf32>
      %parallel_loop3A_151 = arith.maximumf %parallel_loop3A_148, %parallel_loop3A_150 : vector<16xf32>
      %parallel_loop3A_152 = arith.index_cast %parallel_loop3A_105 : i32 to index
      %parallel_loop3A_153 = arith.constant 32 : index
      %parallel_loop3A_154 = tpu.vector_load %arg10[%parallel_loop3A_152, %parallel_loop3A_153] {strides = array<i32>} : memref<80x128xf32, #tpu.memory_space<vmem>>, vector<1x16xf32>,
      %parallel_loop3A_155 = vector.shape_cast %parallel_loop3A_154 : vector<1x16xf32> to vector<16xf32>
      %parallel_loop3A_156 = vector.shape_cast %parallel_loop3A_151 : vector<16xf32> to vector<1x16xf32>
      tpu.vector_store %arg10[%parallel_loop3A_152, %parallel_loop3A_153], %parallel_loop3A_156 {strides = array<i32>} : memref<80x128xf32, #tpu.memory_space<vmem>>, vector<1x16xf32>,
      %parallel_loop3A_157 = arith.index_cast %parallel_loop3A_105 : i32 to index
      %parallel_loop3A_158 = arith.constant 48 : index
      %parallel_loop3A_159 = tpu.vector_load %arg10[%parallel_loop3A_157, %parallel_loop3A_158] {strides = array<i32>} : memref<80x128xf32, #tpu.memory_space<vmem>>, vector<1x16xf32>,
      %parallel_loop3A_160 = vector.shape_cast %parallel_loop3A_159 : vector<1x16xf32> to vector<16xf32>
      %parallel_loop3A_161 = arith.index_cast %parallel_loop3A_105 : i32 to index
      %parallel_loop3A_162 = arith.constant 48 : index
      %parallel_loop3A_163 = tpu.vector_load %arg8[%parallel_loop3A_161, %parallel_loop3A_162] {strides = array<i32>} : memref<80x128xf32, #tpu.memory_space<vmem>>, vector<1x16xf32>,
      %parallel_loop3A_164 = vector.shape_cast %parallel_loop3A_163 : vector<1x16xf32> to vector<16xf32>
      %parallel_loop3A_165 = arith.addf %parallel_loop3A_160, %parallel_loop3A_164 : vector<16xf32>
      %parallel_loop3A_166 = arith.constant 0.000000e+00 : f32
      %parallel_loop3A_167 = vector.broadcast %parallel_loop3A_166 : f32 to vector<16xf32>
      %parallel_loop3A_168 = arith.maximumf %parallel_loop3A_165, %parallel_loop3A_167 : vector<16xf32>
      %parallel_loop3A_169 = arith.index_cast %parallel_loop3A_105 : i32 to index
      %parallel_loop3A_170 = arith.constant 48 : index
      %parallel_loop3A_171 = tpu.vector_load %arg10[%parallel_loop3A_169, %parallel_loop3A_170] {strides = array<i32>} : memref<80x128xf32, #tpu.memory_space<vmem>>, vector<1x16xf32>,
      %parallel_loop3A_172 = vector.shape_cast %parallel_loop3A_171 : vector<1x16xf32> to vector<16xf32>
      %parallel_loop3A_173 = vector.shape_cast %parallel_loop3A_168 : vector<16xf32> to vector<1x16xf32>
      tpu.vector_store %arg10[%parallel_loop3A_169, %parallel_loop3A_170], %parallel_loop3A_173 {strides = array<i32>} : memref<80x128xf32, #tpu.memory_space<vmem>>, vector<1x16xf32>,
      %parallel_loop3A_174 = arith.index_cast %parallel_loop3A_105 : i32 to index
      %parallel_loop3A_175 = arith.constant 64 : index
      %parallel_loop3A_176 = tpu.vector_load %arg10[%parallel_loop3A_174, %parallel_loop3A_175] {strides = array<i32>} : memref<80x128xf32, #tpu.memory_space<vmem>>, vector<1x16xf32>,
      %parallel_loop3A_177 = vector.shape_cast %parallel_loop3A_176 : vector<1x16xf32> to vector<16xf32>
      %parallel_loop3A_178 = arith.index_cast %parallel_loop3A_105 : i32 to index
      %parallel_loop3A_179 = arith.constant 64 : index
      %parallel_loop3A_180 = tpu.vector_load %arg8[%parallel_loop3A_178, %parallel_loop3A_179] {strides = array<i32>} : memref<80x128xf32, #tpu.memory_space<vmem>>, vector<1x16xf32>,
      %parallel_loop3A_181 = vector.shape_cast %parallel_loop3A_180 : vector<1x16xf32> to vector<16xf32>
      %parallel_loop3A_182 = arith.addf %parallel_loop3A_177, %parallel_loop3A_181 : vector<16xf32>
      %parallel_loop3A_183 = arith.constant 0.000000e+00 : f32
      %parallel_loop3A_184 = vector.broadcast %parallel_loop3A_183 : f32 to vector<16xf32>
      %parallel_loop3A_185 = arith.maximumf %parallel_loop3A_182, %parallel_loop3A_184 : vector<16xf32>
      %parallel_loop3A_186 = arith.index_cast %parallel_loop3A_105 : i32 to index
      %parallel_loop3A_187 = arith.constant 64 : index
      %parallel_loop3A_188 = tpu.vector_load %arg10[%parallel_loop3A_186, %parallel_loop3A_187] {strides = array<i32>} : memref<80x128xf32, #tpu.memory_space<vmem>>, vector<1x16xf32>,
      %parallel_loop3A_189 = vector.shape_cast %parallel_loop3A_188 : vector<1x16xf32> to vector<16xf32>
      %parallel_loop3A_190 = vector.shape_cast %parallel_loop3A_185 : vector<16xf32> to vector<1x16xf32>
      tpu.vector_store %arg10[%parallel_loop3A_186, %parallel_loop3A_187], %parallel_loop3A_190 {strides = array<i32>} : memref<80x128xf32, #tpu.memory_space<vmem>>, vector<1x16xf32>,
      %parallel_loop3A_191 = arith.index_cast %parallel_loop3A_105 : i32 to index
      %parallel_loop3A_192 = arith.constant 80 : index
      %parallel_loop3A_193 = tpu.vector_load %arg10[%parallel_loop3A_191, %parallel_loop3A_192] {strides = array<i32>} : memref<80x128xf32, #tpu.memory_space<vmem>>, vector<1x16xf32>,
      %parallel_loop3A_194 = vector.shape_cast %parallel_loop3A_193 : vector<1x16xf32> to vector<16xf32>
      %parallel_loop3A_195 = arith.index_cast %parallel_loop3A_105 : i32 to index
      %parallel_loop3A_196 = arith.constant 80 : index
      %parallel_loop3A_197 = tpu.vector_load %arg8[%parallel_loop3A_195, %parallel_loop3A_196] {strides = array<i32>} : memref<80x128xf32, #tpu.memory_space<vmem>>, vector<1x16xf32>,
      %parallel_loop3A_198 = vector.shape_cast %parallel_loop3A_197 : vector<1x16xf32> to vector<16xf32>
      %parallel_loop3A_199 = arith.addf %parallel_loop3A_194, %parallel_loop3A_198 : vector<16xf32>
      %parallel_loop3A_200 = arith.constant 0.000000e+00 : f32
      %parallel_loop3A_201 = vector.broadcast %parallel_loop3A_200 : f32 to vector<16xf32>
      %parallel_loop3A_202 = arith.maximumf %parallel_loop3A_199, %parallel_loop3A_201 : vector<16xf32>
      %parallel_loop3A_203 = arith.index_cast %parallel_loop3A_105 : i32 to index
      %parallel_loop3A_204 = arith.constant 80 : index
      %parallel_loop3A_205 = tpu.vector_load %arg10[%parallel_loop3A_203, %parallel_loop3A_204] {strides = array<i32>} : memref<80x128xf32, #tpu.memory_space<vmem>>, vector<1x16xf32>,
      %parallel_loop3A_206 = vector.shape_cast %parallel_loop3A_205 : vector<1x16xf32> to vector<16xf32>
      %parallel_loop3A_207 = vector.shape_cast %parallel_loop3A_202 : vector<16xf32> to vector<1x16xf32>
      tpu.vector_store %arg10[%parallel_loop3A_203, %parallel_loop3A_204], %parallel_loop3A_207 {strides = array<i32>} : memref<80x128xf32, #tpu.memory_space<vmem>>, vector<1x16xf32>,
      %parallel_loop3A_208 = arith.index_cast %parallel_loop3A_105 : i32 to index
      %parallel_loop3A_209 = arith.constant 96 : index
      %parallel_loop3A_210 = tpu.vector_load %arg10[%parallel_loop3A_208, %parallel_loop3A_209] {strides = array<i32>} : memref<80x128xf32, #tpu.memory_space<vmem>>, vector<1x16xf32>,
      %parallel_loop3A_211 = vector.shape_cast %parallel_loop3A_210 : vector<1x16xf32> to vector<16xf32>
      %parallel_loop3A_212 = arith.index_cast %parallel_loop3A_105 : i32 to index
      %parallel_loop3A_213 = arith.constant 96 : index
      %parallel_loop3A_214 = tpu.vector_load %arg8[%parallel_loop3A_212, %parallel_loop3A_213] {strides = array<i32>} : memref<80x128xf32, #tpu.memory_space<vmem>>, vector<1x16xf32>,
      %parallel_loop3A_215 = vector.shape_cast %parallel_loop3A_214 : vector<1x16xf32> to vector<16xf32>
      %parallel_loop3A_216 = arith.addf %parallel_loop3A_211, %parallel_loop3A_215 : vector<16xf32>
      %parallel_loop3A_217 = arith.constant 0.000000e+00 : f32
      %parallel_loop3A_218 = vector.broadcast %parallel_loop3A_217 : f32 to vector<16xf32>
      %parallel_loop3A_219 = arith.maximumf %parallel_loop3A_216, %parallel_loop3A_218 : vector<16xf32>
      %parallel_loop3A_220 = arith.index_cast %parallel_loop3A_105 : i32 to index
      %parallel_loop3A_221 = arith.constant 96 : index
      %parallel_loop3A_222 = tpu.vector_load %arg10[%parallel_loop3A_220, %parallel_loop3A_221] {strides = array<i32>} : memref<80x128xf32, #tpu.memory_space<vmem>>, vector<1x16xf32>,
      %parallel_loop3A_223 = vector.shape_cast %parallel_loop3A_222 : vector<1x16xf32> to vector<16xf32>
      %parallel_loop3A_224 = vector.shape_cast %parallel_loop3A_219 : vector<16xf32> to vector<1x16xf32>
      tpu.vector_store %arg10[%parallel_loop3A_220, %parallel_loop3A_221], %parallel_loop3A_224 {strides = array<i32>} : memref<80x128xf32, #tpu.memory_space<vmem>>, vector<1x16xf32>,
      %parallel_loop3A_225 = arith.index_cast %parallel_loop3A_105 : i32 to index
      %parallel_loop3A_226 = arith.constant 112 : index
      %parallel_loop3A_227 = tpu.vector_load %arg10[%parallel_loop3A_225, %parallel_loop3A_226] {strides = array<i32>} : memref<80x128xf32, #tpu.memory_space<vmem>>, vector<1x16xf32>,
      %parallel_loop3A_228 = vector.shape_cast %parallel_loop3A_227 : vector<1x16xf32> to vector<16xf32>
      %parallel_loop3A_229 = arith.index_cast %parallel_loop3A_105 : i32 to index
      %parallel_loop3A_230 = arith.constant 112 : index
      %parallel_loop3A_231 = tpu.vector_load %arg8[%parallel_loop3A_229, %parallel_loop3A_230] {strides = array<i32>} : memref<80x128xf32, #tpu.memory_space<vmem>>, vector<1x16xf32>,
      %parallel_loop3A_232 = vector.shape_cast %parallel_loop3A_231 : vector<1x16xf32> to vector<16xf32>
      %parallel_loop3A_233 = arith.addf %parallel_loop3A_228, %parallel_loop3A_232 : vector<16xf32>
      %parallel_loop3A_234 = arith.constant 0.000000e+00 : f32
      %parallel_loop3A_235 = vector.broadcast %parallel_loop3A_234 : f32 to vector<16xf32>
      %parallel_loop3A_236 = arith.maximumf %parallel_loop3A_233, %parallel_loop3A_235 : vector<16xf32>
      %parallel_loop3A_237 = arith.index_cast %parallel_loop3A_105 : i32 to index
      %parallel_loop3A_238 = arith.constant 112 : index
      %parallel_loop3A_239 = tpu.vector_load %arg10[%parallel_loop3A_237, %parallel_loop3A_238] {strides = array<i32>} : memref<80x128xf32, #tpu.memory_space<vmem>>, vector<1x16xf32>,
      %parallel_loop3A_240 = vector.shape_cast %parallel_loop3A_239 : vector<1x16xf32> to vector<16xf32>
      %parallel_loop3A_241 = vector.shape_cast %parallel_loop3A_236 : vector<16xf32> to vector<1x16xf32>
      tpu.vector_store %arg10[%parallel_loop3A_237, %parallel_loop3A_238], %parallel_loop3A_241 {strides = array<i32>} : memref<80x128xf32, #tpu.memory_space<vmem>>, vector<1x16xf32>,
    } {sc.loop_unroll_factor = 4 : i64, sc.parallel_access}
    %run_scoped3A = arith.constant 1 : i32
    "tpu.region"() ({
      %run_scoped3A_105 = tpu.sem_alloc : memref<!tpu.dma_semaphore, #tpu.memory_space<semaphore_mem>>
      %dma_start3A_106 = arith.constant 0 : i32
      %dma_start3A_107 = tpu.memref_slice %arg6[%run_scoped3A, %dma_start3A_106] : memref<2x80xi32, #tpu.memory_space<vmem>> -> memref<1x80xi32, #tpu.memory_space<vmem>>
      %dma_start3A_108 = tpu.memref_squeeze %dma_start3A_107 : memref<1x80xi32, #tpu.memory_space<vmem>> -> memref<80xi32, #tpu.memory_space<vmem>>
      %dma_start3A_109 = arith.constant 0 : i32
      %dma_start3A_110 = arith.constant 0 : i32
      %dma_start3A_111 = tpu.memref_slice %arg12[%dma_start3A_109, %dma_start3A_110] : memref<10112x128xf32, #tpu.memory_space<vmem_shared>> -> memref<10112x128xf32, #tpu.memory_space<vmem_shared>>
      tpu.enqueue_indirect_dma source(%arg10 : memref<80x128xf32, #tpu.memory_space<vmem>>) target(%dma_start3A_111 : memref<10112x128xf32, #tpu.memory_space<vmem_shared>>) offsets(%dma_start3A_108 : memref<80xi32, #tpu.memory_space<vmem>>) semaphore(%run_scoped3A_105 : memref<!tpu.dma_semaphore, #tpu.memory_space<semaphore_mem>>) {add = true}
      %dma_wait3A_112 = arith.constant 0 : i32
      %dma_wait3A_113 = tpu.memref_slice %arg6[%run_scoped3A, %dma_wait3A_112] : memref<2x80xi32, #tpu.memory_space<vmem>> -> memref<1x80xi32, #tpu.memory_space<vmem>>
      %dma_wait3A_114 = tpu.memref_squeeze %dma_wait3A_113 : memref<1x80xi32, #tpu.memory_space<vmem>> -> memref<80xi32, #tpu.memory_space<vmem>>
      %dma_wait3A_115 = arith.constant 0 : i32
      %dma_wait3A_116 = arith.constant 0 : i32
      %dma_wait3A_117 = tpu.memref_slice %arg12[%dma_wait3A_115, %dma_wait3A_116] : memref<10112x128xf32, #tpu.memory_space<vmem_shared>> -> memref<10112x128xf32, #tpu.memory_space<vmem_shared>>
      tpu.wait_indirect_dma semaphore(%run_scoped3A_105 : memref<!tpu.dma_semaphore, #tpu.memory_space<semaphore_mem>>) src(%arg10 : memref<80x128xf32, #tpu.memory_space<vmem>>) dst(%dma_wait3A_117 : memref<10112x128xf32, #tpu.memory_space<vmem_shared>>)
      tpu.yield
    }) : () -> ()
    %barrier3A_100 = arith.constant 0 : index
    tpu.barrier barrier_id(%barrier3A_100)
    %mul3A_101 = arith.constant 632 : i32
    %mul3A_102 = arith.muli %arg1, %mul3A_101 : i32
    %mul3A_103 = arith.constant 632 : i32
    %mul3A_104 = arith.muli %arg1, %mul3A_103 : i32
    "tpu.region"() ({
      %run_scoped3A_105 = tpu.sem_alloc : memref<!tpu.dma_semaphore, #tpu.memory_space<semaphore_mem>>
      %dma_start3A_106 = arith.constant 0 : i32
      %dma_start3A_107 = tpu.memref_slice %arg5[%arg0, %mul3A_104, %dma_start3A_106] : memref<2x10112x128xf32, #tpu.memory_space<hbm>> -> memref<1x632x128xf32, #tpu.memory_space<hbm>>
      %dma_start3A_108 = tpu.memref_squeeze %dma_start3A_107 : memref<1x632x128xf32, #tpu.memory_space<hbm>> -> memref<632x128xf32, #tpu.memory_space<hbm>>
      %dma_start3A_109 = arith.constant 0 : i32
      %dma_start3A_110 = tpu.memref_slice %arg12[%mul3A_102, %dma_start3A_109] : memref<10112x128xf32, #tpu.memory_space<vmem_shared>> -> memref<632x128xf32, #tpu.memory_space<vmem_shared>>
      tpu.enqueue_dma source(%dma_start3A_110 : memref<632x128xf32, #tpu.memory_space<vmem_shared>>) target(%dma_start3A_108 : memref<632x128xf32, #tpu.memory_space<hbm>>) target_semaphore(%run_scoped3A_105 : memref<!tpu.dma_semaphore, #tpu.memory_space<semaphore_mem>>)
      %dma_wait3A_111 = arith.constant 0 : i32
      %dma_wait3A_112 = tpu.memref_slice %arg5[%arg0, %mul3A_104, %dma_wait3A_111] : memref<2x10112x128xf32, #tpu.memory_space<hbm>> -> memref<1x632x128xf32, #tpu.memory_space<hbm>>
      %dma_wait3A_113 = tpu.memref_squeeze %dma_wait3A_112 : memref<1x632x128xf32, #tpu.memory_space<hbm>> -> memref<632x128xf32, #tpu.memory_space<hbm>>
      %dma_wait3A_114 = arith.constant 0 : i32
      %dma_wait3A_115 = tpu.memref_slice %arg12[%mul3A_102, %dma_wait3A_114] : memref<10112x128xf32, #tpu.memory_space<vmem_shared>> -> memref<632x128xf32, #tpu.memory_space<vmem_shared>>
      tpu.wait_dma2 semaphore(%run_scoped3A_105 : memref<!tpu.dma_semaphore, #tpu.memory_space<semaphore_mem>>) src(%dma_wait3A_115 : memref<632x128xf32, #tpu.memory_space<vmem_shared>>) dst(%dma_wait3A_113 : memref<632x128xf32, #tpu.memory_space<hbm>>)
      tpu.yield
    }) : () -> ()
    return
  }
}

module attributes {stable_mosaic.version = 14 : i64} {
  func.func @_edge_body(%arg0: i32, %arg1: memref<16x12800xf32, #tpu.memory_space<vmem>>, %arg2: memref<16x128xf32, #tpu.memory_space<vmem>>, %arg3: memref<1x128xf32, #tpu.memory_space<vmem>>, %arg4: memref<12800x128xf32, #tpu.memory_space<vmem>>) attributes {dimension_semantics = [#tpu.dimension_semantics<arbitrary>], iteration_bounds = array<i64: 25>, scalar_prefetch = 0 : i64, scratch_operands = 0 : i64, tpu.core_type = #tpu.core_type<tc>, window_params = [{transform_indices = @transform_0, window_bounds = array<i64: 16, 12800>}, {pipeline_mode = #tpu.pipeline_mode<synchronous>, transform_indices = @transform_1, window_bounds = array<i64: 16, 128>}, {pipeline_mode = #tpu.pipeline_mode<synchronous>, transform_indices = @transform_2, window_bounds = array<i64: 1, 128>}, {transform_indices = @transform_3, window_bounds = array<i64: 12800, 128>}]} {
    %get3A = arith.constant 0 : index
    %get3A_0 = arith.constant 0 : index
    %get3A_1 = vector.load %arg1[%get3A, %get3A_0] : memref<16x12800xf32, #tpu.memory_space<vmem>>, vector<16x12800xf32>
    %get3A_2 = arith.constant 0 : index
    %get3A_3 = arith.constant 0 : index
    %get3A_4 = vector.load %arg2[%get3A_2, %get3A_3] : memref<16x128xf32, #tpu.memory_space<vmem>>, vector<16x128xf32>
    %dot_general3A = arith.constant dense<0.000000e+00> : vector<12800x128xf32>
    %dot_general3A_5 = tpu.matmul %get3A_1, %get3A_4, %dot_general3A {dimension_numbers = #tpu.dot_dimension_numbers<[0], [0], [1], [1], [0, 1, 1, 1], [], []>, transpose_lhs_hint = false} : vector<16x12800xf32>, vector<16x128xf32>, vector<12800x128xf32> -> vector<12800x128xf32>
    %get3A_6 = arith.constant 0 : index
    %get3A_7 = arith.constant 0 : index
    %get3A_8 = vector.load %arg3[%get3A_6, %get3A_7] : memref<1x128xf32, #tpu.memory_space<vmem>>, vector<1x128xf32>
    %get3A_9 = vector.shape_cast %get3A_8 : vector<1x128xf32> to vector<128xf32>
    %broadcast_in_dim3A = vector.shape_cast %get3A_9 : vector<128xf32> to vector<1x128xf32>
    %add3A = vector.broadcast %broadcast_in_dim3A : vector<1x128xf32> to vector<12800x128xf32>
    %add3A_10 = arith.addf %dot_general3A_5, %add3A : vector<12800x128xf32>
    %swap3A = arith.constant 0 : index
    %swap3A_11 = arith.constant 0 : index
    %swap3A_12 = vector.load %arg4[%swap3A, %swap3A_11] : memref<12800x128xf32, #tpu.memory_space<vmem>>, vector<12800x128xf32>
    tpu.vector_store %arg4[%swap3A, %swap3A_11], %add3A_10 {strides = array<i32>} : memref<12800x128xf32, #tpu.memory_space<vmem>>, vector<12800x128xf32>,
    return
  }
  func.func @transform_0(%arg0: i32) -> (i32, i32) {
    %c0_i32 = arith.constant 0 : i32
    %c0_i32_0 = arith.constant 0 : i32
    return %c0_i32, %arg0 : i32, i32
  }
  func.func @transform_1(%arg0: i32) -> (i32, i32) {
    %c0_i32 = arith.constant 0 : i32
    %c0_i32_0 = arith.constant 0 : i32
    %c0_i32_1 = arith.constant 0 : i32
    return %c0_i32, %c0_i32_0 : i32, i32
  }
  func.func @transform_2(%arg0: i32) -> (i32, i32) {
    %c0_i32 = arith.constant 0 : i32
    %c0_i32_0 = arith.constant 0 : i32
    %c0_i32_1 = arith.constant 0 : i32
    return %c0_i32, %c0_i32_0 : i32, i32
  }
  func.func @transform_3(%arg0: i32) -> (i32, i32) {
    %c0_i32 = arith.constant 0 : i32
    %c0_i32_0 = arith.constant 0 : i32
    return %arg0, %c0_i32 : i32, i32
  }
}

module attributes {stable_mosaic.version = 14 : i64} {
  func.func @_mlp_body(%arg0: i32, %arg1: memref<2x1000x128xf32, #tpu.memory_space<vmem>>, %arg2: memref<1000x128xf32, #tpu.memory_space<vmem>>, %arg3: memref<1x128xf32, #tpu.memory_space<vmem>>, %arg4: memref<128x128xf32, #tpu.memory_space<vmem>>, %arg5: memref<1x128xf32, #tpu.memory_space<vmem>>, %arg6: memref<1x128xf32, #tpu.memory_space<vmem>>, %arg7: memref<1x128xf32, #tpu.memory_space<vmem>>, %arg8: memref<128x128xf32, #tpu.memory_space<vmem>>, %arg9: memref<1x128xf32, #tpu.memory_space<vmem>>, %arg10: memref<1x128xf32, #tpu.memory_space<vmem>>, %arg11: memref<1x128xf32, #tpu.memory_space<vmem>>, %arg12: memref<1x1x1000xi32, #tpu.memory_space<vmem>>, %arg13: memref<1000x128xf32, #tpu.memory_space<vmem>>, %arg14: memref<64x128xf32, #tpu.memory_space<vmem>>) attributes {dimension_semantics = [#tpu.dimension_semantics<arbitrary>], iteration_bounds = array<i64: 10>, scalar_prefetch = 0 : i64, scratch_operands = 0 : i64, tpu.core_type = #tpu.core_type<tc>, window_params = [{transform_indices = @transform_0, window_bounds = array<i64: 2, 1000, 128>}, {transform_indices = @transform_1, window_bounds = array<i64: 1000, 128>}, {pipeline_mode = #tpu.pipeline_mode<synchronous>, transform_indices = @transform_2, window_bounds = array<i64: 1, 128>}, {pipeline_mode = #tpu.pipeline_mode<synchronous>, transform_indices = @transform_3, window_bounds = array<i64: 128, 128>}, {pipeline_mode = #tpu.pipeline_mode<synchronous>, transform_indices = @transform_4, window_bounds = array<i64: 1, 128>}, {pipeline_mode = #tpu.pipeline_mode<synchronous>, transform_indices = @transform_5, window_bounds = array<i64: 1, 128>}, {pipeline_mode = #tpu.pipeline_mode<synchronous>, transform_indices = @transform_6, window_bounds = array<i64: 1, 128>}, {pipeline_mode = #tpu.pipeline_mode<synchronous>, transform_indices = @transform_7, window_bounds = array<i64: 128, 128>}, {pipeline_mode = #tpu.pipeline_mode<synchronous>, transform_indices = @transform_8, window_bounds = array<i64: 1, 128>}, {pipeline_mode = #tpu.pipeline_mode<synchronous>, transform_indices = @transform_9, window_bounds = array<i64: 1, 128>}, {pipeline_mode = #tpu.pipeline_mode<synchronous>, transform_indices = @transform_10, window_bounds = array<i64: 1, 128>}, {transform_indices = @transform_11, window_bounds = array<i64: 1, 1, 1000>}, {transform_indices = @transform_12, window_bounds = array<i64: 1000, 128>}, {pipeline_mode = #tpu.pipeline_mode<synchronous>, transform_indices = @transform_13, window_bounds = array<i64: 64, 128>}]} {
    %get3A = arith.constant 0 : index
    %get3A_0 = arith.constant 0 : index
    %get3A_1 = arith.constant 0 : index
    %get3A_2 = vector.load %arg1[%get3A, %get3A_0, %get3A_1] : memref<2x1000x128xf32, #tpu.memory_space<vmem>>, vector<1x1000x128xf32>
    %get3A_3 = vector.shape_cast %get3A_2 : vector<1x1000x128xf32> to vector<1000x128xf32>
    %get3A_4 = arith.constant 1 : index
    %get3A_5 = arith.constant 0 : index
    %get3A_6 = arith.constant 0 : index
    %get3A_7 = vector.load %arg1[%get3A_4, %get3A_5, %get3A_6] : memref<2x1000x128xf32, #tpu.memory_space<vmem>>, vector<1x1000x128xf32>
    %get3A_8 = vector.shape_cast %get3A_7 : vector<1x1000x128xf32> to vector<1000x128xf32>
    %add3A = arith.addf %get3A_3, %get3A_8 : vector<1000x128xf32>
    %get3A_9 = arith.constant 0 : index
    %get3A_10 = arith.constant 0 : index
    %get3A_11 = vector.load %arg3[%get3A_9, %get3A_10] : memref<1x128xf32, #tpu.memory_space<vmem>>, vector<1x128xf32>
    %get3A_12 = vector.shape_cast %get3A_11 : vector<1x128xf32> to vector<128xf32>
    %get3A_13 = arith.constant 0 : index
    %get3A_14 = arith.constant 0 : index
    %get3A_15 = vector.load %arg2[%get3A_13, %get3A_14] : memref<1000x128xf32, #tpu.memory_space<vmem>>, vector<1000x128xf32>
    %broadcast_in_dim3A = vector.shape_cast %get3A_12 : vector<128xf32> to vector<1x128xf32>
    %mul3A = vector.broadcast %broadcast_in_dim3A : vector<1x128xf32> to vector<1000x128xf32>
    %mul3A_16 = arith.mulf %mul3A, %get3A_15 : vector<1000x128xf32>
    %add3A_17 = arith.addf %add3A, %mul3A_16 : vector<1000x128xf32>
    %get3A_18 = arith.constant 0 : index
    %get3A_19 = arith.constant 0 : index
    %get3A_20 = vector.load %arg4[%get3A_18, %get3A_19] : memref<128x128xf32, #tpu.memory_space<vmem>>, vector<128x128xf32>
    %dot_general3A = arith.constant dense<0.000000e+00> : vector<1000x128xf32>
    %dot_general3A_21 = tpu.matmul %add3A_17, %get3A_20, %dot_general3A {dimension_numbers = #tpu.dot_dimension_numbers<[1], [0], [0], [1], [0, 0, 1, 1], [], []>, transpose_lhs_hint = false} : vector<1000x128xf32>, vector<128x128xf32>, vector<1000x128xf32> -> vector<1000x128xf32>
    %get3A_22 = arith.constant 0 : index
    %get3A_23 = arith.constant 0 : index
    %get3A_24 = vector.load %arg5[%get3A_22, %get3A_23] : memref<1x128xf32, #tpu.memory_space<vmem>>, vector<1x128xf32>
    %get3A_25 = vector.shape_cast %get3A_24 : vector<1x128xf32> to vector<128xf32>
    %broadcast_in_dim3A_26 = vector.shape_cast %get3A_25 : vector<128xf32> to vector<1x128xf32>
    %add3A_27 = vector.broadcast %broadcast_in_dim3A_26 : vector<1x128xf32> to vector<1000x128xf32>
    %add3A_28 = arith.addf %dot_general3A_21, %add3A_27 : vector<1000x128xf32>
    %get3A_29 = arith.constant 0 : index
    %get3A_30 = arith.constant 0 : index
    %get3A_31 = vector.load %arg6[%get3A_29, %get3A_30] : memref<1x128xf32, #tpu.memory_space<vmem>>, vector<1x128xf32>
    %get3A_32 = vector.shape_cast %get3A_31 : vector<1x128xf32> to vector<128xf32>
    %broadcast_in_dim3A_33 = vector.shape_cast %get3A_32 : vector<128xf32> to vector<1x128xf32>
    %mul3A_34 = vector.broadcast %broadcast_in_dim3A_33 : vector<1x128xf32> to vector<1000x128xf32>
    %mul3A_35 = arith.mulf %add3A_28, %mul3A_34 : vector<1000x128xf32>
    %get3A_36 = arith.constant 0 : index
    %get3A_37 = arith.constant 0 : index
    %get3A_38 = vector.load %arg7[%get3A_36, %get3A_37] : memref<1x128xf32, #tpu.memory_space<vmem>>, vector<1x128xf32>
    %get3A_39 = vector.shape_cast %get3A_38 : vector<1x128xf32> to vector<128xf32>
    %broadcast_in_dim3A_40 = vector.shape_cast %get3A_39 : vector<128xf32> to vector<1x128xf32>
    %add3A_41 = vector.broadcast %broadcast_in_dim3A_40 : vector<1x128xf32> to vector<1000x128xf32>
    %add3A_42 = arith.addf %mul3A_35, %add3A_41 : vector<1000x128xf32>
    %max3A = arith.constant 0.000000e+00 : f32
    %max3A_43 = vector.broadcast %max3A : f32 to vector<1000x128xf32>
    %max3A_44 = arith.maximumf %add3A_42, %max3A_43 : vector<1000x128xf32>
    %get3A_45 = arith.constant 0 : index
    %get3A_46 = arith.constant 0 : index
    %get3A_47 = vector.load %arg8[%get3A_45, %get3A_46] : memref<128x128xf32, #tpu.memory_space<vmem>>, vector<128x128xf32>
    %dot_general3A_48 = arith.constant dense<0.000000e+00> : vector<1000x128xf32>
    %dot_general3A_49 = tpu.matmul %max3A_44, %get3A_47, %dot_general3A_48 {dimension_numbers = #tpu.dot_dimension_numbers<[1], [0], [0], [1], [0, 0, 1, 1], [], []>, transpose_lhs_hint = false} : vector<1000x128xf32>, vector<128x128xf32>, vector<1000x128xf32> -> vector<1000x128xf32>
    %get3A_50 = arith.constant 0 : index
    %get3A_51 = arith.constant 0 : index
    %get3A_52 = vector.load %arg9[%get3A_50, %get3A_51] : memref<1x128xf32, #tpu.memory_space<vmem>>, vector<1x128xf32>
    %get3A_53 = vector.shape_cast %get3A_52 : vector<1x128xf32> to vector<128xf32>
    %broadcast_in_dim3A_54 = vector.shape_cast %get3A_53 : vector<128xf32> to vector<1x128xf32>
    %add3A_55 = vector.broadcast %broadcast_in_dim3A_54 : vector<1x128xf32> to vector<1000x128xf32>
    %add3A_56 = arith.addf %dot_general3A_49, %add3A_55 : vector<1000x128xf32>
    %max3A_57 = arith.constant 0.000000e+00 : f32
    %max3A_58 = vector.broadcast %max3A_57 : f32 to vector<1000x128xf32>
    %max3A_59 = arith.maximumf %add3A_56, %max3A_58 : vector<1000x128xf32>
    %get3A_60 = arith.constant 0 : index
    %get3A_61 = arith.constant 0 : index
    %get3A_62 = vector.load %arg10[%get3A_60, %get3A_61] : memref<1x128xf32, #tpu.memory_space<vmem>>, vector<1x128xf32>
    %get3A_63 = vector.shape_cast %get3A_62 : vector<1x128xf32> to vector<128xf32>
    %broadcast_in_dim3A_64 = vector.shape_cast %get3A_63 : vector<128xf32> to vector<1x128xf32>
    %mul3A_65 = vector.broadcast %broadcast_in_dim3A_64 : vector<1x128xf32> to vector<1000x128xf32>
    %mul3A_66 = arith.mulf %max3A_59, %mul3A_65 : vector<1000x128xf32>
    %get3A_67 = arith.constant 0 : index
    %get3A_68 = arith.constant 0 : index
    %get3A_69 = vector.load %arg11[%get3A_67, %get3A_68] : memref<1x128xf32, #tpu.memory_space<vmem>>, vector<1x128xf32>
    %get3A_70 = vector.shape_cast %get3A_69 : vector<1x128xf32> to vector<128xf32>
    %broadcast_in_dim3A_71 = vector.shape_cast %get3A_70 : vector<128xf32> to vector<1x128xf32>
    %add3A_72 = vector.broadcast %broadcast_in_dim3A_71 : vector<1x128xf32> to vector<1000x128xf32>
    %add3A_73 = arith.addf %mul3A_66, %add3A_72 : vector<1000x128xf32>
    %swap3A = arith.constant 0 : index
    %swap3A_74 = arith.constant 0 : index
    %swap3A_75 = vector.load %arg13[%swap3A, %swap3A_74] : memref<1000x128xf32, #tpu.memory_space<vmem>>, vector<1000x128xf32>
    tpu.vector_store %arg13[%swap3A, %swap3A_74], %add3A_73 {strides = array<i32>} : memref<1000x128xf32, #tpu.memory_space<vmem>>, vector<1000x128xf32>,
    %get3A_76 = arith.constant 0 : index
    %get3A_77 = arith.constant 0 : index
    %get3A_78 = arith.constant 0 : index
    %get3A_79 = vector.load %arg12[%get3A_76, %get3A_77, %get3A_78] : memref<1x1x1000xi32, #tpu.memory_space<vmem>>, vector<1x1x1000xi32>
    %get3A_80 = vector.shape_cast %get3A_79 : vector<1x1x1000xi32> to vector<1x1000xi32>
    %iota3A = tpu.iota {dimensions = array<i32: 0>} : vector<64x1000xi32>
    %eq3A = vector.broadcast %get3A_80 : vector<1x1000xi32> to vector<64x1000xi32>
    %eq3A_81 = arith.cmpi eq, %iota3A, %eq3A : vector<64x1000xi32>
    %convert_element_type3A = arith.extui %eq3A_81 : vector<64x1000xi1> to vector<64x1000xi32>
    %convert_element_type3A_82 = arith.sitofp %convert_element_type3A : vector<64x1000xi32> to vector<64x1000xf32>
    %dot_general3A_83 = arith.constant dense<0.000000e+00> : vector<64x128xf32>
    %dot_general3A_84 = tpu.matmul %convert_element_type3A_82, %add3A_73, %dot_general3A_83 {dimension_numbers = #tpu.dot_dimension_numbers<[1], [0], [0], [1], [0, 0, 1, 1], [], []>, transpose_lhs_hint = false} : vector<64x1000xf32>, vector<1000x128xf32>, vector<64x128xf32> -> vector<64x128xf32>
    %eq3A_85 = arith.constant 0 : i32
    %eq3A_86 = arith.cmpi eq, %arg0, %eq3A_85 : i32
    %convert_element_type3A_87 = arith.extui %eq3A_86 : i1 to i32
    %cond3A = arith.constant 0 : i32
    %cond3A_88 = arith.cmpi ne, %convert_element_type3A_87, %cond3A : i32
    scf.if %cond3A_88 {
      %swap3A_93 = arith.constant 0 : index
      %swap3A_94 = arith.constant 0 : index
      %swap3A_95 = vector.load %arg14[%swap3A_93, %swap3A_94] : memref<64x128xf32, #tpu.memory_space<vmem>>, vector<64x128xf32>
      tpu.vector_store %arg14[%swap3A_93, %swap3A_94], %dot_general3A_84 {strides = array<i32>} : memref<64x128xf32, #tpu.memory_space<vmem>>, vector<64x128xf32>,
    } else {
    }
    %ne3A = arith.constant 0 : i32
    %ne3A_89 = arith.cmpi ne, %arg0, %ne3A : i32
    %convert_element_type3A_90 = arith.extui %ne3A_89 : i1 to i32
    %cond3A_91 = arith.constant 0 : i32
    %cond3A_92 = arith.cmpi ne, %convert_element_type3A_90, %cond3A_91 : i32
    scf.if %cond3A_92 {
      %get3A_93 = arith.constant 0 : index
      %get3A_94 = arith.constant 0 : index
      %get3A_95 = vector.load %arg14[%get3A_93, %get3A_94] : memref<64x128xf32, #tpu.memory_space<vmem>>, vector<64x128xf32>
      %add3A_96 = arith.addf %get3A_95, %dot_general3A_84 : vector<64x128xf32>
      %swap3A_97 = arith.constant 0 : index
      %swap3A_98 = arith.constant 0 : index
      %swap3A_99 = vector.load %arg14[%swap3A_97, %swap3A_98] : memref<64x128xf32, #tpu.memory_space<vmem>>, vector<64x128xf32>
      tpu.vector_store %arg14[%swap3A_97, %swap3A_98], %add3A_96 {strides = array<i32>} : memref<64x128xf32, #tpu.memory_space<vmem>>, vector<64x128xf32>,
    } else {
    }
    return
  }
  func.func @transform_0(%arg0: i32) -> (i32, i32, i32) {
    %c0_i32 = arith.constant 0 : i32
    %c0_i32_0 = arith.constant 0 : i32
    %c0_i32_1 = arith.constant 0 : i32
    return %c0_i32, %arg0, %c0_i32_0 : i32, i32, i32
  }
  func.func @transform_1(%arg0: i32) -> (i32, i32) {
    %c0_i32 = arith.constant 0 : i32
    %c0_i32_0 = arith.constant 0 : i32
    return %arg0, %c0_i32 : i32, i32
  }
  func.func @transform_2(%arg0: i32) -> (i32, i32) {
    %c0_i32 = arith.constant 0 : i32
    %c0_i32_0 = arith.constant 0 : i32
    %c0_i32_1 = arith.constant 0 : i32
    return %c0_i32, %c0_i32_0 : i32, i32
  }
  func.func @transform_3(%arg0: i32) -> (i32, i32) {
    %c0_i32 = arith.constant 0 : i32
    %c0_i32_0 = arith.constant 0 : i32
    %c0_i32_1 = arith.constant 0 : i32
    return %c0_i32, %c0_i32_0 : i32, i32
  }
  func.func @transform_4(%arg0: i32) -> (i32, i32) {
    %c0_i32 = arith.constant 0 : i32
    %c0_i32_0 = arith.constant 0 : i32
    %c0_i32_1 = arith.constant 0 : i32
    return %c0_i32, %c0_i32_0 : i32, i32
  }
  func.func @transform_5(%arg0: i32) -> (i32, i32) {
    %c0_i32 = arith.constant 0 : i32
    %c0_i32_0 = arith.constant 0 : i32
    %c0_i32_1 = arith.constant 0 : i32
    return %c0_i32, %c0_i32_0 : i32, i32
  }
  func.func @transform_6(%arg0: i32) -> (i32, i32) {
    %c0_i32 = arith.constant 0 : i32
    %c0_i32_0 = arith.constant 0 : i32
    %c0_i32_1 = arith.constant 0 : i32
    return %c0_i32, %c0_i32_0 : i32, i32
  }
  func.func @transform_7(%arg0: i32) -> (i32, i32) {
    %c0_i32 = arith.constant 0 : i32
    %c0_i32_0 = arith.constant 0 : i32
    %c0_i32_1 = arith.constant 0 : i32
    return %c0_i32, %c0_i32_0 : i32, i32
  }
  func.func @transform_8(%arg0: i32) -> (i32, i32) {
    %c0_i32 = arith.constant 0 : i32
    %c0_i32_0 = arith.constant 0 : i32
    %c0_i32_1 = arith.constant 0 : i32
    return %c0_i32, %c0_i32_0 : i32, i32
  }
  func.func @transform_9(%arg0: i32) -> (i32, i32) {
    %c0_i32 = arith.constant 0 : i32
    %c0_i32_0 = arith.constant 0 : i32
    %c0_i32_1 = arith.constant 0 : i32
    return %c0_i32, %c0_i32_0 : i32, i32
  }
  func.func @transform_10(%arg0: i32) -> (i32, i32) {
    %c0_i32 = arith.constant 0 : i32
    %c0_i32_0 = arith.constant 0 : i32
    %c0_i32_1 = arith.constant 0 : i32
    return %c0_i32, %c0_i32_0 : i32, i32
  }
  func.func @transform_11(%arg0: i32) -> (i32, i32, i32) {
    %c0_i32 = arith.constant 0 : i32
    %c0_i32_0 = arith.constant 0 : i32
    %c0_i32_1 = arith.constant 0 : i32
    return %arg0, %c0_i32, %c0_i32_0 : i32, i32, i32
  }
  func.func @transform_12(%arg0: i32) -> (i32, i32) {
    %c0_i32 = arith.constant 0 : i32
    %c0_i32_0 = arith.constant 0 : i32
    return %arg0, %c0_i32 : i32, i32
  }
  func.func @transform_13(%arg0: i32) -> (i32, i32) {
    %c0_i32 = arith.constant 0 : i32
    %c0_i32_0 = arith.constant 0 : i32
    %c0_i32_1 = arith.constant 0 : i32
    return %c0_i32, %c0_i32_0 : i32, i32
  }
}

module attributes {stable_mosaic.version = 14 : i64} {
  func.func @_mlp_body(%arg0: i32, %arg1: memref<2x1000x128xf32, #tpu.memory_space<vmem>>, %arg2: memref<1000x128xf32, #tpu.memory_space<vmem>>, %arg3: memref<1x128xf32, #tpu.memory_space<vmem>>, %arg4: memref<128x128xf32, #tpu.memory_space<vmem>>, %arg5: memref<1x128xf32, #tpu.memory_space<vmem>>, %arg6: memref<1x128xf32, #tpu.memory_space<vmem>>, %arg7: memref<1x128xf32, #tpu.memory_space<vmem>>, %arg8: memref<128x128xf32, #tpu.memory_space<vmem>>, %arg9: memref<1x128xf32, #tpu.memory_space<vmem>>, %arg10: memref<1x128xf32, #tpu.memory_space<vmem>>, %arg11: memref<1x128xf32, #tpu.memory_space<vmem>>, %arg12: memref<1x1x1000xi32, #tpu.memory_space<vmem>>, %arg13: memref<1000x128xf32, #tpu.memory_space<vmem>>, %arg14: memref<64x128xf32, #tpu.memory_space<vmem>>) attributes {dimension_semantics = [#tpu.dimension_semantics<arbitrary>], iteration_bounds = array<i64: 10>, scalar_prefetch = 0 : i64, scratch_operands = 0 : i64, tpu.core_type = #tpu.core_type<tc>, window_params = [{transform_indices = @transform_0, window_bounds = array<i64: 2, 1000, 128>}, {transform_indices = @transform_1, window_bounds = array<i64: 1000, 128>}, {pipeline_mode = #tpu.pipeline_mode<synchronous>, transform_indices = @transform_2, window_bounds = array<i64: 1, 128>}, {pipeline_mode = #tpu.pipeline_mode<synchronous>, transform_indices = @transform_3, window_bounds = array<i64: 128, 128>}, {pipeline_mode = #tpu.pipeline_mode<synchronous>, transform_indices = @transform_4, window_bounds = array<i64: 1, 128>}, {pipeline_mode = #tpu.pipeline_mode<synchronous>, transform_indices = @transform_5, window_bounds = array<i64: 1, 128>}, {pipeline_mode = #tpu.pipeline_mode<synchronous>, transform_indices = @transform_6, window_bounds = array<i64: 1, 128>}, {pipeline_mode = #tpu.pipeline_mode<synchronous>, transform_indices = @transform_7, window_bounds = array<i64: 128, 128>}, {pipeline_mode = #tpu.pipeline_mode<synchronous>, transform_indices = @transform_8, window_bounds = array<i64: 1, 128>}, {pipeline_mode = #tpu.pipeline_mode<synchronous>, transform_indices = @transform_9, window_bounds = array<i64: 1, 128>}, {pipeline_mode = #tpu.pipeline_mode<synchronous>, transform_indices = @transform_10, window_bounds = array<i64: 1, 128>}, {transform_indices = @transform_11, window_bounds = array<i64: 1, 1, 1000>}, {transform_indices = @transform_12, window_bounds = array<i64: 1000, 128>}, {pipeline_mode = #tpu.pipeline_mode<synchronous>, transform_indices = @transform_13, window_bounds = array<i64: 64, 128>}]} {
    %get3A = arith.constant 0 : index
    %get3A_0 = arith.constant 0 : index
    %get3A_1 = arith.constant 0 : index
    %get3A_2 = vector.load %arg1[%get3A, %get3A_0, %get3A_1] : memref<2x1000x128xf32, #tpu.memory_space<vmem>>, vector<1x1000x128xf32>
    %get3A_3 = vector.shape_cast %get3A_2 : vector<1x1000x128xf32> to vector<1000x128xf32>
    %get3A_4 = arith.constant 1 : index
    %get3A_5 = arith.constant 0 : index
    %get3A_6 = arith.constant 0 : index
    %get3A_7 = vector.load %arg1[%get3A_4, %get3A_5, %get3A_6] : memref<2x1000x128xf32, #tpu.memory_space<vmem>>, vector<1x1000x128xf32>
    %get3A_8 = vector.shape_cast %get3A_7 : vector<1x1000x128xf32> to vector<1000x128xf32>
    %add3A = arith.addf %get3A_3, %get3A_8 : vector<1000x128xf32>
    %get3A_9 = arith.constant 0 : index
    %get3A_10 = arith.constant 0 : index
    %get3A_11 = vector.load %arg3[%get3A_9, %get3A_10] : memref<1x128xf32, #tpu.memory_space<vmem>>, vector<1x128xf32>
    %get3A_12 = vector.shape_cast %get3A_11 : vector<1x128xf32> to vector<128xf32>
    %get3A_13 = arith.constant 0 : index
    %get3A_14 = arith.constant 0 : index
    %get3A_15 = vector.load %arg2[%get3A_13, %get3A_14] : memref<1000x128xf32, #tpu.memory_space<vmem>>, vector<1000x128xf32>
    %broadcast_in_dim3A = vector.shape_cast %get3A_12 : vector<128xf32> to vector<1x128xf32>
    %mul3A = vector.broadcast %broadcast_in_dim3A : vector<1x128xf32> to vector<1000x128xf32>
    %mul3A_16 = arith.mulf %mul3A, %get3A_15 : vector<1000x128xf32>
    %add3A_17 = arith.addf %add3A, %mul3A_16 : vector<1000x128xf32>
    %get3A_18 = arith.constant 0 : index
    %get3A_19 = arith.constant 0 : index
    %get3A_20 = vector.load %arg4[%get3A_18, %get3A_19] : memref<128x128xf32, #tpu.memory_space<vmem>>, vector<128x128xf32>
    %dot_general3A = arith.constant dense<0.000000e+00> : vector<1000x128xf32>
    %dot_general3A_21 = tpu.matmul %add3A_17, %get3A_20, %dot_general3A {dimension_numbers = #tpu.dot_dimension_numbers<[1], [0], [0], [1], [0, 0, 1, 1], [], []>, transpose_lhs_hint = false} : vector<1000x128xf32>, vector<128x128xf32>, vector<1000x128xf32> -> vector<1000x128xf32>
    %get3A_22 = arith.constant 0 : index
    %get3A_23 = arith.constant 0 : index
    %get3A_24 = vector.load %arg5[%get3A_22, %get3A_23] : memref<1x128xf32, #tpu.memory_space<vmem>>, vector<1x128xf32>
    %get3A_25 = vector.shape_cast %get3A_24 : vector<1x128xf32> to vector<128xf32>
    %broadcast_in_dim3A_26 = vector.shape_cast %get3A_25 : vector<128xf32> to vector<1x128xf32>
    %add3A_27 = vector.broadcast %broadcast_in_dim3A_26 : vector<1x128xf32> to vector<1000x128xf32>
    %add3A_28 = arith.addf %dot_general3A_21, %add3A_27 : vector<1000x128xf32>
    %get3A_29 = arith.constant 0 : index
    %get3A_30 = arith.constant 0 : index
    %get3A_31 = vector.load %arg6[%get3A_29, %get3A_30] : memref<1x128xf32, #tpu.memory_space<vmem>>, vector<1x128xf32>
    %get3A_32 = vector.shape_cast %get3A_31 : vector<1x128xf32> to vector<128xf32>
    %broadcast_in_dim3A_33 = vector.shape_cast %get3A_32 : vector<128xf32> to vector<1x128xf32>
    %mul3A_34 = vector.broadcast %broadcast_in_dim3A_33 : vector<1x128xf32> to vector<1000x128xf32>
    %mul3A_35 = arith.mulf %add3A_28, %mul3A_34 : vector<1000x128xf32>
    %get3A_36 = arith.constant 0 : index
    %get3A_37 = arith.constant 0 : index
    %get3A_38 = vector.load %arg7[%get3A_36, %get3A_37] : memref<1x128xf32, #tpu.memory_space<vmem>>, vector<1x128xf32>
    %get3A_39 = vector.shape_cast %get3A_38 : vector<1x128xf32> to vector<128xf32>
    %broadcast_in_dim3A_40 = vector.shape_cast %get3A_39 : vector<128xf32> to vector<1x128xf32>
    %add3A_41 = vector.broadcast %broadcast_in_dim3A_40 : vector<1x128xf32> to vector<1000x128xf32>
    %add3A_42 = arith.addf %mul3A_35, %add3A_41 : vector<1000x128xf32>
    %max3A = arith.constant 0.000000e+00 : f32
    %max3A_43 = vector.broadcast %max3A : f32 to vector<1000x128xf32>
    %max3A_44 = arith.maximumf %add3A_42, %max3A_43 : vector<1000x128xf32>
    %get3A_45 = arith.constant 0 : index
    %get3A_46 = arith.constant 0 : index
    %get3A_47 = vector.load %arg8[%get3A_45, %get3A_46] : memref<128x128xf32, #tpu.memory_space<vmem>>, vector<128x128xf32>
    %dot_general3A_48 = arith.constant dense<0.000000e+00> : vector<1000x128xf32>
    %dot_general3A_49 = tpu.matmul %max3A_44, %get3A_47, %dot_general3A_48 {dimension_numbers = #tpu.dot_dimension_numbers<[1], [0], [0], [1], [0, 0, 1, 1], [], []>, transpose_lhs_hint = false} : vector<1000x128xf32>, vector<128x128xf32>, vector<1000x128xf32> -> vector<1000x128xf32>
    %get3A_50 = arith.constant 0 : index
    %get3A_51 = arith.constant 0 : index
    %get3A_52 = vector.load %arg9[%get3A_50, %get3A_51] : memref<1x128xf32, #tpu.memory_space<vmem>>, vector<1x128xf32>
    %get3A_53 = vector.shape_cast %get3A_52 : vector<1x128xf32> to vector<128xf32>
    %broadcast_in_dim3A_54 = vector.shape_cast %get3A_53 : vector<128xf32> to vector<1x128xf32>
    %add3A_55 = vector.broadcast %broadcast_in_dim3A_54 : vector<1x128xf32> to vector<1000x128xf32>
    %add3A_56 = arith.addf %dot_general3A_49, %add3A_55 : vector<1000x128xf32>
    %max3A_57 = arith.constant 0.000000e+00 : f32
    %max3A_58 = vector.broadcast %max3A_57 : f32 to vector<1000x128xf32>
    %max3A_59 = arith.maximumf %add3A_56, %max3A_58 : vector<1000x128xf32>
    %get3A_60 = arith.constant 0 : index
    %get3A_61 = arith.constant 0 : index
    %get3A_62 = vector.load %arg10[%get3A_60, %get3A_61] : memref<1x128xf32, #tpu.memory_space<vmem>>, vector<1x128xf32>
    %get3A_63 = vector.shape_cast %get3A_62 : vector<1x128xf32> to vector<128xf32>
    %broadcast_in_dim3A_64 = vector.shape_cast %get3A_63 : vector<128xf32> to vector<1x128xf32>
    %mul3A_65 = vector.broadcast %broadcast_in_dim3A_64 : vector<1x128xf32> to vector<1000x128xf32>
    %mul3A_66 = arith.mulf %max3A_59, %mul3A_65 : vector<1000x128xf32>
    %get3A_67 = arith.constant 0 : index
    %get3A_68 = arith.constant 0 : index
    %get3A_69 = vector.load %arg11[%get3A_67, %get3A_68] : memref<1x128xf32, #tpu.memory_space<vmem>>, vector<1x128xf32>
    %get3A_70 = vector.shape_cast %get3A_69 : vector<1x128xf32> to vector<128xf32>
    %broadcast_in_dim3A_71 = vector.shape_cast %get3A_70 : vector<128xf32> to vector<1x128xf32>
    %add3A_72 = vector.broadcast %broadcast_in_dim3A_71 : vector<1x128xf32> to vector<1000x128xf32>
    %add3A_73 = arith.addf %mul3A_66, %add3A_72 : vector<1000x128xf32>
    %swap3A = arith.constant 0 : index
    %swap3A_74 = arith.constant 0 : index
    %swap3A_75 = vector.load %arg13[%swap3A, %swap3A_74] : memref<1000x128xf32, #tpu.memory_space<vmem>>, vector<1000x128xf32>
    tpu.vector_store %arg13[%swap3A, %swap3A_74], %add3A_73 {strides = array<i32>} : memref<1000x128xf32, #tpu.memory_space<vmem>>, vector<1000x128xf32>,
    %get3A_76 = arith.constant 0 : index
    %get3A_77 = arith.constant 0 : index
    %get3A_78 = arith.constant 0 : index
    %get3A_79 = vector.load %arg12[%get3A_76, %get3A_77, %get3A_78] : memref<1x1x1000xi32, #tpu.memory_space<vmem>>, vector<1x1x1000xi32>
    %get3A_80 = vector.shape_cast %get3A_79 : vector<1x1x1000xi32> to vector<1x1000xi32>
    %iota3A = tpu.iota {dimensions = array<i32: 0>} : vector<64x1000xi32>
    %eq3A = vector.broadcast %get3A_80 : vector<1x1000xi32> to vector<64x1000xi32>
    %eq3A_81 = arith.cmpi eq, %iota3A, %eq3A : vector<64x1000xi32>
    %convert_element_type3A = arith.extui %eq3A_81 : vector<64x1000xi1> to vector<64x1000xi32>
    %convert_element_type3A_82 = arith.sitofp %convert_element_type3A : vector<64x1000xi32> to vector<64x1000xf32>
    %dot_general3A_83 = arith.constant dense<0.000000e+00> : vector<64x128xf32>
    %dot_general3A_84 = tpu.matmul %convert_element_type3A_82, %add3A_73, %dot_general3A_83 {dimension_numbers = #tpu.dot_dimension_numbers<[1], [0], [0], [1], [0, 0, 1, 1], [], []>, transpose_lhs_hint = false} : vector<64x1000xf32>, vector<1000x128xf32>, vector<64x128xf32> -> vector<64x128xf32>
    %eq3A_85 = arith.constant 0 : i32
    %eq3A_86 = arith.cmpi eq, %arg0, %eq3A_85 : i32
    %convert_element_type3A_87 = arith.extui %eq3A_86 : i1 to i32
    %cond3A = arith.constant 0 : i32
    %cond3A_88 = arith.cmpi ne, %convert_element_type3A_87, %cond3A : i32
    scf.if %cond3A_88 {
      %swap3A_93 = arith.constant 0 : index
      %swap3A_94 = arith.constant 0 : index
      %swap3A_95 = vector.load %arg14[%swap3A_93, %swap3A_94] : memref<64x128xf32, #tpu.memory_space<vmem>>, vector<64x128xf32>
      tpu.vector_store %arg14[%swap3A_93, %swap3A_94], %dot_general3A_84 {strides = array<i32>} : memref<64x128xf32, #tpu.memory_space<vmem>>, vector<64x128xf32>,
    } else {
    }
    %ne3A = arith.constant 0 : i32
    %ne3A_89 = arith.cmpi ne, %arg0, %ne3A : i32
    %convert_element_type3A_90 = arith.extui %ne3A_89 : i1 to i32
    %cond3A_91 = arith.constant 0 : i32
    %cond3A_92 = arith.cmpi ne, %convert_element_type3A_90, %cond3A_91 : i32
    scf.if %cond3A_92 {
      %get3A_93 = arith.constant 0 : index
      %get3A_94 = arith.constant 0 : index
      %get3A_95 = vector.load %arg14[%get3A_93, %get3A_94] : memref<64x128xf32, #tpu.memory_space<vmem>>, vector<64x128xf32>
      %add3A_96 = arith.addf %get3A_95, %dot_general3A_84 : vector<64x128xf32>
      %swap3A_97 = arith.constant 0 : index
      %swap3A_98 = arith.constant 0 : index
      %swap3A_99 = vector.load %arg14[%swap3A_97, %swap3A_98] : memref<64x128xf32, #tpu.memory_space<vmem>>, vector<64x128xf32>
      tpu.vector_store %arg14[%swap3A_97, %swap3A_98], %add3A_96 {strides = array<i32>} : memref<64x128xf32, #tpu.memory_space<vmem>>, vector<64x128xf32>,
    } else {
    }
    return
  }
  func.func @transform_0(%arg0: i32) -> (i32, i32, i32) {
    %c0_i32 = arith.constant 0 : i32
    %c0_i32_0 = arith.constant 0 : i32
    %c0_i32_1 = arith.constant 0 : i32
    return %c0_i32, %arg0, %c0_i32_0 : i32, i32, i32
  }
  func.func @transform_1(%arg0: i32) -> (i32, i32) {
    %c0_i32 = arith.constant 0 : i32
    %c0_i32_0 = arith.constant 0 : i32
    return %arg0, %c0_i32 : i32, i32
  }
  func.func @transform_2(%arg0: i32) -> (i32, i32) {
    %c0_i32 = arith.constant 0 : i32
    %c0_i32_0 = arith.constant 0 : i32
    %c0_i32_1 = arith.constant 0 : i32
    return %c0_i32, %c0_i32_0 : i32, i32
  }
  func.func @transform_3(%arg0: i32) -> (i32, i32) {
    %c0_i32 = arith.constant 0 : i32
    %c0_i32_0 = arith.constant 0 : i32
    %c0_i32_1 = arith.constant 0 : i32
    return %c0_i32, %c0_i32_0 : i32, i32
  }
  func.func @transform_4(%arg0: i32) -> (i32, i32) {
    %c0_i32 = arith.constant 0 : i32
    %c0_i32_0 = arith.constant 0 : i32
    %c0_i32_1 = arith.constant 0 : i32
    return %c0_i32, %c0_i32_0 : i32, i32
  }
  func.func @transform_5(%arg0: i32) -> (i32, i32) {
    %c0_i32 = arith.constant 0 : i32
    %c0_i32_0 = arith.constant 0 : i32
    %c0_i32_1 = arith.constant 0 : i32
    return %c0_i32, %c0_i32_0 : i32, i32
  }
  func.func @transform_6(%arg0: i32) -> (i32, i32) {
    %c0_i32 = arith.constant 0 : i32
    %c0_i32_0 = arith.constant 0 : i32
    %c0_i32_1 = arith.constant 0 : i32
    return %c0_i32, %c0_i32_0 : i32, i32
  }
  func.func @transform_7(%arg0: i32) -> (i32, i32) {
    %c0_i32 = arith.constant 0 : i32
    %c0_i32_0 = arith.constant 0 : i32
    %c0_i32_1 = arith.constant 0 : i32
    return %c0_i32, %c0_i32_0 : i32, i32
  }
  func.func @transform_8(%arg0: i32) -> (i32, i32) {
    %c0_i32 = arith.constant 0 : i32
    %c0_i32_0 = arith.constant 0 : i32
    %c0_i32_1 = arith.constant 0 : i32
    return %c0_i32, %c0_i32_0 : i32, i32
  }
  func.func @transform_9(%arg0: i32) -> (i32, i32) {
    %c0_i32 = arith.constant 0 : i32
    %c0_i32_0 = arith.constant 0 : i32
    %c0_i32_1 = arith.constant 0 : i32
    return %c0_i32, %c0_i32_0 : i32, i32
  }
  func.func @transform_10(%arg0: i32) -> (i32, i32) {
    %c0_i32 = arith.constant 0 : i32
    %c0_i32_0 = arith.constant 0 : i32
    %c0_i32_1 = arith.constant 0 : i32
    return %c0_i32, %c0_i32_0 : i32, i32
  }
  func.func @transform_11(%arg0: i32) -> (i32, i32, i32) {
    %c0_i32 = arith.constant 0 : i32
    %c0_i32_0 = arith.constant 0 : i32
    %c0_i32_1 = arith.constant 0 : i32
    return %arg0, %c0_i32, %c0_i32_0 : i32, i32, i32
  }
  func.func @transform_12(%arg0: i32) -> (i32, i32) {
    %c0_i32 = arith.constant 0 : i32
    %c0_i32_0 = arith.constant 0 : i32
    return %arg0, %c0_i32 : i32, i32
  }
  func.func @transform_13(%arg0: i32) -> (i32, i32) {
    %c0_i32 = arith.constant 0 : i32
    %c0_i32_0 = arith.constant 0 : i32
    %c0_i32_1 = arith.constant 0 : i32
    return %c0_i32, %c0_i32_0 : i32, i32
  }
}

module attributes {stable_mosaic.version = 14 : i64} {
  func.func @_head_body(%arg0: memref<64x128xf32, #tpu.memory_space<vmem>>, %arg1: memref<64x128xf32, #tpu.memory_space<vmem>>, %arg2: memref<256x256xf32, #tpu.memory_space<vmem>>, %arg3: memref<1x256xf32, #tpu.memory_space<vmem>>, %arg4: memref<256x128xf32, #tpu.memory_space<vmem>>, %arg5: memref<1x128xf32, #tpu.memory_space<vmem>>, %arg6: memref<64x128xf32, #tpu.memory_space<vmem>>) attributes {dimension_semantics = [], scalar_prefetch = 0 : i64, scratch_operands = 0 : i64, tpu.core_type = #tpu.core_type<tc>} {
    %get3A = arith.constant 0 : index
    %get3A_0 = arith.constant 0 : index
    %get3A_1 = vector.load %arg0[%get3A, %get3A_0] : memref<64x128xf32, #tpu.memory_space<vmem>>, vector<64x128xf32>
    %get3A_2 = arith.constant 0 : index
    %get3A_3 = arith.constant 0 : index
    %get3A_4 = vector.load %arg1[%get3A_2, %get3A_3] : memref<64x128xf32, #tpu.memory_space<vmem>>, vector<64x128xf32>
    %concatenate3A = tpu.concatenate %get3A_1, %get3A_4 in 1 : vector<64x128xf32>, vector<64x128xf32> -> vector<64x256xf32>
    %get3A_5 = arith.constant 0 : index
    %get3A_6 = arith.constant 0 : index
    %get3A_7 = vector.load %arg2[%get3A_5, %get3A_6] : memref<256x256xf32, #tpu.memory_space<vmem>>, vector<256x256xf32>
    %dot_general3A = arith.constant dense<0.000000e+00> : vector<64x256xf32>
    %dot_general3A_8 = tpu.matmul %concatenate3A, %get3A_7, %dot_general3A {dimension_numbers = #tpu.dot_dimension_numbers<[1], [0], [0], [1], [0, 0, 1, 1], [], []>, transpose_lhs_hint = false} : vector<64x256xf32>, vector<256x256xf32>, vector<64x256xf32> -> vector<64x256xf32>
    %get3A_9 = arith.constant 0 : index
    %get3A_10 = arith.constant 0 : index
    %get3A_11 = vector.load %arg3[%get3A_9, %get3A_10] : memref<1x256xf32, #tpu.memory_space<vmem>>, vector<1x256xf32>
    %get3A_12 = vector.shape_cast %get3A_11 : vector<1x256xf32> to vector<256xf32>
    %broadcast_in_dim3A = vector.shape_cast %get3A_12 : vector<256xf32> to vector<1x256xf32>
    %add3A = vector.broadcast %broadcast_in_dim3A : vector<1x256xf32> to vector<64x256xf32>
    %add3A_13 = arith.addf %dot_general3A_8, %add3A : vector<64x256xf32>
    %max3A = arith.constant 0.000000e+00 : f32
    %max3A_14 = vector.broadcast %max3A : f32 to vector<64x256xf32>
    %max3A_15 = arith.maximumf %add3A_13, %max3A_14 : vector<64x256xf32>
    %get3A_16 = arith.constant 0 : index
    %get3A_17 = arith.constant 0 : index
    %get3A_18 = vector.load %arg4[%get3A_16, %get3A_17] : memref<256x128xf32, #tpu.memory_space<vmem>>, vector<256x128xf32>
    %dot_general3A_19 = arith.constant dense<0.000000e+00> : vector<64x128xf32>
    %dot_general3A_20 = tpu.matmul %max3A_15, %get3A_18, %dot_general3A_19 {dimension_numbers = #tpu.dot_dimension_numbers<[1], [0], [0], [1], [0, 0, 1, 1], [], []>, transpose_lhs_hint = false} : vector<64x256xf32>, vector<256x128xf32>, vector<64x128xf32> -> vector<64x128xf32>
    %get3A_21 = arith.constant 0 : index
    %get3A_22 = arith.constant 0 : index
    %get3A_23 = vector.load %arg5[%get3A_21, %get3A_22] : memref<1x128xf32, #tpu.memory_space<vmem>>, vector<1x128xf32>
    %get3A_24 = vector.shape_cast %get3A_23 : vector<1x128xf32> to vector<128xf32>
    %broadcast_in_dim3A_25 = vector.shape_cast %get3A_24 : vector<128xf32> to vector<1x128xf32>
    %add3A_26 = vector.broadcast %broadcast_in_dim3A_25 : vector<1x128xf32> to vector<64x128xf32>
    %add3A_27 = arith.addf %dot_general3A_20, %add3A_26 : vector<64x128xf32>
    %logistic3A = arith.negf %add3A_27 : vector<64x128xf32>
    %logistic3A_28 = math.exp %logistic3A : vector<64x128xf32>
    %logistic3A_29 = arith.constant 1.000000e+00 : f32
    %logistic3A_30 = vector.broadcast %logistic3A_29 : f32 to vector<64x128xf32>
    %logistic3A_31 = arith.addf %logistic3A_30, %logistic3A_28 : vector<64x128xf32>
    %logistic3A_32 = arith.divf %logistic3A_30, %logistic3A_31 : vector<64x128xf32>
    %swap3A = arith.constant 0 : index
    %swap3A_33 = arith.constant 0 : index
    %swap3A_34 = vector.load %arg6[%swap3A, %swap3A_33] : memref<64x128xf32, #tpu.memory_space<vmem>>, vector<64x128xf32>
    tpu.vector_store %arg6[%swap3A, %swap3A_33], %logistic3A_32 {strides = array<i32>} : memref<64x128xf32, #tpu.memory_space<vmem>>, vector<64x128xf32>,
    return
  }
}

</mosaic_0001>

<sc_bundles>
// kernel: kernel.12.cloned.1.call-start
scs
__scs_entry_jumppad:
0x0: {  	(pc) =	sbr.rel $0x88, $3  }
0x1: {  	(tag) =	ssettag $0x0;
	lr =	simm.s32 $0x1  }
0x2: {  	[smem:$0x3F83] =	sst lr;
	_ =	strace $0xD0000000  }
0x3: {  	_ = 	snop  }
0x4: {  	_ = 	snop  }
0x5: {  	_ = 	snop  }
0x6: {  	_ = 	snop  }
0x7: {  	_ = 	snop  }
__scs_overlays_trampoline_lowered:
0x8: {  	[smem:$0x3F92] =	sst s0  }
0x9: {  	[smem:$0x3F93] =	sst s1  }
0xa: {  	[smem:$0x3F94] =	sst s2  }
0xb: {  	[smem:$0x3F95] =	sst s3  }
0xc: {  	[smem:$0x3F96] =	sst s4  }
0xd: {  	[smem:$0x3F97] =	sst s5  }
0xe: {  	[smem:$0x3F98] =	sst s6  }
0xf: {  	[smem:$0x3F99] =	sst s7  }
0x10: {  	[smem:$0x3F9A] =	sst s8  }
0x11: {  	[smem:$0x3F9B] =	sst s9;
	s0 =	simm.s32 @!p0 $0x0  }
0x12: {  	s1 =	sld [smem:$0x3F81];
	s0 =	simm.s32 @p0 $0x1  }
0x13: {  	[smem:$0x3F9C] =	sst s0;
	s0 =	simm.s32 @!p1 $0x0  }
0x14: {  	s2 =	sld [smem:$0x3F80];
	s0 =	simm.s32 @p1 $0x1  }
0x15: {  	[smem:$0x3F9D] =	sst s0;
	s0 =	simm.s32 @!p2 $0x0  }
0x16: {  	s3 =	sld [smem:$0x3FDB];
	s0 =	simm.s32 @p2 $0x1  }
0x17: {  	s4 =	simm.s32 $0x1BF5;
	[smem:$0x3F9F] =	sst s0  }
0x18: {  	s0 =	sld [smem:$0x3F82];
	_ =	swait.ge [sflag:s4], $0x0  }
0x19: {  	s7 =	sld [smem:$0x3F83]  }
0x1a: {  	s8 =	sadd.s32 $0xFFFFE003, lr  }
0x1b: {  	s9 =	sadd.s32 $0xFFFFFEF7, lr;
	s5 =	simm.s32 $0xFFFFFFFF;
	p2 =	slt.u32 s8, $0xFFFFF086  }
0x1c: {  	p1 =	slt.u32 s9, $0xF7A;
	s5 =	simm.s32 @!p2 $0x0  }
0x1d: {  	s5 =	simm.s32 @p1 $0x1;
	p0 =	seq.s32 s7, s2  }
0x1e: {  	s7 =	smul.u32 @!p0 $0xF7A, s2;
	p2 =	seq.s32 @!p0 s5, $0x0  }
0x1f: {  	s9 =	smul.u32 $0xF7A, s1;
	s8 =	simm.s32 @!p0 $0x1BF5;
	p2 =	por !p2, p0  }
0x20: {  	[sflag:s8] =	ssyncset.s32 @!p0 $0xFFFFF086;
	s6 =	sadd.s32 @!p0 s3, s7;
	s7 =	simm.s32 @!p0 $0x108  }
0x21: {  	s3 =	sadd.s32 s3, s9;
	s6 =	sadd.s32 @!p0 $0x88, s6;
	s7 =	simm.s32 @p2 $0x1082  }
0x22: {  	[simem:s7], [sflag:s8] =	dma.local @!p0 [hbm:s6], $0xF7A  }
0x23: {  	s9 =	sor.u32 $0xD0000000, s2;
	s6 =	simm.s32 $0x108;
	_ =	swait.ge @!p0 [sflag:s8], $0x0  }
0x24: {  	s3 =	sadd.s32 $0x88, s3;
	s6 =	simm.s32 @!p1 $0x1082;
	[sflag:s4] =	ssyncset.s32 $0xFFFFF086  }
0x25: {  	[simem:s6], [sflag:s4] =	dma.local [hbm:s3], $0xF7A  }
0x26: {  	[smem:$0x3F83] =	sst s1;
	(tag) =	ssettag s2;
	_ =	strace s9  }
0x27: {  	s1 =	sld [smem:$0x3F93]  }
0x28: {  	s2 =	sld [smem:$0x3F94]  }
0x29: {  	s4 =	sld [smem:$0x3F96]  }
0x2a: {  	p0 =	seq.s32 s5, $0x0;
	s5 =	sld [smem:$0x3F97]  }
0x2b: {  	s6 =	sld [smem:$0x3F98]  }
0x2c: {  	s7 =	sld [smem:$0x3F99]  }
0x2d: {  	s3 =	simm.s32 $0x108;
	s8 =	sld [smem:$0x3F9A]  }
0x2e: {  	s3 =	simm.s32 @!p0 $0x1082;
	s9 =	sld [smem:$0x3F9B]  }
0x2f: {  	lr =	sadd.s32 s0, s3;
	s0 =	sld [smem:$0x3F92]  }
0x30: {  	s3 =	sld [smem:$0x3F95]  }
0x31: {  	[smem:$0x3F9E] =	sst s10  }
0x32: {  	s10 =	sld [smem:$0x3F9C];
	_ =	sdelay $0x3  }
0x33: {  	p0 =	seq.s32 s10, $0x1;
	s10 =	sld [smem:$0x3F9E];
	_ =	sdelay $0x3  }
0x34: {  	[smem:$0x3F9E] =	sst s10  }
0x35: {  	s10 =	sld [smem:$0x3F9D];
	_ =	sdelay $0x3  }
0x36: {  	p1 =	seq.s32 s10, $0x1;
	s10 =	sld [smem:$0x3F9E];
	_ =	sdelay $0x3  }
0x37: {  	[smem:$0x3F9E] =	sst s10  }
0x38: {  	s10 =	sld [smem:$0x3F9F]  }
0x39: {  	_ = 	snop;
	(pc) =	sbr.ind lr, $3  }
0x3a: {  	_ = 	snop  }
0x3b: {  	_ = 	snop  }
0x3c: {  	p2 =	seq.s32 s10, $0x1;
	s10 =	sld [smem:$0x3F9E]  }
0x3d: {  	_ =	shalt  }
0x3e: {  	_ =	shalt  }
0x3f: {  	_ =	shalt  }
0x40: {  	_ =	shalt  }
0x41: {  	_ =	shalt  }
0x42: {  	_ =	shalt  }
0x43: {  	_ =	shalt  }
0x44: {  	_ =	shalt  }
0x45: {  	_ =	shalt  }
0x46: {  	_ =	shalt  }
0x47: {  	_ =	shalt  }
0x48: {  	_ =	shalt  }
0x49: {  	_ =	shalt  }
0x4a: {  	_ =	shalt  }
0x4b: {  	_ =	shalt  }
0x4c: {  	_ =	shalt  }
0x4d: {  	_ =	shalt  }
0x4e: {  	_ =	shalt  }
0x4f: {  	_ =	shalt  }
0x50: {  	_ =	shalt  }
0x51: {  	_ =	shalt  }
0x52: {  	_ =	shalt  }
0x53: {  	_ =	shalt  }
0x54: {  	_ =	shalt  }
0x55: {  	_ =	shalt  }
0x56: {  	_ =	shalt  }
0x57: {  	_ =	shalt  }
0x58: {  	_ =	shalt  }
0x59: {  	_ =	shalt  }
0x5a: {  	_ =	shalt  }
0x5b: {  	_ =	shalt  }
0x5c: {  	_ =	shalt  }
0x5d: {  	_ =	shalt  }
0x5e: {  	_ =	shalt  }
0x5f: {  	_ =	shalt  }
0x60: {  	_ =	shalt  }
0x61: {  	_ =	shalt  }
0x62: {  	_ =	shalt  }
0x63: {  	_ =	shalt  }
0x64: {  	_ =	shalt  }
0x65: {  	_ =	shalt  }
0x66: {  	_ =	shalt  }
0x67: {  	_ =	shalt  }
0x68: {  	_ =	shalt  }
0x69: {  	_ =	shalt  }
0x6a: {  	_ =	shalt  }
0x6b: {  	_ =	shalt  }
0x6c: {  	_ =	shalt  }
0x6d: {  	_ =	shalt  }
0x6e: {  	_ =	shalt  }
0x6f: {  	_ =	shalt  }
0x70: {  	_ =	shalt  }
0x71: {  	_ =	shalt  }
0x72: {  	_ =	shalt  }
0x73: {  	_ =	shalt  }
0x74: {  	_ =	shalt  }
0x75: {  	_ =	shalt  }
0x76: {  	_ =	shalt  }
0x77: {  	_ =	shalt  }
0x78: {  	_ =	shalt  }
0x79: {  	_ =	shalt  }
0x7a: {  	_ =	shalt  }
0x7b: {  	_ =	shalt  }
0x7c: {  	_ =	shalt  }
0x7d: {  	_ =	shalt  }
0x7e: {  	_ =	shalt  }
0x7f: {  	_ =	shalt  }
0x80: {  	_ =	shalt  }
0x81: {  	_ =	shalt  }
0x82: {  	_ =	shalt  }
0x83: {  	_ =	shalt  }
0x84: {  	_ =	shalt  }
0x85: {  	_ =	shalt  }
0x86: {  	_ =	shalt  }
0x87: {  	_ =	shalt  }
.Lfunc_end0:
.L_simem_size_0:
called_computation.1_lowered:
.L_overlay_start_0:
0x88: {  	s2 =	sld [smem:$0x3FD9]  }
0x89: {  	s3 =	sld [smem:$0x3FFE];
	_ =	sdelay $0x1  }
0x8a: {  	s1 =	srdreg.scid  }
0x8b: {  	s0 =	sand.u32 $0x1, s1  }
0x8c: {  	s16 =	sshll.u32 s0, $0xA;
	s2 =	sadd.s32 s3, s2  }
0x8d: {  	s2 =	sadd.s32 s2, s16  }
0x8e: {  	[smem:$0x3FAA] =	sst s2  }
0x8f: {  	_ = 	snop  }
0x90: {  	(tm) =	ssettm $0x1  }
0x91: {  	s17 =	sld [smem:$0x3FFB];
	_ =	sdelay $0x3  }
0x92: {  	_ =	strace s17  }
0x93: {  	s2 =	sld [smem:$0x3FFC];
	_ =	sdelay $0x3  }
0x94: {  	_ =	strace s2  }
0x95: {  	s2 =	sld [smem:$0x3FFD];
	_ =	sdelay $0x3  }
0x96: {  	_ =	strace s2  }
0x97: {  	_ =	strace $0x8FFFFFFF  }
0x98: {  	s18 =	sld [smem:$0x3FDB];
	_ =	sdelay $0x1  }
0x99: {  	s19 =	simm.s32 $_scs_section_size  }
0x9a: {  	s4 =	simm.s32 $_size__tile_overlayer_lowered;
	s5 =	simm.s32 $_tile_overlayer_lowered  }
0x9b: {  	s22 =	simm.s32 $0x1BFF;
	s21 =	sshll.u32 s5, $0x1;
	s2 =	sadd.s32 s19, s18  }
0x9c: {  	s6 =	simm.s32 $0x0;
	s20 =	sshll.u32 s4, $0x1;
	s4 =	sadd.s32 s21, s2  }
0x9d: {  	[timem:s6], [sflag:s22] =	dma.local [hbm:s4], s20  }
0x9e: {  	_ =	swait.ge [sflag:s22], s20  }
0x9f: {  	s3 =	ssub.s32 $0x0, s20;
	[sflag:s22] =	ssyncset.done $0x0  }
0xa0: {  	[sflag:s22] =	ssyncadd.s32 s3;
	_ =	sdelay $0x1  }
0xa1: {  	s23 =	simm.s32 $0x1B8B  }
0xa2: {  	_ =	swait.ge [sflag:s23], $0x1  }
0xa3: {  	[sflag:s23] =	ssyncset.done $0x0  }
0xa4: {  	s25 =	simm.s32 $0x1B8E;
	s24 =	sld [smem:$0x3FFE];
	[sflag:s23] =	ssyncadd.s32 $0xFFFFFFFF  }
0xa5: {  	s26 =	simm.s32 $execute0_lowered;
	[smem:$0x3FD2] =	sst s25  }
0xa6: {  	s4 =	sshll.u32 s26, $0x1;
	_ =	strace $0x80000049;
	[dreg:$0x1] =	wrdreg $0xFFFFFFFF  }
0xa7: {  	s28 =	simm.s32 $_size_execute0_lowered;
	s2 =	sadd.s32 s2, s4;
	[dreg:$0x0] =	wrdreg $0x0  }
0xa8: {  	s4 =	sshll.u32 s28, $0x1;
	[dreg:$0x2] =	wrdreg s2  }
0xa9: {  	[dreg:$0x3] =	wrdreg s4  }
0xaa: {  	[dreg:$0x4] =	wrdreg $0xC0  }
0xab: {  	_ =	task [dreg:s6], $0x5FFFF  }
0xac: {  	[dreg:$0x1] =	wrdreg $0xFFFFFFFF  }
0xad: {  	[dreg:$0x0] =	wrdreg $0x60  }
0xae: {  	[dreg:$0x2] =	wrdreg s24  }
0xaf: {  	[dreg:$0x3] =	wrdreg $0xA2000  }
0xb0: {  	[dreg:$0x4] =	wrdreg $0x9  }
0xb1: {  	_ =	task.clear_ibuf [dreg:s6], $0x5FFFF;
	_ =	strace $0x90000049  }
0xb2: {  	s29 =	simm.s32 $0x9;
	_ =	strace $0x8000004B  }
0xb3: {  	_ =	swait.ge [sflag:s29], $0x1  }
0xb4: {  	[sflag:s29] =	ssyncadd.s32 $0xFFFFFFFF  }
0xb5: {  	_ =	strace $0x9000004B  }
0xb6: {  	_ =	sfence  }
0xb7: {  	s30 =	sld [smem:$0x0];
	_ =	sdelay $0x2  }
0xb8: {  	s31 =	sshll.u32 s1, $0xD;
	s1 =	sshrl.u32 s1, $0x2  }
0xb9: {  	s3 =	sand.u32 $0x4000, s31;
	s1 =	sadd.s32 s1, s30  }
0xba: {  	s0 =	sor.u32 s3, s0;
	s1 =	sshll.u32 s1, $0x11  }
0xbb: {  	s0 =	sor.u32 s1, s0  }
0xbc: {  	s0 =	sadd.s32 $0x8F2B, s0  }
0xbd: {  	[sflag:s0] =	ssyncadd.remote.s32 $0x1  }
0xbe: {  	_ =	sfence.sel $0xFFFF  }
0xbf: {  	[dreg:$0x0] =	wrdreg $0xFFFFFFFF;
	(pc) =	sbr.abs _section_cstart, $3  }
0xc0: {  	[dreg:$0x1] =	wrdreg $0xFFFFFFFF  }
0xc1: {  	_ =	task.clear_ibuf [dreg:s6], $0x2FFFF;
	_ =	strace $0x9FFFFFFF  }
0xc2: {  	(tm) =	ssettm $0x7FFFFFFF  }
0xc3: {  	_ =	shalt  }
tec
execute0_lowered:
.L_overlay_start_1:
0x0: {  	(tag) =	ssettag $0x1  }
0x1: {  	s0 =	rddreg [dreg:$0x0];
	s1 =	srdreg.scid  }
0x2: {  	s2 =	rddreg [dreg:$0x1];
	s11 =	stileid.u32  }
0x3: {  	s3 =	simm.s32 $0x0;
	s28 =	simm.s32 $0x100;
	s29 =	simm.s32 $0x5  }
0x4: {  	s30 =	simm.s32 $0x50;
	s31 =	simm.s32 $0x200;
	s5 =	smul.u32 $0x13C00, s11  }
0x5: {  	s13 =	simm.s32 $0x2;
	s1 =	sand.u32 $0x1, s1;
	s8 =	smul.u32 $0x4E200, s11  }
0x6: {  	[smem:$0x7FF] =	sst s3;
	s6 =	sadd.s32 $0x5600, s0;
	s22 =	smul.u32 $0x4F000, s11  }
0x7: {  	s9 =	sshll.u32 s11, $0x1;
	s11 =	simm.s32 $0x3;
	s4 =	smul.u32 $0x13C000, s1  }
0x8: {  	_ =	strace $0x8000004A;
	s15 =	ssub.s32 $0x2, s1;
	s1 =	sor.u32 s1, s9  }
0x9: {  	s8 =	sshrl.u32 s8, $0x2;
	s10 =	sshrl.u32 s15, $0x1;
	s9 =	smul.u32 $0x7D00, s1  }
0xa: {  	s14 =	smul.u32 $0x138800, s1;
	s1 =	sshrl.u32 s22, $0x2;
	s5 =	sadd.s32 s5, s4  }
0xb: {  	s4 =	sadd.s32 $0x24A00, s0;
	s12 =	sadd.s32 s8, s2;
	s25 =	sadd.s32 s1, s2  }
0xc: {  	s1 =	simm.s32 $0x6;
	s8 =	sadd.s32 $0x2800, s12;
	[dreg:$0x3] =	wrdreg s12  }
0xd: {  	s7 =	sshrl.u32 s5, $0x3;
	s16 =	sadd.s32 $0x5000, s12;
	[dreg:$0x4] =	wrdreg s8  }
0xe: {  	s5 =	sadd.s32 $0x556000, s0;
	s17 =	sadd.s32 $0x7800, s12;
	[dreg:$0x5] =	wrdreg s16  }
0xf: {  	s18 =	sadd.s32 $0xA000, s12;
	s19 =	sadd.s32 $0xC800, s12;
	[dreg:$0x6] =	wrdreg s17  }
0x10: {  	s20 =	sshrl.u32 s9, $0x3;
	s21 =	sadd.s32 $0xF000, s12;
	[dreg:$0x7] =	wrdreg s18  }
0x11: {  	s23 =	sadd.s32 $0x11800, s12;
	s24 =	sshrl.u32 s14, $0x3;
	[dreg:$0x8] =	wrdreg s19  }
0x12: {  	s12 =	simm.s32 $0x80;
	s0 =	sadd.s32 s7, s0;
	[dreg:$0x9] =	wrdreg s21  }
0x13: {  	s7 =	ssub.s32 s15, s10;
	s8 =	sadd.s32 s6, s20;
	[dreg:$0xb] =	wrdreg s23  }
0x14: {  	s20 =	sadd.s32 $0x2800, s14;
	s21 =	sadd.s32 $0x300, s9;
	s10 =	simm.s32 $0x7A00  }
0x15: {  	s15 =	simm.s32 $0x4;
	[dreg:$0xa] =	wrdreg s8;
	s8 =	sadd.s32 $0x20, s8  }
0x16: {  	s17 =	simm.s32 $0x180;
	s0 =	sadd.s32 $0x4C000, s0;
	[dreg:$0xc] =	wrdreg s8  }
0x17: {  	s18 =	simm.s32 $0x0;
	s26 =	smax.u32 s7, $0x1;
	[dreg:$0xe] =	wrdreg s0  }
0x18: {  	s8 =	sadd.s32 s5, s24;
	[dreg:$0xf] =	wrdreg s26;
	s24 =	simm.s32 $0x5200  }
0x19: {  	s0 =	sshrl.u32 s25, $0x3;
	s26 =	simm.s32 $0x7;
	[dreg:$0xd] =	wrdreg s8  }
0x1a: {  	v0 =	vimm.f32 $0.0e+00;
	[dreg:$0x10] =	wrdreg s0;
	s0 =	simm.s32 $0x1;
	s8 =	simm.s32 $0x2A00  }
.LBB2_1:
0x1b: {  	s7 =	simm.s32 $0x5300  }
0x1c: {  	[tilespmem:s7+$0xFFFFFF00] =	vst v0  }
0x1d: {  	[tilespmem:s7+$0xF0] =	vst v0  }
0x1e: {  	[tilespmem:s7+$0xE0] =	vst v0  }
0x1f: {  	[tilespmem:s7+$0xD0] =	vst v0  }
0x20: {  	[tilespmem:s7+$0xC0] =	vst v0  }
0x21: {  	[tilespmem:s7+$0xB0] =	vst v0  }
0x22: {  	[tilespmem:s7+$0xA0] =	vst v0  }
0x23: {  	[tilespmem:s7+$0x90] =	vst v0  }
0x24: {  	[tilespmem:s7+$0x80] =	vst v0  }
0x25: {  	[tilespmem:s7+$0x70] =	vst v0  }
0x26: {  	[tilespmem:s7+$0x60] =	vst v0  }
0x27: {  	[tilespmem:s7+$0x50] =	vst v0  }
0x28: {  	[tilespmem:s7+$0x40] =	vst v0  }
0x29: {  	[tilespmem:s7+$0x30] =	vst v0  }
0x2a: {  	[tilespmem:s7+$0x20] =	vst v0  }
0x2b: {  	[tilespmem:s7+$0x10] =	vst v0  }
0x2c: {  	[tilespmem:s7+$0x0] =	vst v0  }
0x2d: {  	[tilespmem:s7+$0xFFFFFFF0] =	vst v0  }
0x2e: {  	[tilespmem:s7+$0xFFFFFFE0] =	vst v0  }
0x2f: {  	[tilespmem:s7+$0xFFFFFFD0] =	vst v0  }
0x30: {  	[tilespmem:s7+$0xFFFFFFC0] =	vst v0  }
0x31: {  	[tilespmem:s7+$0xFFFFFFB0] =	vst v0  }
0x32: {  	[tilespmem:s7+$0xFFFFFFA0] =	vst v0  }
0x33: {  	[tilespmem:s7+$0xFFFFFF90] =	vst v0  }
0x34: {  	[tilespmem:s7+$0xFFFFFF80] =	vst v0  }
0x35: {  	[tilespmem:s7+$0xFFFFFF70] =	vst v0  }
0x36: {  	[tilespmem:s7+$0xFFFFFF60] =	vst v0  }
0x37: {  	[tilespmem:s7+$0xFFFFFF50] =	vst v0  }
0x38: {  	[tilespmem:s7+$0xFFFFFF40] =	vst v0  }
0x39: {  	[tilespmem:s7+$0xFFFFFF30] =	vst v0  }
0x3a: {  	s16 =	simm.s32 $0x0;
	[tilespmem:s7+$0xFFFFFF20] =	vst v0  }
.LBB2_2:
0x3b: {  	s16 =	sadd.s32 $0x4, s16;
	[tilespmem:s7+$0xFFFFFF10] =	vst v0;
	s7 =	sadd.s32 $0x200, s7  }
0x3c: {  	[tilespmem:s7+$0xFFFFFF00] =	vst v0;
	p0 =	slt.u32 s16, $0x4C  }
0x3d: {  	[tilespmem:s7+$0xF0] =	vst v0  }
0x3e: {  	[tilespmem:s7+$0xE0] =	vst v0  }
0x3f: {  	[tilespmem:s7+$0xD0] =	vst v0  }
0x40: {  	[tilespmem:s7+$0xC0] =	vst v0  }
0x41: {  	[tilespmem:s7+$0xB0] =	vst v0  }
0x42: {  	[tilespmem:s7+$0xA0] =	vst v0  }
0x43: {  	[tilespmem:s7+$0x90] =	vst v0  }
0x44: {  	[tilespmem:s7+$0x80] =	vst v0  }
0x45: {  	[tilespmem:s7+$0x70] =	vst v0  }
0x46: {  	[tilespmem:s7+$0x60] =	vst v0  }
0x47: {  	[tilespmem:s7+$0x50] =	vst v0  }
0x48: {  	[tilespmem:s7+$0x40] =	vst v0  }
0x49: {  	[tilespmem:s7+$0x30] =	vst v0  }
0x4a: {  	[tilespmem:s7+$0x20] =	vst v0  }
0x4b: {  	[tilespmem:s7+$0x10] =	vst v0  }
0x4c: {  	[tilespmem:s7+$0x0] =	vst v0  }
0x4d: {  	[tilespmem:s7+$0xFFFFFFF0] =	vst v0  }
0x4e: {  	[tilespmem:s7+$0xFFFFFFE0] =	vst v0  }
0x4f: {  	[tilespmem:s7+$0xFFFFFFD0] =	vst v0  }
0x50: {  	[tilespmem:s7+$0xFFFFFFC0] =	vst v0  }
0x51: {  	[tilespmem:s7+$0xFFFFFFB0] =	vst v0  }
0x52: {  	[tilespmem:s7+$0xFFFFFFA0] =	vst v0  }
0x53: {  	[tilespmem:s7+$0xFFFFFF90] =	vst v0  }
0x54: {  	[tilespmem:s7+$0xFFFFFF80] =	vst v0  }
0x55: {  	[tilespmem:s7+$0xFFFFFF70] =	vst v0  }
.Ltmp0:
0x56: {  	[tilespmem:s7+$0xFFFFFF60] =	vst v0;
	(pc) =	sbr.rel @p0 .LBB2_2-.Ltmp0, $4  }
0x57: {  	[tilespmem:s7+$0xFFFFFF50] =	vst v0  }
0x58: {  	[tilespmem:s7+$0xFFFFFF40] =	vst v0  }
0x59: {  	[tilespmem:s7+$0xFFFFFF30] =	vst v0  }
0x5a: {  	[tilespmem:s7+$0xFFFFFF20] =	vst v0  }
0x5b: {  	[tilespmem:s7+$0xFFFFFF10] =	vst v0  }
0x5c: {  	s7 =	rddreg [dreg:$0x3]  }
0x5d: {  	[spmem:s7] =	stream.linear.scatter [tilespmem:s24], [sflag:$0x7], $0x2800, $0x38;
	[tilespmem:$0x1DE00] =	vst v63  }
0x5e: {  	_ =	swait.ge [sflag:s26], $0x2800  }
0x5f: {  	[sflag:s26] =	ssyncset.done $0x0  }
0x60: {  	s16 =	rddreg [dreg:$0x4];
	[sflag:s26] =	ssyncadd.s32 $0xFFFFD800  }
0x61: {  	[spmem:s16] =	stream.linear.scatter [tilespmem:s24], [sflag:$0x7], $0x2800, $0x38;
	[tilespmem:$0x1DE00] =	vst v63  }
0x62: {  	_ =	swait.ge [sflag:s26], $0x2800  }
0x63: {  	[sflag:s26] =	ssyncset.done $0x0  }
0x64: {  	s19 =	rddreg [dreg:$0x5];
	[sflag:s26] =	ssyncadd.s32 $0xFFFFD800  }
0x65: {  	[spmem:s19] =	stream.linear.scatter [tilespmem:s24], [sflag:$0x7], $0x2800, $0x38;
	[tilespmem:$0x1DE00] =	vst v63  }
0x66: {  	_ =	swait.ge [sflag:s26], $0x2800  }
0x67: {  	[sflag:s26] =	ssyncset.done $0x0  }
0x68: {  	s22 =	rddreg [dreg:$0x6];
	[sflag:s26] =	ssyncadd.s32 $0xFFFFD800  }
0x69: {  	[spmem:s22] =	stream.linear.scatter [tilespmem:s24], [sflag:$0x7], $0x2800, $0x38;
	[tilespmem:$0x1DE00] =	vst v63  }
0x6a: {  	_ =	swait.ge [sflag:s26], $0x2800  }
0x6b: {  	[sflag:s26] =	ssyncset.done $0x0  }
0x6c: {  	s23 =	rddreg [dreg:$0x7];
	[sflag:s26] =	ssyncadd.s32 $0xFFFFD800  }
0x6d: {  	[spmem:s23] =	stream.linear.scatter [tilespmem:s24], [sflag:$0x7], $0x2800, $0x38;
	[tilespmem:$0x1DE00] =	vst v63  }
0x6e: {  	_ =	swait.ge [sflag:s26], $0x2800  }
0x6f: {  	[sflag:s26] =	ssyncset.done $0x0  }
0x70: {  	s25 =	rddreg [dreg:$0x8];
	[sflag:s26] =	ssyncadd.s32 $0xFFFFD800  }
0x71: {  	[spmem:s25] =	stream.linear.scatter [tilespmem:s24], [sflag:$0x7], $0x2800, $0x38;
	[tilespmem:$0x1DE00] =	vst v63  }
0x72: {  	_ =	swait.ge [sflag:s26], $0x2800  }
0x73: {  	[sflag:s26] =	ssyncset.done $0x0  }
0x74: {  	s16 =	rddreg [dreg:$0x9];
	[sflag:s26] =	ssyncadd.s32 $0xFFFFD800  }
0x75: {  	[spmem:s16] =	stream.linear.scatter [tilespmem:s24], [sflag:$0x7], $0x2800, $0x38;
	[tilespmem:$0x1DE00] =	vst v63  }
0x76: {  	_ =	swait.ge [sflag:s26], $0x2800  }
0x77: {  	[sflag:s26] =	ssyncset.done $0x0  }
0x78: {  	s19 =	rddreg [dreg:$0xb];
	[sflag:s26] =	ssyncadd.s32 $0xFFFFD800  }
0x79: {  	[spmem:s19] =	stream.linear.scatter [tilespmem:s24], [sflag:$0x7], $0x2080, $0x38;
	[tilespmem:$0x1DE00] =	vst v63  }
0x7a: {  	_ =	swait.ge [sflag:s26], $0x2080  }
0x7b: {  	[sflag:s26] =	ssyncset.done $0x0  }
0x7c: {  	[sflag:s26] =	ssyncadd.s32 $0xFFFFDF80  }
0x7d: {  	[bflag:$0x0] =	sbarrier.arrive $0xFFFF  }
0x7e: {  	s19 =	simm.s32 $0x0;
	s22 =	rddreg [dreg:$0xa]  }
0x7f: {  	[tilespmem:s19], [sflag:$0x5] =	stream.linear.gather [hbm4b:s22+s19], $0x100, $0x38;
	[tilespmem:$0x1DE00] =	vst v63  }
0x80: {  	s23 =	rddreg [dreg:$0xc]  }
0x81: {  	[tilespmem:s28], [sflag:$0x6] =	stream.linear.gather [hbm4b:s23+s19], $0x100, $0x38;
	[tilespmem:$0x1DE00] =	vst v63  }
0x82: {  	_ =	swait.ge [sflag:s29], $0x100  }
0x83: {  	[sflag:s29] =	ssyncset.done $0x0  }
0x84: {  	[sflag:s29] =	ssyncadd.s32 $0xFFFFFF00  }
0x85: {  	[tilespmem:s31], [sflag:$0x1] =	stream.indirect.gather [hbm4b:s4+s30], $0x80, s19, s30, $0xb8;
	[tilespmem:$0x1DE00] =	vst v63  }
0x86: {  	s25 =	rddreg [dreg:$0xd]  }
0x87: {  	[tilespmem:s24], [sflag:$0x3] =	stream.linear.gather [hbm4b:s25+s19], $0x2800, $0x38;
	[tilespmem:$0x1DE00] =	vst v63  }
.LBB2_4:
0x88: {  	_ =	swait.ge [sflag:s0], $0x2800  }
0x89: {  	[sflag:s0] =	ssyncset.done $0x0  }
0x8a: {  	s7 =	smul.u32 $0x5000, s19;
	[sflag:s0] =	ssyncadd.s32 $0xFFFFD800  }
0x8b: {  	_ =	swait.ge [sflag:s1], $0x100  }
0x8c: {  	s7 =	sadd.s32 s7, s20;
	[sflag:s1] =	ssyncset.done $0x0  }
0x8d: {  	s7 =	sshrl.u32 s7, $0x3;
	[sflag:s1] =	ssyncadd.s32 $0xFFFFFF00  }
0x8e: {  	[tilespmem:s8], [sflag:$0x2] =	stream.indirect.gather [hbm4b:s4+s30], $0x80, s28, s30, $0xb8;
	[tilespmem:$0x1DE00] =	vst v63  }
0x8f: {  	s7 =	sadd.s32 s5, s7  }
0x90: {  	[tilespmem:s10], [sflag:$0x4] =	stream.linear.gather [hbm4b:s7+s3], $0x2800, $0x38;
	[tilespmem:$0x1DE00] =	vst v63  }
0x91: {  	_ =	swait.ge [sflag:s11], $0x2800  }
0x92: {  	[sflag:s11] =	ssyncset.done $0x0  }
0x93: {  	s22 =	simm.s32 $0x5300;
	[sflag:s11] =	ssyncadd.s32 $0xFFFFD800  }
0x94: {  	s23 =	simm.s32 $0x300;
	v1 =	vld [tilespmem:s22+$0x80]  }
0x95: {  	v2 =	vld [tilespmem:s23+$0x80]  }
0x96: {  	v3 =	vld [tilespmem:s23+$0xFFFFFF00]  }
0x97: {  	v4 =	vld [tilespmem:s22+$0xFFFFFF80]  }
0x98: {  	v5 =	vld [tilespmem:s23+$0xFFFFFF80]  }
0x99: {  	v6 =	vld [tilespmem:s23+$0x0]  }
0x9a: {  	v1 =	vadd.f32 v2, v1;
	v2 =	vld [tilespmem:s22+$0x0]  }
0x9b: {  	v7 =	vld [tilespmem:s22+$0xFFFFFF00]  }
0x9c: {  	v1 =	vmax.f32 v1, $0.0e+00  }
0x9d: {  	v4 =	vadd.f32 v5, v4;
	[tilespmem:s22+$0x80] =	vst v1;
	v1 =	vld [tilespmem:s22+$0x90]  }
0x9e: {  	v8 =	vld [tilespmem:s23+$0x90]  }
0x9f: {  	v9 =	vld [tilespmem:s22+$0xFFFFFF90];
	v4 =	vmax.f32 v4, $0.0e+00;
	v2 =	vadd.f32 v6, v2  }
0xa0: {  	v5 =	vld [tilespmem:s22+$0xFFFFFF10];
	v3 =	vadd.f32 v3, v7;
	[tilespmem:s22+$0xFFFFFF80] =	vst v4  }
0xa1: {  	v6 =	vld [tilespmem:s23+$0xFFFFFF90];
	v2 =	vmax.f32 v2, $0.0e+00  }
0xa2: {  	v3 =	vmax.f32 v3, $0.0e+00;
	v4 =	vld [tilespmem:s22+$0x10];
	[tilespmem:s22+$0x0] =	vst v2  }
0xa3: {  	[tilespmem:s22+$0xFFFFFF00] =	vst v3;
	v1 =	vadd.f32 v8, v1;
	v2 =	vld [tilespmem:s23+$0x10]  }
0xa4: {  	v3 =	vld [tilespmem:s23+$0xFFFFFF10]  }
0xa5: {  	v1 =	vmax.f32 v1, $0.0e+00  }
0xa6: {  	v6 =	vadd.f32 v6, v9;
	[tilespmem:s22+$0x90] =	vst v1;
	v1 =	vld [tilespmem:s22+$0xA0]  }
0xa7: {  	v8 =	vld [tilespmem:s23+$0xA0]  }
0xa8: {  	v7 =	vld [tilespmem:s22+$0xFFFFFF20];
	v6 =	vmax.f32 v6, $0.0e+00;
	v2 =	vadd.f32 v2, v4  }
0xa9: {  	v3 =	vadd.f32 v3, v5;
	v9 =	vld [tilespmem:s22+$0xFFFFFFA0];
	[tilespmem:s22+$0xFFFFFF90] =	vst v6  }
0xaa: {  	v5 =	vld [tilespmem:s23+$0xFFFFFFA0];
	v2 =	vmax.f32 v2, $0.0e+00  }
0xab: {  	v3 =	vmax.f32 v3, $0.0e+00;
	v4 =	vld [tilespmem:s22+$0x20];
	[tilespmem:s22+$0x10] =	vst v2  }
0xac: {  	[tilespmem:s22+$0xFFFFFF10] =	vst v3;
	v1 =	vadd.f32 v8, v1;
	v2 =	vld [tilespmem:s23+$0x20]  }
0xad: {  	v3 =	vld [tilespmem:s23+$0xFFFFFF20]  }
0xae: {  	v1 =	vmax.f32 v1, $0.0e+00  }
0xaf: {  	v5 =	vadd.f32 v5, v9;
	[tilespmem:s22+$0xA0] =	vst v1;
	v1 =	vld [tilespmem:s22+$0xB0]  }
0xb0: {  	v8 =	vld [tilespmem:s23+$0xB0]  }
0xb1: {  	v10 =	vld [tilespmem:s22+$0x30];
	v5 =	vmax.f32 v5, $0.0e+00;
	v2 =	vadd.f32 v2, v4  }
0xb2: {  	v3 =	vadd.f32 v3, v7;
	v9 =	vld [tilespmem:s22+$0xFFFFFFB0];
	[tilespmem:s22+$0xFFFFFFA0] =	vst v5  }
0xb3: {  	v4 =	vld [tilespmem:s23+$0xFFFFFFB0];
	v2 =	vmax.f32 v2, $0.0e+00  }
0xb4: {  	v6 =	vld [tilespmem:s22+$0xFFFFFF30];
	[tilespmem:s22+$0x20] =	vst v2;
	v2 =	vmax.f32 v3, $0.0e+00  }
0xb5: {  	v1 =	vadd.f32 v8, v1;
	[tilespmem:s22+$0xFFFFFF20] =	vst v2;
	v2 =	vld [tilespmem:s23+$0x30]  }
0xb6: {  	v7 =	vld [tilespmem:s23+$0xFFFFFF30]  }
0xb7: {  	v11 =	vld [tilespmem:s22+$0xFFFFFF40];
	v1 =	vmax.f32 v1, $0.0e+00  }
0xb8: {  	v4 =	vadd.f32 v4, v9;
	[tilespmem:s22+$0xB0] =	vst v1;
	v1 =	vld [tilespmem:s22+$0xC0]  }
0xb9: {  	v8 =	vld [tilespmem:s23+$0xC0]  }
0xba: {  	v12 =	vld [tilespmem:s22+$0xFFFFFFD0];
	v4 =	vmax.f32 v4, $0.0e+00;
	v2 =	vadd.f32 v2, v10  }
0xbb: {  	v5 =	vld [tilespmem:s22+$0xFFFFFFC0];
	[tilespmem:s22+$0xFFFFFFB0] =	vst v4;
	v6 =	vadd.f32 v7, v6  }
0xbc: {  	v7 =	vld [tilespmem:s23+$0xFFFFFFC0];
	v2 =	vmax.f32 v2, $0.0e+00  }
0xbd: {  	v3 =	vld [tilespmem:s22+$0x40];
	[tilespmem:s22+$0x30] =	vst v2;
	v2 =	vmax.f32 v6, $0.0e+00  }
0xbe: {  	v1 =	vadd.f32 v8, v1;
	v6 =	vld [tilespmem:s23+$0x40];
	[tilespmem:s22+$0xFFFFFF30] =	vst v2  }
0xbf: {  	v2 =	vld [tilespmem:s23+$0xFFFFFF40]  }
0xc0: {  	v9 =	vld [tilespmem:s22+$0xFFFFFF50];
	v1 =	vmax.f32 v1, $0.0e+00  }
0xc1: {  	[tilespmem:s22+$0xC0] =	vst v1;
	v1 =	vadd.f32 v7, v5;
	v7 =	vld [tilespmem:s22+$0xD0]  }
0xc2: {  	v8 =	vld [tilespmem:s23+$0xD0]  }
0xc3: {  	v4 =	vld [tilespmem:s22+$0xFFFFFF60];
	v1 =	vmax.f32 v1, $0.0e+00;
	v3 =	vadd.f32 v6, v3  }
0xc4: {  	v10 =	vld [tilespmem:s22+$0x50];
	[tilespmem:s22+$0xFFFFFFC0] =	vst v1;
	v1 =	vadd.f32 v2, v11  }
0xc5: {  	v2 =	vld [tilespmem:s23+$0xFFFFFFD0];
	v3 =	vmax.f32 v3, $0.0e+00  }
0xc6: {  	v5 =	vld [tilespmem:s22+$0xFFFFFFE0];
	[tilespmem:s22+$0x40] =	vst v3;
	v1 =	vmax.f32 v1, $0.0e+00  }
0xc7: {  	v3 =	vld [tilespmem:s23+$0x50];
	v7 =	vadd.f32 v8, v7;
	[tilespmem:s22+$0xFFFFFF40] =	vst v1  }
0xc8: {  	v1 =	vld [tilespmem:s23+$0xFFFFFF50]  }
0xc9: {  	v6 =	vld [tilespmem:s22+$0x60];
	v7 =	vmax.f32 v7, $0.0e+00  }
0xca: {  	v2 =	vadd.f32 v2, v12;
	[tilespmem:s22+$0xD0] =	vst v7;
	v7 =	vld [tilespmem:s22+$0xE0]  }
0xcb: {  	v11 =	vld [tilespmem:s23+$0xE0]  }
0xcc: {  	v2 =	vmax.f32 v2, $0.0e+00;
	v8 =	vadd.f32 v3, v10;
	v3 =	vld [tilespmem:s22+$0xFFFFFF70]  }
0xcd: {  	[tilespmem:s22+$0xFFFFFFD0] =	vst v2;
	v1 =	vadd.f32 v1, v9;
	v2 =	vld [tilespmem:s22+$0xFFFFFFF0]  }
0xce: {  	v9 =	vmax.f32 v8, $0.0e+00;
	v8 =	vld [tilespmem:s23+$0xFFFFFFE0]  }
0xcf: {  	[tilespmem:s22+$0x50] =	vst v9;
	v9 =	vmax.f32 v1, $0.0e+00;
	v1 =	vld [tilespmem:s22+$0x70]  }
0xd0: {  	[tilespmem:s22+$0xFFFFFF50] =	vst v9;
	v9 =	vld [tilespmem:s23+$0x60];
	v7 =	vadd.f32 v11, v7  }
0xd1: {  	v10 =	vld [tilespmem:s23+$0xFFFFFF60]  }
0xd2: {  	s25 =	simm.s32 $0x0;
	s16 =	simm.s32 $0x5500;
	s7 =	simm.s32 $0x300;
	v11 =	vmax.f32 v7, $0.0e+00;
	v7 =	vld [tilespmem:s22+$0xF0]  }
.LBB2_5:
0xd3: {  	v12 =	vld [tilespmem:s16+$0x80];
	v5 =	vadd.f32 v8, v5;
	[tilespmem:s22+$0xE0] =	vst v11  }
0xd4: {  	s7 =	sadd.s32 $0x200, s7;
	v8 =	vld [tilespmem:s23+$0xF0]  }
0xd5: {  	s25 =	sadd.s32 $0x4, s25;
	v11 =	vld [tilespmem:s7+$0x80];
	v5 =	vmax.f32 v5, $0.0e+00;
	v6 =	vadd.f32 v9, v6  }
0xd6: {  	p0 =	slt.u32 s25, $0x4C;
	v9 =	vld [tilespmem:s7+$0xFFFFFF00];
	v4 =	vadd.f32 v10, v4;
	[tilespmem:s22+$0xFFFFFFE0] =	vst v5  }
0xd7: {  	v5 =	vld [tilespmem:s16+$0xFFFFFF80];
	v6 =	vmax.f32 v6, $0.0e+00  }
0xd8: {  	v10 =	vld [tilespmem:s7+$0xFFFFFF80];
	v4 =	vmax.f32 v4, $0.0e+00;
	[tilespmem:s22+$0x60] =	vst v6  }
0xd9: {  	v6 =	vld [tilespmem:s16+$0x0];
	[tilespmem:s22+$0xFFFFFF60] =	vst v4;
	v4 =	vadd.f32 v8, v7  }
0xda: {  	v7 =	vld [tilespmem:s7+$0x0];
	v8 =	vadd.f32 v11, v12  }
0xdb: {  	v11 =	vld [tilespmem:s16+$0xFFFFFF00];
	v4 =	vmax.f32 v4, $0.0e+00  }
0xdc: {  	v12 =	vld [tilespmem:s16+$0xFFFFFF10];
	v8 =	vmax.f32 v8, $0.0e+00;
	[tilespmem:s22+$0xF0] =	vst v4  }
0xdd: {  	v4 =	vadd.f32 v10, v5;
	[tilespmem:s16+$0x80] =	vst v8;
	v5 =	vld [tilespmem:s16+$0x90]  }
0xde: {  	v8 =	vld [tilespmem:s7+$0x90]  }
0xdf: {  	v4 =	vmax.f32 v4, $0.0e+00;
	v10 =	vld [tilespmem:s16+$0xFFFFFF90];
	v6 =	vadd.f32 v7, v6  }
0xe0: {  	v7 =	vadd.f32 v9, v11;
	[tilespmem:s16+$0xFFFFFF80] =	vst v4;
	v4 =	vld [tilespmem:s16+$0x10]  }
0xe1: {  	v9 =	vld [tilespmem:s7+$0xFFFFFF90];
	v6 =	vmax.f32 v6, $0.0e+00  }
0xe2: {  	v7 =	vmax.f32 v7, $0.0e+00;
	v11 =	vld [tilespmem:s16+$0xFFFFFF20];
	[tilespmem:s16+$0x0] =	vst v6  }
0xe3: {  	[tilespmem:s16+$0xFFFFFF00] =	vst v7;
	v6 =	vld [tilespmem:s7+$0x10];
	v5 =	vadd.f32 v8, v5  }
0xe4: {  	v7 =	vld [tilespmem:s7+$0xFFFFFF10]  }
0xe5: {  	v8 =	vld [tilespmem:s16+$0xFFFFFFA0];
	v5 =	vmax.f32 v5, $0.0e+00  }
0xe6: {  	v9 =	vadd.f32 v9, v10;
	[tilespmem:s16+$0x90] =	vst v5;
	v5 =	vld [tilespmem:s16+$0xA0]  }
0xe7: {  	v10 =	vld [tilespmem:s7+$0xA0]  }
0xe8: {  	v9 =	vmax.f32 v9, $0.0e+00;
	v4 =	vadd.f32 v6, v4;
	v6 =	vld [tilespmem:s16+$0x20]  }
0xe9: {  	v7 =	vadd.f32 v7, v12;
	v12 =	vld [tilespmem:s16+$0xFFFFFF30];
	[tilespmem:s16+$0xFFFFFF90] =	vst v9  }
0xea: {  	v9 =	vld [tilespmem:s7+$0xFFFFFFA0];
	v4 =	vmax.f32 v4, $0.0e+00  }
0xeb: {  	v7 =	vmax.f32 v7, $0.0e+00;
	v13 =	vld [tilespmem:s16+$0xFFFFFFB0];
	[tilespmem:s16+$0x10] =	vst v4  }
0xec: {  	[tilespmem:s16+$0xFFFFFF10] =	vst v7;
	v4 =	vld [tilespmem:s7+$0x20];
	v5 =	vadd.f32 v10, v5  }
0xed: {  	v7 =	vld [tilespmem:s7+$0xFFFFFF20]  }
0xee: {  	v10 =	vld [tilespmem:s16+$0x30];
	v5 =	vmax.f32 v5, $0.0e+00  }
0xef: {  	v8 =	vadd.f32 v9, v8;
	[tilespmem:s16+$0xA0] =	vst v5;
	v5 =	vld [tilespmem:s16+$0xB0]  }
0xf0: {  	v9 =	vld [tilespmem:s7+$0xB0]  }
0xf1: {  	v14 =	vld [tilespmem:s16+$0xFFFFFF40];
	v8 =	vmax.f32 v8, $0.0e+00;
	v4 =	vadd.f32 v4, v6  }
0xf2: {  	v6 =	vadd.f32 v7, v11;
	[tilespmem:s16+$0xFFFFFFA0] =	vst v8;
	v7 =	vld [tilespmem:s16+$0xFFFFFFC0]  }
0xf3: {  	v8 =	vld [tilespmem:s7+$0xFFFFFFB0];
	v4 =	vmax.f32 v4, $0.0e+00  }
0xf4: {  	v6 =	vmax.f32 v6, $0.0e+00;
	[tilespmem:s16+$0x20] =	vst v4;
	v11 =	vld [tilespmem:s16+$0x40]  }
0xf5: {  	[tilespmem:s16+$0xFFFFFF20] =	vst v6;
	v4 =	vld [tilespmem:s7+$0x30];
	v5 =	vadd.f32 v9, v5  }
0xf6: {  	v6 =	vld [tilespmem:s7+$0xFFFFFF30]  }
0xf7: {  	v9 =	vld [tilespmem:s16+$0xFFFFFF50];
	v5 =	vmax.f32 v5, $0.0e+00  }
0xf8: {  	v8 =	vadd.f32 v8, v13;
	[tilespmem:s16+$0xB0] =	vst v5;
	v5 =	vld [tilespmem:s16+$0xC0]  }
0xf9: {  	v13 =	vld [tilespmem:s7+$0xC0]  }
0xfa: {  	v8 =	vmax.f32 v8, $0.0e+00;
	v15 =	vld [tilespmem:s16+$0xFFFFFFD0];
	v4 =	vadd.f32 v4, v10  }
0xfb: {  	v6 =	vadd.f32 v6, v12;
	[tilespmem:s16+$0xFFFFFFB0] =	vst v8;
	v8 =	vld [tilespmem:s16+$0x50]  }
0xfc: {  	v10 =	vld [tilespmem:s7+$0xFFFFFFC0];
	v12 =	vmax.f32 v4, $0.0e+00  }
0xfd: {  	v6 =	vmax.f32 v6, $0.0e+00;
	v4 =	vld [tilespmem:s16+$0xFFFFFF60];
	[tilespmem:s16+$0x30] =	vst v12  }
0xfe: {  	[tilespmem:s16+$0xFFFFFF30] =	vst v6;
	v6 =	vld [tilespmem:s7+$0x40];
	v12 =	vadd.f32 v13, v5  }
0xff: {  	v13 =	vld [tilespmem:s7+$0xFFFFFF40]  }
0x100: {  	v5 =	vld [tilespmem:s16+$0xFFFFFFE0];
	v12 =	vmax.f32 v12, $0.0e+00  }
0x101: {  	v7 =	vadd.f32 v10, v7;
	[tilespmem:s16+$0xC0] =	vst v12;
	v10 =	vld [tilespmem:s16+$0xD0]  }
0x102: {  	v12 =	vld [tilespmem:s7+$0xD0]  }
0x103: {  	v7 =	vmax.f32 v7, $0.0e+00;
	v11 =	vadd.f32 v6, v11;
	v6 =	vld [tilespmem:s16+$0x60]  }
0x104: {  	v13 =	vadd.f32 v13, v14;
	[tilespmem:s16+$0xFFFFFFC0] =	vst v7;
	v7 =	vld [tilespmem:s23+$0xFFFFFF70]  }
0x105: {  	v14 =	vld [tilespmem:s7+$0xFFFFFFD0];
	v11 =	vmax.f32 v11, $0.0e+00  }
0x106: {  	v13 =	vmax.f32 v13, $0.0e+00;
	[tilespmem:s16+$0x40] =	vst v11;
	v11 =	vld [tilespmem:s23+$0xFFFFFFF0]  }
0x107: {  	[tilespmem:s16+$0xFFFFFF40] =	vst v13;
	v13 =	vld [tilespmem:s7+$0x50];
	v10 =	vadd.f32 v12, v10  }
0x108: {  	v12 =	vld [tilespmem:s7+$0xFFFFFF50]  }
0x109: {  	v10 =	vmax.f32 v10, $0.0e+00;
	v3 =	vadd.f32 v7, v3;
	v7 =	vld [tilespmem:s23+$0x70];
	s23 =	smov.u32 s7  }
0x10a: {  	v14 =	vadd.f32 v14, v15;
	[tilespmem:s16+$0xD0] =	vst v10;
	v10 =	vld [tilespmem:s16+$0xE0]  }
0x10b: {  	v15 =	vld [tilespmem:s7+$0xE0];
	v16 =	vmax.f32 v3, $0.0e+00;
	v11 =	vadd.f32 v11, v2  }
0x10c: {  	v3 =	vld [tilespmem:s16+$0xFFFFFF70];
	v2 =	vmax.f32 v14, $0.0e+00;
	v13 =	vadd.f32 v13, v8;
	[tilespmem:s22+$0xFFFFFF70] =	vst v16  }
0x10d: {  	v9 =	vadd.f32 v12, v9;
	[tilespmem:s16+$0xFFFFFFD0] =	vst v2;
	v2 =	vld [tilespmem:s16+$0xFFFFFFF0];
	v11 =	vmax.f32 v11, $0.0e+00  }
.Ltmp1:
0x10e: {  	v8 =	vld [tilespmem:s7+$0xFFFFFFE0];
	v12 =	vmax.f32 v13, $0.0e+00;
	[tilespmem:s22+$0xFFFFFFF0] =	vst v11;
	v7 =	vadd.f32 v7, v1;
	(pc) =	sbr.rel @p0 .LBB2_5-.Ltmp1, $4  }
0x10f: {  	v9 =	vmax.f32 v9, $0.0e+00;
	[tilespmem:s16+$0x50] =	vst v12;
	v1 =	vld [tilespmem:s16+$0x70]  }
0x110: {  	[tilespmem:s16+$0xFFFFFF50] =	vst v9;
	v9 =	vld [tilespmem:s7+$0x60];
	v11 =	vadd.f32 v15, v10;
	v7 =	vmax.f32 v7, $0.0e+00  }
0x111: {  	v10 =	vld [tilespmem:s7+$0xFFFFFF60];
	[tilespmem:s22+$0x70] =	vst v7;
	s22 =	smov.u32 s16  }
0x112: {  	s16 =	sadd.s32 $0x200, s16;
	v11 =	vmax.f32 v11, $0.0e+00;
	v7 =	vld [tilespmem:s22+$0xF0]  }
0x113: {  	_ =	sdelay $0x2  }
0x114: {  	v4 =	vadd.f32 v10, v4  }
0x115: {  	v5 =	vadd.f32 v8, v5  }
0x116: {  	[tilespmem:s22+$0xE0] =	vst v11;
	v6 =	vadd.f32 v9, v6;
	v4 =	vmax.f32 v4, $0.0e+00  }
0x117: {  	v8 =	vld [tilespmem:s23+$0xF0];
	v5 =	vmax.f32 v5, $0.0e+00;
	[tilespmem:s22+$0xFFFFFF60] =	vst v4  }
0x118: {  	[tilespmem:s22+$0xFFFFFFE0] =	vst v5;
	v4 =	vmax.f32 v6, $0.0e+00;
	v5 =	vld [tilespmem:s23+$0xFFFFFF70]  }
0x119: {  	[tilespmem:s22+$0x60] =	vst v4;
	v4 =	vld [tilespmem:s23+$0xFFFFFFF0]  }
0x11a: {  	v6 =	vld [tilespmem:s23+$0x70];
	_ =	sdelay $0x1  }
0x11b: {  	v7 =	vadd.f32 v8, v7  }
0x11c: {  	v3 =	vadd.f32 v5, v3  }
0x11d: {  	v5 =	vmax.f32 v7, $0.0e+00;
	v2 =	vadd.f32 v4, v2  }
0x11e: {  	[tilespmem:s22+$0xF0] =	vst v5;
	v1 =	vadd.f32 v6, v1;
	v3 =	vmax.f32 v3, $0.0e+00  }
0x11f: {  	s7 =	sshll.u32 s19, $0x1;
	v2 =	vmax.f32 v2, $0.0e+00;
	[tilespmem:s22+$0xFFFFFF70] =	vst v3  }
0x120: {  	s7 =	sadd.s32 $0x2, s7;
	[tilespmem:s22+$0xFFFFFFF0] =	vst v2;
	v1 =	vmax.f32 v1, $0.0e+00  }
0x121: {  	s16 =	sshll.u32 s7, $0x8;
	[tilespmem:s22+$0x70] =	vst v1  }
0x122: {  	[spmem:s2] =	stream.indirect.scatter.add.f32 [tilespmem:s24], [sflag:$0x7], $0x80, s12, s30, $0xb8;
	[tilespmem:$0x1DE00] =	vst v63  }
0x123: {  	s16 =	sadd.s32 s9, s16;
	_ =	swait.ge [sflag:s26], $0x2800  }
0x124: {  	s16 =	sshrl.u32 s16, $0x3;
	[sflag:s26] =	ssyncset.done $0x0  }
0x125: {  	s16 =	sadd.s32 s6, s16;
	[sflag:s26] =	ssyncadd.s32 $0xFFFFD800  }
0x126: {  	[tilespmem:s3], [sflag:$0x5] =	stream.linear.gather [hbm4b:s16+s3], $0x100, $0x38;
	[tilespmem:$0x1DE00] =	vst v63  }
0x127: {  	_ =	swait.ge [sflag:s13], $0x2800  }
0x128: {  	[sflag:s13] =	ssyncset.done $0x0  }
0x129: {  	s7 =	smul.u32 $0x2800, s7;
	[sflag:s13] =	ssyncadd.s32 $0xFFFFD800  }
0x12a: {  	_ =	swait.ge [sflag:s29], $0x100  }
0x12b: {  	s7 =	sadd.s32 s14, s7;
	[sflag:s29] =	ssyncset.done $0x0  }
0x12c: {  	s7 =	sshrl.u32 s7, $0x3;
	[sflag:s29] =	ssyncadd.s32 $0xFFFFFF00  }
0x12d: {  	[tilespmem:s31], [sflag:$0x1] =	stream.indirect.gather [hbm4b:s4+s30], $0x80, s3, s30, $0xb8;
	[tilespmem:$0x1DE00] =	vst v63  }
0x12e: {  	s7 =	sadd.s32 s5, s7  }
0x12f: {  	[tilespmem:s24], [sflag:$0x3] =	stream.linear.gather [hbm4b:s7+s3], $0x2800, $0x38;
	[tilespmem:$0x1DE00] =	vst v63  }
0x130: {  	_ =	swait.ge [sflag:s15], $0x2800  }
0x131: {  	[sflag:s15] =	ssyncset.done $0x0  }
0x132: {  	s22 =	simm.s32 $0x7B00;
	[sflag:s15] =	ssyncadd.s32 $0xFFFFD800  }
0x133: {  	s23 =	simm.s32 $0x2B00;
	v1 =	vld [tilespmem:s22+$0x80]  }
0x134: {  	v2 =	vld [tilespmem:s23+$0x80]  }
0x135: {  	v3 =	vld [tilespmem:s23+$0xFFFFFF00]  }
0x136: {  	v4 =	vld [tilespmem:s22+$0xFFFFFF80]  }
0x137: {  	v5 =	vld [tilespmem:s23+$0xFFFFFF80]  }
0x138: {  	v6 =	vld [tilespmem:s23+$0x0]  }
0x139: {  	v1 =	vadd.f32 v2, v1;
	v2 =	vld [tilespmem:s22+$0x0]  }
0x13a: {  	v7 =	vld [tilespmem:s22+$0xFFFFFF00]  }
0x13b: {  	v1 =	vmax.f32 v1, $0.0e+00  }
0x13c: {  	v4 =	vadd.f32 v5, v4;
	[tilespmem:s22+$0x80] =	vst v1;
	v1 =	vld [tilespmem:s22+$0x90]  }
0x13d: {  	v8 =	vld [tilespmem:s23+$0x90]  }
0x13e: {  	v9 =	vld [tilespmem:s22+$0xFFFFFF90];
	v4 =	vmax.f32 v4, $0.0e+00;
	v2 =	vadd.f32 v6, v2  }
0x13f: {  	v5 =	vld [tilespmem:s22+$0xFFFFFF10];
	v3 =	vadd.f32 v3, v7;
	[tilespmem:s22+$0xFFFFFF80] =	vst v4  }
0x140: {  	v6 =	vld [tilespmem:s23+$0xFFFFFF90];
	v2 =	vmax.f32 v2, $0.0e+00  }
0x141: {  	v3 =	vmax.f32 v3, $0.0e+00;
	v4 =	vld [tilespmem:s22+$0x10];
	[tilespmem:s22+$0x0] =	vst v2  }
0x142: {  	[tilespmem:s22+$0xFFFFFF00] =	vst v3;
	v1 =	vadd.f32 v8, v1;
	v2 =	vld [tilespmem:s23+$0x10]  }
0x143: {  	v3 =	vld [tilespmem:s23+$0xFFFFFF10]  }
0x144: {  	v1 =	vmax.f32 v1, $0.0e+00  }
0x145: {  	v6 =	vadd.f32 v6, v9;
	[tilespmem:s22+$0x90] =	vst v1;
	v1 =	vld [tilespmem:s22+$0xA0]  }
0x146: {  	v8 =	vld [tilespmem:s23+$0xA0]  }
0x147: {  	v7 =	vld [tilespmem:s22+$0xFFFFFF20];
	v6 =	vmax.f32 v6, $0.0e+00;
	v2 =	vadd.f32 v2, v4  }
0x148: {  	v3 =	vadd.f32 v3, v5;
	v9 =	vld [tilespmem:s22+$0xFFFFFFA0];
	[tilespmem:s22+$0xFFFFFF90] =	vst v6  }
0x149: {  	v5 =	vld [tilespmem:s23+$0xFFFFFFA0];
	v2 =	vmax.f32 v2, $0.0e+00  }
0x14a: {  	v3 =	vmax.f32 v3, $0.0e+00;
	v4 =	vld [tilespmem:s22+$0x20];
	[tilespmem:s22+$0x10] =	vst v2  }
0x14b: {  	[tilespmem:s22+$0xFFFFFF10] =	vst v3;
	v1 =	vadd.f32 v8, v1;
	v2 =	vld [tilespmem:s23+$0x20]  }
0x14c: {  	v3 =	vld [tilespmem:s23+$0xFFFFFF20]  }
0x14d: {  	v1 =	vmax.f32 v1, $0.0e+00  }
0x14e: {  	v5 =	vadd.f32 v5, v9;
	[tilespmem:s22+$0xA0] =	vst v1;
	v1 =	vld [tilespmem:s22+$0xB0]  }
0x14f: {  	v8 =	vld [tilespmem:s23+$0xB0]  }
0x150: {  	v10 =	vld [tilespmem:s22+$0x30];
	v5 =	vmax.f32 v5, $0.0e+00;
	v2 =	vadd.f32 v2, v4  }
0x151: {  	v3 =	vadd.f32 v3, v7;
	v9 =	vld [tilespmem:s22+$0xFFFFFFB0];
	[tilespmem:s22+$0xFFFFFFA0] =	vst v5  }
0x152: {  	v4 =	vld [tilespmem:s23+$0xFFFFFFB0];
	v2 =	vmax.f32 v2, $0.0e+00  }
0x153: {  	v6 =	vld [tilespmem:s22+$0xFFFFFF30];
	[tilespmem:s22+$0x20] =	vst v2;
	v2 =	vmax.f32 v3, $0.0e+00  }
0x154: {  	v1 =	vadd.f32 v8, v1;
	[tilespmem:s22+$0xFFFFFF20] =	vst v2;
	v2 =	vld [tilespmem:s23+$0x30]  }
0x155: {  	v7 =	vld [tilespmem:s23+$0xFFFFFF30]  }
0x156: {  	v11 =	vld [tilespmem:s22+$0xFFFFFF40];
	v1 =	vmax.f32 v1, $0.0e+00  }
0x157: {  	v4 =	vadd.f32 v4, v9;
	[tilespmem:s22+$0xB0] =	vst v1;
	v1 =	vld [tilespmem:s22+$0xC0]  }
0x158: {  	v8 =	vld [tilespmem:s23+$0xC0]  }
0x159: {  	v12 =	vld [tilespmem:s22+$0xFFFFFFD0];
	v4 =	vmax.f32 v4, $0.0e+00;
	v2 =	vadd.f32 v2, v10  }
0x15a: {  	v5 =	vld [tilespmem:s22+$0xFFFFFFC0];
	[tilespmem:s22+$0xFFFFFFB0] =	vst v4;
	v6 =	vadd.f32 v7, v6  }
0x15b: {  	v7 =	vld [tilespmem:s23+$0xFFFFFFC0];
	v2 =	vmax.f32 v2, $0.0e+00  }
0x15c: {  	v3 =	vld [tilespmem:s22+$0x40];
	[tilespmem:s22+$0x30] =	vst v2;
	v2 =	vmax.f32 v6, $0.0e+00  }
0x15d: {  	v1 =	vadd.f32 v8, v1;
	v6 =	vld [tilespmem:s23+$0x40];
	[tilespmem:s22+$0xFFFFFF30] =	vst v2  }
0x15e: {  	v2 =	vld [tilespmem:s23+$0xFFFFFF40]  }
0x15f: {  	v9 =	vld [tilespmem:s22+$0xFFFFFF50];
	v1 =	vmax.f32 v1, $0.0e+00  }
0x160: {  	[tilespmem:s22+$0xC0] =	vst v1;
	v1 =	vadd.f32 v7, v5;
	v7 =	vld [tilespmem:s22+$0xD0]  }
0x161: {  	v8 =	vld [tilespmem:s23+$0xD0]  }
0x162: {  	v4 =	vld [tilespmem:s22+$0xFFFFFF60];
	v1 =	vmax.f32 v1, $0.0e+00;
	v3 =	vadd.f32 v6, v3  }
0x163: {  	v10 =	vld [tilespmem:s22+$0x50];
	[tilespmem:s22+$0xFFFFFFC0] =	vst v1;
	v1 =	vadd.f32 v2, v11  }
0x164: {  	v2 =	vld [tilespmem:s23+$0xFFFFFFD0];
	v3 =	vmax.f32 v3, $0.0e+00  }
0x165: {  	v5 =	vld [tilespmem:s22+$0xFFFFFFE0];
	[tilespmem:s22+$0x40] =	vst v3;
	v1 =	vmax.f32 v1, $0.0e+00  }
0x166: {  	v3 =	vld [tilespmem:s23+$0x50];
	v7 =	vadd.f32 v8, v7;
	[tilespmem:s22+$0xFFFFFF40] =	vst v1  }
0x167: {  	v1 =	vld [tilespmem:s23+$0xFFFFFF50]  }
0x168: {  	v6 =	vld [tilespmem:s22+$0x60];
	v7 =	vmax.f32 v7, $0.0e+00  }
0x169: {  	v2 =	vadd.f32 v2, v12;
	[tilespmem:s22+$0xD0] =	vst v7;
	v7 =	vld [tilespmem:s22+$0xE0]  }
0x16a: {  	v11 =	vld [tilespmem:s23+$0xE0]  }
0x16b: {  	v2 =	vmax.f32 v2, $0.0e+00;
	v8 =	vadd.f32 v3, v10;
	v3 =	vld [tilespmem:s22+$0xFFFFFF70]  }
0x16c: {  	[tilespmem:s22+$0xFFFFFFD0] =	vst v2;
	v1 =	vadd.f32 v1, v9;
	v2 =	vld [tilespmem:s22+$0xFFFFFFF0]  }
0x16d: {  	v9 =	vmax.f32 v8, $0.0e+00;
	v8 =	vld [tilespmem:s23+$0xFFFFFFE0]  }
0x16e: {  	[tilespmem:s22+$0x50] =	vst v9;
	v9 =	vmax.f32 v1, $0.0e+00;
	v1 =	vld [tilespmem:s22+$0x70]  }
0x16f: {  	[tilespmem:s22+$0xFFFFFF50] =	vst v9;
	v9 =	vld [tilespmem:s23+$0x60];
	v7 =	vadd.f32 v11, v7  }
0x170: {  	v10 =	vld [tilespmem:s23+$0xFFFFFF60]  }
0x171: {  	s25 =	simm.s32 $0x0;
	s16 =	simm.s32 $0x7D00;
	s7 =	simm.s32 $0x2B00;
	v11 =	vmax.f32 v7, $0.0e+00;
	v7 =	vld [tilespmem:s22+$0xF0]  }
.LBB2_7:
0x172: {  	v12 =	vld [tilespmem:s16+$0x80];
	v5 =	vadd.f32 v8, v5;
	[tilespmem:s22+$0xE0] =	vst v11  }
0x173: {  	s7 =	sadd.s32 $0x200, s7;
	v8 =	vld [tilespmem:s23+$0xF0]  }
0x174: {  	s25 =	sadd.s32 $0x4, s25;
	v11 =	vld [tilespmem:s7+$0x80];
	v5 =	vmax.f32 v5, $0.0e+00;
	v6 =	vadd.f32 v9, v6  }
0x175: {  	p0 =	slt.u32 s25, $0x4C;
	v9 =	vld [tilespmem:s7+$0xFFFFFF00];
	v4 =	vadd.f32 v10, v4;
	[tilespmem:s22+$0xFFFFFFE0] =	vst v5  }
0x176: {  	v5 =	vld [tilespmem:s16+$0xFFFFFF80];
	v6 =	vmax.f32 v6, $0.0e+00  }
0x177: {  	v10 =	vld [tilespmem:s7+$0xFFFFFF80];
	v4 =	vmax.f32 v4, $0.0e+00;
	[tilespmem:s22+$0x60] =	vst v6  }
0x178: {  	v6 =	vld [tilespmem:s16+$0x0];
	[tilespmem:s22+$0xFFFFFF60] =	vst v4;
	v4 =	vadd.f32 v8, v7  }
0x179: {  	v7 =	vld [tilespmem:s7+$0x0];
	v8 =	vadd.f32 v11, v12  }
0x17a: {  	v11 =	vld [tilespmem:s16+$0xFFFFFF00];
	v4 =	vmax.f32 v4, $0.0e+00  }
0x17b: {  	v12 =	vld [tilespmem:s16+$0xFFFFFF10];
	v8 =	vmax.f32 v8, $0.0e+00;
	[tilespmem:s22+$0xF0] =	vst v4  }
0x17c: {  	v4 =	vadd.f32 v10, v5;
	[tilespmem:s16+$0x80] =	vst v8;
	v5 =	vld [tilespmem:s16+$0x90]  }
0x17d: {  	v8 =	vld [tilespmem:s7+$0x90]  }
0x17e: {  	v4 =	vmax.f32 v4, $0.0e+00;
	v10 =	vld [tilespmem:s16+$0xFFFFFF90];
	v6 =	vadd.f32 v7, v6  }
0x17f: {  	v7 =	vadd.f32 v9, v11;
	[tilespmem:s16+$0xFFFFFF80] =	vst v4;
	v4 =	vld [tilespmem:s16+$0x10]  }
0x180: {  	v9 =	vld [tilespmem:s7+$0xFFFFFF90];
	v6 =	vmax.f32 v6, $0.0e+00  }
0x181: {  	v7 =	vmax.f32 v7, $0.0e+00;
	v11 =	vld [tilespmem:s16+$0xFFFFFF20];
	[tilespmem:s16+$0x0] =	vst v6  }
0x182: {  	[tilespmem:s16+$0xFFFFFF00] =	vst v7;
	v6 =	vld [tilespmem:s7+$0x10];
	v5 =	vadd.f32 v8, v5  }
0x183: {  	v7 =	vld [tilespmem:s7+$0xFFFFFF10]  }
0x184: {  	v8 =	vld [tilespmem:s16+$0xFFFFFFA0];
	v5 =	vmax.f32 v5, $0.0e+00  }
0x185: {  	v9 =	vadd.f32 v9, v10;
	[tilespmem:s16+$0x90] =	vst v5;
	v5 =	vld [tilespmem:s16+$0xA0]  }
0x186: {  	v10 =	vld [tilespmem:s7+$0xA0]  }
0x187: {  	v9 =	vmax.f32 v9, $0.0e+00;
	v4 =	vadd.f32 v6, v4;
	v6 =	vld [tilespmem:s16+$0x20]  }
0x188: {  	v7 =	vadd.f32 v7, v12;
	v12 =	vld [tilespmem:s16+$0xFFFFFF30];
	[tilespmem:s16+$0xFFFFFF90] =	vst v9  }
0x189: {  	v9 =	vld [tilespmem:s7+$0xFFFFFFA0];
	v4 =	vmax.f32 v4, $0.0e+00  }
0x18a: {  	v7 =	vmax.f32 v7, $0.0e+00;
	v13 =	vld [tilespmem:s16+$0xFFFFFFB0];
	[tilespmem:s16+$0x10] =	vst v4  }
0x18b: {  	[tilespmem:s16+$0xFFFFFF10] =	vst v7;
	v4 =	vld [tilespmem:s7+$0x20];
	v5 =	vadd.f32 v10, v5  }
0x18c: {  	v7 =	vld [tilespmem:s7+$0xFFFFFF20]  }
0x18d: {  	v10 =	vld [tilespmem:s16+$0x30];
	v5 =	vmax.f32 v5, $0.0e+00  }
0x18e: {  	v8 =	vadd.f32 v9, v8;
	[tilespmem:s16+$0xA0] =	vst v5;
	v5 =	vld [tilespmem:s16+$0xB0]  }
0x18f: {  	v9 =	vld [tilespmem:s7+$0xB0]  }
0x190: {  	v14 =	vld [tilespmem:s16+$0xFFFFFF40];
	v8 =	vmax.f32 v8, $0.0e+00;
	v4 =	vadd.f32 v4, v6  }
0x191: {  	v6 =	vadd.f32 v7, v11;
	[tilespmem:s16+$0xFFFFFFA0] =	vst v8;
	v7 =	vld [tilespmem:s16+$0xFFFFFFC0]  }
0x192: {  	v8 =	vld [tilespmem:s7+$0xFFFFFFB0];
	v4 =	vmax.f32 v4, $0.0e+00  }
0x193: {  	v6 =	vmax.f32 v6, $0.0e+00;
	[tilespmem:s16+$0x20] =	vst v4;
	v11 =	vld [tilespmem:s16+$0x40]  }
0x194: {  	[tilespmem:s16+$0xFFFFFF20] =	vst v6;
	v4 =	vld [tilespmem:s7+$0x30];
	v5 =	vadd.f32 v9, v5  }
0x195: {  	v6 =	vld [tilespmem:s7+$0xFFFFFF30]  }
0x196: {  	v9 =	vld [tilespmem:s16+$0xFFFFFF50];
	v5 =	vmax.f32 v5, $0.0e+00  }
0x197: {  	v8 =	vadd.f32 v8, v13;
	[tilespmem:s16+$0xB0] =	vst v5;
	v5 =	vld [tilespmem:s16+$0xC0]  }
0x198: {  	v13 =	vld [tilespmem:s7+$0xC0]  }
0x199: {  	v8 =	vmax.f32 v8, $0.0e+00;
	v15 =	vld [tilespmem:s16+$0xFFFFFFD0];
	v4 =	vadd.f32 v4, v10  }
0x19a: {  	v6 =	vadd.f32 v6, v12;
	[tilespmem:s16+$0xFFFFFFB0] =	vst v8;
	v8 =	vld [tilespmem:s16+$0x50]  }
0x19b: {  	v10 =	vld [tilespmem:s7+$0xFFFFFFC0];
	v12 =	vmax.f32 v4, $0.0e+00  }
0x19c: {  	v6 =	vmax.f32 v6, $0.0e+00;
	v4 =	vld [tilespmem:s16+$0xFFFFFF60];
	[tilespmem:s16+$0x30] =	vst v12  }
0x19d: {  	[tilespmem:s16+$0xFFFFFF30] =	vst v6;
	v6 =	vld [tilespmem:s7+$0x40];
	v12 =	vadd.f32 v13, v5  }
0x19e: {  	v13 =	vld [tilespmem:s7+$0xFFFFFF40]  }
0x19f: {  	v5 =	vld [tilespmem:s16+$0xFFFFFFE0];
	v12 =	vmax.f32 v12, $0.0e+00  }
0x1a0: {  	v7 =	vadd.f32 v10, v7;
	[tilespmem:s16+$0xC0] =	vst v12;
	v10 =	vld [tilespmem:s16+$0xD0]  }
0x1a1: {  	v12 =	vld [tilespmem:s7+$0xD0]  }
0x1a2: {  	v7 =	vmax.f32 v7, $0.0e+00;
	v11 =	vadd.f32 v6, v11;
	v6 =	vld [tilespmem:s16+$0x60]  }
0x1a3: {  	v13 =	vadd.f32 v13, v14;
	[tilespmem:s16+$0xFFFFFFC0] =	vst v7;
	v7 =	vld [tilespmem:s23+$0xFFFFFF70]  }
0x1a4: {  	v14 =	vld [tilespmem:s7+$0xFFFFFFD0];
	v11 =	vmax.f32 v11, $0.0e+00  }
0x1a5: {  	v13 =	vmax.f32 v13, $0.0e+00;
	[tilespmem:s16+$0x40] =	vst v11;
	v11 =	vld [tilespmem:s23+$0xFFFFFFF0]  }
0x1a6: {  	[tilespmem:s16+$0xFFFFFF40] =	vst v13;
	v13 =	vld [tilespmem:s7+$0x50];
	v10 =	vadd.f32 v12, v10  }
0x1a7: {  	v12 =	vld [tilespmem:s7+$0xFFFFFF50]  }
0x1a8: {  	v10 =	vmax.f32 v10, $0.0e+00;
	v3 =	vadd.f32 v7, v3;
	v7 =	vld [tilespmem:s23+$0x70];
	s23 =	smov.u32 s7  }
0x1a9: {  	v14 =	vadd.f32 v14, v15;
	[tilespmem:s16+$0xD0] =	vst v10;
	v10 =	vld [tilespmem:s16+$0xE0]  }
0x1aa: {  	v15 =	vld [tilespmem:s7+$0xE0];
	v16 =	vmax.f32 v3, $0.0e+00;
	v11 =	vadd.f32 v11, v2  }
0x1ab: {  	v3 =	vld [tilespmem:s16+$0xFFFFFF70];
	v2 =	vmax.f32 v14, $0.0e+00;
	v13 =	vadd.f32 v13, v8;
	[tilespmem:s22+$0xFFFFFF70] =	vst v16  }
0x1ac: {  	v9 =	vadd.f32 v12, v9;
	[tilespmem:s16+$0xFFFFFFD0] =	vst v2;
	v2 =	vld [tilespmem:s16+$0xFFFFFFF0];
	v11 =	vmax.f32 v11, $0.0e+00  }
.Ltmp2:
0x1ad: {  	v8 =	vld [tilespmem:s7+$0xFFFFFFE0];
	v12 =	vmax.f32 v13, $0.0e+00;
	[tilespmem:s22+$0xFFFFFFF0] =	vst v11;
	v7 =	vadd.f32 v7, v1;
	(pc) =	sbr.rel @p0 .LBB2_7-.Ltmp2, $4  }
0x1ae: {  	v9 =	vmax.f32 v9, $0.0e+00;
	[tilespmem:s16+$0x50] =	vst v12;
	v1 =	vld [tilespmem:s16+$0x70]  }
0x1af: {  	[tilespmem:s16+$0xFFFFFF50] =	vst v9;
	v9 =	vld [tilespmem:s7+$0x60];
	v11 =	vadd.f32 v15, v10;
	v7 =	vmax.f32 v7, $0.0e+00  }
0x1b0: {  	v10 =	vld [tilespmem:s7+$0xFFFFFF60];
	[tilespmem:s22+$0x70] =	vst v7;
	s22 =	smov.u32 s16  }
0x1b1: {  	s16 =	sadd.s32 $0x200, s16;
	v11 =	vmax.f32 v11, $0.0e+00;
	v7 =	vld [tilespmem:s22+$0xF0]  }
0x1b2: {  	_ = 	snop  }
0x1b3: {  	v5 =	vadd.f32 v8, v5  }
0x1b4: {  	v6 =	vadd.f32 v9, v6  }
0x1b5: {  	[tilespmem:s22+$0xE0] =	vst v11;
	v5 =	vmax.f32 v5, $0.0e+00;
	v4 =	vadd.f32 v10, v4  }
0x1b6: {  	v58 =	vld [tilespmem:s23+$0xF0];
	[tilespmem:s22+$0xFFFFFFE0] =	vst v5;
	v59 =	vmax.f32 v6, $0.0e+00  }
0x1b7: {  	v61 =	vld [tilespmem:s23+$0xFFFFFFF0];
	v4 =	vmax.f32 v4, $0.0e+00;
	[tilespmem:s22+$0x60] =	vst v59  }
0x1b8: {  	[tilespmem:s22+$0xFFFFFF60] =	vst v4;
	v62 =	vld [tilespmem:s23+$0x70]  }
0x1b9: {  	v60 =	vld [tilespmem:s23+$0xFFFFFF70];
	_ =	sdelay $0x1  }
0x1ba: {  	v7 =	vadd.f32 v58, v7  }
0x1bb: {  	v2 =	vadd.f32 v61, v2  }
0x1bc: {  	v63 =	vmax.f32 v7, $0.0e+00;
	v1 =	vadd.f32 v62, v1  }
0x1bd: {  	[tilespmem:s22+$0xF0] =	vst v63;
	v2 =	vmax.f32 v2, $0.0e+00;
	v3 =	vadd.f32 v60, v3  }
0x1be: {  	[tilespmem:s22+$0xFFFFFFF0] =	vst v2;
	v1 =	vmax.f32 v1, $0.0e+00  }
0x1bf: {  	p0 =	seq.s32 s19, $0x3D;
	v3 =	vmax.f32 v3, $0.0e+00;
	[tilespmem:s22+$0x70] =	vst v1  }
.Ltmp3:
0x1c0: {  	[tilespmem:s22+$0xFFFFFF70] =	vst v3;
	(pc) =	sbr.rel @p0 .LBB2_10-.Ltmp3, $4  }
0x1c1: {  	[spmem:s2] =	stream.indirect.scatter.add.f32 [tilespmem:s10], [sflag:$0x7], $0x80, s17, s30, $0xb8;
	[tilespmem:$0x1DE00] =	vst v63  }
0x1c2: {  	_ =	swait.ge [sflag:s26], $0x2800  }
0x1c3: {  	[sflag:s26] =	ssyncset.done $0x0  }
0x1c4: {  	[sflag:s26] =	ssyncadd.s32 $0xFFFFD800  }
.Ltmp4:
0x1c5: {  	s7 =	sshll.u32 s19, $0x9;
	(pc) =	sbr.rel .LBB2_4-.Ltmp4, $4  }
0x1c6: {  	s7 =	sadd.s32 s7, s21  }
0x1c7: {  	s7 =	sshrl.u32 s7, $0x3  }
0x1c8: {  	s19 =	sadd.s32 $0x1, s19;
	s7 =	sadd.s32 s6, s7  }
0x1c9: {  	[tilespmem:s28], [sflag:$0x6] =	stream.linear.gather [hbm4b:s7+s3], $0x100, $0x38;
	[tilespmem:$0x1DE00] =	vst v63  }
.LBB2_10:
0x1ca: {  	_ =	swait.ge [sflag:s0], $0x2800  }
0x1cb: {  	[sflag:s0] =	ssyncset.done $0x0  }
0x1cc: {  	[sflag:s0] =	ssyncadd.s32 $0xFFFFD800  }
0x1cd: {  	_ =	swait.ge [sflag:s11], $0x2800  }
0x1ce: {  	[sflag:s11] =	ssyncset.done $0x0  }
0x1cf: {  	s19 =	simm.s32 $0x5300;
	[sflag:s11] =	ssyncadd.s32 $0xFFFFD800  }
0x1d0: {  	s22 =	simm.s32 $0x300;
	v1 =	vld [tilespmem:s19+$0x80]  }
0x1d1: {  	v2 =	vld [tilespmem:s22+$0x80]  }
0x1d2: {  	v3 =	vld [tilespmem:s22+$0xFFFFFF00]  }
0x1d3: {  	v4 =	vld [tilespmem:s19+$0xFFFFFF80]  }
0x1d4: {  	v5 =	vld [tilespmem:s22+$0xFFFFFF80]  }
0x1d5: {  	v6 =	vld [tilespmem:s22+$0x0]  }
0x1d6: {  	v1 =	vadd.f32 v2, v1;
	v2 =	vld [tilespmem:s19+$0x0]  }
0x1d7: {  	v7 =	vld [tilespmem:s19+$0xFFFFFF00]  }
0x1d8: {  	v1 =	vmax.f32 v1, $0.0e+00  }
0x1d9: {  	v4 =	vadd.f32 v5, v4;
	[tilespmem:s19+$0x80] =	vst v1;
	v1 =	vld [tilespmem:s19+$0x90]  }
0x1da: {  	v8 =	vld [tilespmem:s22+$0x90]  }
0x1db: {  	v9 =	vld [tilespmem:s19+$0xFFFFFF90];
	v4 =	vmax.f32 v4, $0.0e+00;
	v2 =	vadd.f32 v6, v2  }
0x1dc: {  	v5 =	vld [tilespmem:s19+$0xFFFFFF10];
	v3 =	vadd.f32 v3, v7;
	[tilespmem:s19+$0xFFFFFF80] =	vst v4  }
0x1dd: {  	v6 =	vld [tilespmem:s22+$0xFFFFFF90];
	v2 =	vmax.f32 v2, $0.0e+00  }
0x1de: {  	v3 =	vmax.f32 v3, $0.0e+00;
	v4 =	vld [tilespmem:s19+$0x10];
	[tilespmem:s19+$0x0] =	vst v2  }
0x1df: {  	[tilespmem:s19+$0xFFFFFF00] =	vst v3;
	v1 =	vadd.f32 v8, v1;
	v2 =	vld [tilespmem:s22+$0x10]  }
0x1e0: {  	v3 =	vld [tilespmem:s22+$0xFFFFFF10]  }
0x1e1: {  	v1 =	vmax.f32 v1, $0.0e+00  }
0x1e2: {  	v6 =	vadd.f32 v6, v9;
	[tilespmem:s19+$0x90] =	vst v1;
	v1 =	vld [tilespmem:s19+$0xA0]  }
0x1e3: {  	v8 =	vld [tilespmem:s22+$0xA0]  }
0x1e4: {  	v7 =	vld [tilespmem:s19+$0xFFFFFF20];
	v6 =	vmax.f32 v6, $0.0e+00;
	v2 =	vadd.f32 v2, v4  }
0x1e5: {  	v3 =	vadd.f32 v3, v5;
	v9 =	vld [tilespmem:s19+$0xFFFFFFA0];
	[tilespmem:s19+$0xFFFFFF90] =	vst v6  }
0x1e6: {  	v5 =	vld [tilespmem:s22+$0xFFFFFFA0];
	v2 =	vmax.f32 v2, $0.0e+00  }
0x1e7: {  	v3 =	vmax.f32 v3, $0.0e+00;
	v4 =	vld [tilespmem:s19+$0x20];
	[tilespmem:s19+$0x10] =	vst v2  }
0x1e8: {  	[tilespmem:s19+$0xFFFFFF10] =	vst v3;
	v1 =	vadd.f32 v8, v1;
	v2 =	vld [tilespmem:s22+$0x20]  }
0x1e9: {  	v3 =	vld [tilespmem:s22+$0xFFFFFF20]  }
0x1ea: {  	v1 =	vmax.f32 v1, $0.0e+00  }
0x1eb: {  	v5 =	vadd.f32 v5, v9;
	[tilespmem:s19+$0xA0] =	vst v1;
	v1 =	vld [tilespmem:s19+$0xB0]  }
0x1ec: {  	v8 =	vld [tilespmem:s22+$0xB0]  }
0x1ed: {  	v10 =	vld [tilespmem:s19+$0x30];
	v5 =	vmax.f32 v5, $0.0e+00;
	v2 =	vadd.f32 v2, v4  }
0x1ee: {  	v3 =	vadd.f32 v3, v7;
	v9 =	vld [tilespmem:s19+$0xFFFFFFB0];
	[tilespmem:s19+$0xFFFFFFA0] =	vst v5  }
0x1ef: {  	v4 =	vld [tilespmem:s22+$0xFFFFFFB0];
	v2 =	vmax.f32 v2, $0.0e+00  }
0x1f0: {  	v6 =	vld [tilespmem:s19+$0xFFFFFF30];
	[tilespmem:s19+$0x20] =	vst v2;
	v2 =	vmax.f32 v3, $0.0e+00  }
0x1f1: {  	v1 =	vadd.f32 v8, v1;
	[tilespmem:s19+$0xFFFFFF20] =	vst v2;
	v2 =	vld [tilespmem:s22+$0x30]  }
0x1f2: {  	v7 =	vld [tilespmem:s22+$0xFFFFFF30]  }
0x1f3: {  	v11 =	vld [tilespmem:s19+$0xFFFFFF40];
	v1 =	vmax.f32 v1, $0.0e+00  }
0x1f4: {  	v4 =	vadd.f32 v4, v9;
	[tilespmem:s19+$0xB0] =	vst v1;
	v1 =	vld [tilespmem:s19+$0xC0]  }
0x1f5: {  	v8 =	vld [tilespmem:s22+$0xC0]  }
0x1f6: {  	v12 =	vld [tilespmem:s19+$0xFFFFFFD0];
	v4 =	vmax.f32 v4, $0.0e+00;
	v2 =	vadd.f32 v2, v10  }
0x1f7: {  	v5 =	vld [tilespmem:s19+$0xFFFFFFC0];
	[tilespmem:s19+$0xFFFFFFB0] =	vst v4;
	v6 =	vadd.f32 v7, v6  }
0x1f8: {  	v7 =	vld [tilespmem:s22+$0xFFFFFFC0];
	v2 =	vmax.f32 v2, $0.0e+00  }
0x1f9: {  	v3 =	vld [tilespmem:s19+$0x40];
	[tilespmem:s19+$0x30] =	vst v2;
	v2 =	vmax.f32 v6, $0.0e+00  }
0x1fa: {  	v1 =	vadd.f32 v8, v1;
	v6 =	vld [tilespmem:s22+$0x40];
	[tilespmem:s19+$0xFFFFFF30] =	vst v2  }
0x1fb: {  	v2 =	vld [tilespmem:s22+$0xFFFFFF40]  }
0x1fc: {  	v9 =	vld [tilespmem:s19+$0xFFFFFF50];
	v1 =	vmax.f32 v1, $0.0e+00  }
0x1fd: {  	[tilespmem:s19+$0xC0] =	vst v1;
	v1 =	vadd.f32 v7, v5;
	v7 =	vld [tilespmem:s19+$0xD0]  }
0x1fe: {  	v8 =	vld [tilespmem:s22+$0xD0]  }
0x1ff: {  	v4 =	vld [tilespmem:s19+$0xFFFFFF60];
	v1 =	vmax.f32 v1, $0.0e+00;
	v3 =	vadd.f32 v6, v3  }
0x200: {  	v10 =	vld [tilespmem:s19+$0x50];
	[tilespmem:s19+$0xFFFFFFC0] =	vst v1;
	v1 =	vadd.f32 v2, v11  }
0x201: {  	v2 =	vld [tilespmem:s22+$0xFFFFFFD0];
	v3 =	vmax.f32 v3, $0.0e+00  }
0x202: {  	v5 =	vld [tilespmem:s19+$0xFFFFFFE0];
	[tilespmem:s19+$0x40] =	vst v3;
	v1 =	vmax.f32 v1, $0.0e+00  }
0x203: {  	v3 =	vld [tilespmem:s22+$0x50];
	v7 =	vadd.f32 v8, v7;
	[tilespmem:s19+$0xFFFFFF40] =	vst v1  }
0x204: {  	v1 =	vld [tilespmem:s22+$0xFFFFFF50]  }
0x205: {  	v6 =	vld [tilespmem:s19+$0x60];
	v7 =	vmax.f32 v7, $0.0e+00  }
0x206: {  	v2 =	vadd.f32 v2, v12;
	[tilespmem:s19+$0xD0] =	vst v7;
	v7 =	vld [tilespmem:s19+$0xE0]  }
0x207: {  	v11 =	vld [tilespmem:s22+$0xE0]  }
0x208: {  	v2 =	vmax.f32 v2, $0.0e+00;
	v8 =	vadd.f32 v3, v10;
	v3 =	vld [tilespmem:s19+$0xFFFFFF70]  }
0x209: {  	[tilespmem:s19+$0xFFFFFFD0] =	vst v2;
	v1 =	vadd.f32 v1, v9;
	v2 =	vld [tilespmem:s19+$0xFFFFFFF0]  }
0x20a: {  	v9 =	vmax.f32 v8, $0.0e+00;
	v8 =	vld [tilespmem:s22+$0xFFFFFFE0]  }
0x20b: {  	[tilespmem:s19+$0x50] =	vst v9;
	v9 =	vmax.f32 v1, $0.0e+00;
	v1 =	vld [tilespmem:s19+$0x70]  }
0x20c: {  	[tilespmem:s19+$0xFFFFFF50] =	vst v9;
	v9 =	vld [tilespmem:s22+$0x60];
	v7 =	vadd.f32 v11, v7  }
0x20d: {  	v10 =	vld [tilespmem:s22+$0xFFFFFF60]  }
0x20e: {  	s23 =	simm.s32 $0x0;
	s16 =	simm.s32 $0x5500;
	s7 =	simm.s32 $0x300;
	v11 =	vmax.f32 v7, $0.0e+00;
	v7 =	vld [tilespmem:s19+$0xF0]  }
.LBB2_11:
0x20f: {  	v12 =	vld [tilespmem:s16+$0x80];
	v5 =	vadd.f32 v8, v5;
	[tilespmem:s19+$0xE0] =	vst v11  }
0x210: {  	s7 =	sadd.s32 $0x200, s7;
	v8 =	vld [tilespmem:s22+$0xF0]  }
0x211: {  	s23 =	sadd.s32 $0x4, s23;
	v11 =	vld [tilespmem:s7+$0x80];
	v5 =	vmax.f32 v5, $0.0e+00;
	v6 =	vadd.f32 v9, v6  }
0x212: {  	p0 =	slt.u32 s23, $0x4C;
	v9 =	vld [tilespmem:s7+$0xFFFFFF00];
	v4 =	vadd.f32 v10, v4;
	[tilespmem:s19+$0xFFFFFFE0] =	vst v5  }
0x213: {  	v5 =	vld [tilespmem:s16+$0xFFFFFF80];
	v6 =	vmax.f32 v6, $0.0e+00  }
0x214: {  	v10 =	vld [tilespmem:s7+$0xFFFFFF80];
	v4 =	vmax.f32 v4, $0.0e+00;
	[tilespmem:s19+$0x60] =	vst v6  }
0x215: {  	v6 =	vld [tilespmem:s16+$0x0];
	[tilespmem:s19+$0xFFFFFF60] =	vst v4;
	v4 =	vadd.f32 v8, v7  }
0x216: {  	v7 =	vld [tilespmem:s7+$0x0];
	v8 =	vadd.f32 v11, v12  }
0x217: {  	v11 =	vld [tilespmem:s16+$0xFFFFFF00];
	v4 =	vmax.f32 v4, $0.0e+00  }
0x218: {  	v12 =	vld [tilespmem:s16+$0xFFFFFF10];
	v8 =	vmax.f32 v8, $0.0e+00;
	[tilespmem:s19+$0xF0] =	vst v4  }
0x219: {  	v4 =	vadd.f32 v10, v5;
	[tilespmem:s16+$0x80] =	vst v8;
	v5 =	vld [tilespmem:s16+$0x90]  }
0x21a: {  	v8 =	vld [tilespmem:s7+$0x90]  }
0x21b: {  	v4 =	vmax.f32 v4, $0.0e+00;
	v10 =	vld [tilespmem:s16+$0xFFFFFF90];
	v6 =	vadd.f32 v7, v6  }
0x21c: {  	v7 =	vadd.f32 v9, v11;
	[tilespmem:s16+$0xFFFFFF80] =	vst v4;
	v4 =	vld [tilespmem:s16+$0x10]  }
0x21d: {  	v9 =	vld [tilespmem:s7+$0xFFFFFF90];
	v6 =	vmax.f32 v6, $0.0e+00  }
0x21e: {  	v7 =	vmax.f32 v7, $0.0e+00;
	v11 =	vld [tilespmem:s16+$0xFFFFFF20];
	[tilespmem:s16+$0x0] =	vst v6  }
0x21f: {  	[tilespmem:s16+$0xFFFFFF00] =	vst v7;
	v6 =	vld [tilespmem:s7+$0x10];
	v5 =	vadd.f32 v8, v5  }
0x220: {  	v7 =	vld [tilespmem:s7+$0xFFFFFF10]  }
0x221: {  	v8 =	vld [tilespmem:s16+$0xFFFFFFA0];
	v5 =	vmax.f32 v5, $0.0e+00  }
0x222: {  	v9 =	vadd.f32 v9, v10;
	[tilespmem:s16+$0x90] =	vst v5;
	v5 =	vld [tilespmem:s16+$0xA0]  }
0x223: {  	v10 =	vld [tilespmem:s7+$0xA0]  }
0x224: {  	v9 =	vmax.f32 v9, $0.0e+00;
	v4 =	vadd.f32 v6, v4;
	v6 =	vld [tilespmem:s16+$0x20]  }
0x225: {  	v7 =	vadd.f32 v7, v12;
	v12 =	vld [tilespmem:s16+$0xFFFFFF30];
	[tilespmem:s16+$0xFFFFFF90] =	vst v9  }
0x226: {  	v9 =	vld [tilespmem:s7+$0xFFFFFFA0];
	v4 =	vmax.f32 v4, $0.0e+00  }
0x227: {  	v7 =	vmax.f32 v7, $0.0e+00;
	v13 =	vld [tilespmem:s16+$0xFFFFFFB0];
	[tilespmem:s16+$0x10] =	vst v4  }
0x228: {  	[tilespmem:s16+$0xFFFFFF10] =	vst v7;
	v4 =	vld [tilespmem:s7+$0x20];
	v5 =	vadd.f32 v10, v5  }
0x229: {  	v7 =	vld [tilespmem:s7+$0xFFFFFF20]  }
0x22a: {  	v10 =	vld [tilespmem:s16+$0x30];
	v5 =	vmax.f32 v5, $0.0e+00  }
0x22b: {  	v8 =	vadd.f32 v9, v8;
	[tilespmem:s16+$0xA0] =	vst v5;
	v5 =	vld [tilespmem:s16+$0xB0]  }
0x22c: {  	v9 =	vld [tilespmem:s7+$0xB0]  }
0x22d: {  	v14 =	vld [tilespmem:s16+$0xFFFFFF40];
	v8 =	vmax.f32 v8, $0.0e+00;
	v4 =	vadd.f32 v4, v6  }
0x22e: {  	v6 =	vadd.f32 v7, v11;
	[tilespmem:s16+$0xFFFFFFA0] =	vst v8;
	v7 =	vld [tilespmem:s16+$0xFFFFFFC0]  }
0x22f: {  	v8 =	vld [tilespmem:s7+$0xFFFFFFB0];
	v4 =	vmax.f32 v4, $0.0e+00  }
0x230: {  	v6 =	vmax.f32 v6, $0.0e+00;
	[tilespmem:s16+$0x20] =	vst v4;
	v11 =	vld [tilespmem:s16+$0x40]  }
0x231: {  	[tilespmem:s16+$0xFFFFFF20] =	vst v6;
	v4 =	vld [tilespmem:s7+$0x30];
	v5 =	vadd.f32 v9, v5  }
0x232: {  	v6 =	vld [tilespmem:s7+$0xFFFFFF30]  }
0x233: {  	v9 =	vld [tilespmem:s16+$0xFFFFFF50];
	v5 =	vmax.f32 v5, $0.0e+00  }
0x234: {  	v8 =	vadd.f32 v8, v13;
	[tilespmem:s16+$0xB0] =	vst v5;
	v5 =	vld [tilespmem:s16+$0xC0]  }
0x235: {  	v13 =	vld [tilespmem:s7+$0xC0]  }
0x236: {  	v8 =	vmax.f32 v8, $0.0e+00;
	v15 =	vld [tilespmem:s16+$0xFFFFFFD0];
	v4 =	vadd.f32 v4, v10  }
0x237: {  	v6 =	vadd.f32 v6, v12;
	[tilespmem:s16+$0xFFFFFFB0] =	vst v8;
	v8 =	vld [tilespmem:s16+$0x50]  }
0x238: {  	v10 =	vld [tilespmem:s7+$0xFFFFFFC0];
	v12 =	vmax.f32 v4, $0.0e+00  }
0x239: {  	v6 =	vmax.f32 v6, $0.0e+00;
	v4 =	vld [tilespmem:s16+$0xFFFFFF60];
	[tilespmem:s16+$0x30] =	vst v12  }
0x23a: {  	[tilespmem:s16+$0xFFFFFF30] =	vst v6;
	v6 =	vld [tilespmem:s7+$0x40];
	v12 =	vadd.f32 v13, v5  }
0x23b: {  	v13 =	vld [tilespmem:s7+$0xFFFFFF40]  }
0x23c: {  	v5 =	vld [tilespmem:s16+$0xFFFFFFE0];
	v12 =	vmax.f32 v12, $0.0e+00  }
0x23d: {  	v7 =	vadd.f32 v10, v7;
	[tilespmem:s16+$0xC0] =	vst v12;
	v10 =	vld [tilespmem:s16+$0xD0]  }
0x23e: {  	v12 =	vld [tilespmem:s7+$0xD0]  }
0x23f: {  	v7 =	vmax.f32 v7, $0.0e+00;
	v11 =	vadd.f32 v6, v11;
	v6 =	vld [tilespmem:s16+$0x60]  }
0x240: {  	v13 =	vadd.f32 v13, v14;
	[tilespmem:s16+$0xFFFFFFC0] =	vst v7;
	v7 =	vld [tilespmem:s22+$0xFFFFFF70]  }
0x241: {  	v14 =	vld [tilespmem:s7+$0xFFFFFFD0];
	v11 =	vmax.f32 v11, $0.0e+00  }
0x242: {  	v13 =	vmax.f32 v13, $0.0e+00;
	[tilespmem:s16+$0x40] =	vst v11;
	v11 =	vld [tilespmem:s22+$0xFFFFFFF0]  }
0x243: {  	[tilespmem:s16+$0xFFFFFF40] =	vst v13;
	v13 =	vld [tilespmem:s7+$0x50];
	v10 =	vadd.f32 v12, v10  }
0x244: {  	v12 =	vld [tilespmem:s7+$0xFFFFFF50]  }
0x245: {  	v10 =	vmax.f32 v10, $0.0e+00;
	v3 =	vadd.f32 v7, v3;
	v7 =	vld [tilespmem:s22+$0x70];
	s22 =	smov.u32 s7  }
0x246: {  	v14 =	vadd.f32 v14, v15;
	[tilespmem:s16+$0xD0] =	vst v10;
	v10 =	vld [tilespmem:s16+$0xE0]  }
0x247: {  	v15 =	vld [tilespmem:s7+$0xE0];
	v16 =	vmax.f32 v3, $0.0e+00;
	v11 =	vadd.f32 v11, v2  }
0x248: {  	v3 =	vld [tilespmem:s16+$0xFFFFFF70];
	v2 =	vmax.f32 v14, $0.0e+00;
	v13 =	vadd.f32 v13, v8;
	[tilespmem:s19+$0xFFFFFF70] =	vst v16  }
0x249: {  	v9 =	vadd.f32 v12, v9;
	[tilespmem:s16+$0xFFFFFFD0] =	vst v2;
	v2 =	vld [tilespmem:s16+$0xFFFFFFF0];
	v11 =	vmax.f32 v11, $0.0e+00  }
.Ltmp5:
0x24a: {  	v8 =	vld [tilespmem:s7+$0xFFFFFFE0];
	v12 =	vmax.f32 v13, $0.0e+00;
	[tilespmem:s19+$0xFFFFFFF0] =	vst v11;
	v7 =	vadd.f32 v7, v1;
	(pc) =	sbr.rel @p0 .LBB2_11-.Ltmp5, $4  }
0x24b: {  	v9 =	vmax.f32 v9, $0.0e+00;
	[tilespmem:s16+$0x50] =	vst v12;
	v1 =	vld [tilespmem:s16+$0x70]  }
0x24c: {  	[tilespmem:s16+$0xFFFFFF50] =	vst v9;
	v9 =	vld [tilespmem:s7+$0x60];
	v11 =	vadd.f32 v15, v10;
	v7 =	vmax.f32 v7, $0.0e+00  }
0x24d: {  	v10 =	vld [tilespmem:s7+$0xFFFFFF60];
	[tilespmem:s19+$0x70] =	vst v7;
	s19 =	smov.u32 s16  }
0x24e: {  	s16 =	sadd.s32 $0x200, s16;
	v11 =	vmax.f32 v11, $0.0e+00;
	v7 =	vld [tilespmem:s19+$0xF0]  }
0x24f: {  	_ = 	snop  }
0x250: {  	v5 =	vadd.f32 v8, v5  }
0x251: {  	v6 =	vadd.f32 v9, v6  }
0x252: {  	[tilespmem:s19+$0xE0] =	vst v11;
	v5 =	vmax.f32 v5, $0.0e+00;
	v4 =	vadd.f32 v10, v4  }
0x253: {  	v58 =	vld [tilespmem:s22+$0xF0];
	[tilespmem:s19+$0xFFFFFFE0] =	vst v5;
	v59 =	vmax.f32 v6, $0.0e+00  }
0x254: {  	v61 =	vld [tilespmem:s22+$0xFFFFFFF0];
	v4 =	vmax.f32 v4, $0.0e+00;
	[tilespmem:s19+$0x60] =	vst v59  }
0x255: {  	[tilespmem:s19+$0xFFFFFF60] =	vst v4;
	v62 =	vld [tilespmem:s22+$0x70]  }
0x256: {  	v60 =	vld [tilespmem:s22+$0xFFFFFF70];
	_ =	sdelay $0x1  }
0x257: {  	v7 =	vadd.f32 v58, v7  }
0x258: {  	v2 =	vadd.f32 v61, v2  }
0x259: {  	v63 =	vmax.f32 v7, $0.0e+00;
	v1 =	vadd.f32 v62, v1  }
0x25a: {  	[tilespmem:s19+$0xF0] =	vst v63;
	v2 =	vmax.f32 v2, $0.0e+00;
	v3 =	vadd.f32 v60, v3  }
0x25b: {  	[tilespmem:s19+$0xFFFFFFF0] =	vst v2;
	v1 =	vmax.f32 v1, $0.0e+00  }
0x25c: {  	v3 =	vmax.f32 v3, $0.0e+00;
	[tilespmem:s19+$0x70] =	vst v1  }
0x25d: {  	[tilespmem:s19+$0xFFFFFF70] =	vst v3  }
0x25e: {  	[spmem:s2] =	stream.indirect.scatter.add.f32 [tilespmem:s24], [sflag:$0x7], $0x80, s12, s30, $0xb8;
	[tilespmem:$0x1DE00] =	vst v63  }
0x25f: {  	_ =	swait.ge [sflag:s26], $0x2800  }
0x260: {  	[sflag:s26] =	ssyncset.done $0x0  }
0x261: {  	[sflag:s26] =	ssyncadd.s32 $0xFFFFD800  }
0x262: {  	s7 =	stileid.u32;
	[bflag:$0x0] =	sbarrier.arrive $0xFFFF  }
0x263: {  	s7 =	sshll.u32 s7, $0x6;
	s16 =	rddreg [dreg:$0xe]  }
0x264: {  	s7 =	sor.u32 $0x1C07, s7;
	s23 =	rddreg [dreg:$0x10]  }
0x265: {  	[hbm:s16], [sflag:s7] =	dma.local [spmem:s23], $0x2780  }
0x266: {  	_ =	swait.ge [sflag:s26], $0x2780  }
0x267: {  	s18 =	sadd.s32 $0x1, s18;
	s25 =	rddreg [dreg:$0xf]  }
0x268: {  	p0 =	sne.s32 s18, s25  }
.Ltmp6:
0x269: {  	_ = 	snop;
	(pc) =	sbr.rel @p0 .LBB2_1-.Ltmp6, $3  }
0x26a: {  	_ =	sdelay $0x1  }
0x26b: {  	[sflag:s26] =	ssyncset.done $0x0  }
0x26c: {  	[sflag:s26] =	ssyncadd.s32 $0xFFFFD880  }
0x26d: {  	_ =	sfence.sel $0x180000  }
0x26e: {  	[bflag:$0x0] =	sbarrier.arrive $0xFFFF  }
0x26f: {  	_ =	strace $0x9000004A  }
0x270: {  	s0 =	stileid.u32;
	[bflag:$0x2] =	sbarrier.arrive $0xFFFF  }
0x271: {  	p0 =	sne.s32 s0, $0x0;
	s0 =	rddreg [dreg:$0x2]  }
0x272: {  	s0 =	sadd.s32 @!p0 $0x100000, s0  }
0x273: {  	[sflag:s0] =	ssyncadd.tile.s32 @!p0 $0x1;
	_ =	shalt  }
.Lfunc_end2:
_tile_overlayer_lowered:
.L_overlay_start_2:
0x274: {  	(tag) =	ssettag $0x2  }
0x275: {  	s0 =	rddreg [dreg:$0x0];
	s2 =	stileid.u32  }
0x276: {  	s1 =	rddreg [dreg:$0x1];
	p0 =	sne.s32 s2, $0x0  }
0x277: {  	s3 =	rddreg [dreg:$0x2];
	[bflag:$0x3] =	sbarrier.arrive $0xFFFF;
	s2 =	simm.s32 @!p0 $0x1C07  }
0x278: {  	[timem:s3], [sflag:s2] =	dma.local @!p0 [hbm:s0], s1  }
0x279: {  	s0 =	simm.s32 @!p0 $0x7  }
0x27a: {  	_ =	swait.ge @!p0 [sflag:s0], s1  }
0x27b: {  	s1 =	ssub.s32 @!p0 $0x0, s1;
	[sflag:s0] =	ssyncset.done @!p0 $0x0  }
0x27c: {  	[sflag:s0] =	ssyncadd.s32 @!p0 s1  }
0x27d: {  	[bflag:$0x3] =	sbarrier.arrive $0xFFFF  }
0x27e: {  	_ =	shalt  }

// kernel: kernel.9.cloned.1.call-start
scs
__scs_entry_jumppad:
0x0: {  	(pc) =	sbr.rel $0x88, $3  }
0x1: {  	(tag) =	ssettag $0x0;
	lr =	simm.s32 $0x1  }
0x2: {  	[smem:$0x3F83] =	sst lr;
	_ =	strace $0xD0000000  }
0x3: {  	_ = 	snop  }
0x4: {  	_ = 	snop  }
0x5: {  	_ = 	snop  }
0x6: {  	_ = 	snop  }
0x7: {  	_ = 	snop  }
__scs_overlays_trampoline_lowered:
0x8: {  	[smem:$0x3F92] =	sst s0  }
0x9: {  	[smem:$0x3F93] =	sst s1  }
0xa: {  	[smem:$0x3F94] =	sst s2  }
0xb: {  	[smem:$0x3F95] =	sst s3  }
0xc: {  	[smem:$0x3F96] =	sst s4  }
0xd: {  	[smem:$0x3F97] =	sst s5  }
0xe: {  	[smem:$0x3F98] =	sst s6  }
0xf: {  	[smem:$0x3F99] =	sst s7  }
0x10: {  	[smem:$0x3F9A] =	sst s8  }
0x11: {  	[smem:$0x3F9B] =	sst s9;
	s0 =	simm.s32 @!p0 $0x0  }
0x12: {  	s1 =	sld [smem:$0x3F81];
	s0 =	simm.s32 @p0 $0x1  }
0x13: {  	[smem:$0x3F9C] =	sst s0;
	s0 =	simm.s32 @!p1 $0x0  }
0x14: {  	s2 =	sld [smem:$0x3F80];
	s0 =	simm.s32 @p1 $0x1  }
0x15: {  	[smem:$0x3F9D] =	sst s0;
	s0 =	simm.s32 @!p2 $0x0  }
0x16: {  	s3 =	sld [smem:$0x3FDB];
	s0 =	simm.s32 @p2 $0x1  }
0x17: {  	s4 =	simm.s32 $0x1BF5;
	[smem:$0x3F9F] =	sst s0  }
0x18: {  	s0 =	sld [smem:$0x3F82];
	_ =	swait.ge [sflag:s4], $0x0  }
0x19: {  	s7 =	sld [smem:$0x3F83]  }
0x1a: {  	s8 =	sadd.s32 $0xFFFFE003, lr  }
0x1b: {  	s9 =	sadd.s32 $0xFFFFFEF7, lr;
	s5 =	simm.s32 $0xFFFFFFFF;
	p2 =	slt.u32 s8, $0xFFFFF086  }
0x1c: {  	p1 =	slt.u32 s9, $0xF7A;
	s5 =	simm.s32 @!p2 $0x0  }
0x1d: {  	s5 =	simm.s32 @p1 $0x1;
	p0 =	seq.s32 s7, s2  }
0x1e: {  	s7 =	smul.u32 @!p0 $0xF7A, s2;
	p2 =	seq.s32 @!p0 s5, $0x0  }
0x1f: {  	s9 =	smul.u32 $0xF7A, s1;
	s8 =	simm.s32 @!p0 $0x1BF5;
	p2 =	por !p2, p0  }
0x20: {  	[sflag:s8] =	ssyncset.s32 @!p0 $0xFFFFF086;
	s6 =	sadd.s32 @!p0 s3, s7;
	s7 =	simm.s32 @!p0 $0x108  }
0x21: {  	s3 =	sadd.s32 s3, s9;
	s6 =	sadd.s32 @!p0 $0x88, s6;
	s7 =	simm.s32 @p2 $0x1082  }
0x22: {  	[simem:s7], [sflag:s8] =	dma.local @!p0 [hbm:s6], $0xF7A  }
0x23: {  	s9 =	sor.u32 $0xD0000000, s2;
	s6 =	simm.s32 $0x108;
	_ =	swait.ge @!p0 [sflag:s8], $0x0  }
0x24: {  	s3 =	sadd.s32 $0x88, s3;
	s6 =	simm.s32 @!p1 $0x1082;
	[sflag:s4] =	ssyncset.s32 $0xFFFFF086  }
0x25: {  	[simem:s6], [sflag:s4] =	dma.local [hbm:s3], $0xF7A  }
0x26: {  	[smem:$0x3F83] =	sst s1;
	(tag) =	ssettag s2;
	_ =	strace s9  }
0x27: {  	s1 =	sld [smem:$0x3F93]  }
0x28: {  	s2 =	sld [smem:$0x3F94]  }
0x29: {  	s4 =	sld [smem:$0x3F96]  }
0x2a: {  	p0 =	seq.s32 s5, $0x0;
	s5 =	sld [smem:$0x3F97]  }
0x2b: {  	s6 =	sld [smem:$0x3F98]  }
0x2c: {  	s7 =	sld [smem:$0x3F99]  }
0x2d: {  	s3 =	simm.s32 $0x108;
	s8 =	sld [smem:$0x3F9A]  }
0x2e: {  	s3 =	simm.s32 @!p0 $0x1082;
	s9 =	sld [smem:$0x3F9B]  }
0x2f: {  	lr =	sadd.s32 s0, s3;
	s0 =	sld [smem:$0x3F92]  }
0x30: {  	s3 =	sld [smem:$0x3F95]  }
0x31: {  	[smem:$0x3F9E] =	sst s10  }
0x32: {  	s10 =	sld [smem:$0x3F9C];
	_ =	sdelay $0x3  }
0x33: {  	p0 =	seq.s32 s10, $0x1;
	s10 =	sld [smem:$0x3F9E];
	_ =	sdelay $0x3  }
0x34: {  	[smem:$0x3F9E] =	sst s10  }
0x35: {  	s10 =	sld [smem:$0x3F9D];
	_ =	sdelay $0x3  }
0x36: {  	p1 =	seq.s32 s10, $0x1;
	s10 =	sld [smem:$0x3F9E];
	_ =	sdelay $0x3  }
0x37: {  	[smem:$0x3F9E] =	sst s10  }
0x38: {  	s10 =	sld [smem:$0x3F9F]  }
0x39: {  	_ = 	snop;
	(pc) =	sbr.ind lr, $3  }
0x3a: {  	_ = 	snop  }
0x3b: {  	_ = 	snop  }
0x3c: {  	p2 =	seq.s32 s10, $0x1;
	s10 =	sld [smem:$0x3F9E]  }
0x3d: {  	_ =	shalt  }
0x3e: {  	_ =	shalt  }
0x3f: {  	_ =	shalt  }
0x40: {  	_ =	shalt  }
0x41: {  	_ =	shalt  }
0x42: {  	_ =	shalt  }
0x43: {  	_ =	shalt  }
0x44: {  	_ =	shalt  }
0x45: {  	_ =	shalt  }
0x46: {  	_ =	shalt  }
0x47: {  	_ =	shalt  }
0x48: {  	_ =	shalt  }
0x49: {  	_ =	shalt  }
0x4a: {  	_ =	shalt  }
0x4b: {  	_ =	shalt  }
0x4c: {  	_ =	shalt  }
0x4d: {  	_ =	shalt  }
0x4e: {  	_ =	shalt  }
0x4f: {  	_ =	shalt  }
0x50: {  	_ =	shalt  }
0x51: {  	_ =	shalt  }
0x52: {  	_ =	shalt  }
0x53: {  	_ =	shalt  }
0x54: {  	_ =	shalt  }
0x55: {  	_ =	shalt  }
0x56: {  	_ =	shalt  }
0x57: {  	_ =	shalt  }
0x58: {  	_ =	shalt  }
0x59: {  	_ =	shalt  }
0x5a: {  	_ =	shalt  }
0x5b: {  	_ =	shalt  }
0x5c: {  	_ =	shalt  }
0x5d: {  	_ =	shalt  }
0x5e: {  	_ =	shalt  }
0x5f: {  	_ =	shalt  }
0x60: {  	_ =	shalt  }
0x61: {  	_ =	shalt  }
0x62: {  	_ =	shalt  }
0x63: {  	_ =	shalt  }
0x64: {  	_ =	shalt  }
0x65: {  	_ =	shalt  }
0x66: {  	_ =	shalt  }
0x67: {  	_ =	shalt  }
0x68: {  	_ =	shalt  }
0x69: {  	_ =	shalt  }
0x6a: {  	_ =	shalt  }
0x6b: {  	_ =	shalt  }
0x6c: {  	_ =	shalt  }
0x6d: {  	_ =	shalt  }
0x6e: {  	_ =	shalt  }
0x6f: {  	_ =	shalt  }
0x70: {  	_ =	shalt  }
0x71: {  	_ =	shalt  }
0x72: {  	_ =	shalt  }
0x73: {  	_ =	shalt  }
0x74: {  	_ =	shalt  }
0x75: {  	_ =	shalt  }
0x76: {  	_ =	shalt  }
0x77: {  	_ =	shalt  }
0x78: {  	_ =	shalt  }
0x79: {  	_ =	shalt  }
0x7a: {  	_ =	shalt  }
0x7b: {  	_ =	shalt  }
0x7c: {  	_ =	shalt  }
0x7d: {  	_ =	shalt  }
0x7e: {  	_ =	shalt  }
0x7f: {  	_ =	shalt  }
0x80: {  	_ =	shalt  }
0x81: {  	_ =	shalt  }
0x82: {  	_ =	shalt  }
0x83: {  	_ =	shalt  }
0x84: {  	_ =	shalt  }
0x85: {  	_ =	shalt  }
0x86: {  	_ =	shalt  }
0x87: {  	_ =	shalt  }
.Lfunc_end0:
.L_simem_size_0:
called_computation_lowered:
.L_overlay_start_0:
0x88: {  	s2 =	sld [smem:$0x3FD9]  }
0x89: {  	s3 =	sld [smem:$0x3FFE];
	_ =	sdelay $0x1  }
0x8a: {  	s1 =	srdreg.scid  }
0x8b: {  	s0 =	sand.u32 $0x1, s1  }
0x8c: {  	s17 =	sshll.u32 s0, $0xA;
	s2 =	sadd.s32 s3, s2  }
0x8d: {  	s2 =	sadd.s32 s2, s17  }
0x8e: {  	[smem:$0x3FAA] =	sst s2  }
0x8f: {  	_ = 	snop  }
0x90: {  	s2 =	sld [smem:$0x3FC9];
	(tm) =	ssettm $0x1  }
0x91: {  	s18 =	sld [smem:$0x3FFB];
	_ =	sdelay $0x3  }
0x92: {  	_ =	strace s18  }
0x93: {  	s3 =	sld [smem:$0x3FFC];
	_ =	sdelay $0x3  }
0x94: {  	_ =	strace s3  }
0x95: {  	s3 =	sld [smem:$0x3FFD];
	_ =	sdelay $0x3  }
0x96: {  	_ =	strace s3  }
0x97: {  	_ =	strace $0x8FFFFFFF  }
0x98: {  	s19 =	sld [smem:$0x3FDB];
	_ =	sdelay $0x1  }
0x99: {  	s4 =	simm.s32 $_scs_section_size  }
0x9a: {  	s5 =	simm.s32 $_size__tile_overlayer_lowered;
	s6 =	simm.s32 $_tile_overlayer_lowered  }
0x9b: {  	s22 =	simm.s32 $0x1BFF;
	s21 =	sshll.u32 s6, $0x1;
	s3 =	sadd.s32 s4, s19  }
0x9c: {  	s7 =	simm.s32 $0x0;
	s20 =	sshll.u32 s5, $0x1;
	s5 =	sadd.s32 s21, s3  }
0x9d: {  	[timem:s7], [sflag:s22] =	dma.local [hbm:s5], s20  }
0x9e: {  	_ =	swait.ge [sflag:s22], s20  }
0x9f: {  	s4 =	ssub.s32 $0x0, s20;
	[sflag:s22] =	ssyncset.done $0x0  }
0xa0: {  	[sflag:s22] =	ssyncadd.s32 s4;
	_ =	sdelay $0x1  }
0xa1: {  	s23 =	simm.s32 $0x1B8B  }
0xa2: {  	_ =	swait.ge [sflag:s23], $0x1  }
0xa3: {  	[sflag:s23] =	ssyncset.done $0x0  }
0xa4: {  	s25 =	simm.s32 $0x1B8E;
	s24 =	sld [smem:$0x3FFE];
	[sflag:s23] =	ssyncadd.s32 $0xFFFFFFFF  }
0xa5: {  	s26 =	simm.s32 $execute0_lowered;
	[smem:$0x3FD2] =	sst s25  }
0xa6: {  	s5 =	sshll.u32 s26, $0x1;
	_ =	strace $0x80000046;
	[dreg:$0x1] =	wrdreg $0xFFFFFFFF  }
0xa7: {  	s28 =	simm.s32 $_size_execute0_lowered;
	s3 =	sadd.s32 s3, s5;
	[dreg:$0x0] =	wrdreg $0x0  }
0xa8: {  	s5 =	sshll.u32 s28, $0x1;
	[dreg:$0x2] =	wrdreg s3  }
0xa9: {  	[dreg:$0x3] =	wrdreg s5  }
0xaa: {  	[dreg:$0x4] =	wrdreg $0xC0  }
0xab: {  	_ =	task [dreg:s7], $0x5FFFF  }
0xac: {  	[dreg:$0x1] =	wrdreg $0xFFFFFFFF  }
0xad: {  	[dreg:$0x0] =	wrdreg $0x60  }
0xae: {  	[dreg:$0x2] =	wrdreg s2  }
0xaf: {  	[dreg:$0x3] =	wrdreg s24  }
0xb0: {  	[dreg:$0x4] =	wrdreg $0xA2000  }
0xb1: {  	[dreg:$0x5] =	wrdreg $0x9  }
0xb2: {  	_ =	task.clear_ibuf [dreg:s7], $0x6FFFF;
	_ =	strace $0x90000046  }
0xb3: {  	s29 =	simm.s32 $0x9;
	_ =	strace $0x80000048  }
0xb4: {  	_ =	swait.ge [sflag:s29], $0x1  }
0xb5: {  	[sflag:s29] =	ssyncadd.s32 $0xFFFFFFFF  }
0xb6: {  	_ =	strace $0x90000048  }
0xb7: {  	_ =	sfence  }
0xb8: {  	s30 =	sld [smem:$0x0];
	_ =	sdelay $0x2  }
0xb9: {  	s31 =	sshll.u32 s1, $0xD;
	s1 =	sshrl.u32 s1, $0x2  }
0xba: {  	s3 =	sand.u32 $0x4000, s31;
	s1 =	sadd.s32 s1, s30  }
0xbb: {  	s0 =	sor.u32 s3, s0;
	s1 =	sshll.u32 s1, $0x11  }
0xbc: {  	s0 =	sor.u32 s1, s0  }
0xbd: {  	s0 =	sadd.s32 $0x8F2B, s0  }
0xbe: {  	[sflag:s0] =	ssyncadd.remote.s32 $0x1  }
0xbf: {  	_ =	sfence.sel $0xFFFF  }
0xc0: {  	[dreg:$0x0] =	wrdreg $0xFFFFFFFF;
	(pc) =	sbr.abs _section_cstart, $3  }
0xc1: {  	[dreg:$0x1] =	wrdreg $0xFFFFFFFF  }
0xc2: {  	_ =	task.clear_ibuf [dreg:s7], $0x2FFFF;
	_ =	strace $0x9FFFFFFF  }
0xc3: {  	(tm) =	ssettm $0x7FFFFFFF  }
tec
execute0_lowered:
.L_overlay_start_1:
0x0: {  	(tag) =	ssettag $0x1  }
0x1: {  	s1 =	rddreg [dreg:$0x0];
	s0 =	srdreg.scid  }
0x2: {  	s2 =	rddreg [dreg:$0x1];
	s11 =	stileid.u32  }
0x3: {  	s3 =	rddreg [dreg:$0x2];
	s4 =	simm.s32 $0x0;
	s28 =	simm.s32 $0x100  }
0x4: {  	s29 =	simm.s32 $0x5;
	s30 =	simm.s32 $0x50;
	s31 =	simm.s32 $0x200  }
0x5: {  	s13 =	simm.s32 $0x2;
	s15 =	simm.s32 $0x4;
	s6 =	smul.u32 $0x13C00, s11  }
0x6: {  	s0 =	sand.u32 $0x1, s0;
	[smem:$0x7FF] =	sst s4;
	s8 =	smul.u32 $0x4E200, s11  }
0x7: {  	s9 =	sshll.u32 s11, $0x1;
	s23 =	smul.u32 $0x4F000, s11;
	s11 =	simm.s32 $0x3  }
0x8: {  	s5 =	smul.u32 $0x13C000, s0;
	s16 =	ssub.s32 $0x2, s0;
	s0 =	sor.u32 s0, s9  }
0x9: {  	_ =	strace $0x80000047;
	s8 =	sshrl.u32 s8, $0x2;
	s9 =	smul.u32 $0x7D00, s0  }
0xa: {  	s10 =	sshrl.u32 s16, $0x1;
	s14 =	smul.u32 $0x138800, s0;
	s0 =	sshrl.u32 s23, $0x2  }
0xb: {  	s5 =	sadd.s32 s6, s5;
	s6 =	sadd.s32 $0x5600, s2;
	s12 =	sadd.s32 s8, s3  }
0xc: {  	s0 =	sadd.s32 s0, s3;
	s7 =	sshrl.u32 s5, $0x3;
	s5 =	sadd.s32 $0x24A00, s2  }
0xd: {  	s8 =	sadd.s32 $0x2800, s12;
	s17 =	sadd.s32 $0x5000, s12;
	[dreg:$0x4] =	wrdreg s12  }
0xe: {  	s18 =	sadd.s32 $0x7800, s12;
	s19 =	sadd.s32 $0xA000, s12;
	[dreg:$0x5] =	wrdreg s8  }
0xf: {  	s20 =	sadd.s32 $0xC800, s12;
	s21 =	sshrl.u32 s9, $0x3;
	[dreg:$0x6] =	wrdreg s17  }
0x10: {  	s22 =	sadd.s32 $0xF000, s12;
	s24 =	sadd.s32 $0x11800, s12;
	[dreg:$0x7] =	wrdreg s18  }
0x11: {  	s25 =	sshrl.u32 s14, $0x3;
	s0 =	sshrl.u32 s0, $0x3;
	[dreg:$0x8] =	wrdreg s19  }
0x12: {  	s12 =	simm.s32 $0x80;
	s2 =	sadd.s32 s7, s2;
	[dreg:$0x9] =	wrdreg s20  }
0x13: {  	s7 =	ssub.s32 s16, s10;
	[dreg:$0xa] =	wrdreg s22;
	s8 =	sadd.s32 s6, s21  }
0x14: {  	[dreg:$0xc] =	wrdreg s24;
	s20 =	sadd.s32 $0x2800, s14;
	s21 =	sadd.s32 $0x300, s9  }
0x15: {  	s24 =	simm.s32 $0x5200;
	[dreg:$0x11] =	wrdreg s0;
	s0 =	simm.s32 $0x6  }
0x16: {  	s10 =	simm.s32 $0x7A00;
	[dreg:$0xb] =	wrdreg s8;
	s8 =	sadd.s32 $0x20, s8  }
0x17: {  	s17 =	simm.s32 $0x180;
	s2 =	sadd.s32 $0x506A00, s2;
	[dreg:$0xd] =	wrdreg s8  }
0x18: {  	s18 =	simm.s32 $0x0;
	s26 =	smax.u32 s7, $0x1;
	[dreg:$0xf] =	wrdreg s2  }
0x19: {  	s8 =	sadd.s32 s5, s25;
	[dreg:$0x10] =	wrdreg s26;
	s26 =	simm.s32 $0x7  }
0x1a: {  	v0 =	vimm.f32 $0.0e+00;
	s2 =	simm.s32 $0x1;
	[dreg:$0xe] =	wrdreg s8;
	s8 =	simm.s32 $0x2A00  }
.LBB2_1:
0x1b: {  	s7 =	simm.s32 $0x5300  }
0x1c: {  	[tilespmem:s7+$0xFFFFFF00] =	vst v0  }
0x1d: {  	[tilespmem:s7+$0xF0] =	vst v0  }
0x1e: {  	[tilespmem:s7+$0xE0] =	vst v0  }
0x1f: {  	[tilespmem:s7+$0xD0] =	vst v0  }
0x20: {  	[tilespmem:s7+$0xC0] =	vst v0  }
0x21: {  	[tilespmem:s7+$0xB0] =	vst v0  }
0x22: {  	[tilespmem:s7+$0xA0] =	vst v0  }
0x23: {  	[tilespmem:s7+$0x90] =	vst v0  }
0x24: {  	[tilespmem:s7+$0x80] =	vst v0  }
0x25: {  	[tilespmem:s7+$0x70] =	vst v0  }
0x26: {  	[tilespmem:s7+$0x60] =	vst v0  }
0x27: {  	[tilespmem:s7+$0x50] =	vst v0  }
0x28: {  	[tilespmem:s7+$0x40] =	vst v0  }
0x29: {  	[tilespmem:s7+$0x30] =	vst v0  }
0x2a: {  	[tilespmem:s7+$0x20] =	vst v0  }
0x2b: {  	[tilespmem:s7+$0x10] =	vst v0  }
0x2c: {  	[tilespmem:s7+$0x0] =	vst v0  }
0x2d: {  	[tilespmem:s7+$0xFFFFFFF0] =	vst v0  }
0x2e: {  	[tilespmem:s7+$0xFFFFFFE0] =	vst v0  }
0x2f: {  	[tilespmem:s7+$0xFFFFFFD0] =	vst v0  }
0x30: {  	[tilespmem:s7+$0xFFFFFFC0] =	vst v0  }
0x31: {  	[tilespmem:s7+$0xFFFFFFB0] =	vst v0  }
0x32: {  	[tilespmem:s7+$0xFFFFFFA0] =	vst v0  }
0x33: {  	[tilespmem:s7+$0xFFFFFF90] =	vst v0  }
0x34: {  	[tilespmem:s7+$0xFFFFFF80] =	vst v0  }
0x35: {  	[tilespmem:s7+$0xFFFFFF70] =	vst v0  }
0x36: {  	[tilespmem:s7+$0xFFFFFF60] =	vst v0  }
0x37: {  	[tilespmem:s7+$0xFFFFFF50] =	vst v0  }
0x38: {  	[tilespmem:s7+$0xFFFFFF40] =	vst v0  }
0x39: {  	[tilespmem:s7+$0xFFFFFF30] =	vst v0  }
0x3a: {  	s16 =	simm.s32 $0x0;
	[tilespmem:s7+$0xFFFFFF20] =	vst v0  }
.LBB2_2:
0x3b: {  	s16 =	sadd.s32 $0x4, s16;
	[tilespmem:s7+$0xFFFFFF10] =	vst v0;
	s7 =	sadd.s32 $0x200, s7  }
0x3c: {  	[tilespmem:s7+$0xFFFFFF00] =	vst v0;
	p0 =	slt.u32 s16, $0x4C  }
0x3d: {  	[tilespmem:s7+$0xF0] =	vst v0  }
0x3e: {  	[tilespmem:s7+$0xE0] =	vst v0  }
0x3f: {  	[tilespmem:s7+$0xD0] =	vst v0  }
0x40: {  	[tilespmem:s7+$0xC0] =	vst v0  }
0x41: {  	[tilespmem:s7+$0xB0] =	vst v0  }
0x42: {  	[tilespmem:s7+$0xA0] =	vst v0  }
0x43: {  	[tilespmem:s7+$0x90] =	vst v0  }
0x44: {  	[tilespmem:s7+$0x80] =	vst v0  }
0x45: {  	[tilespmem:s7+$0x70] =	vst v0  }
0x46: {  	[tilespmem:s7+$0x60] =	vst v0  }
0x47: {  	[tilespmem:s7+$0x50] =	vst v0  }
0x48: {  	[tilespmem:s7+$0x40] =	vst v0  }
0x49: {  	[tilespmem:s7+$0x30] =	vst v0  }
0x4a: {  	[tilespmem:s7+$0x20] =	vst v0  }
0x4b: {  	[tilespmem:s7+$0x10] =	vst v0  }
0x4c: {  	[tilespmem:s7+$0x0] =	vst v0  }
0x4d: {  	[tilespmem:s7+$0xFFFFFFF0] =	vst v0  }
0x4e: {  	[tilespmem:s7+$0xFFFFFFE0] =	vst v0  }
0x4f: {  	[tilespmem:s7+$0xFFFFFFD0] =	vst v0  }
0x50: {  	[tilespmem:s7+$0xFFFFFFC0] =	vst v0  }
0x51: {  	[tilespmem:s7+$0xFFFFFFB0] =	vst v0  }
0x52: {  	[tilespmem:s7+$0xFFFFFFA0] =	vst v0  }
0x53: {  	[tilespmem:s7+$0xFFFFFF90] =	vst v0  }
0x54: {  	[tilespmem:s7+$0xFFFFFF80] =	vst v0  }
0x55: {  	[tilespmem:s7+$0xFFFFFF70] =	vst v0  }
.Ltmp0:
0x56: {  	[tilespmem:s7+$0xFFFFFF60] =	vst v0;
	(pc) =	sbr.rel @p0 .LBB2_2-.Ltmp0, $4  }
0x57: {  	[tilespmem:s7+$0xFFFFFF50] =	vst v0  }
0x58: {  	[tilespmem:s7+$0xFFFFFF40] =	vst v0  }
0x59: {  	[tilespmem:s7+$0xFFFFFF30] =	vst v0  }
0x5a: {  	[tilespmem:s7+$0xFFFFFF20] =	vst v0  }
0x5b: {  	[tilespmem:s7+$0xFFFFFF10] =	vst v0  }
0x5c: {  	s7 =	rddreg [dreg:$0x4]  }
0x5d: {  	[spmem:s7] =	stream.linear.scatter [tilespmem:s24], [sflag:$0x7], $0x2800, $0x38;
	[tilespmem:$0x1DE00] =	vst v63  }
0x5e: {  	_ =	swait.ge [sflag:s26], $0x2800  }
0x5f: {  	[sflag:s26] =	ssyncset.done $0x0  }
0x60: {  	s16 =	rddreg [dreg:$0x5];
	[sflag:s26] =	ssyncadd.s32 $0xFFFFD800  }
0x61: {  	[spmem:s16] =	stream.linear.scatter [tilespmem:s24], [sflag:$0x7], $0x2800, $0x38;
	[tilespmem:$0x1DE00] =	vst v63  }
0x62: {  	_ =	swait.ge [sflag:s26], $0x2800  }
0x63: {  	[sflag:s26] =	ssyncset.done $0x0  }
0x64: {  	s19 =	rddreg [dreg:$0x6];
	[sflag:s26] =	ssyncadd.s32 $0xFFFFD800  }
0x65: {  	[spmem:s19] =	stream.linear.scatter [tilespmem:s24], [sflag:$0x7], $0x2800, $0x38;
	[tilespmem:$0x1DE00] =	vst v63  }
0x66: {  	_ =	swait.ge [sflag:s26], $0x2800  }
0x67: {  	[sflag:s26] =	ssyncset.done $0x0  }
0x68: {  	s22 =	rddreg [dreg:$0x7];
	[sflag:s26] =	ssyncadd.s32 $0xFFFFD800  }
0x69: {  	[spmem:s22] =	stream.linear.scatter [tilespmem:s24], [sflag:$0x7], $0x2800, $0x38;
	[tilespmem:$0x1DE00] =	vst v63  }
0x6a: {  	_ =	swait.ge [sflag:s26], $0x2800  }
0x6b: {  	[sflag:s26] =	ssyncset.done $0x0  }
0x6c: {  	s23 =	rddreg [dreg:$0x8];
	[sflag:s26] =	ssyncadd.s32 $0xFFFFD800  }
0x6d: {  	[spmem:s23] =	stream.linear.scatter [tilespmem:s24], [sflag:$0x7], $0x2800, $0x38;
	[tilespmem:$0x1DE00] =	vst v63  }
0x6e: {  	_ =	swait.ge [sflag:s26], $0x2800  }
0x6f: {  	[sflag:s26] =	ssyncset.done $0x0  }
0x70: {  	s25 =	rddreg [dreg:$0x9];
	[sflag:s26] =	ssyncadd.s32 $0xFFFFD800  }
0x71: {  	[spmem:s25] =	stream.linear.scatter [tilespmem:s24], [sflag:$0x7], $0x2800, $0x38;
	[tilespmem:$0x1DE00] =	vst v63  }
0x72: {  	_ =	swait.ge [sflag:s26], $0x2800  }
0x73: {  	[sflag:s26] =	ssyncset.done $0x0  }
0x74: {  	s16 =	rddreg [dreg:$0xa];
	[sflag:s26] =	ssyncadd.s32 $0xFFFFD800  }
0x75: {  	[spmem:s16] =	stream.linear.scatter [tilespmem:s24], [sflag:$0x7], $0x2800, $0x38;
	[tilespmem:$0x1DE00] =	vst v63  }
0x76: {  	_ =	swait.ge [sflag:s26], $0x2800  }
0x77: {  	[sflag:s26] =	ssyncset.done $0x0  }
0x78: {  	s19 =	rddreg [dreg:$0xc];
	[sflag:s26] =	ssyncadd.s32 $0xFFFFD800  }
0x79: {  	[spmem:s19] =	stream.linear.scatter [tilespmem:s24], [sflag:$0x7], $0x2080, $0x38;
	[tilespmem:$0x1DE00] =	vst v63  }
0x7a: {  	_ =	swait.ge [sflag:s26], $0x2080  }
0x7b: {  	[sflag:s26] =	ssyncset.done $0x0  }
0x7c: {  	[sflag:s26] =	ssyncadd.s32 $0xFFFFDF80  }
0x7d: {  	[bflag:$0x0] =	sbarrier.arrive $0xFFFF  }
0x7e: {  	s19 =	simm.s32 $0x0;
	s22 =	rddreg [dreg:$0xb]  }
0x7f: {  	[tilespmem:s19], [sflag:$0x5] =	stream.linear.gather [hbm4b:s22+s19], $0x100, $0x38;
	[tilespmem:$0x1DE00] =	vst v63  }
0x80: {  	s23 =	rddreg [dreg:$0xd]  }
0x81: {  	[tilespmem:s28], [sflag:$0x6] =	stream.linear.gather [hbm4b:s23+s19], $0x100, $0x38;
	[tilespmem:$0x1DE00] =	vst v63  }
0x82: {  	_ =	swait.ge [sflag:s29], $0x100  }
0x83: {  	[sflag:s29] =	ssyncset.done $0x0  }
0x84: {  	[sflag:s29] =	ssyncadd.s32 $0xFFFFFF00  }
0x85: {  	[tilespmem:s31], [sflag:$0x1] =	stream.indirect.gather [hbm4b:s1+s30], $0x80, s19, s30, $0xb8;
	[tilespmem:$0x1DE00] =	vst v63  }
0x86: {  	s25 =	rddreg [dreg:$0xe]  }
0x87: {  	[tilespmem:s24], [sflag:$0x3] =	stream.linear.gather [hbm4b:s25+s19], $0x2800, $0x38;
	[tilespmem:$0x1DE00] =	vst v63  }
.LBB2_4:
0x88: {  	_ =	swait.ge [sflag:s2], $0x2800  }
0x89: {  	[sflag:s2] =	ssyncset.done $0x0  }
0x8a: {  	s7 =	smul.u32 $0x5000, s19;
	[sflag:s2] =	ssyncadd.s32 $0xFFFFD800  }
0x8b: {  	_ =	swait.ge [sflag:s0], $0x100  }
0x8c: {  	s7 =	sadd.s32 s7, s20;
	[sflag:s0] =	ssyncset.done $0x0  }
0x8d: {  	s7 =	sshrl.u32 s7, $0x3;
	[sflag:s0] =	ssyncadd.s32 $0xFFFFFF00  }
0x8e: {  	[tilespmem:s8], [sflag:$0x2] =	stream.indirect.gather [hbm4b:s1+s30], $0x80, s28, s30, $0xb8;
	[tilespmem:$0x1DE00] =	vst v63  }
0x8f: {  	s7 =	sadd.s32 s5, s7  }
0x90: {  	[tilespmem:s10], [sflag:$0x4] =	stream.linear.gather [hbm4b:s7+s4], $0x2800, $0x38;
	[tilespmem:$0x1DE00] =	vst v63  }
0x91: {  	_ =	swait.ge [sflag:s11], $0x2800  }
0x92: {  	[sflag:s11] =	ssyncset.done $0x0  }
0x93: {  	s22 =	simm.s32 $0x5300;
	[sflag:s11] =	ssyncadd.s32 $0xFFFFD800  }
0x94: {  	s23 =	simm.s32 $0x300;
	v1 =	vld [tilespmem:s22+$0x80]  }
0x95: {  	v2 =	vld [tilespmem:s23+$0x80]  }
0x96: {  	v3 =	vld [tilespmem:s23+$0xFFFFFF00]  }
0x97: {  	v4 =	vld [tilespmem:s22+$0xFFFFFF80]  }
0x98: {  	v5 =	vld [tilespmem:s23+$0xFFFFFF80]  }
0x99: {  	v6 =	vld [tilespmem:s23+$0x0]  }
0x9a: {  	v1 =	vadd.f32 v2, v1;
	v2 =	vld [tilespmem:s22+$0x0]  }
0x9b: {  	v7 =	vld [tilespmem:s22+$0xFFFFFF00]  }
0x9c: {  	v1 =	vmax.f32 v1, $0.0e+00  }
0x9d: {  	v4 =	vadd.f32 v5, v4;
	[tilespmem:s22+$0x80] =	vst v1;
	v1 =	vld [tilespmem:s22+$0x90]  }
0x9e: {  	v8 =	vld [tilespmem:s23+$0x90]  }
0x9f: {  	v9 =	vld [tilespmem:s22+$0xFFFFFF90];
	v4 =	vmax.f32 v4, $0.0e+00;
	v2 =	vadd.f32 v6, v2  }
0xa0: {  	v5 =	vld [tilespmem:s22+$0xFFFFFF10];
	v3 =	vadd.f32 v3, v7;
	[tilespmem:s22+$0xFFFFFF80] =	vst v4  }
0xa1: {  	v6 =	vld [tilespmem:s23+$0xFFFFFF90];
	v2 =	vmax.f32 v2, $0.0e+00  }
0xa2: {  	v3 =	vmax.f32 v3, $0.0e+00;
	v4 =	vld [tilespmem:s22+$0x10];
	[tilespmem:s22+$0x0] =	vst v2  }
0xa3: {  	[tilespmem:s22+$0xFFFFFF00] =	vst v3;
	v1 =	vadd.f32 v8, v1;
	v2 =	vld [tilespmem:s23+$0x10]  }
0xa4: {  	v3 =	vld [tilespmem:s23+$0xFFFFFF10]  }
0xa5: {  	v1 =	vmax.f32 v1, $0.0e+00  }
0xa6: {  	v6 =	vadd.f32 v6, v9;
	[tilespmem:s22+$0x90] =	vst v1;
	v1 =	vld [tilespmem:s22+$0xA0]  }
0xa7: {  	v8 =	vld [tilespmem:s23+$0xA0]  }
0xa8: {  	v7 =	vld [tilespmem:s22+$0xFFFFFF20];
	v6 =	vmax.f32 v6, $0.0e+00;
	v2 =	vadd.f32 v2, v4  }
0xa9: {  	v3 =	vadd.f32 v3, v5;
	v9 =	vld [tilespmem:s22+$0xFFFFFFA0];
	[tilespmem:s22+$0xFFFFFF90] =	vst v6  }
0xaa: {  	v5 =	vld [tilespmem:s23+$0xFFFFFFA0];
	v2 =	vmax.f32 v2, $0.0e+00  }
0xab: {  	v3 =	vmax.f32 v3, $0.0e+00;
	v4 =	vld [tilespmem:s22+$0x20];
	[tilespmem:s22+$0x10] =	vst v2  }
0xac: {  	[tilespmem:s22+$0xFFFFFF10] =	vst v3;
	v1 =	vadd.f32 v8, v1;
	v2 =	vld [tilespmem:s23+$0x20]  }
0xad: {  	v3 =	vld [tilespmem:s23+$0xFFFFFF20]  }
0xae: {  	v1 =	vmax.f32 v1, $0.0e+00  }
0xaf: {  	v5 =	vadd.f32 v5, v9;
	[tilespmem:s22+$0xA0] =	vst v1;
	v1 =	vld [tilespmem:s22+$0xB0]  }
0xb0: {  	v8 =	vld [tilespmem:s23+$0xB0]  }
0xb1: {  	v10 =	vld [tilespmem:s22+$0x30];
	v5 =	vmax.f32 v5, $0.0e+00;
	v2 =	vadd.f32 v2, v4  }
0xb2: {  	v3 =	vadd.f32 v3, v7;
	v9 =	vld [tilespmem:s22+$0xFFFFFFB0];
	[tilespmem:s22+$0xFFFFFFA0] =	vst v5  }
0xb3: {  	v4 =	vld [tilespmem:s23+$0xFFFFFFB0];
	v2 =	vmax.f32 v2, $0.0e+00  }
0xb4: {  	v6 =	vld [tilespmem:s22+$0xFFFFFF30];
	[tilespmem:s22+$0x20] =	vst v2;
	v2 =	vmax.f32 v3, $0.0e+00  }
0xb5: {  	v1 =	vadd.f32 v8, v1;
	[tilespmem:s22+$0xFFFFFF20] =	vst v2;
	v2 =	vld [tilespmem:s23+$0x30]  }
0xb6: {  	v7 =	vld [tilespmem:s23+$0xFFFFFF30]  }
0xb7: {  	v11 =	vld [tilespmem:s22+$0xFFFFFF40];
	v1 =	vmax.f32 v1, $0.0e+00  }
0xb8: {  	v4 =	vadd.f32 v4, v9;
	[tilespmem:s22+$0xB0] =	vst v1;
	v1 =	vld [tilespmem:s22+$0xC0]  }
0xb9: {  	v8 =	vld [tilespmem:s23+$0xC0]  }
0xba: {  	v12 =	vld [tilespmem:s22+$0xFFFFFFD0];
	v4 =	vmax.f32 v4, $0.0e+00;
	v2 =	vadd.f32 v2, v10  }
0xbb: {  	v5 =	vld [tilespmem:s22+$0xFFFFFFC0];
	[tilespmem:s22+$0xFFFFFFB0] =	vst v4;
	v6 =	vadd.f32 v7, v6  }
0xbc: {  	v7 =	vld [tilespmem:s23+$0xFFFFFFC0];
	v2 =	vmax.f32 v2, $0.0e+00  }
0xbd: {  	v3 =	vld [tilespmem:s22+$0x40];
	[tilespmem:s22+$0x30] =	vst v2;
	v2 =	vmax.f32 v6, $0.0e+00  }
0xbe: {  	v1 =	vadd.f32 v8, v1;
	v6 =	vld [tilespmem:s23+$0x40];
	[tilespmem:s22+$0xFFFFFF30] =	vst v2  }
0xbf: {  	v2 =	vld [tilespmem:s23+$0xFFFFFF40]  }
0xc0: {  	v9 =	vld [tilespmem:s22+$0xFFFFFF50];
	v1 =	vmax.f32 v1, $0.0e+00  }
0xc1: {  	[tilespmem:s22+$0xC0] =	vst v1;
	v1 =	vadd.f32 v7, v5;
	v7 =	vld [tilespmem:s22+$0xD0]  }
0xc2: {  	v8 =	vld [tilespmem:s23+$0xD0]  }
0xc3: {  	v4 =	vld [tilespmem:s22+$0xFFFFFF60];
	v1 =	vmax.f32 v1, $0.0e+00;
	v3 =	vadd.f32 v6, v3  }
0xc4: {  	v10 =	vld [tilespmem:s22+$0x50];
	[tilespmem:s22+$0xFFFFFFC0] =	vst v1;
	v1 =	vadd.f32 v2, v11  }
0xc5: {  	v2 =	vld [tilespmem:s23+$0xFFFFFFD0];
	v3 =	vmax.f32 v3, $0.0e+00  }
0xc6: {  	v5 =	vld [tilespmem:s22+$0xFFFFFFE0];
	[tilespmem:s22+$0x40] =	vst v3;
	v1 =	vmax.f32 v1, $0.0e+00  }
0xc7: {  	v3 =	vld [tilespmem:s23+$0x50];
	v7 =	vadd.f32 v8, v7;
	[tilespmem:s22+$0xFFFFFF40] =	vst v1  }
0xc8: {  	v1 =	vld [tilespmem:s23+$0xFFFFFF50]  }
0xc9: {  	v6 =	vld [tilespmem:s22+$0x60];
	v7 =	vmax.f32 v7, $0.0e+00  }
0xca: {  	v2 =	vadd.f32 v2, v12;
	[tilespmem:s22+$0xD0] =	vst v7;
	v7 =	vld [tilespmem:s22+$0xE0]  }
0xcb: {  	v11 =	vld [tilespmem:s23+$0xE0]  }
0xcc: {  	v2 =	vmax.f32 v2, $0.0e+00;
	v8 =	vadd.f32 v3, v10;
	v3 =	vld [tilespmem:s22+$0xFFFFFF70]  }
0xcd: {  	[tilespmem:s22+$0xFFFFFFD0] =	vst v2;
	v1 =	vadd.f32 v1, v9;
	v2 =	vld [tilespmem:s22+$0xFFFFFFF0]  }
0xce: {  	v9 =	vmax.f32 v8, $0.0e+00;
	v8 =	vld [tilespmem:s23+$0xFFFFFFE0]  }
0xcf: {  	[tilespmem:s22+$0x50] =	vst v9;
	v9 =	vmax.f32 v1, $0.0e+00;
	v1 =	vld [tilespmem:s22+$0x70]  }
0xd0: {  	[tilespmem:s22+$0xFFFFFF50] =	vst v9;
	v9 =	vld [tilespmem:s23+$0x60];
	v7 =	vadd.f32 v11, v7  }
0xd1: {  	v10 =	vld [tilespmem:s23+$0xFFFFFF60]  }
0xd2: {  	s25 =	simm.s32 $0x0;
	s16 =	simm.s32 $0x5500;
	s7 =	simm.s32 $0x300;
	v11 =	vmax.f32 v7, $0.0e+00;
	v7 =	vld [tilespmem:s22+$0xF0]  }
.LBB2_5:
0xd3: {  	v12 =	vld [tilespmem:s16+$0x80];
	v5 =	vadd.f32 v8, v5;
	[tilespmem:s22+$0xE0] =	vst v11  }
0xd4: {  	s7 =	sadd.s32 $0x200, s7;
	v8 =	vld [tilespmem:s23+$0xF0]  }
0xd5: {  	s25 =	sadd.s32 $0x4, s25;
	v11 =	vld [tilespmem:s7+$0x80];
	v5 =	vmax.f32 v5, $0.0e+00;
	v6 =	vadd.f32 v9, v6  }
0xd6: {  	p0 =	slt.u32 s25, $0x4C;
	v9 =	vld [tilespmem:s7+$0xFFFFFF00];
	v4 =	vadd.f32 v10, v4;
	[tilespmem:s22+$0xFFFFFFE0] =	vst v5  }
0xd7: {  	v5 =	vld [tilespmem:s16+$0xFFFFFF80];
	v6 =	vmax.f32 v6, $0.0e+00  }
0xd8: {  	v10 =	vld [tilespmem:s7+$0xFFFFFF80];
	v4 =	vmax.f32 v4, $0.0e+00;
	[tilespmem:s22+$0x60] =	vst v6  }
0xd9: {  	v6 =	vld [tilespmem:s16+$0x0];
	[tilespmem:s22+$0xFFFFFF60] =	vst v4;
	v4 =	vadd.f32 v8, v7  }
0xda: {  	v7 =	vld [tilespmem:s7+$0x0];
	v8 =	vadd.f32 v11, v12  }
0xdb: {  	v11 =	vld [tilespmem:s16+$0xFFFFFF00];
	v4 =	vmax.f32 v4, $0.0e+00  }
0xdc: {  	v12 =	vld [tilespmem:s16+$0xFFFFFF10];
	v8 =	vmax.f32 v8, $0.0e+00;
	[tilespmem:s22+$0xF0] =	vst v4  }
0xdd: {  	v4 =	vadd.f32 v10, v5;
	[tilespmem:s16+$0x80] =	vst v8;
	v5 =	vld [tilespmem:s16+$0x90]  }
0xde: {  	v8 =	vld [tilespmem:s7+$0x90]  }
0xdf: {  	v4 =	vmax.f32 v4, $0.0e+00;
	v10 =	vld [tilespmem:s16+$0xFFFFFF90];
	v6 =	vadd.f32 v7, v6  }
0xe0: {  	v7 =	vadd.f32 v9, v11;
	[tilespmem:s16+$0xFFFFFF80] =	vst v4;
	v4 =	vld [tilespmem:s16+$0x10]  }
0xe1: {  	v9 =	vld [tilespmem:s7+$0xFFFFFF90];
	v6 =	vmax.f32 v6, $0.0e+00  }
0xe2: {  	v7 =	vmax.f32 v7, $0.0e+00;
	v11 =	vld [tilespmem:s16+$0xFFFFFF20];
	[tilespmem:s16+$0x0] =	vst v6  }
0xe3: {  	[tilespmem:s16+$0xFFFFFF00] =	vst v7;
	v6 =	vld [tilespmem:s7+$0x10];
	v5 =	vadd.f32 v8, v5  }
0xe4: {  	v7 =	vld [tilespmem:s7+$0xFFFFFF10]  }
0xe5: {  	v8 =	vld [tilespmem:s16+$0xFFFFFFA0];
	v5 =	vmax.f32 v5, $0.0e+00  }
0xe6: {  	v9 =	vadd.f32 v9, v10;
	[tilespmem:s16+$0x90] =	vst v5;
	v5 =	vld [tilespmem:s16+$0xA0]  }
0xe7: {  	v10 =	vld [tilespmem:s7+$0xA0]  }
0xe8: {  	v9 =	vmax.f32 v9, $0.0e+00;
	v4 =	vadd.f32 v6, v4;
	v6 =	vld [tilespmem:s16+$0x20]  }
0xe9: {  	v7 =	vadd.f32 v7, v12;
	v12 =	vld [tilespmem:s16+$0xFFFFFF30];
	[tilespmem:s16+$0xFFFFFF90] =	vst v9  }
0xea: {  	v9 =	vld [tilespmem:s7+$0xFFFFFFA0];
	v4 =	vmax.f32 v4, $0.0e+00  }
0xeb: {  	v7 =	vmax.f32 v7, $0.0e+00;
	v13 =	vld [tilespmem:s16+$0xFFFFFFB0];
	[tilespmem:s16+$0x10] =	vst v4  }
0xec: {  	[tilespmem:s16+$0xFFFFFF10] =	vst v7;
	v4 =	vld [tilespmem:s7+$0x20];
	v5 =	vadd.f32 v10, v5  }
0xed: {  	v7 =	vld [tilespmem:s7+$0xFFFFFF20]  }
0xee: {  	v10 =	vld [tilespmem:s16+$0x30];
	v5 =	vmax.f32 v5, $0.0e+00  }
0xef: {  	v8 =	vadd.f32 v9, v8;
	[tilespmem:s16+$0xA0] =	vst v5;
	v5 =	vld [tilespmem:s16+$0xB0]  }
0xf0: {  	v9 =	vld [tilespmem:s7+$0xB0]  }
0xf1: {  	v14 =	vld [tilespmem:s16+$0xFFFFFF40];
	v8 =	vmax.f32 v8, $0.0e+00;
	v4 =	vadd.f32 v4, v6  }
0xf2: {  	v6 =	vadd.f32 v7, v11;
	[tilespmem:s16+$0xFFFFFFA0] =	vst v8;
	v7 =	vld [tilespmem:s16+$0xFFFFFFC0]  }
0xf3: {  	v8 =	vld [tilespmem:s7+$0xFFFFFFB0];
	v4 =	vmax.f32 v4, $0.0e+00  }
0xf4: {  	v6 =	vmax.f32 v6, $0.0e+00;
	[tilespmem:s16+$0x20] =	vst v4;
	v11 =	vld [tilespmem:s16+$0x40]  }
0xf5: {  	[tilespmem:s16+$0xFFFFFF20] =	vst v6;
	v4 =	vld [tilespmem:s7+$0x30];
	v5 =	vadd.f32 v9, v5  }
0xf6: {  	v6 =	vld [tilespmem:s7+$0xFFFFFF30]  }
0xf7: {  	v9 =	vld [tilespmem:s16+$0xFFFFFF50];
	v5 =	vmax.f32 v5, $0.0e+00  }
0xf8: {  	v8 =	vadd.f32 v8, v13;
	[tilespmem:s16+$0xB0] =	vst v5;
	v5 =	vld [tilespmem:s16+$0xC0]  }
0xf9: {  	v13 =	vld [tilespmem:s7+$0xC0]  }
0xfa: {  	v8 =	vmax.f32 v8, $0.0e+00;
	v15 =	vld [tilespmem:s16+$0xFFFFFFD0];
	v4 =	vadd.f32 v4, v10  }
0xfb: {  	v6 =	vadd.f32 v6, v12;
	[tilespmem:s16+$0xFFFFFFB0] =	vst v8;
	v8 =	vld [tilespmem:s16+$0x50]  }
0xfc: {  	v10 =	vld [tilespmem:s7+$0xFFFFFFC0];
	v12 =	vmax.f32 v4, $0.0e+00  }
0xfd: {  	v6 =	vmax.f32 v6, $0.0e+00;
	v4 =	vld [tilespmem:s16+$0xFFFFFF60];
	[tilespmem:s16+$0x30] =	vst v12  }
0xfe: {  	[tilespmem:s16+$0xFFFFFF30] =	vst v6;
	v6 =	vld [tilespmem:s7+$0x40];
	v12 =	vadd.f32 v13, v5  }
0xff: {  	v13 =	vld [tilespmem:s7+$0xFFFFFF40]  }
0x100: {  	v5 =	vld [tilespmem:s16+$0xFFFFFFE0];
	v12 =	vmax.f32 v12, $0.0e+00  }
0x101: {  	v7 =	vadd.f32 v10, v7;
	[tilespmem:s16+$0xC0] =	vst v12;
	v10 =	vld [tilespmem:s16+$0xD0]  }
0x102: {  	v12 =	vld [tilespmem:s7+$0xD0]  }
0x103: {  	v7 =	vmax.f32 v7, $0.0e+00;
	v11 =	vadd.f32 v6, v11;
	v6 =	vld [tilespmem:s16+$0x60]  }
0x104: {  	v13 =	vadd.f32 v13, v14;
	[tilespmem:s16+$0xFFFFFFC0] =	vst v7;
	v7 =	vld [tilespmem:s23+$0xFFFFFF70]  }
0x105: {  	v14 =	vld [tilespmem:s7+$0xFFFFFFD0];
	v11 =	vmax.f32 v11, $0.0e+00  }
0x106: {  	v13 =	vmax.f32 v13, $0.0e+00;
	[tilespmem:s16+$0x40] =	vst v11;
	v11 =	vld [tilespmem:s23+$0xFFFFFFF0]  }
0x107: {  	[tilespmem:s16+$0xFFFFFF40] =	vst v13;
	v13 =	vld [tilespmem:s7+$0x50];
	v10 =	vadd.f32 v12, v10  }
0x108: {  	v12 =	vld [tilespmem:s7+$0xFFFFFF50]  }
0x109: {  	v10 =	vmax.f32 v10, $0.0e+00;
	v3 =	vadd.f32 v7, v3;
	v7 =	vld [tilespmem:s23+$0x70];
	s23 =	smov.u32 s7  }
0x10a: {  	v14 =	vadd.f32 v14, v15;
	[tilespmem:s16+$0xD0] =	vst v10;
	v10 =	vld [tilespmem:s16+$0xE0]  }
0x10b: {  	v15 =	vld [tilespmem:s7+$0xE0];
	v16 =	vmax.f32 v3, $0.0e+00;
	v11 =	vadd.f32 v11, v2  }
0x10c: {  	v3 =	vld [tilespmem:s16+$0xFFFFFF70];
	v2 =	vmax.f32 v14, $0.0e+00;
	v13 =	vadd.f32 v13, v8;
	[tilespmem:s22+$0xFFFFFF70] =	vst v16  }
0x10d: {  	v9 =	vadd.f32 v12, v9;
	[tilespmem:s16+$0xFFFFFFD0] =	vst v2;
	v2 =	vld [tilespmem:s16+$0xFFFFFFF0];
	v11 =	vmax.f32 v11, $0.0e+00  }
.Ltmp1:
0x10e: {  	v8 =	vld [tilespmem:s7+$0xFFFFFFE0];
	v12 =	vmax.f32 v13, $0.0e+00;
	[tilespmem:s22+$0xFFFFFFF0] =	vst v11;
	v7 =	vadd.f32 v7, v1;
	(pc) =	sbr.rel @p0 .LBB2_5-.Ltmp1, $4  }
0x10f: {  	v9 =	vmax.f32 v9, $0.0e+00;
	[tilespmem:s16+$0x50] =	vst v12;
	v1 =	vld [tilespmem:s16+$0x70]  }
0x110: {  	[tilespmem:s16+$0xFFFFFF50] =	vst v9;
	v9 =	vld [tilespmem:s7+$0x60];
	v11 =	vadd.f32 v15, v10;
	v7 =	vmax.f32 v7, $0.0e+00  }
0x111: {  	v10 =	vld [tilespmem:s7+$0xFFFFFF60];
	[tilespmem:s22+$0x70] =	vst v7;
	s22 =	smov.u32 s16  }
0x112: {  	s16 =	sadd.s32 $0x200, s16;
	v11 =	vmax.f32 v11, $0.0e+00;
	v7 =	vld [tilespmem:s22+$0xF0]  }
0x113: {  	_ =	sdelay $0x2  }
0x114: {  	v4 =	vadd.f32 v10, v4  }
0x115: {  	v5 =	vadd.f32 v8, v5  }
0x116: {  	[tilespmem:s22+$0xE0] =	vst v11;
	v6 =	vadd.f32 v9, v6;
	v4 =	vmax.f32 v4, $0.0e+00  }
0x117: {  	v8 =	vld [tilespmem:s23+$0xF0];
	v5 =	vmax.f32 v5, $0.0e+00;
	[tilespmem:s22+$0xFFFFFF60] =	vst v4  }
0x118: {  	[tilespmem:s22+$0xFFFFFFE0] =	vst v5;
	v4 =	vmax.f32 v6, $0.0e+00;
	v5 =	vld [tilespmem:s23+$0xFFFFFF70]  }
0x119: {  	[tilespmem:s22+$0x60] =	vst v4;
	v4 =	vld [tilespmem:s23+$0xFFFFFFF0]  }
0x11a: {  	v6 =	vld [tilespmem:s23+$0x70];
	_ =	sdelay $0x1  }
0x11b: {  	v7 =	vadd.f32 v8, v7  }
0x11c: {  	v3 =	vadd.f32 v5, v3  }
0x11d: {  	v5 =	vmax.f32 v7, $0.0e+00;
	v2 =	vadd.f32 v4, v2  }
0x11e: {  	[tilespmem:s22+$0xF0] =	vst v5;
	v1 =	vadd.f32 v6, v1;
	v3 =	vmax.f32 v3, $0.0e+00  }
0x11f: {  	s7 =	sshll.u32 s19, $0x1;
	v2 =	vmax.f32 v2, $0.0e+00;
	[tilespmem:s22+$0xFFFFFF70] =	vst v3  }
0x120: {  	s7 =	sadd.s32 $0x2, s7;
	[tilespmem:s22+$0xFFFFFFF0] =	vst v2;
	v1 =	vmax.f32 v1, $0.0e+00  }
0x121: {  	s16 =	sshll.u32 s7, $0x8;
	[tilespmem:s22+$0x70] =	vst v1  }
0x122: {  	[spmem:s3] =	stream.indirect.scatter.add.f32 [tilespmem:s24], [sflag:$0x7], $0x80, s12, s30, $0xb8;
	[tilespmem:$0x1DE00] =	vst v63  }
0x123: {  	s16 =	sadd.s32 s9, s16;
	_ =	swait.ge [sflag:s26], $0x2800  }
0x124: {  	s16 =	sshrl.u32 s16, $0x3;
	[sflag:s26] =	ssyncset.done $0x0  }
0x125: {  	s16 =	sadd.s32 s6, s16;
	[sflag:s26] =	ssyncadd.s32 $0xFFFFD800  }
0x126: {  	[tilespmem:s4], [sflag:$0x5] =	stream.linear.gather [hbm4b:s16+s4], $0x100, $0x38;
	[tilespmem:$0x1DE00] =	vst v63  }
0x127: {  	_ =	swait.ge [sflag:s13], $0x2800  }
0x128: {  	[sflag:s13] =	ssyncset.done $0x0  }
0x129: {  	s7 =	smul.u32 $0x2800, s7;
	[sflag:s13] =	ssyncadd.s32 $0xFFFFD800  }
0x12a: {  	_ =	swait.ge [sflag:s29], $0x100  }
0x12b: {  	s7 =	sadd.s32 s14, s7;
	[sflag:s29] =	ssyncset.done $0x0  }
0x12c: {  	s7 =	sshrl.u32 s7, $0x3;
	[sflag:s29] =	ssyncadd.s32 $0xFFFFFF00  }
0x12d: {  	[tilespmem:s31], [sflag:$0x1] =	stream.indirect.gather [hbm4b:s1+s30], $0x80, s4, s30, $0xb8;
	[tilespmem:$0x1DE00] =	vst v63  }
0x12e: {  	s7 =	sadd.s32 s5, s7  }
0x12f: {  	[tilespmem:s24], [sflag:$0x3] =	stream.linear.gather [hbm4b:s7+s4], $0x2800, $0x38;
	[tilespmem:$0x1DE00] =	vst v63  }
0x130: {  	_ =	swait.ge [sflag:s15], $0x2800  }
0x131: {  	[sflag:s15] =	ssyncset.done $0x0  }
0x132: {  	s22 =	simm.s32 $0x7B00;
	[sflag:s15] =	ssyncadd.s32 $0xFFFFD800  }
0x133: {  	s23 =	simm.s32 $0x2B00;
	v1 =	vld [tilespmem:s22+$0x80]  }
0x134: {  	v2 =	vld [tilespmem:s23+$0x80]  }
0x135: {  	v3 =	vld [tilespmem:s23+$0xFFFFFF00]  }
0x136: {  	v4 =	vld [tilespmem:s22+$0xFFFFFF80]  }
0x137: {  	v5 =	vld [tilespmem:s23+$0xFFFFFF80]  }
0x138: {  	v6 =	vld [tilespmem:s23+$0x0]  }
0x139: {  	v1 =	vadd.f32 v2, v1;
	v2 =	vld [tilespmem:s22+$0x0]  }
0x13a: {  	v7 =	vld [tilespmem:s22+$0xFFFFFF00]  }
0x13b: {  	v1 =	vmax.f32 v1, $0.0e+00  }
0x13c: {  	v4 =	vadd.f32 v5, v4;
	[tilespmem:s22+$0x80] =	vst v1;
	v1 =	vld [tilespmem:s22+$0x90]  }
0x13d: {  	v8 =	vld [tilespmem:s23+$0x90]  }
0x13e: {  	v9 =	vld [tilespmem:s22+$0xFFFFFF90];
	v4 =	vmax.f32 v4, $0.0e+00;
	v2 =	vadd.f32 v6, v2  }
0x13f: {  	v5 =	vld [tilespmem:s22+$0xFFFFFF10];
	v3 =	vadd.f32 v3, v7;
	[tilespmem:s22+$0xFFFFFF80] =	vst v4  }
0x140: {  	v6 =	vld [tilespmem:s23+$0xFFFFFF90];
	v2 =	vmax.f32 v2, $0.0e+00  }
0x141: {  	v3 =	vmax.f32 v3, $0.0e+00;
	v4 =	vld [tilespmem:s22+$0x10];
	[tilespmem:s22+$0x0] =	vst v2  }
0x142: {  	[tilespmem:s22+$0xFFFFFF00] =	vst v3;
	v1 =	vadd.f32 v8, v1;
	v2 =	vld [tilespmem:s23+$0x10]  }
0x143: {  	v3 =	vld [tilespmem:s23+$0xFFFFFF10]  }
0x144: {  	v1 =	vmax.f32 v1, $0.0e+00  }
0x145: {  	v6 =	vadd.f32 v6, v9;
	[tilespmem:s22+$0x90] =	vst v1;
	v1 =	vld [tilespmem:s22+$0xA0]  }
0x146: {  	v8 =	vld [tilespmem:s23+$0xA0]  }
0x147: {  	v7 =	vld [tilespmem:s22+$0xFFFFFF20];
	v6 =	vmax.f32 v6, $0.0e+00;
	v2 =	vadd.f32 v2, v4  }
0x148: {  	v3 =	vadd.f32 v3, v5;
	v9 =	vld [tilespmem:s22+$0xFFFFFFA0];
	[tilespmem:s22+$0xFFFFFF90] =	vst v6  }
0x149: {  	v5 =	vld [tilespmem:s23+$0xFFFFFFA0];
	v2 =	vmax.f32 v2, $0.0e+00  }
0x14a: {  	v3 =	vmax.f32 v3, $0.0e+00;
	v4 =	vld [tilespmem:s22+$0x20];
	[tilespmem:s22+$0x10] =	vst v2  }
0x14b: {  	[tilespmem:s22+$0xFFFFFF10] =	vst v3;
	v1 =	vadd.f32 v8, v1;
	v2 =	vld [tilespmem:s23+$0x20]  }
0x14c: {  	v3 =	vld [tilespmem:s23+$0xFFFFFF20]  }
0x14d: {  	v1 =	vmax.f32 v1, $0.0e+00  }
0x14e: {  	v5 =	vadd.f32 v5, v9;
	[tilespmem:s22+$0xA0] =	vst v1;
	v1 =	vld [tilespmem:s22+$0xB0]  }
0x14f: {  	v8 =	vld [tilespmem:s23+$0xB0]  }
0x150: {  	v10 =	vld [tilespmem:s22+$0x30];
	v5 =	vmax.f32 v5, $0.0e+00;
	v2 =	vadd.f32 v2, v4  }
0x151: {  	v3 =	vadd.f32 v3, v7;
	v9 =	vld [tilespmem:s22+$0xFFFFFFB0];
	[tilespmem:s22+$0xFFFFFFA0] =	vst v5  }
0x152: {  	v4 =	vld [tilespmem:s23+$0xFFFFFFB0];
	v2 =	vmax.f32 v2, $0.0e+00  }
0x153: {  	v6 =	vld [tilespmem:s22+$0xFFFFFF30];
	[tilespmem:s22+$0x20] =	vst v2;
	v2 =	vmax.f32 v3, $0.0e+00  }
0x154: {  	v1 =	vadd.f32 v8, v1;
	[tilespmem:s22+$0xFFFFFF20] =	vst v2;
	v2 =	vld [tilespmem:s23+$0x30]  }
0x155: {  	v7 =	vld [tilespmem:s23+$0xFFFFFF30]  }
0x156: {  	v11 =	vld [tilespmem:s22+$0xFFFFFF40];
	v1 =	vmax.f32 v1, $0.0e+00  }
0x157: {  	v4 =	vadd.f32 v4, v9;
	[tilespmem:s22+$0xB0] =	vst v1;
	v1 =	vld [tilespmem:s22+$0xC0]  }
0x158: {  	v8 =	vld [tilespmem:s23+$0xC0]  }
0x159: {  	v12 =	vld [tilespmem:s22+$0xFFFFFFD0];
	v4 =	vmax.f32 v4, $0.0e+00;
	v2 =	vadd.f32 v2, v10  }
0x15a: {  	v5 =	vld [tilespmem:s22+$0xFFFFFFC0];
	[tilespmem:s22+$0xFFFFFFB0] =	vst v4;
	v6 =	vadd.f32 v7, v6  }
0x15b: {  	v7 =	vld [tilespmem:s23+$0xFFFFFFC0];
	v2 =	vmax.f32 v2, $0.0e+00  }
0x15c: {  	v3 =	vld [tilespmem:s22+$0x40];
	[tilespmem:s22+$0x30] =	vst v2;
	v2 =	vmax.f32 v6, $0.0e+00  }
0x15d: {  	v1 =	vadd.f32 v8, v1;
	v6 =	vld [tilespmem:s23+$0x40];
	[tilespmem:s22+$0xFFFFFF30] =	vst v2  }
0x15e: {  	v2 =	vld [tilespmem:s23+$0xFFFFFF40]  }
0x15f: {  	v9 =	vld [tilespmem:s22+$0xFFFFFF50];
	v1 =	vmax.f32 v1, $0.0e+00  }
0x160: {  	[tilespmem:s22+$0xC0] =	vst v1;
	v1 =	vadd.f32 v7, v5;
	v7 =	vld [tilespmem:s22+$0xD0]  }
0x161: {  	v8 =	vld [tilespmem:s23+$0xD0]  }
0x162: {  	v4 =	vld [tilespmem:s22+$0xFFFFFF60];
	v1 =	vmax.f32 v1, $0.0e+00;
	v3 =	vadd.f32 v6, v3  }
0x163: {  	v10 =	vld [tilespmem:s22+$0x50];
	[tilespmem:s22+$0xFFFFFFC0] =	vst v1;
	v1 =	vadd.f32 v2, v11  }
0x164: {  	v2 =	vld [tilespmem:s23+$0xFFFFFFD0];
	v3 =	vmax.f32 v3, $0.0e+00  }
0x165: {  	v5 =	vld [tilespmem:s22+$0xFFFFFFE0];
	[tilespmem:s22+$0x40] =	vst v3;
	v1 =	vmax.f32 v1, $0.0e+00  }
0x166: {  	v3 =	vld [tilespmem:s23+$0x50];
	v7 =	vadd.f32 v8, v7;
	[tilespmem:s22+$0xFFFFFF40] =	vst v1  }
0x167: {  	v1 =	vld [tilespmem:s23+$0xFFFFFF50]  }
0x168: {  	v6 =	vld [tilespmem:s22+$0x60];
	v7 =	vmax.f32 v7, $0.0e+00  }
0x169: {  	v2 =	vadd.f32 v2, v12;
	[tilespmem:s22+$0xD0] =	vst v7;
	v7 =	vld [tilespmem:s22+$0xE0]  }
0x16a: {  	v11 =	vld [tilespmem:s23+$0xE0]  }
0x16b: {  	v2 =	vmax.f32 v2, $0.0e+00;
	v8 =	vadd.f32 v3, v10;
	v3 =	vld [tilespmem:s22+$0xFFFFFF70]  }
0x16c: {  	[tilespmem:s22+$0xFFFFFFD0] =	vst v2;
	v1 =	vadd.f32 v1, v9;
	v2 =	vld [tilespmem:s22+$0xFFFFFFF0]  }
0x16d: {  	v9 =	vmax.f32 v8, $0.0e+00;
	v8 =	vld [tilespmem:s23+$0xFFFFFFE0]  }
0x16e: {  	[tilespmem:s22+$0x50] =	vst v9;
	v9 =	vmax.f32 v1, $0.0e+00;
	v1 =	vld [tilespmem:s22+$0x70]  }
0x16f: {  	[tilespmem:s22+$0xFFFFFF50] =	vst v9;
	v9 =	vld [tilespmem:s23+$0x60];
	v7 =	vadd.f32 v11, v7  }
0x170: {  	v10 =	vld [tilespmem:s23+$0xFFFFFF60]  }
0x171: {  	s25 =	simm.s32 $0x0;
	s16 =	simm.s32 $0x7D00;
	s7 =	simm.s32 $0x2B00;
	v11 =	vmax.f32 v7, $0.0e+00;
	v7 =	vld [tilespmem:s22+$0xF0]  }
.LBB2_7:
0x172: {  	v12 =	vld [tilespmem:s16+$0x80];
	v5 =	vadd.f32 v8, v5;
	[tilespmem:s22+$0xE0] =	vst v11  }
0x173: {  	s7 =	sadd.s32 $0x200, s7;
	v8 =	vld [tilespmem:s23+$0xF0]  }
0x174: {  	s25 =	sadd.s32 $0x4, s25;
	v11 =	vld [tilespmem:s7+$0x80];
	v5 =	vmax.f32 v5, $0.0e+00;
	v6 =	vadd.f32 v9, v6  }
0x175: {  	p0 =	slt.u32 s25, $0x4C;
	v9 =	vld [tilespmem:s7+$0xFFFFFF00];
	v4 =	vadd.f32 v10, v4;
	[tilespmem:s22+$0xFFFFFFE0] =	vst v5  }
0x176: {  	v5 =	vld [tilespmem:s16+$0xFFFFFF80];
	v6 =	vmax.f32 v6, $0.0e+00  }
0x177: {  	v10 =	vld [tilespmem:s7+$0xFFFFFF80];
	v4 =	vmax.f32 v4, $0.0e+00;
	[tilespmem:s22+$0x60] =	vst v6  }
0x178: {  	v6 =	vld [tilespmem:s16+$0x0];
	[tilespmem:s22+$0xFFFFFF60] =	vst v4;
	v4 =	vadd.f32 v8, v7  }
0x179: {  	v7 =	vld [tilespmem:s7+$0x0];
	v8 =	vadd.f32 v11, v12  }
0x17a: {  	v11 =	vld [tilespmem:s16+$0xFFFFFF00];
	v4 =	vmax.f32 v4, $0.0e+00  }
0x17b: {  	v12 =	vld [tilespmem:s16+$0xFFFFFF10];
	v8 =	vmax.f32 v8, $0.0e+00;
	[tilespmem:s22+$0xF0] =	vst v4  }
0x17c: {  	v4 =	vadd.f32 v10, v5;
	[tilespmem:s16+$0x80] =	vst v8;
	v5 =	vld [tilespmem:s16+$0x90]  }
0x17d: {  	v8 =	vld [tilespmem:s7+$0x90]  }
0x17e: {  	v4 =	vmax.f32 v4, $0.0e+00;
	v10 =	vld [tilespmem:s16+$0xFFFFFF90];
	v6 =	vadd.f32 v7, v6  }
0x17f: {  	v7 =	vadd.f32 v9, v11;
	[tilespmem:s16+$0xFFFFFF80] =	vst v4;
	v4 =	vld [tilespmem:s16+$0x10]  }
0x180: {  	v9 =	vld [tilespmem:s7+$0xFFFFFF90];
	v6 =	vmax.f32 v6, $0.0e+00  }
0x181: {  	v7 =	vmax.f32 v7, $0.0e+00;
	v11 =	vld [tilespmem:s16+$0xFFFFFF20];
	[tilespmem:s16+$0x0] =	vst v6  }
0x182: {  	[tilespmem:s16+$0xFFFFFF00] =	vst v7;
	v6 =	vld [tilespmem:s7+$0x10];
	v5 =	vadd.f32 v8, v5  }
0x183: {  	v7 =	vld [tilespmem:s7+$0xFFFFFF10]  }
0x184: {  	v8 =	vld [tilespmem:s16+$0xFFFFFFA0];
	v5 =	vmax.f32 v5, $0.0e+00  }
0x185: {  	v9 =	vadd.f32 v9, v10;
	[tilespmem:s16+$0x90] =	vst v5;
	v5 =	vld [tilespmem:s16+$0xA0]  }
0x186: {  	v10 =	vld [tilespmem:s7+$0xA0]  }
0x187: {  	v9 =	vmax.f32 v9, $0.0e+00;
	v4 =	vadd.f32 v6, v4;
	v6 =	vld [tilespmem:s16+$0x20]  }
0x188: {  	v7 =	vadd.f32 v7, v12;
	v12 =	vld [tilespmem:s16+$0xFFFFFF30];
	[tilespmem:s16+$0xFFFFFF90] =	vst v9  }
0x189: {  	v9 =	vld [tilespmem:s7+$0xFFFFFFA0];
	v4 =	vmax.f32 v4, $0.0e+00  }
0x18a: {  	v7 =	vmax.f32 v7, $0.0e+00;
	v13 =	vld [tilespmem:s16+$0xFFFFFFB0];
	[tilespmem:s16+$0x10] =	vst v4  }
0x18b: {  	[tilespmem:s16+$0xFFFFFF10] =	vst v7;
	v4 =	vld [tilespmem:s7+$0x20];
	v5 =	vadd.f32 v10, v5  }
0x18c: {  	v7 =	vld [tilespmem:s7+$0xFFFFFF20]  }
0x18d: {  	v10 =	vld [tilespmem:s16+$0x30];
	v5 =	vmax.f32 v5, $0.0e+00  }
0x18e: {  	v8 =	vadd.f32 v9, v8;
	[tilespmem:s16+$0xA0] =	vst v5;
	v5 =	vld [tilespmem:s16+$0xB0]  }
0x18f: {  	v9 =	vld [tilespmem:s7+$0xB0]  }
0x190: {  	v14 =	vld [tilespmem:s16+$0xFFFFFF40];
	v8 =	vmax.f32 v8, $0.0e+00;
	v4 =	vadd.f32 v4, v6  }
0x191: {  	v6 =	vadd.f32 v7, v11;
	[tilespmem:s16+$0xFFFFFFA0] =	vst v8;
	v7 =	vld [tilespmem:s16+$0xFFFFFFC0]  }
0x192: {  	v8 =	vld [tilespmem:s7+$0xFFFFFFB0];
	v4 =	vmax.f32 v4, $0.0e+00  }
0x193: {  	v6 =	vmax.f32 v6, $0.0e+00;
	[tilespmem:s16+$0x20] =	vst v4;
	v11 =	vld [tilespmem:s16+$0x40]  }
0x194: {  	[tilespmem:s16+$0xFFFFFF20] =	vst v6;
	v4 =	vld [tilespmem:s7+$0x30];
	v5 =	vadd.f32 v9, v5  }
0x195: {  	v6 =	vld [tilespmem:s7+$0xFFFFFF30]  }
0x196: {  	v9 =	vld [tilespmem:s16+$0xFFFFFF50];
	v5 =	vmax.f32 v5, $0.0e+00  }
0x197: {  	v8 =	vadd.f32 v8, v13;
	[tilespmem:s16+$0xB0] =	vst v5;
	v5 =	vld [tilespmem:s16+$0xC0]  }
0x198: {  	v13 =	vld [tilespmem:s7+$0xC0]  }
0x199: {  	v8 =	vmax.f32 v8, $0.0e+00;
	v15 =	vld [tilespmem:s16+$0xFFFFFFD0];
	v4 =	vadd.f32 v4, v10  }
0x19a: {  	v6 =	vadd.f32 v6, v12;
	[tilespmem:s16+$0xFFFFFFB0] =	vst v8;
	v8 =	vld [tilespmem:s16+$0x50]  }
0x19b: {  	v10 =	vld [tilespmem:s7+$0xFFFFFFC0];
	v12 =	vmax.f32 v4, $0.0e+00  }
0x19c: {  	v6 =	vmax.f32 v6, $0.0e+00;
	v4 =	vld [tilespmem:s16+$0xFFFFFF60];
	[tilespmem:s16+$0x30] =	vst v12  }
0x19d: {  	[tilespmem:s16+$0xFFFFFF30] =	vst v6;
	v6 =	vld [tilespmem:s7+$0x40];
	v12 =	vadd.f32 v13, v5  }
0x19e: {  	v13 =	vld [tilespmem:s7+$0xFFFFFF40]  }
0x19f: {  	v5 =	vld [tilespmem:s16+$0xFFFFFFE0];
	v12 =	vmax.f32 v12, $0.0e+00  }
0x1a0: {  	v7 =	vadd.f32 v10, v7;
	[tilespmem:s16+$0xC0] =	vst v12;
	v10 =	vld [tilespmem:s16+$0xD0]  }
0x1a1: {  	v12 =	vld [tilespmem:s7+$0xD0]  }
0x1a2: {  	v7 =	vmax.f32 v7, $0.0e+00;
	v11 =	vadd.f32 v6, v11;
	v6 =	vld [tilespmem:s16+$0x60]  }
0x1a3: {  	v13 =	vadd.f32 v13, v14;
	[tilespmem:s16+$0xFFFFFFC0] =	vst v7;
	v7 =	vld [tilespmem:s23+$0xFFFFFF70]  }
0x1a4: {  	v14 =	vld [tilespmem:s7+$0xFFFFFFD0];
	v11 =	vmax.f32 v11, $0.0e+00  }
0x1a5: {  	v13 =	vmax.f32 v13, $0.0e+00;
	[tilespmem:s16+$0x40] =	vst v11;
	v11 =	vld [tilespmem:s23+$0xFFFFFFF0]  }
0x1a6: {  	[tilespmem:s16+$0xFFFFFF40] =	vst v13;
	v13 =	vld [tilespmem:s7+$0x50];
	v10 =	vadd.f32 v12, v10  }
0x1a7: {  	v12 =	vld [tilespmem:s7+$0xFFFFFF50]  }
0x1a8: {  	v10 =	vmax.f32 v10, $0.0e+00;
	v3 =	vadd.f32 v7, v3;
	v7 =	vld [tilespmem:s23+$0x70];
	s23 =	smov.u32 s7  }
0x1a9: {  	v14 =	vadd.f32 v14, v15;
	[tilespmem:s16+$0xD0] =	vst v10;
	v10 =	vld [tilespmem:s16+$0xE0]  }
0x1aa: {  	v15 =	vld [tilespmem:s7+$0xE0];
	v16 =	vmax.f32 v3, $0.0e+00;
	v11 =	vadd.f32 v11, v2  }
0x1ab: {  	v3 =	vld [tilespmem:s16+$0xFFFFFF70];
	v2 =	vmax.f32 v14, $0.0e+00;
	v13 =	vadd.f32 v13, v8;
	[tilespmem:s22+$0xFFFFFF70] =	vst v16  }
0x1ac: {  	v9 =	vadd.f32 v12, v9;
	[tilespmem:s16+$0xFFFFFFD0] =	vst v2;
	v2 =	vld [tilespmem:s16+$0xFFFFFFF0];
	v11 =	vmax.f32 v11, $0.0e+00  }
.Ltmp2:
0x1ad: {  	v8 =	vld [tilespmem:s7+$0xFFFFFFE0];
	v12 =	vmax.f32 v13, $0.0e+00;
	[tilespmem:s22+$0xFFFFFFF0] =	vst v11;
	v7 =	vadd.f32 v7, v1;
	(pc) =	sbr.rel @p0 .LBB2_7-.Ltmp2, $4  }
0x1ae: {  	v9 =	vmax.f32 v9, $0.0e+00;
	[tilespmem:s16+$0x50] =	vst v12;
	v1 =	vld [tilespmem:s16+$0x70]  }
0x1af: {  	[tilespmem:s16+$0xFFFFFF50] =	vst v9;
	v9 =	vld [tilespmem:s7+$0x60];
	v11 =	vadd.f32 v15, v10;
	v7 =	vmax.f32 v7, $0.0e+00  }
0x1b0: {  	v10 =	vld [tilespmem:s7+$0xFFFFFF60];
	[tilespmem:s22+$0x70] =	vst v7;
	s22 =	smov.u32 s16  }
0x1b1: {  	s16 =	sadd.s32 $0x200, s16;
	v11 =	vmax.f32 v11, $0.0e+00;
	v7 =	vld [tilespmem:s22+$0xF0]  }
0x1b2: {  	_ = 	snop  }
0x1b3: {  	v5 =	vadd.f32 v8, v5  }
0x1b4: {  	v6 =	vadd.f32 v9, v6  }
0x1b5: {  	[tilespmem:s22+$0xE0] =	vst v11;
	v5 =	vmax.f32 v5, $0.0e+00;
	v4 =	vadd.f32 v10, v4  }
0x1b6: {  	v58 =	vld [tilespmem:s23+$0xF0];
	[tilespmem:s22+$0xFFFFFFE0] =	vst v5;
	v59 =	vmax.f32 v6, $0.0e+00  }
0x1b7: {  	v61 =	vld [tilespmem:s23+$0xFFFFFFF0];
	v4 =	vmax.f32 v4, $0.0e+00;
	[tilespmem:s22+$0x60] =	vst v59  }
0x1b8: {  	[tilespmem:s22+$0xFFFFFF60] =	vst v4;
	v62 =	vld [tilespmem:s23+$0x70]  }
0x1b9: {  	v60 =	vld [tilespmem:s23+$0xFFFFFF70];
	_ =	sdelay $0x1  }
0x1ba: {  	v7 =	vadd.f32 v58, v7  }
0x1bb: {  	v2 =	vadd.f32 v61, v2  }
0x1bc: {  	v63 =	vmax.f32 v7, $0.0e+00;
	v1 =	vadd.f32 v62, v1  }
0x1bd: {  	[tilespmem:s22+$0xF0] =	vst v63;
	v2 =	vmax.f32 v2, $0.0e+00;
	v3 =	vadd.f32 v60, v3  }
0x1be: {  	[tilespmem:s22+$0xFFFFFFF0] =	vst v2;
	v1 =	vmax.f32 v1, $0.0e+00  }
0x1bf: {  	p0 =	seq.s32 s19, $0x3D;
	v3 =	vmax.f32 v3, $0.0e+00;
	[tilespmem:s22+$0x70] =	vst v1  }
.Ltmp3:
0x1c0: {  	[tilespmem:s22+$0xFFFFFF70] =	vst v3;
	(pc) =	sbr.rel @p0 .LBB2_10-.Ltmp3, $4  }
0x1c1: {  	[spmem:s3] =	stream.indirect.scatter.add.f32 [tilespmem:s10], [sflag:$0x7], $0x80, s17, s30, $0xb8;
	[tilespmem:$0x1DE00] =	vst v63  }
0x1c2: {  	_ =	swait.ge [sflag:s26], $0x2800  }
0x1c3: {  	[sflag:s26] =	ssyncset.done $0x0  }
0x1c4: {  	[sflag:s26] =	ssyncadd.s32 $0xFFFFD800  }
.Ltmp4:
0x1c5: {  	s7 =	sshll.u32 s19, $0x9;
	(pc) =	sbr.rel .LBB2_4-.Ltmp4, $4  }
0x1c6: {  	s7 =	sadd.s32 s7, s21  }
0x1c7: {  	s7 =	sshrl.u32 s7, $0x3  }
0x1c8: {  	s19 =	sadd.s32 $0x1, s19;
	s7 =	sadd.s32 s6, s7  }
0x1c9: {  	[tilespmem:s28], [sflag:$0x6] =	stream.linear.gather [hbm4b:s7+s4], $0x100, $0x38;
	[tilespmem:$0x1DE00] =	vst v63  }
.LBB2_10:
0x1ca: {  	_ =	swait.ge [sflag:s2], $0x2800  }
0x1cb: {  	[sflag:s2] =	ssyncset.done $0x0  }
0x1cc: {  	[sflag:s2] =	ssyncadd.s32 $0xFFFFD800  }
0x1cd: {  	_ =	swait.ge [sflag:s11], $0x2800  }
0x1ce: {  	[sflag:s11] =	ssyncset.done $0x0  }
0x1cf: {  	s19 =	simm.s32 $0x5300;
	[sflag:s11] =	ssyncadd.s32 $0xFFFFD800  }
0x1d0: {  	s22 =	simm.s32 $0x300;
	v1 =	vld [tilespmem:s19+$0x80]  }
0x1d1: {  	v2 =	vld [tilespmem:s22+$0x80]  }
0x1d2: {  	v3 =	vld [tilespmem:s22+$0xFFFFFF00]  }
0x1d3: {  	v4 =	vld [tilespmem:s19+$0xFFFFFF80]  }
0x1d4: {  	v5 =	vld [tilespmem:s22+$0xFFFFFF80]  }
0x1d5: {  	v6 =	vld [tilespmem:s22+$0x0]  }
0x1d6: {  	v1 =	vadd.f32 v2, v1;
	v2 =	vld [tilespmem:s19+$0x0]  }
0x1d7: {  	v7 =	vld [tilespmem:s19+$0xFFFFFF00]  }
0x1d8: {  	v1 =	vmax.f32 v1, $0.0e+00  }
0x1d9: {  	v4 =	vadd.f32 v5, v4;
	[tilespmem:s19+$0x80] =	vst v1;
	v1 =	vld [tilespmem:s19+$0x90]  }
0x1da: {  	v8 =	vld [tilespmem:s22+$0x90]  }
0x1db: {  	v9 =	vld [tilespmem:s19+$0xFFFFFF90];
	v4 =	vmax.f32 v4, $0.0e+00;
	v2 =	vadd.f32 v6, v2  }
0x1dc: {  	v5 =	vld [tilespmem:s19+$0xFFFFFF10];
	v3 =	vadd.f32 v3, v7;
	[tilespmem:s19+$0xFFFFFF80] =	vst v4  }
0x1dd: {  	v6 =	vld [tilespmem:s22+$0xFFFFFF90];
	v2 =	vmax.f32 v2, $0.0e+00  }
0x1de: {  	v3 =	vmax.f32 v3, $0.0e+00;
	v4 =	vld [tilespmem:s19+$0x10];
	[tilespmem:s19+$0x0] =	vst v2  }
0x1df: {  	[tilespmem:s19+$0xFFFFFF00] =	vst v3;
	v1 =	vadd.f32 v8, v1;
	v2 =	vld [tilespmem:s22+$0x10]  }
0x1e0: {  	v3 =	vld [tilespmem:s22+$0xFFFFFF10]  }
0x1e1: {  	v1 =	vmax.f32 v1, $0.0e+00  }
0x1e2: {  	v6 =	vadd.f32 v6, v9;
	[tilespmem:s19+$0x90] =	vst v1;
	v1 =	vld [tilespmem:s19+$0xA0]  }
0x1e3: {  	v8 =	vld [tilespmem:s22+$0xA0]  }
0x1e4: {  	v7 =	vld [tilespmem:s19+$0xFFFFFF20];
	v6 =	vmax.f32 v6, $0.0e+00;
	v2 =	vadd.f32 v2, v4  }
0x1e5: {  	v3 =	vadd.f32 v3, v5;
	v9 =	vld [tilespmem:s19+$0xFFFFFFA0];
	[tilespmem:s19+$0xFFFFFF90] =	vst v6  }
0x1e6: {  	v5 =	vld [tilespmem:s22+$0xFFFFFFA0];
	v2 =	vmax.f32 v2, $0.0e+00  }
0x1e7: {  	v3 =	vmax.f32 v3, $0.0e+00;
	v4 =	vld [tilespmem:s19+$0x20];
	[tilespmem:s19+$0x10] =	vst v2  }
0x1e8: {  	[tilespmem:s19+$0xFFFFFF10] =	vst v3;
	v1 =	vadd.f32 v8, v1;
	v2 =	vld [tilespmem:s22+$0x20]  }
0x1e9: {  	v3 =	vld [tilespmem:s22+$0xFFFFFF20]  }
0x1ea: {  	v1 =	vmax.f32 v1, $0.0e+00  }
0x1eb: {  	v5 =	vadd.f32 v5, v9;
	[tilespmem:s19+$0xA0] =	vst v1;
	v1 =	vld [tilespmem:s19+$0xB0]  }
0x1ec: {  	v8 =	vld [tilespmem:s22+$0xB0]  }
0x1ed: {  	v10 =	vld [tilespmem:s19+$0x30];
	v5 =	vmax.f32 v5, $0.0e+00;
	v2 =	vadd.f32 v2, v4  }
0x1ee: {  	v3 =	vadd.f32 v3, v7;
	v9 =	vld [tilespmem:s19+$0xFFFFFFB0];
	[tilespmem:s19+$0xFFFFFFA0] =	vst v5  }
0x1ef: {  	v4 =	vld [tilespmem:s22+$0xFFFFFFB0];
	v2 =	vmax.f32 v2, $0.0e+00  }
0x1f0: {  	v6 =	vld [tilespmem:s19+$0xFFFFFF30];
	[tilespmem:s19+$0x20] =	vst v2;
	v2 =	vmax.f32 v3, $0.0e+00  }
0x1f1: {  	v1 =	vadd.f32 v8, v1;
	[tilespmem:s19+$0xFFFFFF20] =	vst v2;
	v2 =	vld [tilespmem:s22+$0x30]  }
0x1f2: {  	v7 =	vld [tilespmem:s22+$0xFFFFFF30]  }
0x1f3: {  	v11 =	vld [tilespmem:s19+$0xFFFFFF40];
	v1 =	vmax.f32 v1, $0.0e+00  }
0x1f4: {  	v4 =	vadd.f32 v4, v9;
	[tilespmem:s19+$0xB0] =	vst v1;
	v1 =	vld [tilespmem:s19+$0xC0]  }
0x1f5: {  	v8 =	vld [tilespmem:s22+$0xC0]  }
0x1f6: {  	v12 =	vld [tilespmem:s19+$0xFFFFFFD0];
	v4 =	vmax.f32 v4, $0.0e+00;
	v2 =	vadd.f32 v2, v10  }
0x1f7: {  	v5 =	vld [tilespmem:s19+$0xFFFFFFC0];
	[tilespmem:s19+$0xFFFFFFB0] =	vst v4;
	v6 =	vadd.f32 v7, v6  }
0x1f8: {  	v7 =	vld [tilespmem:s22+$0xFFFFFFC0];
	v2 =	vmax.f32 v2, $0.0e+00  }
0x1f9: {  	v3 =	vld [tilespmem:s19+$0x40];
	[tilespmem:s19+$0x30] =	vst v2;
	v2 =	vmax.f32 v6, $0.0e+00  }
0x1fa: {  	v1 =	vadd.f32 v8, v1;
	v6 =	vld [tilespmem:s22+$0x40];
	[tilespmem:s19+$0xFFFFFF30] =	vst v2  }
0x1fb: {  	v2 =	vld [tilespmem:s22+$0xFFFFFF40]  }
0x1fc: {  	v9 =	vld [tilespmem:s19+$0xFFFFFF50];
	v1 =	vmax.f32 v1, $0.0e+00  }
0x1fd: {  	[tilespmem:s19+$0xC0] =	vst v1;
	v1 =	vadd.f32 v7, v5;
	v7 =	vld [tilespmem:s19+$0xD0]  }
0x1fe: {  	v8 =	vld [tilespmem:s22+$0xD0]  }
0x1ff: {  	v4 =	vld [tilespmem:s19+$0xFFFFFF60];
	v1 =	vmax.f32 v1, $0.0e+00;
	v3 =	vadd.f32 v6, v3  }
0x200: {  	v10 =	vld [tilespmem:s19+$0x50];
	[tilespmem:s19+$0xFFFFFFC0] =	vst v1;
	v1 =	vadd.f32 v2, v11  }
0x201: {  	v2 =	vld [tilespmem:s22+$0xFFFFFFD0];
	v3 =	vmax.f32 v3, $0.0e+00  }
0x202: {  	v5 =	vld [tilespmem:s19+$0xFFFFFFE0];
	[tilespmem:s19+$0x40] =	vst v3;
	v1 =	vmax.f32 v1, $0.0e+00  }
0x203: {  	v3 =	vld [tilespmem:s22+$0x50];
	v7 =	vadd.f32 v8, v7;
	[tilespmem:s19+$0xFFFFFF40] =	vst v1  }
0x204: {  	v1 =	vld [tilespmem:s22+$0xFFFFFF50]  }
0x205: {  	v6 =	vld [tilespmem:s19+$0x60];
	v7 =	vmax.f32 v7, $0.0e+00  }
0x206: {  	v2 =	vadd.f32 v2, v12;
	[tilespmem:s19+$0xD0] =	vst v7;
	v7 =	vld [tilespmem:s19+$0xE0]  }
0x207: {  	v11 =	vld [tilespmem:s22+$0xE0]  }
0x208: {  	v2 =	vmax.f32 v2, $0.0e+00;
	v8 =	vadd.f32 v3, v10;
	v3 =	vld [tilespmem:s19+$0xFFFFFF70]  }
0x209: {  	[tilespmem:s19+$0xFFFFFFD0] =	vst v2;
	v1 =	vadd.f32 v1, v9;
	v2 =	vld [tilespmem:s19+$0xFFFFFFF0]  }
0x20a: {  	v9 =	vmax.f32 v8, $0.0e+00;
	v8 =	vld [tilespmem:s22+$0xFFFFFFE0]  }
0x20b: {  	[tilespmem:s19+$0x50] =	vst v9;
	v9 =	vmax.f32 v1, $0.0e+00;
	v1 =	vld [tilespmem:s19+$0x70]  }
0x20c: {  	[tilespmem:s19+$0xFFFFFF50] =	vst v9;
	v9 =	vld [tilespmem:s22+$0x60];
	v7 =	vadd.f32 v11, v7  }
0x20d: {  	v10 =	vld [tilespmem:s22+$0xFFFFFF60]  }
0x20e: {  	s23 =	simm.s32 $0x0;
	s16 =	simm.s32 $0x5500;
	s7 =	simm.s32 $0x300;
	v11 =	vmax.f32 v7, $0.0e+00;
	v7 =	vld [tilespmem:s19+$0xF0]  }
.LBB2_11:
0x20f: {  	v12 =	vld [tilespmem:s16+$0x80];
	v5 =	vadd.f32 v8, v5;
	[tilespmem:s19+$0xE0] =	vst v11  }
0x210: {  	s7 =	sadd.s32 $0x200, s7;
	v8 =	vld [tilespmem:s22+$0xF0]  }
0x211: {  	s23 =	sadd.s32 $0x4, s23;
	v11 =	vld [tilespmem:s7+$0x80];
	v5 =	vmax.f32 v5, $0.0e+00;
	v6 =	vadd.f32 v9, v6  }
0x212: {  	p0 =	slt.u32 s23, $0x4C;
	v9 =	vld [tilespmem:s7+$0xFFFFFF00];
	v4 =	vadd.f32 v10, v4;
	[tilespmem:s19+$0xFFFFFFE0] =	vst v5  }
0x213: {  	v5 =	vld [tilespmem:s16+$0xFFFFFF80];
	v6 =	vmax.f32 v6, $0.0e+00  }
0x214: {  	v10 =	vld [tilespmem:s7+$0xFFFFFF80];
	v4 =	vmax.f32 v4, $0.0e+00;
	[tilespmem:s19+$0x60] =	vst v6  }
0x215: {  	v6 =	vld [tilespmem:s16+$0x0];
	[tilespmem:s19+$0xFFFFFF60] =	vst v4;
	v4 =	vadd.f32 v8, v7  }
0x216: {  	v7 =	vld [tilespmem:s7+$0x0];
	v8 =	vadd.f32 v11, v12  }
0x217: {  	v11 =	vld [tilespmem:s16+$0xFFFFFF00];
	v4 =	vmax.f32 v4, $0.0e+00  }
0x218: {  	v12 =	vld [tilespmem:s16+$0xFFFFFF10];
	v8 =	vmax.f32 v8, $0.0e+00;
	[tilespmem:s19+$0xF0] =	vst v4  }
0x219: {  	v4 =	vadd.f32 v10, v5;
	[tilespmem:s16+$0x80] =	vst v8;
	v5 =	vld [tilespmem:s16+$0x90]  }
0x21a: {  	v8 =	vld [tilespmem:s7+$0x90]  }
0x21b: {  	v4 =	vmax.f32 v4, $0.0e+00;
	v10 =	vld [tilespmem:s16+$0xFFFFFF90];
	v6 =	vadd.f32 v7, v6  }
0x21c: {  	v7 =	vadd.f32 v9, v11;
	[tilespmem:s16+$0xFFFFFF80] =	vst v4;
	v4 =	vld [tilespmem:s16+$0x10]  }
0x21d: {  	v9 =	vld [tilespmem:s7+$0xFFFFFF90];
	v6 =	vmax.f32 v6, $0.0e+00  }
0x21e: {  	v7 =	vmax.f32 v7, $0.0e+00;
	v11 =	vld [tilespmem:s16+$0xFFFFFF20];
	[tilespmem:s16+$0x0] =	vst v6  }
0x21f: {  	[tilespmem:s16+$0xFFFFFF00] =	vst v7;
	v6 =	vld [tilespmem:s7+$0x10];
	v5 =	vadd.f32 v8, v5  }
0x220: {  	v7 =	vld [tilespmem:s7+$0xFFFFFF10]  }
0x221: {  	v8 =	vld [tilespmem:s16+$0xFFFFFFA0];
	v5 =	vmax.f32 v5, $0.0e+00  }
0x222: {  	v9 =	vadd.f32 v9, v10;
	[tilespmem:s16+$0x90] =	vst v5;
	v5 =	vld [tilespmem:s16+$0xA0]  }
0x223: {  	v10 =	vld [tilespmem:s7+$0xA0]  }
0x224: {  	v9 =	vmax.f32 v9, $0.0e+00;
	v4 =	vadd.f32 v6, v4;
	v6 =	vld [tilespmem:s16+$0x20]  }
0x225: {  	v7 =	vadd.f32 v7, v12;
	v12 =	vld [tilespmem:s16+$0xFFFFFF30];
	[tilespmem:s16+$0xFFFFFF90] =	vst v9  }
0x226: {  	v9 =	vld [tilespmem:s7+$0xFFFFFFA0];
	v4 =	vmax.f32 v4, $0.0e+00  }
0x227: {  	v7 =	vmax.f32 v7, $0.0e+00;
	v13 =	vld [tilespmem:s16+$0xFFFFFFB0];
	[tilespmem:s16+$0x10] =	vst v4  }
0x228: {  	[tilespmem:s16+$0xFFFFFF10] =	vst v7;
	v4 =	vld [tilespmem:s7+$0x20];
	v5 =	vadd.f32 v10, v5  }
0x229: {  	v7 =	vld [tilespmem:s7+$0xFFFFFF20]  }
0x22a: {  	v10 =	vld [tilespmem:s16+$0x30];
	v5 =	vmax.f32 v5, $0.0e+00  }
0x22b: {  	v8 =	vadd.f32 v9, v8;
	[tilespmem:s16+$0xA0] =	vst v5;
	v5 =	vld [tilespmem:s16+$0xB0]  }
0x22c: {  	v9 =	vld [tilespmem:s7+$0xB0]  }
0x22d: {  	v14 =	vld [tilespmem:s16+$0xFFFFFF40];
	v8 =	vmax.f32 v8, $0.0e+00;
	v4 =	vadd.f32 v4, v6  }
0x22e: {  	v6 =	vadd.f32 v7, v11;
	[tilespmem:s16+$0xFFFFFFA0] =	vst v8;
	v7 =	vld [tilespmem:s16+$0xFFFFFFC0]  }
0x22f: {  	v8 =	vld [tilespmem:s7+$0xFFFFFFB0];
	v4 =	vmax.f32 v4, $0.0e+00  }
0x230: {  	v6 =	vmax.f32 v6, $0.0e+00;
	[tilespmem:s16+$0x20] =	vst v4;
	v11 =	vld [tilespmem:s16+$0x40]  }
0x231: {  	[tilespmem:s16+$0xFFFFFF20] =	vst v6;
	v4 =	vld [tilespmem:s7+$0x30];
	v5 =	vadd.f32 v9, v5  }
0x232: {  	v6 =	vld [tilespmem:s7+$0xFFFFFF30]  }
0x233: {  	v9 =	vld [tilespmem:s16+$0xFFFFFF50];
	v5 =	vmax.f32 v5, $0.0e+00  }
0x234: {  	v8 =	vadd.f32 v8, v13;
	[tilespmem:s16+$0xB0] =	vst v5;
	v5 =	vld [tilespmem:s16+$0xC0]  }
0x235: {  	v13 =	vld [tilespmem:s7+$0xC0]  }
0x236: {  	v8 =	vmax.f32 v8, $0.0e+00;
	v15 =	vld [tilespmem:s16+$0xFFFFFFD0];
	v4 =	vadd.f32 v4, v10  }
0x237: {  	v6 =	vadd.f32 v6, v12;
	[tilespmem:s16+$0xFFFFFFB0] =	vst v8;
	v8 =	vld [tilespmem:s16+$0x50]  }
0x238: {  	v10 =	vld [tilespmem:s7+$0xFFFFFFC0];
	v12 =	vmax.f32 v4, $0.0e+00  }
0x239: {  	v6 =	vmax.f32 v6, $0.0e+00;
	v4 =	vld [tilespmem:s16+$0xFFFFFF60];
	[tilespmem:s16+$0x30] =	vst v12  }
0x23a: {  	[tilespmem:s16+$0xFFFFFF30] =	vst v6;
	v6 =	vld [tilespmem:s7+$0x40];
	v12 =	vadd.f32 v13, v5  }
0x23b: {  	v13 =	vld [tilespmem:s7+$0xFFFFFF40]  }
0x23c: {  	v5 =	vld [tilespmem:s16+$0xFFFFFFE0];
	v12 =	vmax.f32 v12, $0.0e+00  }
0x23d: {  	v7 =	vadd.f32 v10, v7;
	[tilespmem:s16+$0xC0] =	vst v12;
	v10 =	vld [tilespmem:s16+$0xD0]  }
0x23e: {  	v12 =	vld [tilespmem:s7+$0xD0]  }
0x23f: {  	v7 =	vmax.f32 v7, $0.0e+00;
	v11 =	vadd.f32 v6, v11;
	v6 =	vld [tilespmem:s16+$0x60]  }
0x240: {  	v13 =	vadd.f32 v13, v14;
	[tilespmem:s16+$0xFFFFFFC0] =	vst v7;
	v7 =	vld [tilespmem:s22+$0xFFFFFF70]  }
0x241: {  	v14 =	vld [tilespmem:s7+$0xFFFFFFD0];
	v11 =	vmax.f32 v11, $0.0e+00  }
0x242: {  	v13 =	vmax.f32 v13, $0.0e+00;
	[tilespmem:s16+$0x40] =	vst v11;
	v11 =	vld [tilespmem:s22+$0xFFFFFFF0]  }
0x243: {  	[tilespmem:s16+$0xFFFFFF40] =	vst v13;
	v13 =	vld [tilespmem:s7+$0x50];
	v10 =	vadd.f32 v12, v10  }
0x244: {  	v12 =	vld [tilespmem:s7+$0xFFFFFF50]  }
0x245: {  	v10 =	vmax.f32 v10, $0.0e+00;
	v3 =	vadd.f32 v7, v3;
	v7 =	vld [tilespmem:s22+$0x70];
	s22 =	smov.u32 s7  }
0x246: {  	v14 =	vadd.f32 v14, v15;
	[tilespmem:s16+$0xD0] =	vst v10;
	v10 =	vld [tilespmem:s16+$0xE0]  }
0x247: {  	v15 =	vld [tilespmem:s7+$0xE0];
	v16 =	vmax.f32 v3, $0.0e+00;
	v11 =	vadd.f32 v11, v2  }
0x248: {  	v3 =	vld [tilespmem:s16+$0xFFFFFF70];
	v2 =	vmax.f32 v14, $0.0e+00;
	v13 =	vadd.f32 v13, v8;
	[tilespmem:s19+$0xFFFFFF70] =	vst v16  }
0x249: {  	v9 =	vadd.f32 v12, v9;
	[tilespmem:s16+$0xFFFFFFD0] =	vst v2;
	v2 =	vld [tilespmem:s16+$0xFFFFFFF0];
	v11 =	vmax.f32 v11, $0.0e+00  }
.Ltmp5:
0x24a: {  	v8 =	vld [tilespmem:s7+$0xFFFFFFE0];
	v12 =	vmax.f32 v13, $0.0e+00;
	[tilespmem:s19+$0xFFFFFFF0] =	vst v11;
	v7 =	vadd.f32 v7, v1;
	(pc) =	sbr.rel @p0 .LBB2_11-.Ltmp5, $4  }
0x24b: {  	v9 =	vmax.f32 v9, $0.0e+00;
	[tilespmem:s16+$0x50] =	vst v12;
	v1 =	vld [tilespmem:s16+$0x70]  }
0x24c: {  	[tilespmem:s16+$0xFFFFFF50] =	vst v9;
	v9 =	vld [tilespmem:s7+$0x60];
	v11 =	vadd.f32 v15, v10;
	v7 =	vmax.f32 v7, $0.0e+00  }
0x24d: {  	v10 =	vld [tilespmem:s7+$0xFFFFFF60];
	[tilespmem:s19+$0x70] =	vst v7;
	s19 =	smov.u32 s16  }
0x24e: {  	s16 =	sadd.s32 $0x200, s16;
	v11 =	vmax.f32 v11, $0.0e+00;
	v7 =	vld [tilespmem:s19+$0xF0]  }
0x24f: {  	_ = 	snop  }
0x250: {  	v5 =	vadd.f32 v8, v5  }
0x251: {  	v6 =	vadd.f32 v9, v6  }
0x252: {  	[tilespmem:s19+$0xE0] =	vst v11;
	v5 =	vmax.f32 v5, $0.0e+00;
	v4 =	vadd.f32 v10, v4  }
0x253: {  	v58 =	vld [tilespmem:s22+$0xF0];
	[tilespmem:s19+$0xFFFFFFE0] =	vst v5;
	v59 =	vmax.f32 v6, $0.0e+00  }
0x254: {  	v61 =	vld [tilespmem:s22+$0xFFFFFFF0];
	v4 =	vmax.f32 v4, $0.0e+00;
	[tilespmem:s19+$0x60] =	vst v59  }
0x255: {  	[tilespmem:s19+$0xFFFFFF60] =	vst v4;
	v62 =	vld [tilespmem:s22+$0x70]  }
0x256: {  	v60 =	vld [tilespmem:s22+$0xFFFFFF70];
	_ =	sdelay $0x1  }
0x257: {  	v7 =	vadd.f32 v58, v7  }
0x258: {  	v2 =	vadd.f32 v61, v2  }
0x259: {  	v63 =	vmax.f32 v7, $0.0e+00;
	v1 =	vadd.f32 v62, v1  }
0x25a: {  	[tilespmem:s19+$0xF0] =	vst v63;
	v2 =	vmax.f32 v2, $0.0e+00;
	v3 =	vadd.f32 v60, v3  }
0x25b: {  	[tilespmem:s19+$0xFFFFFFF0] =	vst v2;
	v1 =	vmax.f32 v1, $0.0e+00  }
0x25c: {  	v3 =	vmax.f32 v3, $0.0e+00;
	[tilespmem:s19+$0x70] =	vst v1  }
0x25d: {  	[tilespmem:s19+$0xFFFFFF70] =	vst v3  }
0x25e: {  	[spmem:s3] =	stream.indirect.scatter.add.f32 [tilespmem:s24], [sflag:$0x7], $0x80, s12, s30, $0xb8;
	[tilespmem:$0x1DE00] =	vst v63  }
0x25f: {  	_ =	swait.ge [sflag:s26], $0x2800  }
0x260: {  	[sflag:s26] =	ssyncset.done $0x0  }
0x261: {  	[sflag:s26] =	ssyncadd.s32 $0xFFFFD800  }
0x262: {  	s7 =	stileid.u32;
	[bflag:$0x0] =	sbarrier.arrive $0xFFFF  }
0x263: {  	s7 =	sshll.u32 s7, $0x6;
	s16 =	rddreg [dreg:$0xf]  }
0x264: {  	s7 =	sor.u32 $0x1C07, s7;
	s23 =	rddreg [dreg:$0x11]  }
0x265: {  	[hbm:s16], [sflag:s7] =	dma.local [spmem:s23], $0x2780  }
0x266: {  	_ =	swait.ge [sflag:s26], $0x2780  }
0x267: {  	s18 =	sadd.s32 $0x1, s18;
	s25 =	rddreg [dreg:$0x10]  }
0x268: {  	p0 =	sne.s32 s18, s25  }
.Ltmp6:
0x269: {  	_ = 	snop;
	(pc) =	sbr.rel @p0 .LBB2_1-.Ltmp6, $3  }
0x26a: {  	_ =	sdelay $0x1  }
0x26b: {  	[sflag:s26] =	ssyncset.done $0x0  }
0x26c: {  	[sflag:s26] =	ssyncadd.s32 $0xFFFFD880  }
0x26d: {  	_ =	sfence.sel $0x180000  }
0x26e: {  	[bflag:$0x0] =	sbarrier.arrive $0xFFFF  }
0x26f: {  	_ =	strace $0x90000047  }
0x270: {  	s0 =	stileid.u32;
	[bflag:$0x2] =	sbarrier.arrive $0xFFFF  }
0x271: {  	p0 =	sne.s32 s0, $0x0;
	s0 =	rddreg [dreg:$0x3]  }
0x272: {  	s0 =	sadd.s32 @!p0 $0x100000, s0  }
0x273: {  	[sflag:s0] =	ssyncadd.tile.s32 @!p0 $0x1;
	_ =	shalt  }
.Lfunc_end2:
_tile_overlayer_lowered:
.L_overlay_start_2:
0x274: {  	(tag) =	ssettag $0x2  }
0x275: {  	s0 =	rddreg [dreg:$0x0];
	s2 =	stileid.u32  }
0x276: {  	s1 =	rddreg [dreg:$0x1];
	p0 =	sne.s32 s2, $0x0  }
0x277: {  	s3 =	rddreg [dreg:$0x2];
	[bflag:$0x3] =	sbarrier.arrive $0xFFFF;
	s2 =	simm.s32 @!p0 $0x1C07  }
0x278: {  	[timem:s3], [sflag:s2] =	dma.local @!p0 [hbm:s0], s1  }
0x279: {  	s0 =	simm.s32 @!p0 $0x7  }
0x27a: {  	_ =	swait.ge @!p0 [sflag:s0], s1  }
0x27b: {  	s1 =	ssub.s32 @!p0 $0x0, s1;
	[sflag:s0] =	ssyncset.done @!p0 $0x0  }
0x27c: {  	[sflag:s0] =	ssyncadd.s32 @!p0 s1  }
0x27d: {  	[bflag:$0x3] =	sbarrier.arrive $0xFFFF  }
0x27e: {  	_ =	shalt  }

</sc_bundles>
